<compile_context>
chip_gen: v7x
topology: tpu7x:2x2x1
jax: 0.10.2.dev20260603
libtpu: 0.0.44.dev20260713+nightly
codegen_flags: <defaults>
</compile_context>

<pallas_src>
import functools

import jax
import jax.numpy as jnp
from jax import lax
from jax.experimental import pallas as pl
from jax.experimental.pallas import tpu as pltpu
from jax.experimental.pallas import tpu_sc as plsc

VOCAB = 4096
NTOK = 16384

NC = 2
NS = 16
NW = NC * NS


def _lse_table_tc(table):
    bv = 512

    def body(t_ref, o_ref):
        x = t_ref[...]
        o_ref[...] = jnp.log(jnp.sum(jnp.exp(x), axis=-1))

    return pl.pallas_call(
        body,
        grid=(VOCAB // bv,),
        in_specs=[pl.BlockSpec((bv, VOCAB), lambda i: (i, 0))],
        out_specs=pl.BlockSpec((bv,), lambda i: (i,)),
        out_shape=jax.ShapeDtypeStruct((VOCAB,), jnp.float32),
    )(table)


NVPW = VOCAB // NW
SK = 8
NSUB = NVPW // SK
TBLK = 2048
NTB = NTOK // TBLK
CAP = 1024
SCAP = 256


def _sc_gather(tok, tgt, table):
    mesh = plsc.VectorSubcoreMesh(
        core_axis_name="c", subcore_axis_name="s",
        num_cores=NC, num_subcores=NS)

    @functools.partial(
        pl.kernel,
        out_type=[
            jax.ShapeDtypeStruct((NTOK, VOCAB), jnp.float32),
            jax.ShapeDtypeStruct((NW * 16,), jnp.float32),
            jax.ShapeDtypeStruct((VOCAB,), jnp.int32),
        ],
        mesh=mesh,
        compiler_params=pltpu.CompilerParams(needs_layout_passes=False),
        scratch_types=[
            pltpu.VMEM((TBLK,), jnp.int32),
            pltpu.VMEM((TBLK,), jnp.int32),
            pltpu.VMEM((TBLK,), jnp.int32),
            pltpu.VMEM((TBLK,), jnp.int32),
            pltpu.VMEM((CAP,), jnp.int32),
            pltpu.VMEM((CAP,), jnp.int32),
            pltpu.VMEM((CAP,), jnp.int32),
            pltpu.VMEM((SCAP,), jnp.int32),
            pltpu.VMEM((SCAP,), jnp.int32),
            pltpu.VMEM((SCAP,), jnp.int32),
            pltpu.VMEM((SK, VOCAB), jnp.float32),
            pltpu.VMEM((SK, VOCAB), jnp.float32),
            pltpu.VMEM((NVPW,), jnp.int32),
            pltpu.VMEM((16,), jnp.float32),
            pltpu.SemaphoreType.DMA,
            pltpu.SemaphoreType.DMA,
            pltpu.SemaphoreType.DMA,
            pltpu.SemaphoreType.DMA,
            pltpu.SemaphoreType.DMA,
            pltpu.SemaphoreType.DMA,
        ],
    )
    def k(tok_hbm, tgt_hbm, tbl_hbm, out_hbm, tlp_hbm, cnt_hbm,
          ta0, ta1, ga0, ga1, cpos, ctok, ctgt, spos, stok, stgt,
          stage0, stage1, hist_v, st1,
          scsem0, scsem1, stsem0, stsem1, osem0, osem1):
        wid = lax.axis_index("s") * NC + lax.axis_index("c")
        vbase = pl.multiple_of(wid * NVPW, NVPW)
        lane = lax.iota(jnp.int32, 16)
        tas = (ta0, ta1)
        gas = (ga0, ga1)
        scsems = (scsem0, scsem1)
        stages = (stage0, stage1)
        stsems = (stsem0, stsem1)
        osems = (osem0, osem1)

        def scan_descs(blk, b):
            off = pl.multiple_of(blk * TBLK, 8)
            return (pltpu.make_async_copy(
                        tok_hbm.at[pl.ds(off, TBLK)], tas[b], scsems[b]),
                    pltpu.make_async_copy(
                        tgt_hbm.at[pl.ds(off, TBLK)], gas[b], scsems[b]))

        def stage_desc(s, b):
            roff = pl.multiple_of(vbase + s * SK, 8)
            return pltpu.make_async_copy(
                tbl_hbm.at[pl.ds(roff, SK)], stages[b], stsems[b])

        for d in scan_descs(0, 0):
            d.start()
        for d in scan_descs(1, 1):
            d.start()
        stage_desc(0, 0).start()
        stage_desc(1, 1).start()

        def scan_block(blk, b, off):
            for d in scan_descs(blk, b):
                d.wait()

            def grp(j, off):
                goff = pl.multiple_of(j * 16, 8)
                t16 = tas[b][pl.ds(goff, 16)]
                g16 = gas[b][pl.ds(goff, 16)]
                m = (t16 >> 7) == wid
                p16 = blk * TBLK + j * 16 + lane
                plsc.store_compressed(cpos.at[pl.ds(off, 16)], p16, mask=m)
                plsc.store_compressed(ctok.at[pl.ds(off, 16)], t16, mask=m)
                plsc.store_compressed(ctgt.at[pl.ds(off, 16)], g16, mask=m)
                cnt = plsc.all_reduce_population_count(m)
                return off + cnt[0]

            off = lax.fori_loop(0, TBLK // 16, grp, off)
            return off

        ones = jnp.ones((16,), jnp.int32)
        for i in range(NVPW // 16):
            hist_v[pl.ds(i * 16, 16)] = jnp.zeros((16,), jnp.int32)

        cw = jnp.int32(0)
        for blk in range(NTB):
            cw = scan_block(blk, blk & 1, cw)
            if blk + 2 < NTB:
                for d in scan_descs(blk + 2, blk & 1):
                    d.start()

        ngrp = (cw + 15) >> 4

        def hist_grp(j, carry):
            goff = pl.multiple_of(j * 16, 8)
            t16 = ctok[pl.ds(goff, 16)]
            valid = (j * 16 + lane) < cw
            plsc.addupdate_scatter(
                hist_v, [t16 & (NVPW - 1)], ones, mask=valid)
            return carry

        lax.fori_loop(0, ngrp, hist_grp, jnp.int32(0))

        def do_sub(s, b, tl_acc):
            stage_desc(s, b).wait()

            def filt(j, off):
                goff = pl.multiple_of(j * 16, 8)
                t16 = ctok[pl.ds(goff, 16)]
                p16 = cpos[pl.ds(goff, 16)]
                g16 = ctgt[pl.ds(goff, 16)]
                valid = (j * 16 + lane) < cw
                m = jnp.logical_and(((t16 >> 3) & (NSUB - 1)) == s, valid)
                plsc.store_compressed(spos.at[pl.ds(off, 16)], p16, mask=m)
                plsc.store_compressed(stok.at[pl.ds(off, 16)], t16, mask=m)
                plsc.store_compressed(stgt.at[pl.ds(off, 16)], g16, mask=m)
                cnt = plsc.all_reduce_population_count(m)
                return off + cnt[0]

            cs = lax.fori_loop(0, ngrp, filt, jnp.int32(0))
            nsg = (cs + 15) >> 4

            def tl_grp(j, acc):
                goff = pl.multiple_of(j * 16, 8)
                t16 = stok[pl.ds(goff, 16)]
                g16 = stgt[pl.ds(goff, 16)] & (VOCAB - 1)
                v = plsc.load_gather(stages[b], [t16 & (SK - 1), g16])
                valid = (j * 16 + lane) < cs
                return acc + jnp.where(valid, v, jnp.float32(0.0))

            tl_acc = lax.fori_loop(0, nsg, tl_grp, tl_acc)

            def emit(j, carry):
                gbase = j * 16
                p16 = spos[pl.ds(pl.multiple_of(gbase, 8), 16)]
                t16 = stok[pl.ds(pl.multiple_of(gbase, 8), 16)]
                for c in range(16):
                    @pl.when(gbase + c < cs)
                    def _():
                        pltpu.make_async_copy(
                            stages[b].at[pl.ds(t16[c] & (SK - 1), 1)],
                            out_hbm.at[pl.ds(p16[c], 1)],
                            osems[b]).start()
                return carry

            lax.fori_loop(0, nsg, emit, jnp.int32(0))

            def drain(j, carry):
                pltpu.make_async_copy(
                    stages[b].at[pl.ds(0, 1)], out_hbm.at[pl.ds(0, 1)],
                    osems[b]).wait()
                return carry

            lax.fori_loop(0, cs, drain, jnp.int32(0))
            return tl_acc

        def pair(sj, tl_acc):
            for par in (0, 1):
                s = 2 * sj + par
                tl_acc = do_sub(s, par, tl_acc)

                @pl.when(s + 2 < NSUB)
                def _():
                    stage_desc(s + 2, par).start()
            return tl_acc

        tl_acc = lax.fori_loop(0, NSUB // 2, pair,
                               jnp.zeros((16,), jnp.float32))

        st1[...] = tl_acc
        poff = pl.multiple_of(wid * 16, 16)
        pltpu.sync_copy(st1, tlp_hbm.at[pl.ds(poff, 16)])
        pltpu.sync_copy(hist_v, cnt_hbm.at[pl.ds(vbase, NVPW)])

    return k(tok, tgt, table)


def _finish_tc(counts, lse_t, tl_parts):
    def body(c_ref, l_ref, b_ref, o_ref):
        lse_sum = jnp.sum(c_ref[...].astype(jnp.float32) * l_ref[...])
        o_ref[0, 0] = (lse_sum - jnp.sum(b_ref[...])) / NTOK

    out = pl.pallas_call(
        body,
        out_specs=pl.BlockSpec(memory_space=pltpu.SMEM),
        out_shape=jax.ShapeDtypeStruct((1, 1), jnp.float32),
    )(counts.reshape(32, 128), lse_t.reshape(32, 128),
      tl_parts.reshape(4, 128))
    return out[0, 0]


def kernel(token, targets, table):
    n, c = token.shape
    tok = token.reshape(-1)
    tgt = targets.reshape(-1)
    logits_flat, tl_p, cnts = _sc_gather(tok, tgt, table)
    lse_t = _lse_table_tc(table)
    loss = _finish_tc(cnts, lse_t, tl_p)
    return logits_flat.reshape(n, c, VOCAB), loss

# --- scband reference (transcript-rebuilt; emitter-appended) ---
"""Pipeline reference for scband-bigram-language-model-52415780880429 (READ-ONLY COPY).

The authoritative reference and input builder live on the scoring server;
editing this copy changes nothing except your own understanding.
"""

import jax, jax.numpy as jnp
import numpy as np

VOCAB = 4096
BATCH = 16
SEQ = 1024


def setup_inputs(seed: int = 0) -> dict:
    key = jax.random.key(seed)
    k1, k2, k3 = jax.random.split(key, 3)
    token = jax.random.randint(k1, (BATCH, SEQ), 0, VOCAB, dtype=jnp.int64 if jax.config.jax_enable_x64 else jnp.int32).astype(jnp.int32)
    targets = jax.random.randint(k2, (BATCH, SEQ), 0, VOCAB, dtype=jnp.int64 if jax.config.jax_enable_x64 else jnp.int32).astype(jnp.int32)
    table = jax.random.normal(k3, (VOCAB, VOCAB), dtype=jnp.float32)
    return {"token": token, "targets": targets, "table": table}


def reference(token, targets, table):
    # logits = self.token_embedding_table(token)
    logits = jnp.take(table, token, axis=0)  # [N, C, E]
    N, C, E = logits.shape
    logit = logits.reshape(N * C, E)
    t = targets.reshape(-1)
    # F.cross_entropy(logit, targets): mean of (logsumexp - true_class_logit)
    lse = jax.nn.logsumexp(logit, axis=-1)
    true_logit = jnp.take_along_axis(logit, t[:, None], axis=-1)[:, 0]
    loss = jnp.mean(lse - true_logit)
    return (logits, loss)

if __name__ == "__main__":
    import jax
    _d = setup_inputs()
    print(jax.jit(kernel)(*tuple(_d.values())))

</pallas_src>

<mosaic_0001>
#map = affine_map<(d0, d1) -> (0)>
#map1 = affine_map<(d0, d1) -> (0, 0)>
module attributes {stable_mosaic.version = 14 : i64} {
  func.func @k(%arg0: i32, %arg1: i32, %arg2: memref<16384xi32, #tpu.memory_space<hbm>>, %arg3: memref<16384xi32, #tpu.memory_space<hbm>>, %arg4: memref<4096x4096xf32, #tpu.memory_space<hbm>>, %arg5: memref<16384x4096xf32, #tpu.memory_space<hbm>>, %arg6: memref<512xf32, #tpu.memory_space<hbm>>, %arg7: memref<4096xi32, #tpu.memory_space<hbm>>, %arg8: memref<2048xi32, #tpu.memory_space<vmem>>, %arg9: memref<2048xi32, #tpu.memory_space<vmem>>, %arg10: memref<2048xi32, #tpu.memory_space<vmem>>, %arg11: memref<2048xi32, #tpu.memory_space<vmem>>, %arg12: memref<1024xi32, #tpu.memory_space<vmem>>, %arg13: memref<1024xi32, #tpu.memory_space<vmem>>, %arg14: memref<1024xi32, #tpu.memory_space<vmem>>, %arg15: memref<256xi32, #tpu.memory_space<vmem>>, %arg16: memref<256xi32, #tpu.memory_space<vmem>>, %arg17: memref<256xi32, #tpu.memory_space<vmem>>, %arg18: memref<8x4096xf32, #tpu.memory_space<vmem>>, %arg19: memref<8x4096xf32, #tpu.memory_space<vmem>>, %arg20: memref<128xi32, #tpu.memory_space<vmem>>, %arg21: memref<16xf32, #tpu.memory_space<vmem>>, %arg22: memref<!tpu.dma_semaphore, #tpu.memory_space<semaphore_mem>>, %arg23: memref<!tpu.dma_semaphore, #tpu.memory_space<semaphore_mem>>, %arg24: memref<!tpu.dma_semaphore, #tpu.memory_space<semaphore_mem>>, %arg25: memref<!tpu.dma_semaphore, #tpu.memory_space<semaphore_mem>>, %arg26: memref<!tpu.dma_semaphore, #tpu.memory_space<semaphore_mem>>, %arg27: memref<!tpu.dma_semaphore, #tpu.memory_space<semaphore_mem>>) attributes {dimension_semantics = [#tpu.dimension_semantics<core_parallel>, #tpu.dimension_semantics<subcore_parallel>], iteration_bounds = array<i64: 2, 16>, scalar_prefetch = 0 : i64, scratch_operands = 20 : i64, tpu.core_type = #tpu.core_type<sc_vector_subcore>, window_params = [{transform_indices = #map}, {transform_indices = #map}, {transform_indices = #map1}, {transform_indices = #map1}, {transform_indices = #map}, {transform_indices = #map}]} {
    %mul3A = arith.constant 2 : i32
    %mul3A_0 = arith.muli %arg1, %mul3A : i32
    %add3A = arith.addi %mul3A_0, %arg0 : i32
    %mul3A_1 = arith.constant 128 : i32
    %mul3A_2 = arith.muli %add3A, %mul3A_1 : i32
    %multiple_of3A = tpu.assume_multiple %mul3A_2, 128 : i32
    %iota3A = tpu.iota {dimensions = array<i32: 0>} : vector<16xi32>
    %multiple_of3A_3 = arith.constant 0 : i32
    %multiple_of3A_4 = tpu.assume_multiple %multiple_of3A_3, 8 : i32
    %dma_start3A = tpu.memref_slice %arg2[%multiple_of3A_4] : memref<16384xi32, #tpu.memory_space<hbm>> -> memref<2048xi32, #tpu.memory_space<hbm>>
    %dma_start3A_5 = tpu.memref_slice %arg2[%multiple_of3A_4] : memref<16384xi32, #tpu.memory_space<hbm>> -> memref<2048xi32, #tpu.memory_space<hbm>>
    tpu.enqueue_dma source(%dma_start3A_5 : memref<2048xi32, #tpu.memory_space<hbm>>) target(%arg8 : memref<2048xi32, #tpu.memory_space<vmem>>) target_semaphore(%arg22 : memref<!tpu.dma_semaphore, #tpu.memory_space<semaphore_mem>>)
    %dma_start3A_6 = tpu.memref_slice %arg3[%multiple_of3A_4] : memref<16384xi32, #tpu.memory_space<hbm>> -> memref<2048xi32, #tpu.memory_space<hbm>>
    %dma_start3A_7 = tpu.memref_slice %arg3[%multiple_of3A_4] : memref<16384xi32, #tpu.memory_space<hbm>> -> memref<2048xi32, #tpu.memory_space<hbm>>
    tpu.enqueue_dma source(%dma_start3A_7 : memref<2048xi32, #tpu.memory_space<hbm>>) target(%arg10 : memref<2048xi32, #tpu.memory_space<vmem>>) target_semaphore(%arg22 : memref<!tpu.dma_semaphore, #tpu.memory_space<semaphore_mem>>)
    %multiple_of3A_8 = arith.constant 2048 : i32
    %multiple_of3A_9 = tpu.assume_multiple %multiple_of3A_8, 8 : i32
    %dma_start3A_10 = tpu.memref_slice %arg2[%multiple_of3A_9] : memref<16384xi32, #tpu.memory_space<hbm>> -> memref<2048xi32, #tpu.memory_space<hbm>>
    %dma_start3A_11 = tpu.memref_slice %arg2[%multiple_of3A_9] : memref<16384xi32, #tpu.memory_space<hbm>> -> memref<2048xi32, #tpu.memory_space<hbm>>
    tpu.enqueue_dma source(%dma_start3A_11 : memref<2048xi32, #tpu.memory_space<hbm>>) target(%arg9 : memref<2048xi32, #tpu.memory_space<vmem>>) target_semaphore(%arg23 : memref<!tpu.dma_semaphore, #tpu.memory_space<semaphore_mem>>)
    %dma_start3A_12 = tpu.memref_slice %arg3[%multiple_of3A_9] : memref<16384xi32, #tpu.memory_space<hbm>> -> memref<2048xi32, #tpu.memory_space<hbm>>
    %dma_start3A_13 = tpu.memref_slice %arg3[%multiple_of3A_9] : memref<16384xi32, #tpu.memory_space<hbm>> -> memref<2048xi32, #tpu.memory_space<hbm>>
    tpu.enqueue_dma source(%dma_start3A_13 : memref<2048xi32, #tpu.memory_space<hbm>>) target(%arg11 : memref<2048xi32, #tpu.memory_space<vmem>>) target_semaphore(%arg23 : memref<!tpu.dma_semaphore, #tpu.memory_space<semaphore_mem>>)
    %add3A_14 = arith.constant 0 : i32
    %add3A_15 = arith.addi %multiple_of3A, %add3A_14 : i32
    %multiple_of3A_16 = tpu.assume_multiple %add3A_15, 8 : i32
    %dma_start3A_17 = arith.constant 0 : i32
    %dma_start3A_18 = tpu.memref_slice %arg4[%multiple_of3A_16, %dma_start3A_17] : memref<4096x4096xf32, #tpu.memory_space<hbm>> -> memref<8x4096xf32, #tpu.memory_space<hbm>>
    %dma_start3A_19 = arith.constant 0 : i32
    %dma_start3A_20 = tpu.memref_slice %arg4[%multiple_of3A_16, %dma_start3A_19] : memref<4096x4096xf32, #tpu.memory_space<hbm>> -> memref<8x4096xf32, #tpu.memory_space<hbm>>
    tpu.enqueue_dma source(%dma_start3A_20 : memref<8x4096xf32, #tpu.memory_space<hbm>>) target(%arg18 : memref<8x4096xf32, #tpu.memory_space<vmem>>) target_semaphore(%arg24 : memref<!tpu.dma_semaphore, #tpu.memory_space<semaphore_mem>>)
    %add3A_21 = arith.constant 8 : i32
    %add3A_22 = arith.addi %multiple_of3A, %add3A_21 : i32
    %multiple_of3A_23 = tpu.assume_multiple %add3A_22, 8 : i32
    %dma_start3A_24 = arith.constant 0 : i32
    %dma_start3A_25 = tpu.memref_slice %arg4[%multiple_of3A_23, %dma_start3A_24] : memref<4096x4096xf32, #tpu.memory_space<hbm>> -> memref<8x4096xf32, #tpu.memory_space<hbm>>
    %dma_start3A_26 = arith.constant 0 : i32
    %dma_start3A_27 = tpu.memref_slice %arg4[%multiple_of3A_23, %dma_start3A_26] : memref<4096x4096xf32, #tpu.memory_space<hbm>> -> memref<8x4096xf32, #tpu.memory_space<hbm>>
    tpu.enqueue_dma source(%dma_start3A_27 : memref<8x4096xf32, #tpu.memory_space<hbm>>) target(%arg19 : memref<8x4096xf32, #tpu.memory_space<vmem>>) target_semaphore(%arg25 : memref<!tpu.dma_semaphore, #tpu.memory_space<semaphore_mem>>)
    %broadcast_in_dim3A = arith.constant 1 : i32
    %broadcast_in_dim3A_28 = vector.broadcast %broadcast_in_dim3A : i32 to vector<16xi32>
    %broadcast_in_dim3A_29 = arith.constant 0 : i32
    %broadcast_in_dim3A_30 = vector.broadcast %broadcast_in_dim3A_29 : i32 to vector<16xi32>
    %swap3A = arith.constant 0 : index
    %swap3A_31 = tpu.vector_load %arg20[%swap3A] {strides = array<i32>} : memref<128xi32, #tpu.memory_space<vmem>>, vector<16xi32>,
    tpu.vector_store %arg20[%swap3A], %broadcast_in_dim3A_30 {strides = array<i32>} : memref<128xi32, #tpu.memory_space<vmem>>, vector<16xi32>,
    %broadcast_in_dim3A_32 = arith.constant 0 : i32
    %broadcast_in_dim3A_33 = vector.broadcast %broadcast_in_dim3A_32 : i32 to vector<16xi32>
    %swap3A_34 = arith.constant 16 : index
    %swap3A_35 = tpu.vector_load %arg20[%swap3A_34] {strides = array<i32>} : memref<128xi32, #tpu.memory_space<vmem>>, vector<16xi32>,
    tpu.vector_store %arg20[%swap3A_34], %broadcast_in_dim3A_33 {strides = array<i32>} : memref<128xi32, #tpu.memory_space<vmem>>, vector<16xi32>,
    %broadcast_in_dim3A_36 = arith.constant 0 : i32
    %broadcast_in_dim3A_37 = vector.broadcast %broadcast_in_dim3A_36 : i32 to vector<16xi32>
    %swap3A_38 = arith.constant 32 : index
    %swap3A_39 = tpu.vector_load %arg20[%swap3A_38] {strides = array<i32>} : memref<128xi32, #tpu.memory_space<vmem>>, vector<16xi32>,
    tpu.vector_store %arg20[%swap3A_38], %broadcast_in_dim3A_37 {strides = array<i32>} : memref<128xi32, #tpu.memory_space<vmem>>, vector<16xi32>,
    %broadcast_in_dim3A_40 = arith.constant 0 : i32
    %broadcast_in_dim3A_41 = vector.broadcast %broadcast_in_dim3A_40 : i32 to vector<16xi32>
    %swap3A_42 = arith.constant 48 : index
    %swap3A_43 = tpu.vector_load %arg20[%swap3A_42] {strides = array<i32>} : memref<128xi32, #tpu.memory_space<vmem>>, vector<16xi32>,
    tpu.vector_store %arg20[%swap3A_42], %broadcast_in_dim3A_41 {strides = array<i32>} : memref<128xi32, #tpu.memory_space<vmem>>, vector<16xi32>,
    %broadcast_in_dim3A_44 = arith.constant 0 : i32
    %broadcast_in_dim3A_45 = vector.broadcast %broadcast_in_dim3A_44 : i32 to vector<16xi32>
    %swap3A_46 = arith.constant 64 : index
    %swap3A_47 = tpu.vector_load %arg20[%swap3A_46] {strides = array<i32>} : memref<128xi32, #tpu.memory_space<vmem>>, vector<16xi32>,
    tpu.vector_store %arg20[%swap3A_46], %broadcast_in_dim3A_45 {strides = array<i32>} : memref<128xi32, #tpu.memory_space<vmem>>, vector<16xi32>,
    %broadcast_in_dim3A_48 = arith.constant 0 : i32
    %broadcast_in_dim3A_49 = vector.broadcast %broadcast_in_dim3A_48 : i32 to vector<16xi32>
    %swap3A_50 = arith.constant 80 : index
    %swap3A_51 = tpu.vector_load %arg20[%swap3A_50] {strides = array<i32>} : memref<128xi32, #tpu.memory_space<vmem>>, vector<16xi32>,
    tpu.vector_store %arg20[%swap3A_50], %broadcast_in_dim3A_49 {strides = array<i32>} : memref<128xi32, #tpu.memory_space<vmem>>, vector<16xi32>,
    %broadcast_in_dim3A_52 = arith.constant 0 : i32
    %broadcast_in_dim3A_53 = vector.broadcast %broadcast_in_dim3A_52 : i32 to vector<16xi32>
    %swap3A_54 = arith.constant 96 : index
    %swap3A_55 = tpu.vector_load %arg20[%swap3A_54] {strides = array<i32>} : memref<128xi32, #tpu.memory_space<vmem>>, vector<16xi32>,
    tpu.vector_store %arg20[%swap3A_54], %broadcast_in_dim3A_53 {strides = array<i32>} : memref<128xi32, #tpu.memory_space<vmem>>, vector<16xi32>,
    %broadcast_in_dim3A_56 = arith.constant 0 : i32
    %broadcast_in_dim3A_57 = vector.broadcast %broadcast_in_dim3A_56 : i32 to vector<16xi32>
    %swap3A_58 = arith.constant 112 : index
    %swap3A_59 = tpu.vector_load %arg20[%swap3A_58] {strides = array<i32>} : memref<128xi32, #tpu.memory_space<vmem>>, vector<16xi32>,
    tpu.vector_store %arg20[%swap3A_58], %broadcast_in_dim3A_57 {strides = array<i32>} : memref<128xi32, #tpu.memory_space<vmem>>, vector<16xi32>,
    %multiple_of3A_60 = arith.constant 0 : i32
    %multiple_of3A_61 = tpu.assume_multiple %multiple_of3A_60, 8 : i32
    %dma_wait3A = tpu.memref_slice %arg2[%multiple_of3A_61] : memref<16384xi32, #tpu.memory_space<hbm>> -> memref<2048xi32, #tpu.memory_space<hbm>>
    %dma_wait3A_62 = tpu.memref_slice %arg2[%multiple_of3A_61] : memref<16384xi32, #tpu.memory_space<hbm>> -> memref<2048xi32, #tpu.memory_space<hbm>>
    tpu.wait_dma2 semaphore(%arg22 : memref<!tpu.dma_semaphore, #tpu.memory_space<semaphore_mem>>) src(%dma_wait3A_62 : memref<2048xi32, #tpu.memory_space<hbm>>) dst(%arg8 : memref<2048xi32, #tpu.memory_space<vmem>>)
    %dma_wait3A_63 = tpu.memref_slice %arg3[%multiple_of3A_61] : memref<16384xi32, #tpu.memory_space<hbm>> -> memref<2048xi32, #tpu.memory_space<hbm>>
    %dma_wait3A_64 = tpu.memref_slice %arg3[%multiple_of3A_61] : memref<16384xi32, #tpu.memory_space<hbm>> -> memref<2048xi32, #tpu.memory_space<hbm>>
    tpu.wait_dma2 semaphore(%arg22 : memref<!tpu.dma_semaphore, #tpu.memory_space<semaphore_mem>>) src(%dma_wait3A_64 : memref<2048xi32, #tpu.memory_space<hbm>>) dst(%arg10 : memref<2048xi32, #tpu.memory_space<vmem>>)
    %scan3A = arith.constant 0 : i32
    %scan3A_65 = arith.constant 0 : i32
    %scan3A_66 = arith.constant 128 : i32
    %scan3A_67 = arith.addi %scan3A_65, %scan3A_66 : i32
    %scan3A_68 = arith.constant 1 : i32
    %scan3A_69 = scf.for %scan3A_216 = %scan3A_65 to %scan3A_67 step %scan3A_68 iter_args(%scan3A_217 = %scan3A) -> (i32)  : i32 {
      %mul3A_218 = arith.constant 16 : i32
      %mul3A_219 = arith.muli %scan3A_216, %mul3A_218 : i32
      %multiple_of3A_220 = tpu.assume_multiple %mul3A_219, 8 : i32
      %get3A = arith.index_cast %multiple_of3A_220 : i32 to index
      %get3A_221 = tpu.vector_load %arg8[%get3A] {strides = array<i32>} : memref<2048xi32, #tpu.memory_space<vmem>>, vector<16xi32>,
      %get3A_222 = arith.index_cast %multiple_of3A_220 : i32 to index
      %get3A_223 = tpu.vector_load %arg10[%get3A_222] {strides = array<i32>} : memref<2048xi32, #tpu.memory_space<vmem>>, vector<16xi32>,
      %shift_right_arithmetic3A_224 = arith.constant 7 : i32
      %shift_right_arithmetic3A_225 = vector.broadcast %shift_right_arithmetic3A_224 : i32 to vector<16xi32>
      %shift_right_arithmetic3A_226 = arith.shrsi %get3A_221, %shift_right_arithmetic3A_225 : vector<16xi32>
      %eq3A = vector.broadcast %add3A : i32 to vector<16xi32>
      %eq3A_227 = arith.cmpi eq, %shift_right_arithmetic3A_226, %eq3A : vector<16xi32>
      %mul3A_228 = arith.constant 16 : i32
      %mul3A_229 = arith.muli %scan3A_216, %mul3A_228 : i32
      %add3A_230 = arith.constant 0 : i32
      %add3A_231 = arith.addi %add3A_230, %mul3A_229 : i32
      %add3A_232 = vector.broadcast %add3A_231 : i32 to vector<16xi32>
      %add3A_233 = arith.addi %add3A_232, %iota3A : vector<16xi32>
      %swap3A_234 = arith.index_cast %scan3A_217 : i32 to index
      %swap3A_235 = tpu.vector_load %arg12[%swap3A_234] masked %eq3A_227 {strides = array<i32>} : memref<1024xi32, #tpu.memory_space<vmem>>, vector<16xi32>, vector<16xi1>
      tpu.vector_store %arg12[%swap3A_234], %add3A_233 masked %eq3A_227 {strides = array<i32>} : memref<1024xi32, #tpu.memory_space<vmem>>, vector<16xi32>, vector<16xi1>
      %swap3A_236 = arith.index_cast %scan3A_217 : i32 to index
      %swap3A_237 = tpu.vector_load %arg13[%swap3A_236] masked %eq3A_227 {strides = array<i32>} : memref<1024xi32, #tpu.memory_space<vmem>>, vector<16xi32>, vector<16xi1>
      tpu.vector_store %arg13[%swap3A_236], %get3A_221 masked %eq3A_227 {strides = array<i32>} : memref<1024xi32, #tpu.memory_space<vmem>>, vector<16xi32>, vector<16xi1>
      %swap3A_238 = arith.index_cast %scan3A_217 : i32 to index
      %swap3A_239 = tpu.vector_load %arg14[%swap3A_238] masked %eq3A_227 {strides = array<i32>} : memref<1024xi32, #tpu.memory_space<vmem>>, vector<16xi32>, vector<16xi1>
      tpu.vector_store %arg14[%swap3A_238], %get3A_223 masked %eq3A_227 {strides = array<i32>} : memref<1024xi32, #tpu.memory_space<vmem>>, vector<16xi32>, vector<16xi1>
      %all_reduce_population_count3A = tpu.all_reduce %eq3A_227 {dim = 0 : i64, kind = #tpu.reduction_kind<sum>} : vector<16xi1> -> vector<16xi32>
      %slice3A = vector.extract_strided_slice %all_reduce_population_count3A {offsets = [0], sizes = [1], strides = [1]} : vector<16xi32> to vector<1xi32>
      %squeeze3A = vector.extract %slice3A[0] : i32 from vector<1xi32>
      %add3A_240 = arith.addi %scan3A_217, %squeeze3A : i32
      scf.yield %add3A_240 : i32
    }
    %scan3A_70 = arith.constant 128 : i32
    %multiple_of3A_71 = arith.constant 4096 : i32
    %multiple_of3A_72 = tpu.assume_multiple %multiple_of3A_71, 8 : i32
    %dma_start3A_73 = tpu.memref_slice %arg2[%multiple_of3A_72] : memref<16384xi32, #tpu.memory_space<hbm>> -> memref<2048xi32, #tpu.memory_space<hbm>>
    %dma_start3A_74 = tpu.memref_slice %arg2[%multiple_of3A_72] : memref<16384xi32, #tpu.memory_space<hbm>> -> memref<2048xi32, #tpu.memory_space<hbm>>
    tpu.enqueue_dma source(%dma_start3A_74 : memref<2048xi32, #tpu.memory_space<hbm>>) target(%arg8 : memref<2048xi32, #tpu.memory_space<vmem>>) target_semaphore(%arg22 : memref<!tpu.dma_semaphore, #tpu.memory_space<semaphore_mem>>)
    %dma_start3A_75 = tpu.memref_slice %arg3[%multiple_of3A_72] : memref<16384xi32, #tpu.memory_space<hbm>> -> memref<2048xi32, #tpu.memory_space<hbm>>
    %dma_start3A_76 = tpu.memref_slice %arg3[%multiple_of3A_72] : memref<16384xi32, #tpu.memory_space<hbm>> -> memref<2048xi32, #tpu.memory_space<hbm>>
    tpu.enqueue_dma source(%dma_start3A_76 : memref<2048xi32, #tpu.memory_space<hbm>>) target(%arg10 : memref<2048xi32, #tpu.memory_space<vmem>>) target_semaphore(%arg22 : memref<!tpu.dma_semaphore, #tpu.memory_space<semaphore_mem>>)
    %multiple_of3A_77 = arith.constant 2048 : i32
    %multiple_of3A_78 = tpu.assume_multiple %multiple_of3A_77, 8 : i32
    %dma_wait3A_79 = tpu.memref_slice %arg2[%multiple_of3A_78] : memref<16384xi32, #tpu.memory_space<hbm>> -> memref<2048xi32, #tpu.memory_space<hbm>>
    %dma_wait3A_80 = tpu.memref_slice %arg2[%multiple_of3A_78] : memref<16384xi32, #tpu.memory_space<hbm>> -> memref<2048xi32, #tpu.memory_space<hbm>>
    tpu.wait_dma2 semaphore(%arg23 : memref<!tpu.dma_semaphore, #tpu.memory_space<semaphore_mem>>) src(%dma_wait3A_80 : memref<2048xi32, #tpu.memory_space<hbm>>) dst(%arg9 : memref<2048xi32, #tpu.memory_space<vmem>>)
    %dma_wait3A_81 = tpu.memref_slice %arg3[%multiple_of3A_78] : memref<16384xi32, #tpu.memory_space<hbm>> -> memref<2048xi32, #tpu.memory_space<hbm>>
    %dma_wait3A_82 = tpu.memref_slice %arg3[%multiple_of3A_78] : memref<16384xi32, #tpu.memory_space<hbm>> -> memref<2048xi32, #tpu.memory_space<hbm>>
    tpu.wait_dma2 semaphore(%arg23 : memref<!tpu.dma_semaphore, #tpu.memory_space<semaphore_mem>>) src(%dma_wait3A_82 : memref<2048xi32, #tpu.memory_space<hbm>>) dst(%arg11 : memref<2048xi32, #tpu.memory_space<vmem>>)
    %scan3A_83 = arith.constant 0 : i32
    %scan3A_84 = arith.constant 128 : i32
    %scan3A_85 = arith.addi %scan3A_83, %scan3A_84 : i32
    %scan3A_86 = arith.constant 1 : i32
    %scan3A_87 = scf.for %scan3A_216 = %scan3A_83 to %scan3A_85 step %scan3A_86 iter_args(%scan3A_217 = %scan3A_69) -> (i32)  : i32 {
      %mul3A_218 = arith.constant 16 : i32
      %mul3A_219 = arith.muli %scan3A_216, %mul3A_218 : i32
      %multiple_of3A_220 = tpu.assume_multiple %mul3A_219, 8 : i32
      %get3A = arith.index_cast %multiple_of3A_220 : i32 to index
      %get3A_221 = tpu.vector_load %arg9[%get3A] {strides = array<i32>} : memref<2048xi32, #tpu.memory_space<vmem>>, vector<16xi32>,
      %get3A_222 = arith.index_cast %multiple_of3A_220 : i32 to index
      %get3A_223 = tpu.vector_load %arg11[%get3A_222] {strides = array<i32>} : memref<2048xi32, #tpu.memory_space<vmem>>, vector<16xi32>,
      %shift_right_arithmetic3A_224 = arith.constant 7 : i32
      %shift_right_arithmetic3A_225 = vector.broadcast %shift_right_arithmetic3A_224 : i32 to vector<16xi32>
      %shift_right_arithmetic3A_226 = arith.shrsi %get3A_221, %shift_right_arithmetic3A_225 : vector<16xi32>
      %eq3A = vector.broadcast %add3A : i32 to vector<16xi32>
      %eq3A_227 = arith.cmpi eq, %shift_right_arithmetic3A_226, %eq3A : vector<16xi32>
      %mul3A_228 = arith.constant 16 : i32
      %mul3A_229 = arith.muli %scan3A_216, %mul3A_228 : i32
      %add3A_230 = arith.constant 2048 : i32
      %add3A_231 = arith.addi %add3A_230, %mul3A_229 : i32
      %add3A_232 = vector.broadcast %add3A_231 : i32 to vector<16xi32>
      %add3A_233 = arith.addi %add3A_232, %iota3A : vector<16xi32>
      %swap3A_234 = arith.index_cast %scan3A_217 : i32 to index
      %swap3A_235 = tpu.vector_load %arg12[%swap3A_234] masked %eq3A_227 {strides = array<i32>} : memref<1024xi32, #tpu.memory_space<vmem>>, vector<16xi32>, vector<16xi1>
      tpu.vector_store %arg12[%swap3A_234], %add3A_233 masked %eq3A_227 {strides = array<i32>} : memref<1024xi32, #tpu.memory_space<vmem>>, vector<16xi32>, vector<16xi1>
      %swap3A_236 = arith.index_cast %scan3A_217 : i32 to index
      %swap3A_237 = tpu.vector_load %arg13[%swap3A_236] masked %eq3A_227 {strides = array<i32>} : memref<1024xi32, #tpu.memory_space<vmem>>, vector<16xi32>, vector<16xi1>
      tpu.vector_store %arg13[%swap3A_236], %get3A_221 masked %eq3A_227 {strides = array<i32>} : memref<1024xi32, #tpu.memory_space<vmem>>, vector<16xi32>, vector<16xi1>
      %swap3A_238 = arith.index_cast %scan3A_217 : i32 to index
      %swap3A_239 = tpu.vector_load %arg14[%swap3A_238] masked %eq3A_227 {strides = array<i32>} : memref<1024xi32, #tpu.memory_space<vmem>>, vector<16xi32>, vector<16xi1>
      tpu.vector_store %arg14[%swap3A_238], %get3A_223 masked %eq3A_227 {strides = array<i32>} : memref<1024xi32, #tpu.memory_space<vmem>>, vector<16xi32>, vector<16xi1>
      %all_reduce_population_count3A = tpu.all_reduce %eq3A_227 {dim = 0 : i64, kind = #tpu.reduction_kind<sum>} : vector<16xi1> -> vector<16xi32>
      %slice3A = vector.extract_strided_slice %all_reduce_population_count3A {offsets = [0], sizes = [1], strides = [1]} : vector<16xi32> to vector<1xi32>
      %squeeze3A = vector.extract %slice3A[0] : i32 from vector<1xi32>
      %add3A_240 = arith.addi %scan3A_217, %squeeze3A : i32
      scf.yield %add3A_240 : i32
    }
    %scan3A_88 = arith.constant 128 : i32
    %multiple_of3A_89 = arith.constant 6144 : i32
    %multiple_of3A_90 = tpu.assume_multiple %multiple_of3A_89, 8 : i32
    %dma_start3A_91 = tpu.memref_slice %arg2[%multiple_of3A_90] : memref<16384xi32, #tpu.memory_space<hbm>> -> memref<2048xi32, #tpu.memory_space<hbm>>
    %dma_start3A_92 = tpu.memref_slice %arg2[%multiple_of3A_90] : memref<16384xi32, #tpu.memory_space<hbm>> -> memref<2048xi32, #tpu.memory_space<hbm>>
    tpu.enqueue_dma source(%dma_start3A_92 : memref<2048xi32, #tpu.memory_space<hbm>>) target(%arg9 : memref<2048xi32, #tpu.memory_space<vmem>>) target_semaphore(%arg23 : memref<!tpu.dma_semaphore, #tpu.memory_space<semaphore_mem>>)
    %dma_start3A_93 = tpu.memref_slice %arg3[%multiple_of3A_90] : memref<16384xi32, #tpu.memory_space<hbm>> -> memref<2048xi32, #tpu.memory_space<hbm>>
    %dma_start3A_94 = tpu.memref_slice %arg3[%multiple_of3A_90] : memref<16384xi32, #tpu.memory_space<hbm>> -> memref<2048xi32, #tpu.memory_space<hbm>>
    tpu.enqueue_dma source(%dma_start3A_94 : memref<2048xi32, #tpu.memory_space<hbm>>) target(%arg11 : memref<2048xi32, #tpu.memory_space<vmem>>) target_semaphore(%arg23 : memref<!tpu.dma_semaphore, #tpu.memory_space<semaphore_mem>>)
    %multiple_of3A_95 = arith.constant 4096 : i32
    %multiple_of3A_96 = tpu.assume_multiple %multiple_of3A_95, 8 : i32
    %dma_wait3A_97 = tpu.memref_slice %arg2[%multiple_of3A_96] : memref<16384xi32, #tpu.memory_space<hbm>> -> memref<2048xi32, #tpu.memory_space<hbm>>
    %dma_wait3A_98 = tpu.memref_slice %arg2[%multiple_of3A_96] : memref<16384xi32, #tpu.memory_space<hbm>> -> memref<2048xi32, #tpu.memory_space<hbm>>
    tpu.wait_dma2 semaphore(%arg22 : memref<!tpu.dma_semaphore, #tpu.memory_space<semaphore_mem>>) src(%dma_wait3A_98 : memref<2048xi32, #tpu.memory_space<hbm>>) dst(%arg8 : memref<2048xi32, #tpu.memory_space<vmem>>)
    %dma_wait3A_99 = tpu.memref_slice %arg3[%multiple_of3A_96] : memref<16384xi32, #tpu.memory_space<hbm>> -> memref<2048xi32, #tpu.memory_space<hbm>>
    %dma_wait3A_100 = tpu.memref_slice %arg3[%multiple_of3A_96] : memref<16384xi32, #tpu.memory_space<hbm>> -> memref<2048xi32, #tpu.memory_space<hbm>>
    tpu.wait_dma2 semaphore(%arg22 : memref<!tpu.dma_semaphore, #tpu.memory_space<semaphore_mem>>) src(%dma_wait3A_100 : memref<2048xi32, #tpu.memory_space<hbm>>) dst(%arg10 : memref<2048xi32, #tpu.memory_space<vmem>>)
    %scan3A_101 = arith.constant 0 : i32
    %scan3A_102 = arith.constant 128 : i32
    %scan3A_103 = arith.addi %scan3A_101, %scan3A_102 : i32
    %scan3A_104 = arith.constant 1 : i32
    %scan3A_105 = scf.for %scan3A_216 = %scan3A_101 to %scan3A_103 step %scan3A_104 iter_args(%scan3A_217 = %scan3A_87) -> (i32)  : i32 {
      %mul3A_218 = arith.constant 16 : i32
      %mul3A_219 = arith.muli %scan3A_216, %mul3A_218 : i32
      %multiple_of3A_220 = tpu.assume_multiple %mul3A_219, 8 : i32
      %get3A = arith.index_cast %multiple_of3A_220 : i32 to index
      %get3A_221 = tpu.vector_load %arg8[%get3A] {strides = array<i32>} : memref<2048xi32, #tpu.memory_space<vmem>>, vector<16xi32>,
      %get3A_222 = arith.index_cast %multiple_of3A_220 : i32 to index
      %get3A_223 = tpu.vector_load %arg10[%get3A_222] {strides = array<i32>} : memref<2048xi32, #tpu.memory_space<vmem>>, vector<16xi32>,
      %shift_right_arithmetic3A_224 = arith.constant 7 : i32
      %shift_right_arithmetic3A_225 = vector.broadcast %shift_right_arithmetic3A_224 : i32 to vector<16xi32>
      %shift_right_arithmetic3A_226 = arith.shrsi %get3A_221, %shift_right_arithmetic3A_225 : vector<16xi32>
      %eq3A = vector.broadcast %add3A : i32 to vector<16xi32>
      %eq3A_227 = arith.cmpi eq, %shift_right_arithmetic3A_226, %eq3A : vector<16xi32>
      %mul3A_228 = arith.constant 16 : i32
      %mul3A_229 = arith.muli %scan3A_216, %mul3A_228 : i32
      %add3A_230 = arith.constant 4096 : i32
      %add3A_231 = arith.addi %add3A_230, %mul3A_229 : i32
      %add3A_232 = vector.broadcast %add3A_231 : i32 to vector<16xi32>
      %add3A_233 = arith.addi %add3A_232, %iota3A : vector<16xi32>
      %swap3A_234 = arith.index_cast %scan3A_217 : i32 to index
      %swap3A_235 = tpu.vector_load %arg12[%swap3A_234] masked %eq3A_227 {strides = array<i32>} : memref<1024xi32, #tpu.memory_space<vmem>>, vector<16xi32>, vector<16xi1>
      tpu.vector_store %arg12[%swap3A_234], %add3A_233 masked %eq3A_227 {strides = array<i32>} : memref<1024xi32, #tpu.memory_space<vmem>>, vector<16xi32>, vector<16xi1>
      %swap3A_236 = arith.index_cast %scan3A_217 : i32 to index
      %swap3A_237 = tpu.vector_load %arg13[%swap3A_236] masked %eq3A_227 {strides = array<i32>} : memref<1024xi32, #tpu.memory_space<vmem>>, vector<16xi32>, vector<16xi1>
      tpu.vector_store %arg13[%swap3A_236], %get3A_221 masked %eq3A_227 {strides = array<i32>} : memref<1024xi32, #tpu.memory_space<vmem>>, vector<16xi32>, vector<16xi1>
      %swap3A_238 = arith.index_cast %scan3A_217 : i32 to index
      %swap3A_239 = tpu.vector_load %arg14[%swap3A_238] masked %eq3A_227 {strides = array<i32>} : memref<1024xi32, #tpu.memory_space<vmem>>, vector<16xi32>, vector<16xi1>
      tpu.vector_store %arg14[%swap3A_238], %get3A_223 masked %eq3A_227 {strides = array<i32>} : memref<1024xi32, #tpu.memory_space<vmem>>, vector<16xi32>, vector<16xi1>
      %all_reduce_population_count3A = tpu.all_reduce %eq3A_227 {dim = 0 : i64, kind = #tpu.reduction_kind<sum>} : vector<16xi1> -> vector<16xi32>
      %slice3A = vector.extract_strided_slice %all_reduce_population_count3A {offsets = [0], sizes = [1], strides = [1]} : vector<16xi32> to vector<1xi32>
      %squeeze3A = vector.extract %slice3A[0] : i32 from vector<1xi32>
      %add3A_240 = arith.addi %scan3A_217, %squeeze3A : i32
      scf.yield %add3A_240 : i32
    }
    %scan3A_106 = arith.constant 128 : i32
    %multiple_of3A_107 = arith.constant 8192 : i32
    %multiple_of3A_108 = tpu.assume_multiple %multiple_of3A_107, 8 : i32
    %dma_start3A_109 = tpu.memref_slice %arg2[%multiple_of3A_108] : memref<16384xi32, #tpu.memory_space<hbm>> -> memref<2048xi32, #tpu.memory_space<hbm>>
    %dma_start3A_110 = tpu.memref_slice %arg2[%multiple_of3A_108] : memref<16384xi32, #tpu.memory_space<hbm>> -> memref<2048xi32, #tpu.memory_space<hbm>>
    tpu.enqueue_dma source(%dma_start3A_110 : memref<2048xi32, #tpu.memory_space<hbm>>) target(%arg8 : memref<2048xi32, #tpu.memory_space<vmem>>) target_semaphore(%arg22 : memref<!tpu.dma_semaphore, #tpu.memory_space<semaphore_mem>>)
    %dma_start3A_111 = tpu.memref_slice %arg3[%multiple_of3A_108] : memref<16384xi32, #tpu.memory_space<hbm>> -> memref<2048xi32, #tpu.memory_space<hbm>>
    %dma_start3A_112 = tpu.memref_slice %arg3[%multiple_of3A_108] : memref<16384xi32, #tpu.memory_space<hbm>> -> memref<2048xi32, #tpu.memory_space<hbm>>
    tpu.enqueue_dma source(%dma_start3A_112 : memref<2048xi32, #tpu.memory_space<hbm>>) target(%arg10 : memref<2048xi32, #tpu.memory_space<vmem>>) target_semaphore(%arg22 : memref<!tpu.dma_semaphore, #tpu.memory_space<semaphore_mem>>)
    %multiple_of3A_113 = arith.constant 6144 : i32
    %multiple_of3A_114 = tpu.assume_multiple %multiple_of3A_113, 8 : i32
    %dma_wait3A_115 = tpu.memref_slice %arg2[%multiple_of3A_114] : memref<16384xi32, #tpu.memory_space<hbm>> -> memref<2048xi32, #tpu.memory_space<hbm>>
    %dma_wait3A_116 = tpu.memref_slice %arg2[%multiple_of3A_114] : memref<16384xi32, #tpu.memory_space<hbm>> -> memref<2048xi32, #tpu.memory_space<hbm>>
    tpu.wait_dma2 semaphore(%arg23 : memref<!tpu.dma_semaphore, #tpu.memory_space<semaphore_mem>>) src(%dma_wait3A_116 : memref<2048xi32, #tpu.memory_space<hbm>>) dst(%arg9 : memref<2048xi32, #tpu.memory_space<vmem>>)
    %dma_wait3A_117 = tpu.memref_slice %arg3[%multiple_of3A_114] : memref<16384xi32, #tpu.memory_space<hbm>> -> memref<2048xi32, #tpu.memory_space<hbm>>
    %dma_wait3A_118 = tpu.memref_slice %arg3[%multiple_of3A_114] : memref<16384xi32, #tpu.memory_space<hbm>> -> memref<2048xi32, #tpu.memory_space<hbm>>
    tpu.wait_dma2 semaphore(%arg23 : memref<!tpu.dma_semaphore, #tpu.memory_space<semaphore_mem>>) src(%dma_wait3A_118 : memref<2048xi32, #tpu.memory_space<hbm>>) dst(%arg11 : memref<2048xi32, #tpu.memory_space<vmem>>)
    %scan3A_119 = arith.constant 0 : i32
    %scan3A_120 = arith.constant 128 : i32
    %scan3A_121 = arith.addi %scan3A_119, %scan3A_120 : i32
    %scan3A_122 = arith.constant 1 : i32
    %scan3A_123 = scf.for %scan3A_216 = %scan3A_119 to %scan3A_121 step %scan3A_122 iter_args(%scan3A_217 = %scan3A_105) -> (i32)  : i32 {
      %mul3A_218 = arith.constant 16 : i32
      %mul3A_219 = arith.muli %scan3A_216, %mul3A_218 : i32
      %multiple_of3A_220 = tpu.assume_multiple %mul3A_219, 8 : i32
      %get3A = arith.index_cast %multiple_of3A_220 : i32 to index
      %get3A_221 = tpu.vector_load %arg9[%get3A] {strides = array<i32>} : memref<2048xi32, #tpu.memory_space<vmem>>, vector<16xi32>,
      %get3A_222 = arith.index_cast %multiple_of3A_220 : i32 to index
      %get3A_223 = tpu.vector_load %arg11[%get3A_222] {strides = array<i32>} : memref<2048xi32, #tpu.memory_space<vmem>>, vector<16xi32>,
      %shift_right_arithmetic3A_224 = arith.constant 7 : i32
      %shift_right_arithmetic3A_225 = vector.broadcast %shift_right_arithmetic3A_224 : i32 to vector<16xi32>
      %shift_right_arithmetic3A_226 = arith.shrsi %get3A_221, %shift_right_arithmetic3A_225 : vector<16xi32>
      %eq3A = vector.broadcast %add3A : i32 to vector<16xi32>
      %eq3A_227 = arith.cmpi eq, %shift_right_arithmetic3A_226, %eq3A : vector<16xi32>
      %mul3A_228 = arith.constant 16 : i32
      %mul3A_229 = arith.muli %scan3A_216, %mul3A_228 : i32
      %add3A_230 = arith.constant 6144 : i32
      %add3A_231 = arith.addi %add3A_230, %mul3A_229 : i32
      %add3A_232 = vector.broadcast %add3A_231 : i32 to vector<16xi32>
      %add3A_233 = arith.addi %add3A_232, %iota3A : vector<16xi32>
      %swap3A_234 = arith.index_cast %scan3A_217 : i32 to index
      %swap3A_235 = tpu.vector_load %arg12[%swap3A_234] masked %eq3A_227 {strides = array<i32>} : memref<1024xi32, #tpu.memory_space<vmem>>, vector<16xi32>, vector<16xi1>
      tpu.vector_store %arg12[%swap3A_234], %add3A_233 masked %eq3A_227 {strides = array<i32>} : memref<1024xi32, #tpu.memory_space<vmem>>, vector<16xi32>, vector<16xi1>
      %swap3A_236 = arith.index_cast %scan3A_217 : i32 to index
      %swap3A_237 = tpu.vector_load %arg13[%swap3A_236] masked %eq3A_227 {strides = array<i32>} : memref<1024xi32, #tpu.memory_space<vmem>>, vector<16xi32>, vector<16xi1>
      tpu.vector_store %arg13[%swap3A_236], %get3A_221 masked %eq3A_227 {strides = array<i32>} : memref<1024xi32, #tpu.memory_space<vmem>>, vector<16xi32>, vector<16xi1>
      %swap3A_238 = arith.index_cast %scan3A_217 : i32 to index
      %swap3A_239 = tpu.vector_load %arg14[%swap3A_238] masked %eq3A_227 {strides = array<i32>} : memref<1024xi32, #tpu.memory_space<vmem>>, vector<16xi32>, vector<16xi1>
      tpu.vector_store %arg14[%swap3A_238], %get3A_223 masked %eq3A_227 {strides = array<i32>} : memref<1024xi32, #tpu.memory_space<vmem>>, vector<16xi32>, vector<16xi1>
      %all_reduce_population_count3A = tpu.all_reduce %eq3A_227 {dim = 0 : i64, kind = #tpu.reduction_kind<sum>} : vector<16xi1> -> vector<16xi32>
      %slice3A = vector.extract_strided_slice %all_reduce_population_count3A {offsets = [0], sizes = [1], strides = [1]} : vector<16xi32> to vector<1xi32>
      %squeeze3A = vector.extract %slice3A[0] : i32 from vector<1xi32>
      %add3A_240 = arith.addi %scan3A_217, %squeeze3A : i32
      scf.yield %add3A_240 : i32
    }
    %scan3A_124 = arith.constant 128 : i32
    %multiple_of3A_125 = arith.constant 10240 : i32
    %multiple_of3A_126 = tpu.assume_multiple %multiple_of3A_125, 8 : i32
    %dma_start3A_127 = tpu.memref_slice %arg2[%multiple_of3A_126] : memref<16384xi32, #tpu.memory_space<hbm>> -> memref<2048xi32, #tpu.memory_space<hbm>>
    %dma_start3A_128 = tpu.memref_slice %arg2[%multiple_of3A_126] : memref<16384xi32, #tpu.memory_space<hbm>> -> memref<2048xi32, #tpu.memory_space<hbm>>
    tpu.enqueue_dma source(%dma_start3A_128 : memref<2048xi32, #tpu.memory_space<hbm>>) target(%arg9 : memref<2048xi32, #tpu.memory_space<vmem>>) target_semaphore(%arg23 : memref<!tpu.dma_semaphore, #tpu.memory_space<semaphore_mem>>)
    %dma_start3A_129 = tpu.memref_slice %arg3[%multiple_of3A_126] : memref<16384xi32, #tpu.memory_space<hbm>> -> memref<2048xi32, #tpu.memory_space<hbm>>
    %dma_start3A_130 = tpu.memref_slice %arg3[%multiple_of3A_126] : memref<16384xi32, #tpu.memory_space<hbm>> -> memref<2048xi32, #tpu.memory_space<hbm>>
    tpu.enqueue_dma source(%dma_start3A_130 : memref<2048xi32, #tpu.memory_space<hbm>>) target(%arg11 : memref<2048xi32, #tpu.memory_space<vmem>>) target_semaphore(%arg23 : memref<!tpu.dma_semaphore, #tpu.memory_space<semaphore_mem>>)
    %multiple_of3A_131 = arith.constant 8192 : i32
    %multiple_of3A_132 = tpu.assume_multiple %multiple_of3A_131, 8 : i32
    %dma_wait3A_133 = tpu.memref_slice %arg2[%multiple_of3A_132] : memref<16384xi32, #tpu.memory_space<hbm>> -> memref<2048xi32, #tpu.memory_space<hbm>>
    %dma_wait3A_134 = tpu.memref_slice %arg2[%multiple_of3A_132] : memref<16384xi32, #tpu.memory_space<hbm>> -> memref<2048xi32, #tpu.memory_space<hbm>>
    tpu.wait_dma2 semaphore(%arg22 : memref<!tpu.dma_semaphore, #tpu.memory_space<semaphore_mem>>) src(%dma_wait3A_134 : memref<2048xi32, #tpu.memory_space<hbm>>) dst(%arg8 : memref<2048xi32, #tpu.memory_space<vmem>>)
    %dma_wait3A_135 = tpu.memref_slice %arg3[%multiple_of3A_132] : memref<16384xi32, #tpu.memory_space<hbm>> -> memref<2048xi32, #tpu.memory_space<hbm>>
    %dma_wait3A_136 = tpu.memref_slice %arg3[%multiple_of3A_132] : memref<16384xi32, #tpu.memory_space<hbm>> -> memref<2048xi32, #tpu.memory_space<hbm>>
    tpu.wait_dma2 semaphore(%arg22 : memref<!tpu.dma_semaphore, #tpu.memory_space<semaphore_mem>>) src(%dma_wait3A_136 : memref<2048xi32, #tpu.memory_space<hbm>>) dst(%arg10 : memref<2048xi32, #tpu.memory_space<vmem>>)
    %scan3A_137 = arith.constant 0 : i32
    %scan3A_138 = arith.constant 128 : i32
    %scan3A_139 = arith.addi %scan3A_137, %scan3A_138 : i32
    %scan3A_140 = arith.constant 1 : i32
    %scan3A_141 = scf.for %scan3A_216 = %scan3A_137 to %scan3A_139 step %scan3A_140 iter_args(%scan3A_217 = %scan3A_123) -> (i32)  : i32 {
      %mul3A_218 = arith.constant 16 : i32
      %mul3A_219 = arith.muli %scan3A_216, %mul3A_218 : i32
      %multiple_of3A_220 = tpu.assume_multiple %mul3A_219, 8 : i32
      %get3A = arith.index_cast %multiple_of3A_220 : i32 to index
      %get3A_221 = tpu.vector_load %arg8[%get3A] {strides = array<i32>} : memref<2048xi32, #tpu.memory_space<vmem>>, vector<16xi32>,
      %get3A_222 = arith.index_cast %multiple_of3A_220 : i32 to index
      %get3A_223 = tpu.vector_load %arg10[%get3A_222] {strides = array<i32>} : memref<2048xi32, #tpu.memory_space<vmem>>, vector<16xi32>,
      %shift_right_arithmetic3A_224 = arith.constant 7 : i32
      %shift_right_arithmetic3A_225 = vector.broadcast %shift_right_arithmetic3A_224 : i32 to vector<16xi32>
      %shift_right_arithmetic3A_226 = arith.shrsi %get3A_221, %shift_right_arithmetic3A_225 : vector<16xi32>
      %eq3A = vector.broadcast %add3A : i32 to vector<16xi32>
      %eq3A_227 = arith.cmpi eq, %shift_right_arithmetic3A_226, %eq3A : vector<16xi32>
      %mul3A_228 = arith.constant 16 : i32
      %mul3A_229 = arith.muli %scan3A_216, %mul3A_228 : i32
      %add3A_230 = arith.constant 8192 : i32
      %add3A_231 = arith.addi %add3A_230, %mul3A_229 : i32
      %add3A_232 = vector.broadcast %add3A_231 : i32 to vector<16xi32>
      %add3A_233 = arith.addi %add3A_232, %iota3A : vector<16xi32>
      %swap3A_234 = arith.index_cast %scan3A_217 : i32 to index
      %swap3A_235 = tpu.vector_load %arg12[%swap3A_234] masked %eq3A_227 {strides = array<i32>} : memref<1024xi32, #tpu.memory_space<vmem>>, vector<16xi32>, vector<16xi1>
      tpu.vector_store %arg12[%swap3A_234], %add3A_233 masked %eq3A_227 {strides = array<i32>} : memref<1024xi32, #tpu.memory_space<vmem>>, vector<16xi32>, vector<16xi1>
      %swap3A_236 = arith.index_cast %scan3A_217 : i32 to index
      %swap3A_237 = tpu.vector_load %arg13[%swap3A_236] masked %eq3A_227 {strides = array<i32>} : memref<1024xi32, #tpu.memory_space<vmem>>, vector<16xi32>, vector<16xi1>
      tpu.vector_store %arg13[%swap3A_236], %get3A_221 masked %eq3A_227 {strides = array<i32>} : memref<1024xi32, #tpu.memory_space<vmem>>, vector<16xi32>, vector<16xi1>
      %swap3A_238 = arith.index_cast %scan3A_217 : i32 to index
      %swap3A_239 = tpu.vector_load %arg14[%swap3A_238] masked %eq3A_227 {strides = array<i32>} : memref<1024xi32, #tpu.memory_space<vmem>>, vector<16xi32>, vector<16xi1>
      tpu.vector_store %arg14[%swap3A_238], %get3A_223 masked %eq3A_227 {strides = array<i32>} : memref<1024xi32, #tpu.memory_space<vmem>>, vector<16xi32>, vector<16xi1>
      %all_reduce_population_count3A = tpu.all_reduce %eq3A_227 {dim = 0 : i64, kind = #tpu.reduction_kind<sum>} : vector<16xi1> -> vector<16xi32>
      %slice3A = vector.extract_strided_slice %all_reduce_population_count3A {offsets = [0], sizes = [1], strides = [1]} : vector<16xi32> to vector<1xi32>
      %squeeze3A = vector.extract %slice3A[0] : i32 from vector<1xi32>
      %add3A_240 = arith.addi %scan3A_217, %squeeze3A : i32
      scf.yield %add3A_240 : i32
    }
    %scan3A_142 = arith.constant 128 : i32
    %multiple_of3A_143 = arith.constant 12288 : i32
    %multiple_of3A_144 = tpu.assume_multiple %multiple_of3A_143, 8 : i32
    %dma_start3A_145 = tpu.memref_slice %arg2[%multiple_of3A_144] : memref<16384xi32, #tpu.memory_space<hbm>> -> memref<2048xi32, #tpu.memory_space<hbm>>
    %dma_start3A_146 = tpu.memref_slice %arg2[%multiple_of3A_144] : memref<16384xi32, #tpu.memory_space<hbm>> -> memref<2048xi32, #tpu.memory_space<hbm>>
    tpu.enqueue_dma source(%dma_start3A_146 : memref<2048xi32, #tpu.memory_space<hbm>>) target(%arg8 : memref<2048xi32, #tpu.memory_space<vmem>>) target_semaphore(%arg22 : memref<!tpu.dma_semaphore, #tpu.memory_space<semaphore_mem>>)
    %dma_start3A_147 = tpu.memref_slice %arg3[%multiple_of3A_144] : memref<16384xi32, #tpu.memory_space<hbm>> -> memref<2048xi32, #tpu.memory_space<hbm>>
    %dma_start3A_148 = tpu.memref_slice %arg3[%multiple_of3A_144] : memref<16384xi32, #tpu.memory_space<hbm>> -> memref<2048xi32, #tpu.memory_space<hbm>>
    tpu.enqueue_dma source(%dma_start3A_148 : memref<2048xi32, #tpu.memory_space<hbm>>) target(%arg10 : memref<2048xi32, #tpu.memory_space<vmem>>) target_semaphore(%arg22 : memref<!tpu.dma_semaphore, #tpu.memory_space<semaphore_mem>>)
    %multiple_of3A_149 = arith.constant 10240 : i32
    %multiple_of3A_150 = tpu.assume_multiple %multiple_of3A_149, 8 : i32
    %dma_wait3A_151 = tpu.memref_slice %arg2[%multiple_of3A_150] : memref<16384xi32, #tpu.memory_space<hbm>> -> memref<2048xi32, #tpu.memory_space<hbm>>
    %dma_wait3A_152 = tpu.memref_slice %arg2[%multiple_of3A_150] : memref<16384xi32, #tpu.memory_space<hbm>> -> memref<2048xi32, #tpu.memory_space<hbm>>
    tpu.wait_dma2 semaphore(%arg23 : memref<!tpu.dma_semaphore, #tpu.memory_space<semaphore_mem>>) src(%dma_wait3A_152 : memref<2048xi32, #tpu.memory_space<hbm>>) dst(%arg9 : memref<2048xi32, #tpu.memory_space<vmem>>)
    %dma_wait3A_153 = tpu.memref_slice %arg3[%multiple_of3A_150] : memref<16384xi32, #tpu.memory_space<hbm>> -> memref<2048xi32, #tpu.memory_space<hbm>>
    %dma_wait3A_154 = tpu.memref_slice %arg3[%multiple_of3A_150] : memref<16384xi32, #tpu.memory_space<hbm>> -> memref<2048xi32, #tpu.memory_space<hbm>>
    tpu.wait_dma2 semaphore(%arg23 : memref<!tpu.dma_semaphore, #tpu.memory_space<semaphore_mem>>) src(%dma_wait3A_154 : memref<2048xi32, #tpu.memory_space<hbm>>) dst(%arg11 : memref<2048xi32, #tpu.memory_space<vmem>>)
    %scan3A_155 = arith.constant 0 : i32
    %scan3A_156 = arith.constant 128 : i32
    %scan3A_157 = arith.addi %scan3A_155, %scan3A_156 : i32
    %scan3A_158 = arith.constant 1 : i32
    %scan3A_159 = scf.for %scan3A_216 = %scan3A_155 to %scan3A_157 step %scan3A_158 iter_args(%scan3A_217 = %scan3A_141) -> (i32)  : i32 {
      %mul3A_218 = arith.constant 16 : i32
      %mul3A_219 = arith.muli %scan3A_216, %mul3A_218 : i32
      %multiple_of3A_220 = tpu.assume_multiple %mul3A_219, 8 : i32
      %get3A = arith.index_cast %multiple_of3A_220 : i32 to index
      %get3A_221 = tpu.vector_load %arg9[%get3A] {strides = array<i32>} : memref<2048xi32, #tpu.memory_space<vmem>>, vector<16xi32>,
      %get3A_222 = arith.index_cast %multiple_of3A_220 : i32 to index
      %get3A_223 = tpu.vector_load %arg11[%get3A_222] {strides = array<i32>} : memref<2048xi32, #tpu.memory_space<vmem>>, vector<16xi32>,
      %shift_right_arithmetic3A_224 = arith.constant 7 : i32
      %shift_right_arithmetic3A_225 = vector.broadcast %shift_right_arithmetic3A_224 : i32 to vector<16xi32>
      %shift_right_arithmetic3A_226 = arith.shrsi %get3A_221, %shift_right_arithmetic3A_225 : vector<16xi32>
      %eq3A = vector.broadcast %add3A : i32 to vector<16xi32>
      %eq3A_227 = arith.cmpi eq, %shift_right_arithmetic3A_226, %eq3A : vector<16xi32>
      %mul3A_228 = arith.constant 16 : i32
      %mul3A_229 = arith.muli %scan3A_216, %mul3A_228 : i32
      %add3A_230 = arith.constant 10240 : i32
      %add3A_231 = arith.addi %add3A_230, %mul3A_229 : i32
      %add3A_232 = vector.broadcast %add3A_231 : i32 to vector<16xi32>
      %add3A_233 = arith.addi %add3A_232, %iota3A : vector<16xi32>
      %swap3A_234 = arith.index_cast %scan3A_217 : i32 to index
      %swap3A_235 = tpu.vector_load %arg12[%swap3A_234] masked %eq3A_227 {strides = array<i32>} : memref<1024xi32, #tpu.memory_space<vmem>>, vector<16xi32>, vector<16xi1>
      tpu.vector_store %arg12[%swap3A_234], %add3A_233 masked %eq3A_227 {strides = array<i32>} : memref<1024xi32, #tpu.memory_space<vmem>>, vector<16xi32>, vector<16xi1>
      %swap3A_236 = arith.index_cast %scan3A_217 : i32 to index
      %swap3A_237 = tpu.vector_load %arg13[%swap3A_236] masked %eq3A_227 {strides = array<i32>} : memref<1024xi32, #tpu.memory_space<vmem>>, vector<16xi32>, vector<16xi1>
      tpu.vector_store %arg13[%swap3A_236], %get3A_221 masked %eq3A_227 {strides = array<i32>} : memref<1024xi32, #tpu.memory_space<vmem>>, vector<16xi32>, vector<16xi1>
      %swap3A_238 = arith.index_cast %scan3A_217 : i32 to index
      %swap3A_239 = tpu.vector_load %arg14[%swap3A_238] masked %eq3A_227 {strides = array<i32>} : memref<1024xi32, #tpu.memory_space<vmem>>, vector<16xi32>, vector<16xi1>
      tpu.vector_store %arg14[%swap3A_238], %get3A_223 masked %eq3A_227 {strides = array<i32>} : memref<1024xi32, #tpu.memory_space<vmem>>, vector<16xi32>, vector<16xi1>
      %all_reduce_population_count3A = tpu.all_reduce %eq3A_227 {dim = 0 : i64, kind = #tpu.reduction_kind<sum>} : vector<16xi1> -> vector<16xi32>
      %slice3A = vector.extract_strided_slice %all_reduce_population_count3A {offsets = [0], sizes = [1], strides = [1]} : vector<16xi32> to vector<1xi32>
      %squeeze3A = vector.extract %slice3A[0] : i32 from vector<1xi32>
      %add3A_240 = arith.addi %scan3A_217, %squeeze3A : i32
      scf.yield %add3A_240 : i32
    }
    %scan3A_160 = arith.constant 128 : i32
    %multiple_of3A_161 = arith.constant 14336 : i32
    %multiple_of3A_162 = tpu.assume_multiple %multiple_of3A_161, 8 : i32
    %dma_start3A_163 = tpu.memref_slice %arg2[%multiple_of3A_162] : memref<16384xi32, #tpu.memory_space<hbm>> -> memref<2048xi32, #tpu.memory_space<hbm>>
    %dma_start3A_164 = tpu.memref_slice %arg2[%multiple_of3A_162] : memref<16384xi32, #tpu.memory_space<hbm>> -> memref<2048xi32, #tpu.memory_space<hbm>>
    tpu.enqueue_dma source(%dma_start3A_164 : memref<2048xi32, #tpu.memory_space<hbm>>) target(%arg9 : memref<2048xi32, #tpu.memory_space<vmem>>) target_semaphore(%arg23 : memref<!tpu.dma_semaphore, #tpu.memory_space<semaphore_mem>>)
    %dma_start3A_165 = tpu.memref_slice %arg3[%multiple_of3A_162] : memref<16384xi32, #tpu.memory_space<hbm>> -> memref<2048xi32, #tpu.memory_space<hbm>>
    %dma_start3A_166 = tpu.memref_slice %arg3[%multiple_of3A_162] : memref<16384xi32, #tpu.memory_space<hbm>> -> memref<2048xi32, #tpu.memory_space<hbm>>
    tpu.enqueue_dma source(%dma_start3A_166 : memref<2048xi32, #tpu.memory_space<hbm>>) target(%arg11 : memref<2048xi32, #tpu.memory_space<vmem>>) target_semaphore(%arg23 : memref<!tpu.dma_semaphore, #tpu.memory_space<semaphore_mem>>)
    %multiple_of3A_167 = arith.constant 12288 : i32
    %multiple_of3A_168 = tpu.assume_multiple %multiple_of3A_167, 8 : i32
    %dma_wait3A_169 = tpu.memref_slice %arg2[%multiple_of3A_168] : memref<16384xi32, #tpu.memory_space<hbm>> -> memref<2048xi32, #tpu.memory_space<hbm>>
    %dma_wait3A_170 = tpu.memref_slice %arg2[%multiple_of3A_168] : memref<16384xi32, #tpu.memory_space<hbm>> -> memref<2048xi32, #tpu.memory_space<hbm>>
    tpu.wait_dma2 semaphore(%arg22 : memref<!tpu.dma_semaphore, #tpu.memory_space<semaphore_mem>>) src(%dma_wait3A_170 : memref<2048xi32, #tpu.memory_space<hbm>>) dst(%arg8 : memref<2048xi32, #tpu.memory_space<vmem>>)
    %dma_wait3A_171 = tpu.memref_slice %arg3[%multiple_of3A_168] : memref<16384xi32, #tpu.memory_space<hbm>> -> memref<2048xi32, #tpu.memory_space<hbm>>
    %dma_wait3A_172 = tpu.memref_slice %arg3[%multiple_of3A_168] : memref<16384xi32, #tpu.memory_space<hbm>> -> memref<2048xi32, #tpu.memory_space<hbm>>
    tpu.wait_dma2 semaphore(%arg22 : memref<!tpu.dma_semaphore, #tpu.memory_space<semaphore_mem>>) src(%dma_wait3A_172 : memref<2048xi32, #tpu.memory_space<hbm>>) dst(%arg10 : memref<2048xi32, #tpu.memory_space<vmem>>)
    %scan3A_173 = arith.constant 0 : i32
    %scan3A_174 = arith.constant 128 : i32
    %scan3A_175 = arith.addi %scan3A_173, %scan3A_174 : i32
    %scan3A_176 = arith.constant 1 : i32
    %scan3A_177 = scf.for %scan3A_216 = %scan3A_173 to %scan3A_175 step %scan3A_176 iter_args(%scan3A_217 = %scan3A_159) -> (i32)  : i32 {
      %mul3A_218 = arith.constant 16 : i32
      %mul3A_219 = arith.muli %scan3A_216, %mul3A_218 : i32
      %multiple_of3A_220 = tpu.assume_multiple %mul3A_219, 8 : i32
      %get3A = arith.index_cast %multiple_of3A_220 : i32 to index
      %get3A_221 = tpu.vector_load %arg8[%get3A] {strides = array<i32>} : memref<2048xi32, #tpu.memory_space<vmem>>, vector<16xi32>,
      %get3A_222 = arith.index_cast %multiple_of3A_220 : i32 to index
      %get3A_223 = tpu.vector_load %arg10[%get3A_222] {strides = array<i32>} : memref<2048xi32, #tpu.memory_space<vmem>>, vector<16xi32>,
      %shift_right_arithmetic3A_224 = arith.constant 7 : i32
      %shift_right_arithmetic3A_225 = vector.broadcast %shift_right_arithmetic3A_224 : i32 to vector<16xi32>
      %shift_right_arithmetic3A_226 = arith.shrsi %get3A_221, %shift_right_arithmetic3A_225 : vector<16xi32>
      %eq3A = vector.broadcast %add3A : i32 to vector<16xi32>
      %eq3A_227 = arith.cmpi eq, %shift_right_arithmetic3A_226, %eq3A : vector<16xi32>
      %mul3A_228 = arith.constant 16 : i32
      %mul3A_229 = arith.muli %scan3A_216, %mul3A_228 : i32
      %add3A_230 = arith.constant 12288 : i32
      %add3A_231 = arith.addi %add3A_230, %mul3A_229 : i32
      %add3A_232 = vector.broadcast %add3A_231 : i32 to vector<16xi32>
      %add3A_233 = arith.addi %add3A_232, %iota3A : vector<16xi32>
      %swap3A_234 = arith.index_cast %scan3A_217 : i32 to index
      %swap3A_235 = tpu.vector_load %arg12[%swap3A_234] masked %eq3A_227 {strides = array<i32>} : memref<1024xi32, #tpu.memory_space<vmem>>, vector<16xi32>, vector<16xi1>
      tpu.vector_store %arg12[%swap3A_234], %add3A_233 masked %eq3A_227 {strides = array<i32>} : memref<1024xi32, #tpu.memory_space<vmem>>, vector<16xi32>, vector<16xi1>
      %swap3A_236 = arith.index_cast %scan3A_217 : i32 to index
      %swap3A_237 = tpu.vector_load %arg13[%swap3A_236] masked %eq3A_227 {strides = array<i32>} : memref<1024xi32, #tpu.memory_space<vmem>>, vector<16xi32>, vector<16xi1>
      tpu.vector_store %arg13[%swap3A_236], %get3A_221 masked %eq3A_227 {strides = array<i32>} : memref<1024xi32, #tpu.memory_space<vmem>>, vector<16xi32>, vector<16xi1>
      %swap3A_238 = arith.index_cast %scan3A_217 : i32 to index
      %swap3A_239 = tpu.vector_load %arg14[%swap3A_238] masked %eq3A_227 {strides = array<i32>} : memref<1024xi32, #tpu.memory_space<vmem>>, vector<16xi32>, vector<16xi1>
      tpu.vector_store %arg14[%swap3A_238], %get3A_223 masked %eq3A_227 {strides = array<i32>} : memref<1024xi32, #tpu.memory_space<vmem>>, vector<16xi32>, vector<16xi1>
      %all_reduce_population_count3A = tpu.all_reduce %eq3A_227 {dim = 0 : i64, kind = #tpu.reduction_kind<sum>} : vector<16xi1> -> vector<16xi32>
      %slice3A = vector.extract_strided_slice %all_reduce_population_count3A {offsets = [0], sizes = [1], strides = [1]} : vector<16xi32> to vector<1xi32>
      %squeeze3A = vector.extract %slice3A[0] : i32 from vector<1xi32>
      %add3A_240 = arith.addi %scan3A_217, %squeeze3A : i32
      scf.yield %add3A_240 : i32
    }
    %scan3A_178 = arith.constant 128 : i32
    %multiple_of3A_179 = arith.constant 14336 : i32
    %multiple_of3A_180 = tpu.assume_multiple %multiple_of3A_179, 8 : i32
    %dma_wait3A_181 = tpu.memref_slice %arg2[%multiple_of3A_180] : memref<16384xi32, #tpu.memory_space<hbm>> -> memref<2048xi32, #tpu.memory_space<hbm>>
    %dma_wait3A_182 = tpu.memref_slice %arg2[%multiple_of3A_180] : memref<16384xi32, #tpu.memory_space<hbm>> -> memref<2048xi32, #tpu.memory_space<hbm>>
    tpu.wait_dma2 semaphore(%arg23 : memref<!tpu.dma_semaphore, #tpu.memory_space<semaphore_mem>>) src(%dma_wait3A_182 : memref<2048xi32, #tpu.memory_space<hbm>>) dst(%arg9 : memref<2048xi32, #tpu.memory_space<vmem>>)
    %dma_wait3A_183 = tpu.memref_slice %arg3[%multiple_of3A_180] : memref<16384xi32, #tpu.memory_space<hbm>> -> memref<2048xi32, #tpu.memory_space<hbm>>
    %dma_wait3A_184 = tpu.memref_slice %arg3[%multiple_of3A_180] : memref<16384xi32, #tpu.memory_space<hbm>> -> memref<2048xi32, #tpu.memory_space<hbm>>
    tpu.wait_dma2 semaphore(%arg23 : memref<!tpu.dma_semaphore, #tpu.memory_space<semaphore_mem>>) src(%dma_wait3A_184 : memref<2048xi32, #tpu.memory_space<hbm>>) dst(%arg11 : memref<2048xi32, #tpu.memory_space<vmem>>)
    %scan3A_185 = arith.constant 0 : i32
    %scan3A_186 = arith.constant 128 : i32
    %scan3A_187 = arith.addi %scan3A_185, %scan3A_186 : i32
    %scan3A_188 = arith.constant 1 : i32
    %scan3A_189 = scf.for %scan3A_216 = %scan3A_185 to %scan3A_187 step %scan3A_188 iter_args(%scan3A_217 = %scan3A_177) -> (i32)  : i32 {
      %mul3A_218 = arith.constant 16 : i32
      %mul3A_219 = arith.muli %scan3A_216, %mul3A_218 : i32
      %multiple_of3A_220 = tpu.assume_multiple %mul3A_219, 8 : i32
      %get3A = arith.index_cast %multiple_of3A_220 : i32 to index
      %get3A_221 = tpu.vector_load %arg9[%get3A] {strides = array<i32>} : memref<2048xi32, #tpu.memory_space<vmem>>, vector<16xi32>,
      %get3A_222 = arith.index_cast %multiple_of3A_220 : i32 to index
      %get3A_223 = tpu.vector_load %arg11[%get3A_222] {strides = array<i32>} : memref<2048xi32, #tpu.memory_space<vmem>>, vector<16xi32>,
      %shift_right_arithmetic3A_224 = arith.constant 7 : i32
      %shift_right_arithmetic3A_225 = vector.broadcast %shift_right_arithmetic3A_224 : i32 to vector<16xi32>
      %shift_right_arithmetic3A_226 = arith.shrsi %get3A_221, %shift_right_arithmetic3A_225 : vector<16xi32>
      %eq3A = vector.broadcast %add3A : i32 to vector<16xi32>
      %eq3A_227 = arith.cmpi eq, %shift_right_arithmetic3A_226, %eq3A : vector<16xi32>
      %mul3A_228 = arith.constant 16 : i32
      %mul3A_229 = arith.muli %scan3A_216, %mul3A_228 : i32
      %add3A_230 = arith.constant 14336 : i32
      %add3A_231 = arith.addi %add3A_230, %mul3A_229 : i32
      %add3A_232 = vector.broadcast %add3A_231 : i32 to vector<16xi32>
      %add3A_233 = arith.addi %add3A_232, %iota3A : vector<16xi32>
      %swap3A_234 = arith.index_cast %scan3A_217 : i32 to index
      %swap3A_235 = tpu.vector_load %arg12[%swap3A_234] masked %eq3A_227 {strides = array<i32>} : memref<1024xi32, #tpu.memory_space<vmem>>, vector<16xi32>, vector<16xi1>
      tpu.vector_store %arg12[%swap3A_234], %add3A_233 masked %eq3A_227 {strides = array<i32>} : memref<1024xi32, #tpu.memory_space<vmem>>, vector<16xi32>, vector<16xi1>
      %swap3A_236 = arith.index_cast %scan3A_217 : i32 to index
      %swap3A_237 = tpu.vector_load %arg13[%swap3A_236] masked %eq3A_227 {strides = array<i32>} : memref<1024xi32, #tpu.memory_space<vmem>>, vector<16xi32>, vector<16xi1>
      tpu.vector_store %arg13[%swap3A_236], %get3A_221 masked %eq3A_227 {strides = array<i32>} : memref<1024xi32, #tpu.memory_space<vmem>>, vector<16xi32>, vector<16xi1>
      %swap3A_238 = arith.index_cast %scan3A_217 : i32 to index
      %swap3A_239 = tpu.vector_load %arg14[%swap3A_238] masked %eq3A_227 {strides = array<i32>} : memref<1024xi32, #tpu.memory_space<vmem>>, vector<16xi32>, vector<16xi1>
      tpu.vector_store %arg14[%swap3A_238], %get3A_223 masked %eq3A_227 {strides = array<i32>} : memref<1024xi32, #tpu.memory_space<vmem>>, vector<16xi32>, vector<16xi1>
      %all_reduce_population_count3A = tpu.all_reduce %eq3A_227 {dim = 0 : i64, kind = #tpu.reduction_kind<sum>} : vector<16xi1> -> vector<16xi32>
      %slice3A = vector.extract_strided_slice %all_reduce_population_count3A {offsets = [0], sizes = [1], strides = [1]} : vector<16xi32> to vector<1xi32>
      %squeeze3A = vector.extract %slice3A[0] : i32 from vector<1xi32>
      %add3A_240 = arith.addi %scan3A_217, %squeeze3A : i32
      scf.yield %add3A_240 : i32
    }
    %scan3A_190 = arith.constant 128 : i32
    %add3A_191 = arith.constant 15 : i32
    %add3A_192 = arith.addi %scan3A_189, %add3A_191 : i32
    %shift_right_arithmetic3A = arith.constant 4 : i32
    %shift_right_arithmetic3A_193 = arith.shrsi %add3A_192, %shift_right_arithmetic3A : i32
    %while3A = arith.constant 0 : i32
    %while3A_194 = arith.constant 0 : i32
    %while3A_195 = arith.subi %shift_right_arithmetic3A_193, %while3A_194 : i32
    %while3A_196 = arith.addi %while3A_194, %while3A_195 : i32
    %while3A_197 = arith.constant 1 : i32
    %while3A_198 = arith.divsi %while3A_195, %while3A_197 : i32
    %while3A_199 = arith.muli %while3A_198, %while3A_197 : i32
    %while3A_200 = arith.addi %while3A_194, %while3A_199 : i32
    %while3A_201 = arith.constant 1 : i32
    scf.for %while3A_216 = %while3A_194 to %while3A_200 step %while3A_201  : i32 {
      %mul3A_217 = arith.constant 16 : i32
      %mul3A_218 = arith.muli %while3A_216, %mul3A_217 : i32
      %multiple_of3A_219 = tpu.assume_multiple %mul3A_218, 8 : i32
      %get3A = arith.index_cast %multiple_of3A_219 : i32 to index
      %get3A_220 = tpu.vector_load %arg13[%get3A] {strides = array<i32>} : memref<1024xi32, #tpu.memory_space<vmem>>, vector<16xi32>,
      %mul3A_221 = arith.constant 16 : i32
      %mul3A_222 = arith.muli %while3A_216, %mul3A_221 : i32
      %add3A_223 = vector.broadcast %mul3A_222 : i32 to vector<16xi32>
      %add3A_224 = arith.addi %add3A_223, %iota3A : vector<16xi32>
      %lt3A = vector.broadcast %scan3A_189 : i32 to vector<16xi32>
      %lt3A_225 = arith.cmpi slt, %add3A_224, %lt3A : vector<16xi32>
      %and3A = arith.constant 127 : i32
      %and3A_226 = vector.broadcast %and3A : i32 to vector<16xi32>
      %and3A_227 = arith.andi %get3A_220, %and3A_226 : vector<16xi32>
      tpu.vector_store_idx %arg20[%and3A_227], %broadcast_in_dim3A_28 masked %lt3A_225 {add = true} : memref<128xi32, #tpu.memory_space<vmem>>[vector<16xi32>], vector<16xi32>, vector<16xi1>
    }
    %while3A_202 = arith.constant 1 : i32
    scf.for %while3A_216 = %while3A_200 to %while3A_196 step %while3A_202  : i32 {
      %mul3A_217 = arith.constant 16 : i32
      %mul3A_218 = arith.muli %while3A_216, %mul3A_217 : i32
      %multiple_of3A_219 = tpu.assume_multiple %mul3A_218, 8 : i32
      %get3A = arith.index_cast %multiple_of3A_219 : i32 to index
      %get3A_220 = tpu.vector_load %arg13[%get3A] {strides = array<i32>} : memref<1024xi32, #tpu.memory_space<vmem>>, vector<16xi32>,
      %mul3A_221 = arith.constant 16 : i32
      %mul3A_222 = arith.muli %while3A_216, %mul3A_221 : i32
      %add3A_223 = vector.broadcast %mul3A_222 : i32 to vector<16xi32>
      %add3A_224 = arith.addi %add3A_223, %iota3A : vector<16xi32>
      %lt3A = vector.broadcast %scan3A_189 : i32 to vector<16xi32>
      %lt3A_225 = arith.cmpi slt, %add3A_224, %lt3A : vector<16xi32>
      %and3A = arith.constant 127 : i32
      %and3A_226 = vector.broadcast %and3A : i32 to vector<16xi32>
      %and3A_227 = arith.andi %get3A_220, %and3A_226 : vector<16xi32>
      tpu.vector_store_idx %arg20[%and3A_227], %broadcast_in_dim3A_28 masked %lt3A_225 {add = true} : memref<128xi32, #tpu.memory_space<vmem>>[vector<16xi32>], vector<16xi32>, vector<16xi1>
    }
    %broadcast_in_dim3A_203 = arith.constant 0.000000e+00 : f32
    %broadcast_in_dim3A_204 = vector.broadcast %broadcast_in_dim3A_203 : f32 to vector<16xf32>
    %scan3A_205 = arith.constant 0 : i32
    %scan3A_206 = arith.constant 8 : i32
    %scan3A_207 = arith.addi %scan3A_205, %scan3A_206 : i32
    %scan3A_208 = arith.constant 1 : i32
    %scan3A_209 = scf.for %scan3A_216 = %scan3A_205 to %scan3A_207 step %scan3A_208 iter_args(%scan3A_217 = %broadcast_in_dim3A_204) -> (vector<16xf32>)  : i32 {
      %mul3A_218 = arith.constant 2 : i32
      %mul3A_219 = arith.muli %mul3A_218, %scan3A_216 : i32
      %add3A_220 = arith.constant 0 : i32
      %add3A_221 = arith.addi %mul3A_219, %add3A_220 : i32
      %mul3A_222 = arith.constant 8 : i32
      %mul3A_223 = arith.muli %add3A_221, %mul3A_222 : i32
      %add3A_224 = arith.addi %multiple_of3A, %mul3A_223 : i32
      %multiple_of3A_225 = tpu.assume_multiple %add3A_224, 8 : i32
      %dma_wait3A_226 = arith.constant 0 : i32
      %dma_wait3A_227 = tpu.memref_slice %arg4[%multiple_of3A_225, %dma_wait3A_226] : memref<4096x4096xf32, #tpu.memory_space<hbm>> -> memref<8x4096xf32, #tpu.memory_space<hbm>>
      %dma_wait3A_228 = arith.constant 0 : i32
      %dma_wait3A_229 = tpu.memref_slice %arg4[%multiple_of3A_225, %dma_wait3A_228] : memref<4096x4096xf32, #tpu.memory_space<hbm>> -> memref<8x4096xf32, #tpu.memory_space<hbm>>
      tpu.wait_dma2 semaphore(%arg24 : memref<!tpu.dma_semaphore, #tpu.memory_space<semaphore_mem>>) src(%dma_wait3A_229 : memref<8x4096xf32, #tpu.memory_space<hbm>>) dst(%arg18 : memref<8x4096xf32, #tpu.memory_space<vmem>>)
      %while3A_230 = arith.constant 0 : i32
      %while3A_231 = arith.constant 0 : i32
      %while3A_232 = arith.subi %shift_right_arithmetic3A_193, %while3A_230 : i32
      %while3A_233 = arith.addi %while3A_230, %while3A_232 : i32
      %while3A_234 = arith.constant 1 : i32
      %while3A_235 = arith.divsi %while3A_232, %while3A_234 : i32
      %while3A_236 = arith.muli %while3A_235, %while3A_234 : i32
      %while3A_237 = arith.addi %while3A_230, %while3A_236 : i32
      %while3A_238 = arith.constant 1 : i32
      %while3A_239 = scf.for %while3A_347 = %while3A_230 to %while3A_237 step %while3A_238 iter_args(%while3A_348 = %while3A_231) -> (i32)  : i32 {
        %mul3A_349 = arith.constant 16 : i32
        %mul3A_350 = arith.muli %while3A_347, %mul3A_349 : i32
        %multiple_of3A_351 = tpu.assume_multiple %mul3A_350, 8 : i32
        %get3A = arith.index_cast %multiple_of3A_351 : i32 to index
        %get3A_352 = tpu.vector_load %arg13[%get3A] {strides = array<i32>} : memref<1024xi32, #tpu.memory_space<vmem>>, vector<16xi32>,
        %get3A_353 = arith.index_cast %multiple_of3A_351 : i32 to index
        %get3A_354 = tpu.vector_load %arg12[%get3A_353] {strides = array<i32>} : memref<1024xi32, #tpu.memory_space<vmem>>, vector<16xi32>,
        %get3A_355 = arith.index_cast %multiple_of3A_351 : i32 to index
        %get3A_356 = tpu.vector_load %arg14[%get3A_355] {strides = array<i32>} : memref<1024xi32, #tpu.memory_space<vmem>>, vector<16xi32>,
        %mul3A_357 = arith.constant 16 : i32
        %mul3A_358 = arith.muli %while3A_347, %mul3A_357 : i32
        %add3A_359 = vector.broadcast %mul3A_358 : i32 to vector<16xi32>
        %add3A_360 = arith.addi %add3A_359, %iota3A : vector<16xi32>
        %lt3A_361 = vector.broadcast %scan3A_189 : i32 to vector<16xi32>
        %lt3A_362 = arith.cmpi slt, %add3A_360, %lt3A_361 : vector<16xi32>
        %shift_right_arithmetic3A_363 = arith.constant 3 : i32
        %shift_right_arithmetic3A_364 = vector.broadcast %shift_right_arithmetic3A_363 : i32 to vector<16xi32>
        %shift_right_arithmetic3A_365 = arith.shrsi %get3A_352, %shift_right_arithmetic3A_364 : vector<16xi32>
        %and3A = arith.constant 15 : i32
        %and3A_366 = vector.broadcast %and3A : i32 to vector<16xi32>
        %and3A_367 = arith.andi %shift_right_arithmetic3A_365, %and3A_366 : vector<16xi32>
        %eq3A = vector.broadcast %add3A_221 : i32 to vector<16xi32>
        %eq3A_368 = arith.cmpi eq, %and3A_367, %eq3A : vector<16xi32>
        %and3A_369 = arith.andi %eq3A_368, %lt3A_362 : vector<16xi1>
        %swap3A_370 = arith.index_cast %while3A_348 : i32 to index
        %swap3A_371 = tpu.vector_load %arg15[%swap3A_370] masked %and3A_369 {strides = array<i32>} : memref<256xi32, #tpu.memory_space<vmem>>, vector<16xi32>, vector<16xi1>
        tpu.vector_store %arg15[%swap3A_370], %get3A_354 masked %and3A_369 {strides = array<i32>} : memref<256xi32, #tpu.memory_space<vmem>>, vector<16xi32>, vector<16xi1>
        %swap3A_372 = arith.index_cast %while3A_348 : i32 to index
        %swap3A_373 = tpu.vector_load %arg16[%swap3A_372] masked %and3A_369 {strides = array<i32>} : memref<256xi32, #tpu.memory_space<vmem>>, vector<16xi32>, vector<16xi1>
        tpu.vector_store %arg16[%swap3A_372], %get3A_352 masked %and3A_369 {strides = array<i32>} : memref<256xi32, #tpu.memory_space<vmem>>, vector<16xi32>, vector<16xi1>
        %swap3A_374 = arith.index_cast %while3A_348 : i32 to index
        %swap3A_375 = tpu.vector_load %arg17[%swap3A_374] masked %and3A_369 {strides = array<i32>} : memref<256xi32, #tpu.memory_space<vmem>>, vector<16xi32>, vector<16xi1>
        tpu.vector_store %arg17[%swap3A_374], %get3A_356 masked %and3A_369 {strides = array<i32>} : memref<256xi32, #tpu.memory_space<vmem>>, vector<16xi32>, vector<16xi1>
        %all_reduce_population_count3A = tpu.all_reduce %and3A_369 {dim = 0 : i64, kind = #tpu.reduction_kind<sum>} : vector<16xi1> -> vector<16xi32>
        %slice3A = vector.extract_strided_slice %all_reduce_population_count3A {offsets = [0], sizes = [1], strides = [1]} : vector<16xi32> to vector<1xi32>
        %squeeze3A = vector.extract %slice3A[0] : i32 from vector<1xi32>
        %add3A_376 = arith.addi %while3A_348, %squeeze3A : i32
        scf.yield %add3A_376 : i32
      }
      %while3A_240 = arith.constant 1 : i32
      %while3A_241 = scf.for %while3A_347 = %while3A_237 to %while3A_233 step %while3A_240 iter_args(%while3A_348 = %while3A_239) -> (i32)  : i32 {
        %mul3A_349 = arith.constant 16 : i32
        %mul3A_350 = arith.muli %while3A_347, %mul3A_349 : i32
        %multiple_of3A_351 = tpu.assume_multiple %mul3A_350, 8 : i32
        %get3A = arith.index_cast %multiple_of3A_351 : i32 to index
        %get3A_352 = tpu.vector_load %arg13[%get3A] {strides = array<i32>} : memref<1024xi32, #tpu.memory_space<vmem>>, vector<16xi32>,
        %get3A_353 = arith.index_cast %multiple_of3A_351 : i32 to index
        %get3A_354 = tpu.vector_load %arg12[%get3A_353] {strides = array<i32>} : memref<1024xi32, #tpu.memory_space<vmem>>, vector<16xi32>,
        %get3A_355 = arith.index_cast %multiple_of3A_351 : i32 to index
        %get3A_356 = tpu.vector_load %arg14[%get3A_355] {strides = array<i32>} : memref<1024xi32, #tpu.memory_space<vmem>>, vector<16xi32>,
        %mul3A_357 = arith.constant 16 : i32
        %mul3A_358 = arith.muli %while3A_347, %mul3A_357 : i32
        %add3A_359 = vector.broadcast %mul3A_358 : i32 to vector<16xi32>
        %add3A_360 = arith.addi %add3A_359, %iota3A : vector<16xi32>
        %lt3A_361 = vector.broadcast %scan3A_189 : i32 to vector<16xi32>
        %lt3A_362 = arith.cmpi slt, %add3A_360, %lt3A_361 : vector<16xi32>
        %shift_right_arithmetic3A_363 = arith.constant 3 : i32
        %shift_right_arithmetic3A_364 = vector.broadcast %shift_right_arithmetic3A_363 : i32 to vector<16xi32>
        %shift_right_arithmetic3A_365 = arith.shrsi %get3A_352, %shift_right_arithmetic3A_364 : vector<16xi32>
        %and3A = arith.constant 15 : i32
        %and3A_366 = vector.broadcast %and3A : i32 to vector<16xi32>
        %and3A_367 = arith.andi %shift_right_arithmetic3A_365, %and3A_366 : vector<16xi32>
        %eq3A = vector.broadcast %add3A_221 : i32 to vector<16xi32>
        %eq3A_368 = arith.cmpi eq, %and3A_367, %eq3A : vector<16xi32>
        %and3A_369 = arith.andi %eq3A_368, %lt3A_362 : vector<16xi1>
        %swap3A_370 = arith.index_cast %while3A_348 : i32 to index
        %swap3A_371 = tpu.vector_load %arg15[%swap3A_370] masked %and3A_369 {strides = array<i32>} : memref<256xi32, #tpu.memory_space<vmem>>, vector<16xi32>, vector<16xi1>
        tpu.vector_store %arg15[%swap3A_370], %get3A_354 masked %and3A_369 {strides = array<i32>} : memref<256xi32, #tpu.memory_space<vmem>>, vector<16xi32>, vector<16xi1>
        %swap3A_372 = arith.index_cast %while3A_348 : i32 to index
        %swap3A_373 = tpu.vector_load %arg16[%swap3A_372] masked %and3A_369 {strides = array<i32>} : memref<256xi32, #tpu.memory_space<vmem>>, vector<16xi32>, vector<16xi1>
        tpu.vector_store %arg16[%swap3A_372], %get3A_352 masked %and3A_369 {strides = array<i32>} : memref<256xi32, #tpu.memory_space<vmem>>, vector<16xi32>, vector<16xi1>
        %swap3A_374 = arith.index_cast %while3A_348 : i32 to index
        %swap3A_375 = tpu.vector_load %arg17[%swap3A_374] masked %and3A_369 {strides = array<i32>} : memref<256xi32, #tpu.memory_space<vmem>>, vector<16xi32>, vector<16xi1>
        tpu.vector_store %arg17[%swap3A_374], %get3A_356 masked %and3A_369 {strides = array<i32>} : memref<256xi32, #tpu.memory_space<vmem>>, vector<16xi32>, vector<16xi1>
        %all_reduce_population_count3A = tpu.all_reduce %and3A_369 {dim = 0 : i64, kind = #tpu.reduction_kind<sum>} : vector<16xi1> -> vector<16xi32>
        %slice3A = vector.extract_strided_slice %all_reduce_population_count3A {offsets = [0], sizes = [1], strides = [1]} : vector<16xi32> to vector<1xi32>
        %squeeze3A = vector.extract %slice3A[0] : i32 from vector<1xi32>
        %add3A_376 = arith.addi %while3A_348, %squeeze3A : i32
        scf.yield %add3A_376 : i32
      }
      %add3A_242 = arith.constant 15 : i32
      %add3A_243 = arith.addi %while3A_241, %add3A_242 : i32
      %shift_right_arithmetic3A_244 = arith.constant 4 : i32
      %shift_right_arithmetic3A_245 = arith.shrsi %add3A_243, %shift_right_arithmetic3A_244 : i32
      %while3A_246 = arith.constant 0 : i32
      %while3A_247 = arith.subi %shift_right_arithmetic3A_245, %while3A_246 : i32
      %while3A_248 = arith.addi %while3A_246, %while3A_247 : i32
      %while3A_249 = arith.constant 1 : i32
      %while3A_250 = arith.divsi %while3A_247, %while3A_249 : i32
      %while3A_251 = arith.muli %while3A_250, %while3A_249 : i32
      %while3A_252 = arith.addi %while3A_246, %while3A_251 : i32
      %while3A_253 = arith.constant 1 : i32
      %while3A_254 = scf.for %while3A_347 = %while3A_246 to %while3A_252 step %while3A_253 iter_args(%while3A_348 = %scan3A_217) -> (vector<16xf32>)  : i32 {
        %mul3A_349 = arith.constant 16 : i32
        %mul3A_350 = arith.muli %while3A_347, %mul3A_349 : i32
        %multiple_of3A_351 = tpu.assume_multiple %mul3A_350, 8 : i32
        %get3A = arith.index_cast %multiple_of3A_351 : i32 to index
        %get3A_352 = tpu.vector_load %arg16[%get3A] {strides = array<i32>} : memref<256xi32, #tpu.memory_space<vmem>>, vector<16xi32>,
        %get3A_353 = arith.index_cast %multiple_of3A_351 : i32 to index
        %get3A_354 = tpu.vector_load %arg17[%get3A_353] {strides = array<i32>} : memref<256xi32, #tpu.memory_space<vmem>>, vector<16xi32>,
        %and3A = arith.constant 4095 : i32
        %and3A_355 = vector.broadcast %and3A : i32 to vector<16xi32>
        %and3A_356 = arith.andi %get3A_354, %and3A_355 : vector<16xi32>
        %and3A_357 = arith.constant 7 : i32
        %and3A_358 = vector.broadcast %and3A_357 : i32 to vector<16xi32>
        %and3A_359 = arith.andi %get3A_352, %and3A_358 : vector<16xi32>
        %gather3A = tpu.vector_load_idx %arg18[%and3A_359, %and3A_356] : memref<8x4096xf32, #tpu.memory_space<vmem>>[vector<16xi32>, vector<16xi32>], vector<16xf32>,
        %mul3A_360 = arith.constant 16 : i32
        %mul3A_361 = arith.muli %while3A_347, %mul3A_360 : i32
        %add3A_362 = vector.broadcast %mul3A_361 : i32 to vector<16xi32>
        %add3A_363 = arith.addi %add3A_362, %iota3A : vector<16xi32>
        %lt3A_364 = vector.broadcast %while3A_241 : i32 to vector<16xi32>
        %lt3A_365 = arith.cmpi slt, %add3A_363, %lt3A_364 : vector<16xi32>
        %jit3A = arith.constant 0.000000e+00 : f32
        %broadcast_in_dim3A_366 = vector.broadcast %jit3A : f32 to vector<16xf32>
        %select_n3A = arith.select %lt3A_365, %gather3A, %broadcast_in_dim3A_366 : vector<16xi1>, vector<16xf32>
        %add3A_367 = arith.addf %while3A_348, %select_n3A : vector<16xf32>
        scf.yield %add3A_367 : vector<16xf32>
      }
      %while3A_255 = arith.constant 1 : i32
      %while3A_256 = scf.for %while3A_347 = %while3A_252 to %while3A_248 step %while3A_255 iter_args(%while3A_348 = %while3A_254) -> (vector<16xf32>)  : i32 {
        %mul3A_349 = arith.constant 16 : i32
        %mul3A_350 = arith.muli %while3A_347, %mul3A_349 : i32
        %multiple_of3A_351 = tpu.assume_multiple %mul3A_350, 8 : i32
        %get3A = arith.index_cast %multiple_of3A_351 : i32 to index
        %get3A_352 = tpu.vector_load %arg16[%get3A] {strides = array<i32>} : memref<256xi32, #tpu.memory_space<vmem>>, vector<16xi32>,
        %get3A_353 = arith.index_cast %multiple_of3A_351 : i32 to index
        %get3A_354 = tpu.vector_load %arg17[%get3A_353] {strides = array<i32>} : memref<256xi32, #tpu.memory_space<vmem>>, vector<16xi32>,
        %and3A = arith.constant 4095 : i32
        %and3A_355 = vector.broadcast %and3A : i32 to vector<16xi32>
        %and3A_356 = arith.andi %get3A_354, %and3A_355 : vector<16xi32>
        %and3A_357 = arith.constant 7 : i32
        %and3A_358 = vector.broadcast %and3A_357 : i32 to vector<16xi32>
        %and3A_359 = arith.andi %get3A_352, %and3A_358 : vector<16xi32>
        %gather3A = tpu.vector_load_idx %arg18[%and3A_359, %and3A_356] : memref<8x4096xf32, #tpu.memory_space<vmem>>[vector<16xi32>, vector<16xi32>], vector<16xf32>,
        %mul3A_360 = arith.constant 16 : i32
        %mul3A_361 = arith.muli %while3A_347, %mul3A_360 : i32
        %add3A_362 = vector.broadcast %mul3A_361 : i32 to vector<16xi32>
        %add3A_363 = arith.addi %add3A_362, %iota3A : vector<16xi32>
        %lt3A_364 = vector.broadcast %while3A_241 : i32 to vector<16xi32>
        %lt3A_365 = arith.cmpi slt, %add3A_363, %lt3A_364 : vector<16xi32>
        %jit3A = arith.constant 0.000000e+00 : f32
        %broadcast_in_dim3A_366 = vector.broadcast %jit3A : f32 to vector<16xf32>
        %select_n3A = arith.select %lt3A_365, %gather3A, %broadcast_in_dim3A_366 : vector<16xi1>, vector<16xf32>
        %add3A_367 = arith.addf %while3A_348, %select_n3A : vector<16xf32>
        scf.yield %add3A_367 : vector<16xf32>
      }
      %while3A_257 = arith.constant 0 : i32
      %while3A_258 = arith.constant 0 : i32
      %while3A_259 = arith.subi %shift_right_arithmetic3A_245, %while3A_258 : i32
      %while3A_260 = arith.addi %while3A_258, %while3A_259 : i32
      %while3A_261 = arith.constant 1 : i32
      %while3A_262 = arith.divsi %while3A_259, %while3A_261 : i32
      %while3A_263 = arith.muli %while3A_262, %while3A_261 : i32
      %while3A_264 = arith.addi %while3A_258, %while3A_263 : i32
      %while3A_265 = arith.constant 1 : i32
      scf.for %while3A_347 = %while3A_258 to %while3A_264 step %while3A_265  : i32 {
        %mul3A_348 = arith.constant 16 : i32
        %mul3A_349 = arith.muli %while3A_347, %mul3A_348 : i32
        %multiple_of3A_350 = tpu.assume_multiple %mul3A_349, 8 : i32
        %get3A = arith.index_cast %multiple_of3A_350 : i32 to index
        %get3A_351 = tpu.vector_load %arg15[%get3A] {strides = array<i32>} : memref<256xi32, #tpu.memory_space<vmem>>, vector<16xi32>,
        %multiple_of3A_352 = tpu.assume_multiple %mul3A_349, 8 : i32
        %get3A_353 = arith.index_cast %multiple_of3A_352 : i32 to index
        %get3A_354 = tpu.vector_load %arg16[%get3A_353] {strides = array<i32>} : memref<256xi32, #tpu.memory_space<vmem>>, vector<16xi32>,
        %add3A_355 = arith.constant 0 : i32
        %add3A_356 = arith.addi %mul3A_349, %add3A_355 : i32
        %lt3A_357 = arith.cmpi slt, %add3A_356, %while3A_241 : i32
        %convert_element_type3A_358 = arith.extui %lt3A_357 : i1 to i32
        %cond3A_359 = arith.constant 0 : i32
        %cond3A_360 = arith.cmpi ne, %convert_element_type3A_358, %cond3A_359 : i32
        scf.if %cond3A_360 {
          %slice3A = vector.extract_strided_slice %get3A_354 {offsets = [0], sizes = [1], strides = [1]} : vector<16xi32> to vector<1xi32>
          %squeeze3A = vector.extract %slice3A[0] : i32 from vector<1xi32>
          %and3A = arith.constant 7 : i32
          %and3A_451 = arith.andi %squeeze3A, %and3A : i32
          %slice3A_452 = vector.extract_strided_slice %get3A_351 {offsets = [0], sizes = [1], strides = [1]} : vector<16xi32> to vector<1xi32>
          %squeeze3A_453 = vector.extract %slice3A_452[0] : i32 from vector<1xi32>
          %dma_start3A_454 = arith.constant 0 : i32
          %dma_start3A_455 = tpu.memref_slice %arg18[%and3A_451, %dma_start3A_454] : memref<8x4096xf32, #tpu.memory_space<vmem>> -> memref<1x4096xf32, #tpu.memory_space<vmem>>
          %dma_start3A_456 = arith.constant 0 : i32
          %dma_start3A_457 = tpu.memref_slice %arg5[%squeeze3A_453, %dma_start3A_456] : memref<16384x4096xf32, #tpu.memory_space<hbm>> -> memref<1x4096xf32, #tpu.memory_space<hbm>>
          %dma_start3A_458 = arith.constant 0 : i32
          %dma_start3A_459 = tpu.memref_slice %arg5[%squeeze3A_453, %dma_start3A_458] : memref<16384x4096xf32, #tpu.memory_space<hbm>> -> memref<1x4096xf32, #tpu.memory_space<hbm>>
          %dma_start3A_460 = arith.constant 0 : i32
          %dma_start3A_461 = tpu.memref_slice %arg18[%and3A_451, %dma_start3A_460] : memref<8x4096xf32, #tpu.memory_space<vmem>> -> memref<1x4096xf32, #tpu.memory_space<vmem>>
          tpu.enqueue_dma source(%dma_start3A_461 : memref<1x4096xf32, #tpu.memory_space<vmem>>) target(%dma_start3A_459 : memref<1x4096xf32, #tpu.memory_space<hbm>>) target_semaphore(%arg26 : memref<!tpu.dma_semaphore, #tpu.memory_space<semaphore_mem>>)
        } else {
        }
        %add3A_361 = arith.constant 1 : i32
        %add3A_362 = arith.addi %mul3A_349, %add3A_361 : i32
        %lt3A_363 = arith.cmpi slt, %add3A_362, %while3A_241 : i32
        %convert_element_type3A_364 = arith.extui %lt3A_363 : i1 to i32
        %cond3A_365 = arith.constant 0 : i32
        %cond3A_366 = arith.cmpi ne, %convert_element_type3A_364, %cond3A_365 : i32
        scf.if %cond3A_366 {
          %slice3A = vector.extract_strided_slice %get3A_354 {offsets = [1], sizes = [1], strides = [1]} : vector<16xi32> to vector<1xi32>
          %squeeze3A = vector.extract %slice3A[0] : i32 from vector<1xi32>
          %and3A = arith.constant 7 : i32
          %and3A_451 = arith.andi %squeeze3A, %and3A : i32
          %slice3A_452 = vector.extract_strided_slice %get3A_351 {offsets = [1], sizes = [1], strides = [1]} : vector<16xi32> to vector<1xi32>
          %squeeze3A_453 = vector.extract %slice3A_452[0] : i32 from vector<1xi32>
          %dma_start3A_454 = arith.constant 0 : i32
          %dma_start3A_455 = tpu.memref_slice %arg18[%and3A_451, %dma_start3A_454] : memref<8x4096xf32, #tpu.memory_space<vmem>> -> memref<1x4096xf32, #tpu.memory_space<vmem>>
          %dma_start3A_456 = arith.constant 0 : i32
          %dma_start3A_457 = tpu.memref_slice %arg5[%squeeze3A_453, %dma_start3A_456] : memref<16384x4096xf32, #tpu.memory_space<hbm>> -> memref<1x4096xf32, #tpu.memory_space<hbm>>
          %dma_start3A_458 = arith.constant 0 : i32
          %dma_start3A_459 = tpu.memref_slice %arg5[%squeeze3A_453, %dma_start3A_458] : memref<16384x4096xf32, #tpu.memory_space<hbm>> -> memref<1x4096xf32, #tpu.memory_space<hbm>>
          %dma_start3A_460 = arith.constant 0 : i32
          %dma_start3A_461 = tpu.memref_slice %arg18[%and3A_451, %dma_start3A_460] : memref<8x4096xf32, #tpu.memory_space<vmem>> -> memref<1x4096xf32, #tpu.memory_space<vmem>>
          tpu.enqueue_dma source(%dma_start3A_461 : memref<1x4096xf32, #tpu.memory_space<vmem>>) target(%dma_start3A_459 : memref<1x4096xf32, #tpu.memory_space<hbm>>) target_semaphore(%arg26 : memref<!tpu.dma_semaphore, #tpu.memory_space<semaphore_mem>>)
        } else {
        }
        %add3A_367 = arith.constant 2 : i32
        %add3A_368 = arith.addi %mul3A_349, %add3A_367 : i32
        %lt3A_369 = arith.cmpi slt, %add3A_368, %while3A_241 : i32
        %convert_element_type3A_370 = arith.extui %lt3A_369 : i1 to i32
        %cond3A_371 = arith.constant 0 : i32
        %cond3A_372 = arith.cmpi ne, %convert_element_type3A_370, %cond3A_371 : i32
        scf.if %cond3A_372 {
          %slice3A = vector.extract_strided_slice %get3A_354 {offsets = [2], sizes = [1], strides = [1]} : vector<16xi32> to vector<1xi32>
          %squeeze3A = vector.extract %slice3A[0] : i32 from vector<1xi32>
          %and3A = arith.constant 7 : i32
          %and3A_451 = arith.andi %squeeze3A, %and3A : i32
          %slice3A_452 = vector.extract_strided_slice %get3A_351 {offsets = [2], sizes = [1], strides = [1]} : vector<16xi32> to vector<1xi32>
          %squeeze3A_453 = vector.extract %slice3A_452[0] : i32 from vector<1xi32>
          %dma_start3A_454 = arith.constant 0 : i32
          %dma_start3A_455 = tpu.memref_slice %arg18[%and3A_451, %dma_start3A_454] : memref<8x4096xf32, #tpu.memory_space<vmem>> -> memref<1x4096xf32, #tpu.memory_space<vmem>>
          %dma_start3A_456 = arith.constant 0 : i32
          %dma_start3A_457 = tpu.memref_slice %arg5[%squeeze3A_453, %dma_start3A_456] : memref<16384x4096xf32, #tpu.memory_space<hbm>> -> memref<1x4096xf32, #tpu.memory_space<hbm>>
          %dma_start3A_458 = arith.constant 0 : i32
          %dma_start3A_459 = tpu.memref_slice %arg5[%squeeze3A_453, %dma_start3A_458] : memref<16384x4096xf32, #tpu.memory_space<hbm>> -> memref<1x4096xf32, #tpu.memory_space<hbm>>
          %dma_start3A_460 = arith.constant 0 : i32
          %dma_start3A_461 = tpu.memref_slice %arg18[%and3A_451, %dma_start3A_460] : memref<8x4096xf32, #tpu.memory_space<vmem>> -> memref<1x4096xf32, #tpu.memory_space<vmem>>
          tpu.enqueue_dma source(%dma_start3A_461 : memref<1x4096xf32, #tpu.memory_space<vmem>>) target(%dma_start3A_459 : memref<1x4096xf32, #tpu.memory_space<hbm>>) target_semaphore(%arg26 : memref<!tpu.dma_semaphore, #tpu.memory_space<semaphore_mem>>)
        } else {
        }
        %add3A_373 = arith.constant 3 : i32
        %add3A_374 = arith.addi %mul3A_349, %add3A_373 : i32
        %lt3A_375 = arith.cmpi slt, %add3A_374, %while3A_241 : i32
        %convert_element_type3A_376 = arith.extui %lt3A_375 : i1 to i32
        %cond3A_377 = arith.constant 0 : i32
        %cond3A_378 = arith.cmpi ne, %convert_element_type3A_376, %cond3A_377 : i32
        scf.if %cond3A_378 {
          %slice3A = vector.extract_strided_slice %get3A_354 {offsets = [3], sizes = [1], strides = [1]} : vector<16xi32> to vector<1xi32>
          %squeeze3A = vector.extract %slice3A[0] : i32 from vector<1xi32>
          %and3A = arith.constant 7 : i32
          %and3A_451 = arith.andi %squeeze3A, %and3A : i32
          %slice3A_452 = vector.extract_strided_slice %get3A_351 {offsets = [3], sizes = [1], strides = [1]} : vector<16xi32> to vector<1xi32>
          %squeeze3A_453 = vector.extract %slice3A_452[0] : i32 from vector<1xi32>
          %dma_start3A_454 = arith.constant 0 : i32
          %dma_start3A_455 = tpu.memref_slice %arg18[%and3A_451, %dma_start3A_454] : memref<8x4096xf32, #tpu.memory_space<vmem>> -> memref<1x4096xf32, #tpu.memory_space<vmem>>
          %dma_start3A_456 = arith.constant 0 : i32
          %dma_start3A_457 = tpu.memref_slice %arg5[%squeeze3A_453, %dma_start3A_456] : memref<16384x4096xf32, #tpu.memory_space<hbm>> -> memref<1x4096xf32, #tpu.memory_space<hbm>>
          %dma_start3A_458 = arith.constant 0 : i32
          %dma_start3A_459 = tpu.memref_slice %arg5[%squeeze3A_453, %dma_start3A_458] : memref<16384x4096xf32, #tpu.memory_space<hbm>> -> memref<1x4096xf32, #tpu.memory_space<hbm>>
          %dma_start3A_460 = arith.constant 0 : i32
          %dma_start3A_461 = tpu.memref_slice %arg18[%and3A_451, %dma_start3A_460] : memref<8x4096xf32, #tpu.memory_space<vmem>> -> memref<1x4096xf32, #tpu.memory_space<vmem>>
          tpu.enqueue_dma source(%dma_start3A_461 : memref<1x4096xf32, #tpu.memory_space<vmem>>) target(%dma_start3A_459 : memref<1x4096xf32, #tpu.memory_space<hbm>>) target_semaphore(%arg26 : memref<!tpu.dma_semaphore, #tpu.memory_space<semaphore_mem>>)
        } else {
        }
        %add3A_379 = arith.constant 4 : i32
        %add3A_380 = arith.addi %mul3A_349, %add3A_379 : i32
        %lt3A_381 = arith.cmpi slt, %add3A_380, %while3A_241 : i32
        %convert_element_type3A_382 = arith.extui %lt3A_381 : i1 to i32
        %cond3A_383 = arith.constant 0 : i32
        %cond3A_384 = arith.cmpi ne, %convert_element_type3A_382, %cond3A_383 : i32
        scf.if %cond3A_384 {
          %slice3A = vector.extract_strided_slice %get3A_354 {offsets = [4], sizes = [1], strides = [1]} : vector<16xi32> to vector<1xi32>
          %squeeze3A = vector.extract %slice3A[0] : i32 from vector<1xi32>
          %and3A = arith.constant 7 : i32
          %and3A_451 = arith.andi %squeeze3A, %and3A : i32
          %slice3A_452 = vector.extract_strided_slice %get3A_351 {offsets = [4], sizes = [1], strides = [1]} : vector<16xi32> to vector<1xi32>
          %squeeze3A_453 = vector.extract %slice3A_452[0] : i32 from vector<1xi32>
          %dma_start3A_454 = arith.constant 0 : i32
          %dma_start3A_455 = tpu.memref_slice %arg18[%and3A_451, %dma_start3A_454] : memref<8x4096xf32, #tpu.memory_space<vmem>> -> memref<1x4096xf32, #tpu.memory_space<vmem>>
          %dma_start3A_456 = arith.constant 0 : i32
          %dma_start3A_457 = tpu.memref_slice %arg5[%squeeze3A_453, %dma_start3A_456] : memref<16384x4096xf32, #tpu.memory_space<hbm>> -> memref<1x4096xf32, #tpu.memory_space<hbm>>
          %dma_start3A_458 = arith.constant 0 : i32
          %dma_start3A_459 = tpu.memref_slice %arg5[%squeeze3A_453, %dma_start3A_458] : memref<16384x4096xf32, #tpu.memory_space<hbm>> -> memref<1x4096xf32, #tpu.memory_space<hbm>>
          %dma_start3A_460 = arith.constant 0 : i32
          %dma_start3A_461 = tpu.memref_slice %arg18[%and3A_451, %dma_start3A_460] : memref<8x4096xf32, #tpu.memory_space<vmem>> -> memref<1x4096xf32, #tpu.memory_space<vmem>>
          tpu.enqueue_dma source(%dma_start3A_461 : memref<1x4096xf32, #tpu.memory_space<vmem>>) target(%dma_start3A_459 : memref<1x4096xf32, #tpu.memory_space<hbm>>) target_semaphore(%arg26 : memref<!tpu.dma_semaphore, #tpu.memory_space<semaphore_mem>>)
        } else {
        }
        %add3A_385 = arith.constant 5 : i32
        %add3A_386 = arith.addi %mul3A_349, %add3A_385 : i32
        %lt3A_387 = arith.cmpi slt, %add3A_386, %while3A_241 : i32
        %convert_element_type3A_388 = arith.extui %lt3A_387 : i1 to i32
        %cond3A_389 = arith.constant 0 : i32
        %cond3A_390 = arith.cmpi ne, %convert_element_type3A_388, %cond3A_389 : i32
        scf.if %cond3A_390 {
          %slice3A = vector.extract_strided_slice %get3A_354 {offsets = [5], sizes = [1], strides = [1]} : vector<16xi32> to vector<1xi32>
          %squeeze3A = vector.extract %slice3A[0] : i32 from vector<1xi32>
          %and3A = arith.constant 7 : i32
          %and3A_451 = arith.andi %squeeze3A, %and3A : i32
          %slice3A_452 = vector.extract_strided_slice %get3A_351 {offsets = [5], sizes = [1], strides = [1]} : vector<16xi32> to vector<1xi32>
          %squeeze3A_453 = vector.extract %slice3A_452[0] : i32 from vector<1xi32>
          %dma_start3A_454 = arith.constant 0 : i32
          %dma_start3A_455 = tpu.memref_slice %arg18[%and3A_451, %dma_start3A_454] : memref<8x4096xf32, #tpu.memory_space<vmem>> -> memref<1x4096xf32, #tpu.memory_space<vmem>>
          %dma_start3A_456 = arith.constant 0 : i32
          %dma_start3A_457 = tpu.memref_slice %arg5[%squeeze3A_453, %dma_start3A_456] : memref<16384x4096xf32, #tpu.memory_space<hbm>> -> memref<1x4096xf32, #tpu.memory_space<hbm>>
          %dma_start3A_458 = arith.constant 0 : i32
          %dma_start3A_459 = tpu.memref_slice %arg5[%squeeze3A_453, %dma_start3A_458] : memref<16384x4096xf32, #tpu.memory_space<hbm>> -> memref<1x4096xf32, #tpu.memory_space<hbm>>
          %dma_start3A_460 = arith.constant 0 : i32
          %dma_start3A_461 = tpu.memref_slice %arg18[%and3A_451, %dma_start3A_460] : memref<8x4096xf32, #tpu.memory_space<vmem>> -> memref<1x4096xf32, #tpu.memory_space<vmem>>
          tpu.enqueue_dma source(%dma_start3A_461 : memref<1x4096xf32, #tpu.memory_space<vmem>>) target(%dma_start3A_459 : memref<1x4096xf32, #tpu.memory_space<hbm>>) target_semaphore(%arg26 : memref<!tpu.dma_semaphore, #tpu.memory_space<semaphore_mem>>)
        } else {
        }
        %add3A_391 = arith.constant 6 : i32
        %add3A_392 = arith.addi %mul3A_349, %add3A_391 : i32
        %lt3A_393 = arith.cmpi slt, %add3A_392, %while3A_241 : i32
        %convert_element_type3A_394 = arith.extui %lt3A_393 : i1 to i32
        %cond3A_395 = arith.constant 0 : i32
        %cond3A_396 = arith.cmpi ne, %convert_element_type3A_394, %cond3A_395 : i32
        scf.if %cond3A_396 {
          %slice3A = vector.extract_strided_slice %get3A_354 {offsets = [6], sizes = [1], strides = [1]} : vector<16xi32> to vector<1xi32>
          %squeeze3A = vector.extract %slice3A[0] : i32 from vector<1xi32>
          %and3A = arith.constant 7 : i32
          %and3A_451 = arith.andi %squeeze3A, %and3A : i32
          %slice3A_452 = vector.extract_strided_slice %get3A_351 {offsets = [6], sizes = [1], strides = [1]} : vector<16xi32> to vector<1xi32>
          %squeeze3A_453 = vector.extract %slice3A_452[0] : i32 from vector<1xi32>
          %dma_start3A_454 = arith.constant 0 : i32
          %dma_start3A_455 = tpu.memref_slice %arg18[%and3A_451, %dma_start3A_454] : memref<8x4096xf32, #tpu.memory_space<vmem>> -> memref<1x4096xf32, #tpu.memory_space<vmem>>
          %dma_start3A_456 = arith.constant 0 : i32
          %dma_start3A_457 = tpu.memref_slice %arg5[%squeeze3A_453, %dma_start3A_456] : memref<16384x4096xf32, #tpu.memory_space<hbm>> -> memref<1x4096xf32, #tpu.memory_space<hbm>>
          %dma_start3A_458 = arith.constant 0 : i32
          %dma_start3A_459 = tpu.memref_slice %arg5[%squeeze3A_453, %dma_start3A_458] : memref<16384x4096xf32, #tpu.memory_space<hbm>> -> memref<1x4096xf32, #tpu.memory_space<hbm>>
          %dma_start3A_460 = arith.constant 0 : i32
          %dma_start3A_461 = tpu.memref_slice %arg18[%and3A_451, %dma_start3A_460] : memref<8x4096xf32, #tpu.memory_space<vmem>> -> memref<1x4096xf32, #tpu.memory_space<vmem>>
          tpu.enqueue_dma source(%dma_start3A_461 : memref<1x4096xf32, #tpu.memory_space<vmem>>) target(%dma_start3A_459 : memref<1x4096xf32, #tpu.memory_space<hbm>>) target_semaphore(%arg26 : memref<!tpu.dma_semaphore, #tpu.memory_space<semaphore_mem>>)
        } else {
        }
        %add3A_397 = arith.constant 7 : i32
        %add3A_398 = arith.addi %mul3A_349, %add3A_397 : i32
        %lt3A_399 = arith.cmpi slt, %add3A_398, %while3A_241 : i32
        %convert_element_type3A_400 = arith.extui %lt3A_399 : i1 to i32
        %cond3A_401 = arith.constant 0 : i32
        %cond3A_402 = arith.cmpi ne, %convert_element_type3A_400, %cond3A_401 : i32
        scf.if %cond3A_402 {
          %slice3A = vector.extract_strided_slice %get3A_354 {offsets = [7], sizes = [1], strides = [1]} : vector<16xi32> to vector<1xi32>
          %squeeze3A = vector.extract %slice3A[0] : i32 from vector<1xi32>
          %and3A = arith.constant 7 : i32
          %and3A_451 = arith.andi %squeeze3A, %and3A : i32
          %slice3A_452 = vector.extract_strided_slice %get3A_351 {offsets = [7], sizes = [1], strides = [1]} : vector<16xi32> to vector<1xi32>
          %squeeze3A_453 = vector.extract %slice3A_452[0] : i32 from vector<1xi32>
          %dma_start3A_454 = arith.constant 0 : i32
          %dma_start3A_455 = tpu.memref_slice %arg18[%and3A_451, %dma_start3A_454] : memref<8x4096xf32, #tpu.memory_space<vmem>> -> memref<1x4096xf32, #tpu.memory_space<vmem>>
          %dma_start3A_456 = arith.constant 0 : i32
          %dma_start3A_457 = tpu.memref_slice %arg5[%squeeze3A_453, %dma_start3A_456] : memref<16384x4096xf32, #tpu.memory_space<hbm>> -> memref<1x4096xf32, #tpu.memory_space<hbm>>
          %dma_start3A_458 = arith.constant 0 : i32
          %dma_start3A_459 = tpu.memref_slice %arg5[%squeeze3A_453, %dma_start3A_458] : memref<16384x4096xf32, #tpu.memory_space<hbm>> -> memref<1x4096xf32, #tpu.memory_space<hbm>>
          %dma_start3A_460 = arith.constant 0 : i32
          %dma_start3A_461 = tpu.memref_slice %arg18[%and3A_451, %dma_start3A_460] : memref<8x4096xf32, #tpu.memory_space<vmem>> -> memref<1x4096xf32, #tpu.memory_space<vmem>>
          tpu.enqueue_dma source(%dma_start3A_461 : memref<1x4096xf32, #tpu.memory_space<vmem>>) target(%dma_start3A_459 : memref<1x4096xf32, #tpu.memory_space<hbm>>) target_semaphore(%arg26 : memref<!tpu.dma_semaphore, #tpu.memory_space<semaphore_mem>>)
        } else {
        }
        %add3A_403 = arith.constant 8 : i32
        %add3A_404 = arith.addi %mul3A_349, %add3A_403 : i32
        %lt3A_405 = arith.cmpi slt, %add3A_404, %while3A_241 : i32
        %convert_element_type3A_406 = arith.extui %lt3A_405 : i1 to i32
        %cond3A_407 = arith.constant 0 : i32
        %cond3A_408 = arith.cmpi ne, %convert_element_type3A_406, %cond3A_407 : i32
        scf.if %cond3A_408 {
          %slice3A = vector.extract_strided_slice %get3A_354 {offsets = [8], sizes = [1], strides = [1]} : vector<16xi32> to vector<1xi32>
          %squeeze3A = vector.extract %slice3A[0] : i32 from vector<1xi32>
          %and3A = arith.constant 7 : i32
          %and3A_451 = arith.andi %squeeze3A, %and3A : i32
          %slice3A_452 = vector.extract_strided_slice %get3A_351 {offsets = [8], sizes = [1], strides = [1]} : vector<16xi32> to vector<1xi32>
          %squeeze3A_453 = vector.extract %slice3A_452[0] : i32 from vector<1xi32>
          %dma_start3A_454 = arith.constant 0 : i32
          %dma_start3A_455 = tpu.memref_slice %arg18[%and3A_451, %dma_start3A_454] : memref<8x4096xf32, #tpu.memory_space<vmem>> -> memref<1x4096xf32, #tpu.memory_space<vmem>>
          %dma_start3A_456 = arith.constant 0 : i32
          %dma_start3A_457 = tpu.memref_slice %arg5[%squeeze3A_453, %dma_start3A_456] : memref<16384x4096xf32, #tpu.memory_space<hbm>> -> memref<1x4096xf32, #tpu.memory_space<hbm>>
          %dma_start3A_458 = arith.constant 0 : i32
          %dma_start3A_459 = tpu.memref_slice %arg5[%squeeze3A_453, %dma_start3A_458] : memref<16384x4096xf32, #tpu.memory_space<hbm>> -> memref<1x4096xf32, #tpu.memory_space<hbm>>
          %dma_start3A_460 = arith.constant 0 : i32
          %dma_start3A_461 = tpu.memref_slice %arg18[%and3A_451, %dma_start3A_460] : memref<8x4096xf32, #tpu.memory_space<vmem>> -> memref<1x4096xf32, #tpu.memory_space<vmem>>
          tpu.enqueue_dma source(%dma_start3A_461 : memref<1x4096xf32, #tpu.memory_space<vmem>>) target(%dma_start3A_459 : memref<1x4096xf32, #tpu.memory_space<hbm>>) target_semaphore(%arg26 : memref<!tpu.dma_semaphore, #tpu.memory_space<semaphore_mem>>)
        } else {
        }
        %add3A_409 = arith.constant 9 : i32
        %add3A_410 = arith.addi %mul3A_349, %add3A_409 : i32
        %lt3A_411 = arith.cmpi slt, %add3A_410, %while3A_241 : i32
        %convert_element_type3A_412 = arith.extui %lt3A_411 : i1 to i32
        %cond3A_413 = arith.constant 0 : i32
        %cond3A_414 = arith.cmpi ne, %convert_element_type3A_412, %cond3A_413 : i32
        scf.if %cond3A_414 {
          %slice3A = vector.extract_strided_slice %get3A_354 {offsets = [9], sizes = [1], strides = [1]} : vector<16xi32> to vector<1xi32>
          %squeeze3A = vector.extract %slice3A[0] : i32 from vector<1xi32>
          %and3A = arith.constant 7 : i32
          %and3A_451 = arith.andi %squeeze3A, %and3A : i32
          %slice3A_452 = vector.extract_strided_slice %get3A_351 {offsets = [9], sizes = [1], strides = [1]} : vector<16xi32> to vector<1xi32>
          %squeeze3A_453 = vector.extract %slice3A_452[0] : i32 from vector<1xi32>
          %dma_start3A_454 = arith.constant 0 : i32
          %dma_start3A_455 = tpu.memref_slice %arg18[%and3A_451, %dma_start3A_454] : memref<8x4096xf32, #tpu.memory_space<vmem>> -> memref<1x4096xf32, #tpu.memory_space<vmem>>
          %dma_start3A_456 = arith.constant 0 : i32
          %dma_start3A_457 = tpu.memref_slice %arg5[%squeeze3A_453, %dma_start3A_456] : memref<16384x4096xf32, #tpu.memory_space<hbm>> -> memref<1x4096xf32, #tpu.memory_space<hbm>>
          %dma_start3A_458 = arith.constant 0 : i32
          %dma_start3A_459 = tpu.memref_slice %arg5[%squeeze3A_453, %dma_start3A_458] : memref<16384x4096xf32, #tpu.memory_space<hbm>> -> memref<1x4096xf32, #tpu.memory_space<hbm>>
          %dma_start3A_460 = arith.constant 0 : i32
          %dma_start3A_461 = tpu.memref_slice %arg18[%and3A_451, %dma_start3A_460] : memref<8x4096xf32, #tpu.memory_space<vmem>> -> memref<1x4096xf32, #tpu.memory_space<vmem>>
          tpu.enqueue_dma source(%dma_start3A_461 : memref<1x4096xf32, #tpu.memory_space<vmem>>) target(%dma_start3A_459 : memref<1x4096xf32, #tpu.memory_space<hbm>>) target_semaphore(%arg26 : memref<!tpu.dma_semaphore, #tpu.memory_space<semaphore_mem>>)
        } else {
        }
        %add3A_415 = arith.constant 10 : i32
        %add3A_416 = arith.addi %mul3A_349, %add3A_415 : i32
        %lt3A_417 = arith.cmpi slt, %add3A_416, %while3A_241 : i32
        %convert_element_type3A_418 = arith.extui %lt3A_417 : i1 to i32
        %cond3A_419 = arith.constant 0 : i32
        %cond3A_420 = arith.cmpi ne, %convert_element_type3A_418, %cond3A_419 : i32
        scf.if %cond3A_420 {
          %slice3A = vector.extract_strided_slice %get3A_354 {offsets = [10], sizes = [1], strides = [1]} : vector<16xi32> to vector<1xi32>
          %squeeze3A = vector.extract %slice3A[0] : i32 from vector<1xi32>
          %and3A = arith.constant 7 : i32
          %and3A_451 = arith.andi %squeeze3A, %and3A : i32
          %slice3A_452 = vector.extract_strided_slice %get3A_351 {offsets = [10], sizes = [1], strides = [1]} : vector<16xi32> to vector<1xi32>
          %squeeze3A_453 = vector.extract %slice3A_452[0] : i32 from vector<1xi32>
          %dma_start3A_454 = arith.constant 0 : i32
          %dma_start3A_455 = tpu.memref_slice %arg18[%and3A_451, %dma_start3A_454] : memref<8x4096xf32, #tpu.memory_space<vmem>> -> memref<1x4096xf32, #tpu.memory_space<vmem>>
          %dma_start3A_456 = arith.constant 0 : i32
          %dma_start3A_457 = tpu.memref_slice %arg5[%squeeze3A_453, %dma_start3A_456] : memref<16384x4096xf32, #tpu.memory_space<hbm>> -> memref<1x4096xf32, #tpu.memory_space<hbm>>
          %dma_start3A_458 = arith.constant 0 : i32
          %dma_start3A_459 = tpu.memref_slice %arg5[%squeeze3A_453, %dma_start3A_458] : memref<16384x4096xf32, #tpu.memory_space<hbm>> -> memref<1x4096xf32, #tpu.memory_space<hbm>>
          %dma_start3A_460 = arith.constant 0 : i32
          %dma_start3A_461 = tpu.memref_slice %arg18[%and3A_451, %dma_start3A_460] : memref<8x4096xf32, #tpu.memory_space<vmem>> -> memref<1x4096xf32, #tpu.memory_space<vmem>>
          tpu.enqueue_dma source(%dma_start3A_461 : memref<1x4096xf32, #tpu.memory_space<vmem>>) target(%dma_start3A_459 : memref<1x4096xf32, #tpu.memory_space<hbm>>) target_semaphore(%arg26 : memref<!tpu.dma_semaphore, #tpu.memory_space<semaphore_mem>>)
        } else {
        }
        %add3A_421 = arith.constant 11 : i32
        %add3A_422 = arith.addi %mul3A_349, %add3A_421 : i32
        %lt3A_423 = arith.cmpi slt, %add3A_422, %while3A_241 : i32
        %convert_element_type3A_424 = arith.extui %lt3A_423 : i1 to i32
        %cond3A_425 = arith.constant 0 : i32
        %cond3A_426 = arith.cmpi ne, %convert_element_type3A_424, %cond3A_425 : i32
        scf.if %cond3A_426 {
          %slice3A = vector.extract_strided_slice %get3A_354 {offsets = [11], sizes = [1], strides = [1]} : vector<16xi32> to vector<1xi32>
          %squeeze3A = vector.extract %slice3A[0] : i32 from vector<1xi32>
          %and3A = arith.constant 7 : i32
          %and3A_451 = arith.andi %squeeze3A, %and3A : i32
          %slice3A_452 = vector.extract_strided_slice %get3A_351 {offsets = [11], sizes = [1], strides = [1]} : vector<16xi32> to vector<1xi32>
          %squeeze3A_453 = vector.extract %slice3A_452[0] : i32 from vector<1xi32>
          %dma_start3A_454 = arith.constant 0 : i32
          %dma_start3A_455 = tpu.memref_slice %arg18[%and3A_451, %dma_start3A_454] : memref<8x4096xf32, #tpu.memory_space<vmem>> -> memref<1x4096xf32, #tpu.memory_space<vmem>>
          %dma_start3A_456 = arith.constant 0 : i32
          %dma_start3A_457 = tpu.memref_slice %arg5[%squeeze3A_453, %dma_start3A_456] : memref<16384x4096xf32, #tpu.memory_space<hbm>> -> memref<1x4096xf32, #tpu.memory_space<hbm>>
          %dma_start3A_458 = arith.constant 0 : i32
          %dma_start3A_459 = tpu.memref_slice %arg5[%squeeze3A_453, %dma_start3A_458] : memref<16384x4096xf32, #tpu.memory_space<hbm>> -> memref<1x4096xf32, #tpu.memory_space<hbm>>
          %dma_start3A_460 = arith.constant 0 : i32
          %dma_start3A_461 = tpu.memref_slice %arg18[%and3A_451, %dma_start3A_460] : memref<8x4096xf32, #tpu.memory_space<vmem>> -> memref<1x4096xf32, #tpu.memory_space<vmem>>
          tpu.enqueue_dma source(%dma_start3A_461 : memref<1x4096xf32, #tpu.memory_space<vmem>>) target(%dma_start3A_459 : memref<1x4096xf32, #tpu.memory_space<hbm>>) target_semaphore(%arg26 : memref<!tpu.dma_semaphore, #tpu.memory_space<semaphore_mem>>)
        } else {
        }
        %add3A_427 = arith.constant 12 : i32
        %add3A_428 = arith.addi %mul3A_349, %add3A_427 : i32
        %lt3A_429 = arith.cmpi slt, %add3A_428, %while3A_241 : i32
        %convert_element_type3A_430 = arith.extui %lt3A_429 : i1 to i32
        %cond3A_431 = arith.constant 0 : i32
        %cond3A_432 = arith.cmpi ne, %convert_element_type3A_430, %cond3A_431 : i32
        scf.if %cond3A_432 {
          %slice3A = vector.extract_strided_slice %get3A_354 {offsets = [12], sizes = [1], strides = [1]} : vector<16xi32> to vector<1xi32>
          %squeeze3A = vector.extract %slice3A[0] : i32 from vector<1xi32>
          %and3A = arith.constant 7 : i32
          %and3A_451 = arith.andi %squeeze3A, %and3A : i32
          %slice3A_452 = vector.extract_strided_slice %get3A_351 {offsets = [12], sizes = [1], strides = [1]} : vector<16xi32> to vector<1xi32>
          %squeeze3A_453 = vector.extract %slice3A_452[0] : i32 from vector<1xi32>
          %dma_start3A_454 = arith.constant 0 : i32
          %dma_start3A_455 = tpu.memref_slice %arg18[%and3A_451, %dma_start3A_454] : memref<8x4096xf32, #tpu.memory_space<vmem>> -> memref<1x4096xf32, #tpu.memory_space<vmem>>
          %dma_start3A_456 = arith.constant 0 : i32
          %dma_start3A_457 = tpu.memref_slice %arg5[%squeeze3A_453, %dma_start3A_456] : memref<16384x4096xf32, #tpu.memory_space<hbm>> -> memref<1x4096xf32, #tpu.memory_space<hbm>>
          %dma_start3A_458 = arith.constant 0 : i32
          %dma_start3A_459 = tpu.memref_slice %arg5[%squeeze3A_453, %dma_start3A_458] : memref<16384x4096xf32, #tpu.memory_space<hbm>> -> memref<1x4096xf32, #tpu.memory_space<hbm>>
          %dma_start3A_460 = arith.constant 0 : i32
          %dma_start3A_461 = tpu.memref_slice %arg18[%and3A_451, %dma_start3A_460] : memref<8x4096xf32, #tpu.memory_space<vmem>> -> memref<1x4096xf32, #tpu.memory_space<vmem>>
          tpu.enqueue_dma source(%dma_start3A_461 : memref<1x4096xf32, #tpu.memory_space<vmem>>) target(%dma_start3A_459 : memref<1x4096xf32, #tpu.memory_space<hbm>>) target_semaphore(%arg26 : memref<!tpu.dma_semaphore, #tpu.memory_space<semaphore_mem>>)
        } else {
        }
        %add3A_433 = arith.constant 13 : i32
        %add3A_434 = arith.addi %mul3A_349, %add3A_433 : i32
        %lt3A_435 = arith.cmpi slt, %add3A_434, %while3A_241 : i32
        %convert_element_type3A_436 = arith.extui %lt3A_435 : i1 to i32
        %cond3A_437 = arith.constant 0 : i32
        %cond3A_438 = arith.cmpi ne, %convert_element_type3A_436, %cond3A_437 : i32
        scf.if %cond3A_438 {
          %slice3A = vector.extract_strided_slice %get3A_354 {offsets = [13], sizes = [1], strides = [1]} : vector<16xi32> to vector<1xi32>
          %squeeze3A = vector.extract %slice3A[0] : i32 from vector<1xi32>
          %and3A = arith.constant 7 : i32
          %and3A_451 = arith.andi %squeeze3A, %and3A : i32
          %slice3A_452 = vector.extract_strided_slice %get3A_351 {offsets = [13], sizes = [1], strides = [1]} : vector<16xi32> to vector<1xi32>
          %squeeze3A_453 = vector.extract %slice3A_452[0] : i32 from vector<1xi32>
          %dma_start3A_454 = arith.constant 0 : i32
          %dma_start3A_455 = tpu.memref_slice %arg18[%and3A_451, %dma_start3A_454] : memref<8x4096xf32, #tpu.memory_space<vmem>> -> memref<1x4096xf32, #tpu.memory_space<vmem>>
          %dma_start3A_456 = arith.constant 0 : i32
          %dma_start3A_457 = tpu.memref_slice %arg5[%squeeze3A_453, %dma_start3A_456] : memref<16384x4096xf32, #tpu.memory_space<hbm>> -> memref<1x4096xf32, #tpu.memory_space<hbm>>
          %dma_start3A_458 = arith.constant 0 : i32
          %dma_start3A_459 = tpu.memref_slice %arg5[%squeeze3A_453, %dma_start3A_458] : memref<16384x4096xf32, #tpu.memory_space<hbm>> -> memref<1x4096xf32, #tpu.memory_space<hbm>>
          %dma_start3A_460 = arith.constant 0 : i32
          %dma_start3A_461 = tpu.memref_slice %arg18[%and3A_451, %dma_start3A_460] : memref<8x4096xf32, #tpu.memory_space<vmem>> -> memref<1x4096xf32, #tpu.memory_space<vmem>>
          tpu.enqueue_dma source(%dma_start3A_461 : memref<1x4096xf32, #tpu.memory_space<vmem>>) target(%dma_start3A_459 : memref<1x4096xf32, #tpu.memory_space<hbm>>) target_semaphore(%arg26 : memref<!tpu.dma_semaphore, #tpu.memory_space<semaphore_mem>>)
        } else {
        }
        %add3A_439 = arith.constant 14 : i32
        %add3A_440 = arith.addi %mul3A_349, %add3A_439 : i32
        %lt3A_441 = arith.cmpi slt, %add3A_440, %while3A_241 : i32
        %convert_element_type3A_442 = arith.extui %lt3A_441 : i1 to i32
        %cond3A_443 = arith.constant 0 : i32
        %cond3A_444 = arith.cmpi ne, %convert_element_type3A_442, %cond3A_443 : i32
        scf.if %cond3A_444 {
          %slice3A = vector.extract_strided_slice %get3A_354 {offsets = [14], sizes = [1], strides = [1]} : vector<16xi32> to vector<1xi32>
          %squeeze3A = vector.extract %slice3A[0] : i32 from vector<1xi32>
          %and3A = arith.constant 7 : i32
          %and3A_451 = arith.andi %squeeze3A, %and3A : i32
          %slice3A_452 = vector.extract_strided_slice %get3A_351 {offsets = [14], sizes = [1], strides = [1]} : vector<16xi32> to vector<1xi32>
          %squeeze3A_453 = vector.extract %slice3A_452[0] : i32 from vector<1xi32>
          %dma_start3A_454 = arith.constant 0 : i32
          %dma_start3A_455 = tpu.memref_slice %arg18[%and3A_451, %dma_start3A_454] : memref<8x4096xf32, #tpu.memory_space<vmem>> -> memref<1x4096xf32, #tpu.memory_space<vmem>>
          %dma_start3A_456 = arith.constant 0 : i32
          %dma_start3A_457 = tpu.memref_slice %arg5[%squeeze3A_453, %dma_start3A_456] : memref<16384x4096xf32, #tpu.memory_space<hbm>> -> memref<1x4096xf32, #tpu.memory_space<hbm>>
          %dma_start3A_458 = arith.constant 0 : i32
          %dma_start3A_459 = tpu.memref_slice %arg5[%squeeze3A_453, %dma_start3A_458] : memref<16384x4096xf32, #tpu.memory_space<hbm>> -> memref<1x4096xf32, #tpu.memory_space<hbm>>
          %dma_start3A_460 = arith.constant 0 : i32
          %dma_start3A_461 = tpu.memref_slice %arg18[%and3A_451, %dma_start3A_460] : memref<8x4096xf32, #tpu.memory_space<vmem>> -> memref<1x4096xf32, #tpu.memory_space<vmem>>
          tpu.enqueue_dma source(%dma_start3A_461 : memref<1x4096xf32, #tpu.memory_space<vmem>>) target(%dma_start3A_459 : memref<1x4096xf32, #tpu.memory_space<hbm>>) target_semaphore(%arg26 : memref<!tpu.dma_semaphore, #tpu.memory_space<semaphore_mem>>)
        } else {
        }
        %add3A_445 = arith.constant 15 : i32
        %add3A_446 = arith.addi %mul3A_349, %add3A_445 : i32
        %lt3A_447 = arith.cmpi slt, %add3A_446, %while3A_241 : i32
        %convert_element_type3A_448 = arith.extui %lt3A_447 : i1 to i32
        %cond3A_449 = arith.constant 0 : i32
        %cond3A_450 = arith.cmpi ne, %convert_element_type3A_448, %cond3A_449 : i32
        scf.if %cond3A_450 {
          %slice3A = vector.extract_strided_slice %get3A_354 {offsets = [15], sizes = [1], strides = [1]} : vector<16xi32> to vector<1xi32>
          %squeeze3A = vector.extract %slice3A[0] : i32 from vector<1xi32>
          %and3A = arith.constant 7 : i32
          %and3A_451 = arith.andi %squeeze3A, %and3A : i32
          %slice3A_452 = vector.extract_strided_slice %get3A_351 {offsets = [15], sizes = [1], strides = [1]} : vector<16xi32> to vector<1xi32>
          %squeeze3A_453 = vector.extract %slice3A_452[0] : i32 from vector<1xi32>
          %dma_start3A_454 = arith.constant 0 : i32
          %dma_start3A_455 = tpu.memref_slice %arg18[%and3A_451, %dma_start3A_454] : memref<8x4096xf32, #tpu.memory_space<vmem>> -> memref<1x4096xf32, #tpu.memory_space<vmem>>
          %dma_start3A_456 = arith.constant 0 : i32
          %dma_start3A_457 = tpu.memref_slice %arg5[%squeeze3A_453, %dma_start3A_456] : memref<16384x4096xf32, #tpu.memory_space<hbm>> -> memref<1x4096xf32, #tpu.memory_space<hbm>>
          %dma_start3A_458 = arith.constant 0 : i32
          %dma_start3A_459 = tpu.memref_slice %arg5[%squeeze3A_453, %dma_start3A_458] : memref<16384x4096xf32, #tpu.memory_space<hbm>> -> memref<1x4096xf32, #tpu.memory_space<hbm>>
          %dma_start3A_460 = arith.constant 0 : i32
          %dma_start3A_461 = tpu.memref_slice %arg18[%and3A_451, %dma_start3A_460] : memref<8x4096xf32, #tpu.memory_space<vmem>> -> memref<1x4096xf32, #tpu.memory_space<vmem>>
          tpu.enqueue_dma source(%dma_start3A_461 : memref<1x4096xf32, #tpu.memory_space<vmem>>) target(%dma_start3A_459 : memref<1x4096xf32, #tpu.memory_space<hbm>>) target_semaphore(%arg26 : memref<!tpu.dma_semaphore, #tpu.memory_space<semaphore_mem>>)
        } else {
        }
      }
      %while3A_266 = arith.constant 1 : i32
      scf.for %while3A_347 = %while3A_264 to %while3A_260 step %while3A_266  : i32 {
        %mul3A_348 = arith.constant 16 : i32
        %mul3A_349 = arith.muli %while3A_347, %mul3A_348 : i32
        %multiple_of3A_350 = tpu.assume_multiple %mul3A_349, 8 : i32
        %get3A = arith.index_cast %multiple_of3A_350 : i32 to index
        %get3A_351 = tpu.vector_load %arg15[%get3A] {strides = array<i32>} : memref<256xi32, #tpu.memory_space<vmem>>, vector<16xi32>,
        %multiple_of3A_352 = tpu.assume_multiple %mul3A_349, 8 : i32
        %get3A_353 = arith.index_cast %multiple_of3A_352 : i32 to index
        %get3A_354 = tpu.vector_load %arg16[%get3A_353] {strides = array<i32>} : memref<256xi32, #tpu.memory_space<vmem>>, vector<16xi32>,
        %add3A_355 = arith.constant 0 : i32
        %add3A_356 = arith.addi %mul3A_349, %add3A_355 : i32
        %lt3A_357 = arith.cmpi slt, %add3A_356, %while3A_241 : i32
        %convert_element_type3A_358 = arith.extui %lt3A_357 : i1 to i32
        %cond3A_359 = arith.constant 0 : i32
        %cond3A_360 = arith.cmpi ne, %convert_element_type3A_358, %cond3A_359 : i32
        scf.if %cond3A_360 {
          %slice3A = vector.extract_strided_slice %get3A_354 {offsets = [0], sizes = [1], strides = [1]} : vector<16xi32> to vector<1xi32>
          %squeeze3A = vector.extract %slice3A[0] : i32 from vector<1xi32>
          %and3A = arith.constant 7 : i32
          %and3A_451 = arith.andi %squeeze3A, %and3A : i32
          %slice3A_452 = vector.extract_strided_slice %get3A_351 {offsets = [0], sizes = [1], strides = [1]} : vector<16xi32> to vector<1xi32>
          %squeeze3A_453 = vector.extract %slice3A_452[0] : i32 from vector<1xi32>
          %dma_start3A_454 = arith.constant 0 : i32
          %dma_start3A_455 = tpu.memref_slice %arg18[%and3A_451, %dma_start3A_454] : memref<8x4096xf32, #tpu.memory_space<vmem>> -> memref<1x4096xf32, #tpu.memory_space<vmem>>
          %dma_start3A_456 = arith.constant 0 : i32
          %dma_start3A_457 = tpu.memref_slice %arg5[%squeeze3A_453, %dma_start3A_456] : memref<16384x4096xf32, #tpu.memory_space<hbm>> -> memref<1x4096xf32, #tpu.memory_space<hbm>>
          %dma_start3A_458 = arith.constant 0 : i32
          %dma_start3A_459 = tpu.memref_slice %arg5[%squeeze3A_453, %dma_start3A_458] : memref<16384x4096xf32, #tpu.memory_space<hbm>> -> memref<1x4096xf32, #tpu.memory_space<hbm>>
          %dma_start3A_460 = arith.constant 0 : i32
          %dma_start3A_461 = tpu.memref_slice %arg18[%and3A_451, %dma_start3A_460] : memref<8x4096xf32, #tpu.memory_space<vmem>> -> memref<1x4096xf32, #tpu.memory_space<vmem>>
          tpu.enqueue_dma source(%dma_start3A_461 : memref<1x4096xf32, #tpu.memory_space<vmem>>) target(%dma_start3A_459 : memref<1x4096xf32, #tpu.memory_space<hbm>>) target_semaphore(%arg26 : memref<!tpu.dma_semaphore, #tpu.memory_space<semaphore_mem>>)
        } else {
        }
        %add3A_361 = arith.constant 1 : i32
        %add3A_362 = arith.addi %mul3A_349, %add3A_361 : i32
        %lt3A_363 = arith.cmpi slt, %add3A_362, %while3A_241 : i32
        %convert_element_type3A_364 = arith.extui %lt3A_363 : i1 to i32
        %cond3A_365 = arith.constant 0 : i32
        %cond3A_366 = arith.cmpi ne, %convert_element_type3A_364, %cond3A_365 : i32
        scf.if %cond3A_366 {
          %slice3A = vector.extract_strided_slice %get3A_354 {offsets = [1], sizes = [1], strides = [1]} : vector<16xi32> to vector<1xi32>
          %squeeze3A = vector.extract %slice3A[0] : i32 from vector<1xi32>
          %and3A = arith.constant 7 : i32
          %and3A_451 = arith.andi %squeeze3A, %and3A : i32
          %slice3A_452 = vector.extract_strided_slice %get3A_351 {offsets = [1], sizes = [1], strides = [1]} : vector<16xi32> to vector<1xi32>
          %squeeze3A_453 = vector.extract %slice3A_452[0] : i32 from vector<1xi32>
          %dma_start3A_454 = arith.constant 0 : i32
          %dma_start3A_455 = tpu.memref_slice %arg18[%and3A_451, %dma_start3A_454] : memref<8x4096xf32, #tpu.memory_space<vmem>> -> memref<1x4096xf32, #tpu.memory_space<vmem>>
          %dma_start3A_456 = arith.constant 0 : i32
          %dma_start3A_457 = tpu.memref_slice %arg5[%squeeze3A_453, %dma_start3A_456] : memref<16384x4096xf32, #tpu.memory_space<hbm>> -> memref<1x4096xf32, #tpu.memory_space<hbm>>
          %dma_start3A_458 = arith.constant 0 : i32
          %dma_start3A_459 = tpu.memref_slice %arg5[%squeeze3A_453, %dma_start3A_458] : memref<16384x4096xf32, #tpu.memory_space<hbm>> -> memref<1x4096xf32, #tpu.memory_space<hbm>>
          %dma_start3A_460 = arith.constant 0 : i32
          %dma_start3A_461 = tpu.memref_slice %arg18[%and3A_451, %dma_start3A_460] : memref<8x4096xf32, #tpu.memory_space<vmem>> -> memref<1x4096xf32, #tpu.memory_space<vmem>>
          tpu.enqueue_dma source(%dma_start3A_461 : memref<1x4096xf32, #tpu.memory_space<vmem>>) target(%dma_start3A_459 : memref<1x4096xf32, #tpu.memory_space<hbm>>) target_semaphore(%arg26 : memref<!tpu.dma_semaphore, #tpu.memory_space<semaphore_mem>>)
        } else {
        }
        %add3A_367 = arith.constant 2 : i32
        %add3A_368 = arith.addi %mul3A_349, %add3A_367 : i32
        %lt3A_369 = arith.cmpi slt, %add3A_368, %while3A_241 : i32
        %convert_element_type3A_370 = arith.extui %lt3A_369 : i1 to i32
        %cond3A_371 = arith.constant 0 : i32
        %cond3A_372 = arith.cmpi ne, %convert_element_type3A_370, %cond3A_371 : i32
        scf.if %cond3A_372 {
          %slice3A = vector.extract_strided_slice %get3A_354 {offsets = [2], sizes = [1], strides = [1]} : vector<16xi32> to vector<1xi32>
          %squeeze3A = vector.extract %slice3A[0] : i32 from vector<1xi32>
          %and3A = arith.constant 7 : i32
          %and3A_451 = arith.andi %squeeze3A, %and3A : i32
          %slice3A_452 = vector.extract_strided_slice %get3A_351 {offsets = [2], sizes = [1], strides = [1]} : vector<16xi32> to vector<1xi32>
          %squeeze3A_453 = vector.extract %slice3A_452[0] : i32 from vector<1xi32>
          %dma_start3A_454 = arith.constant 0 : i32
          %dma_start3A_455 = tpu.memref_slice %arg18[%and3A_451, %dma_start3A_454] : memref<8x4096xf32, #tpu.memory_space<vmem>> -> memref<1x4096xf32, #tpu.memory_space<vmem>>
          %dma_start3A_456 = arith.constant 0 : i32
          %dma_start3A_457 = tpu.memref_slice %arg5[%squeeze3A_453, %dma_start3A_456] : memref<16384x4096xf32, #tpu.memory_space<hbm>> -> memref<1x4096xf32, #tpu.memory_space<hbm>>
          %dma_start3A_458 = arith.constant 0 : i32
          %dma_start3A_459 = tpu.memref_slice %arg5[%squeeze3A_453, %dma_start3A_458] : memref<16384x4096xf32, #tpu.memory_space<hbm>> -> memref<1x4096xf32, #tpu.memory_space<hbm>>
          %dma_start3A_460 = arith.constant 0 : i32
          %dma_start3A_461 = tpu.memref_slice %arg18[%and3A_451, %dma_start3A_460] : memref<8x4096xf32, #tpu.memory_space<vmem>> -> memref<1x4096xf32, #tpu.memory_space<vmem>>
          tpu.enqueue_dma source(%dma_start3A_461 : memref<1x4096xf32, #tpu.memory_space<vmem>>) target(%dma_start3A_459 : memref<1x4096xf32, #tpu.memory_space<hbm>>) target_semaphore(%arg26 : memref<!tpu.dma_semaphore, #tpu.memory_space<semaphore_mem>>)
        } else {
        }
        %add3A_373 = arith.constant 3 : i32
        %add3A_374 = arith.addi %mul3A_349, %add3A_373 : i32
        %lt3A_375 = arith.cmpi slt, %add3A_374, %while3A_241 : i32
        %convert_element_type3A_376 = arith.extui %lt3A_375 : i1 to i32
        %cond3A_377 = arith.constant 0 : i32
        %cond3A_378 = arith.cmpi ne, %convert_element_type3A_376, %cond3A_377 : i32
        scf.if %cond3A_378 {
          %slice3A = vector.extract_strided_slice %get3A_354 {offsets = [3], sizes = [1], strides = [1]} : vector<16xi32> to vector<1xi32>
          %squeeze3A = vector.extract %slice3A[0] : i32 from vector<1xi32>
          %and3A = arith.constant 7 : i32
          %and3A_451 = arith.andi %squeeze3A, %and3A : i32
          %slice3A_452 = vector.extract_strided_slice %get3A_351 {offsets = [3], sizes = [1], strides = [1]} : vector<16xi32> to vector<1xi32>
          %squeeze3A_453 = vector.extract %slice3A_452[0] : i32 from vector<1xi32>
          %dma_start3A_454 = arith.constant 0 : i32
          %dma_start3A_455 = tpu.memref_slice %arg18[%and3A_451, %dma_start3A_454] : memref<8x4096xf32, #tpu.memory_space<vmem>> -> memref<1x4096xf32, #tpu.memory_space<vmem>>
          %dma_start3A_456 = arith.constant 0 : i32
          %dma_start3A_457 = tpu.memref_slice %arg5[%squeeze3A_453, %dma_start3A_456] : memref<16384x4096xf32, #tpu.memory_space<hbm>> -> memref<1x4096xf32, #tpu.memory_space<hbm>>
          %dma_start3A_458 = arith.constant 0 : i32
          %dma_start3A_459 = tpu.memref_slice %arg5[%squeeze3A_453, %dma_start3A_458] : memref<16384x4096xf32, #tpu.memory_space<hbm>> -> memref<1x4096xf32, #tpu.memory_space<hbm>>
          %dma_start3A_460 = arith.constant 0 : i32
          %dma_start3A_461 = tpu.memref_slice %arg18[%and3A_451, %dma_start3A_460] : memref<8x4096xf32, #tpu.memory_space<vmem>> -> memref<1x4096xf32, #tpu.memory_space<vmem>>
          tpu.enqueue_dma source(%dma_start3A_461 : memref<1x4096xf32, #tpu.memory_space<vmem>>) target(%dma_start3A_459 : memref<1x4096xf32, #tpu.memory_space<hbm>>) target_semaphore(%arg26 : memref<!tpu.dma_semaphore, #tpu.memory_space<semaphore_mem>>)
        } else {
        }
        %add3A_379 = arith.constant 4 : i32
        %add3A_380 = arith.addi %mul3A_349, %add3A_379 : i32
        %lt3A_381 = arith.cmpi slt, %add3A_380, %while3A_241 : i32
        %convert_element_type3A_382 = arith.extui %lt3A_381 : i1 to i32
        %cond3A_383 = arith.constant 0 : i32
        %cond3A_384 = arith.cmpi ne, %convert_element_type3A_382, %cond3A_383 : i32
        scf.if %cond3A_384 {
          %slice3A = vector.extract_strided_slice %get3A_354 {offsets = [4], sizes = [1], strides = [1]} : vector<16xi32> to vector<1xi32>
          %squeeze3A = vector.extract %slice3A[0] : i32 from vector<1xi32>
          %and3A = arith.constant 7 : i32
          %and3A_451 = arith.andi %squeeze3A, %and3A : i32
          %slice3A_452 = vector.extract_strided_slice %get3A_351 {offsets = [4], sizes = [1], strides = [1]} : vector<16xi32> to vector<1xi32>
          %squeeze3A_453 = vector.extract %slice3A_452[0] : i32 from vector<1xi32>
          %dma_start3A_454 = arith.constant 0 : i32
          %dma_start3A_455 = tpu.memref_slice %arg18[%and3A_451, %dma_start3A_454] : memref<8x4096xf32, #tpu.memory_space<vmem>> -> memref<1x4096xf32, #tpu.memory_space<vmem>>
          %dma_start3A_456 = arith.constant 0 : i32
          %dma_start3A_457 = tpu.memref_slice %arg5[%squeeze3A_453, %dma_start3A_456] : memref<16384x4096xf32, #tpu.memory_space<hbm>> -> memref<1x4096xf32, #tpu.memory_space<hbm>>
          %dma_start3A_458 = arith.constant 0 : i32
          %dma_start3A_459 = tpu.memref_slice %arg5[%squeeze3A_453, %dma_start3A_458] : memref<16384x4096xf32, #tpu.memory_space<hbm>> -> memref<1x4096xf32, #tpu.memory_space<hbm>>
          %dma_start3A_460 = arith.constant 0 : i32
          %dma_start3A_461 = tpu.memref_slice %arg18[%and3A_451, %dma_start3A_460] : memref<8x4096xf32, #tpu.memory_space<vmem>> -> memref<1x4096xf32, #tpu.memory_space<vmem>>
          tpu.enqueue_dma source(%dma_start3A_461 : memref<1x4096xf32, #tpu.memory_space<vmem>>) target(%dma_start3A_459 : memref<1x4096xf32, #tpu.memory_space<hbm>>) target_semaphore(%arg26 : memref<!tpu.dma_semaphore, #tpu.memory_space<semaphore_mem>>)
        } else {
        }
        %add3A_385 = arith.constant 5 : i32
        %add3A_386 = arith.addi %mul3A_349, %add3A_385 : i32
        %lt3A_387 = arith.cmpi slt, %add3A_386, %while3A_241 : i32
        %convert_element_type3A_388 = arith.extui %lt3A_387 : i1 to i32
        %cond3A_389 = arith.constant 0 : i32
        %cond3A_390 = arith.cmpi ne, %convert_element_type3A_388, %cond3A_389 : i32
        scf.if %cond3A_390 {
          %slice3A = vector.extract_strided_slice %get3A_354 {offsets = [5], sizes = [1], strides = [1]} : vector<16xi32> to vector<1xi32>
          %squeeze3A = vector.extract %slice3A[0] : i32 from vector<1xi32>
          %and3A = arith.constant 7 : i32
          %and3A_451 = arith.andi %squeeze3A, %and3A : i32
          %slice3A_452 = vector.extract_strided_slice %get3A_351 {offsets = [5], sizes = [1], strides = [1]} : vector<16xi32> to vector<1xi32>
          %squeeze3A_453 = vector.extract %slice3A_452[0] : i32 from vector<1xi32>
          %dma_start3A_454 = arith.constant 0 : i32
          %dma_start3A_455 = tpu.memref_slice %arg18[%and3A_451, %dma_start3A_454] : memref<8x4096xf32, #tpu.memory_space<vmem>> -> memref<1x4096xf32, #tpu.memory_space<vmem>>
          %dma_start3A_456 = arith.constant 0 : i32
          %dma_start3A_457 = tpu.memref_slice %arg5[%squeeze3A_453, %dma_start3A_456] : memref<16384x4096xf32, #tpu.memory_space<hbm>> -> memref<1x4096xf32, #tpu.memory_space<hbm>>
          %dma_start3A_458 = arith.constant 0 : i32
          %dma_start3A_459 = tpu.memref_slice %arg5[%squeeze3A_453, %dma_start3A_458] : memref<16384x4096xf32, #tpu.memory_space<hbm>> -> memref<1x4096xf32, #tpu.memory_space<hbm>>
          %dma_start3A_460 = arith.constant 0 : i32
          %dma_start3A_461 = tpu.memref_slice %arg18[%and3A_451, %dma_start3A_460] : memref<8x4096xf32, #tpu.memory_space<vmem>> -> memref<1x4096xf32, #tpu.memory_space<vmem>>
          tpu.enqueue_dma source(%dma_start3A_461 : memref<1x4096xf32, #tpu.memory_space<vmem>>) target(%dma_start3A_459 : memref<1x4096xf32, #tpu.memory_space<hbm>>) target_semaphore(%arg26 : memref<!tpu.dma_semaphore, #tpu.memory_space<semaphore_mem>>)
        } else {
        }
        %add3A_391 = arith.constant 6 : i32
        %add3A_392 = arith.addi %mul3A_349, %add3A_391 : i32
        %lt3A_393 = arith.cmpi slt, %add3A_392, %while3A_241 : i32
        %convert_element_type3A_394 = arith.extui %lt3A_393 : i1 to i32
        %cond3A_395 = arith.constant 0 : i32
        %cond3A_396 = arith.cmpi ne, %convert_element_type3A_394, %cond3A_395 : i32
        scf.if %cond3A_396 {
          %slice3A = vector.extract_strided_slice %get3A_354 {offsets = [6], sizes = [1], strides = [1]} : vector<16xi32> to vector<1xi32>
          %squeeze3A = vector.extract %slice3A[0] : i32 from vector<1xi32>
          %and3A = arith.constant 7 : i32
          %and3A_451 = arith.andi %squeeze3A, %and3A : i32
          %slice3A_452 = vector.extract_strided_slice %get3A_351 {offsets = [6], sizes = [1], strides = [1]} : vector<16xi32> to vector<1xi32>
          %squeeze3A_453 = vector.extract %slice3A_452[0] : i32 from vector<1xi32>
          %dma_start3A_454 = arith.constant 0 : i32
          %dma_start3A_455 = tpu.memref_slice %arg18[%and3A_451, %dma_start3A_454] : memref<8x4096xf32, #tpu.memory_space<vmem>> -> memref<1x4096xf32, #tpu.memory_space<vmem>>
          %dma_start3A_456 = arith.constant 0 : i32
          %dma_start3A_457 = tpu.memref_slice %arg5[%squeeze3A_453, %dma_start3A_456] : memref<16384x4096xf32, #tpu.memory_space<hbm>> -> memref<1x4096xf32, #tpu.memory_space<hbm>>
          %dma_start3A_458 = arith.constant 0 : i32
          %dma_start3A_459 = tpu.memref_slice %arg5[%squeeze3A_453, %dma_start3A_458] : memref<16384x4096xf32, #tpu.memory_space<hbm>> -> memref<1x4096xf32, #tpu.memory_space<hbm>>
          %dma_start3A_460 = arith.constant 0 : i32
          %dma_start3A_461 = tpu.memref_slice %arg18[%and3A_451, %dma_start3A_460] : memref<8x4096xf32, #tpu.memory_space<vmem>> -> memref<1x4096xf32, #tpu.memory_space<vmem>>
          tpu.enqueue_dma source(%dma_start3A_461 : memref<1x4096xf32, #tpu.memory_space<vmem>>) target(%dma_start3A_459 : memref<1x4096xf32, #tpu.memory_space<hbm>>) target_semaphore(%arg26 : memref<!tpu.dma_semaphore, #tpu.memory_space<semaphore_mem>>)
        } else {
        }
        %add3A_397 = arith.constant 7 : i32
        %add3A_398 = arith.addi %mul3A_349, %add3A_397 : i32
        %lt3A_399 = arith.cmpi slt, %add3A_398, %while3A_241 : i32
        %convert_element_type3A_400 = arith.extui %lt3A_399 : i1 to i32
        %cond3A_401 = arith.constant 0 : i32
        %cond3A_402 = arith.cmpi ne, %convert_element_type3A_400, %cond3A_401 : i32
        scf.if %cond3A_402 {
          %slice3A = vector.extract_strided_slice %get3A_354 {offsets = [7], sizes = [1], strides = [1]} : vector<16xi32> to vector<1xi32>
          %squeeze3A = vector.extract %slice3A[0] : i32 from vector<1xi32>
          %and3A = arith.constant 7 : i32
          %and3A_451 = arith.andi %squeeze3A, %and3A : i32
          %slice3A_452 = vector.extract_strided_slice %get3A_351 {offsets = [7], sizes = [1], strides = [1]} : vector<16xi32> to vector<1xi32>
          %squeeze3A_453 = vector.extract %slice3A_452[0] : i32 from vector<1xi32>
          %dma_start3A_454 = arith.constant 0 : i32
          %dma_start3A_455 = tpu.memref_slice %arg18[%and3A_451, %dma_start3A_454] : memref<8x4096xf32, #tpu.memory_space<vmem>> -> memref<1x4096xf32, #tpu.memory_space<vmem>>
          %dma_start3A_456 = arith.constant 0 : i32
          %dma_start3A_457 = tpu.memref_slice %arg5[%squeeze3A_453, %dma_start3A_456] : memref<16384x4096xf32, #tpu.memory_space<hbm>> -> memref<1x4096xf32, #tpu.memory_space<hbm>>
          %dma_start3A_458 = arith.constant 0 : i32
          %dma_start3A_459 = tpu.memref_slice %arg5[%squeeze3A_453, %dma_start3A_458] : memref<16384x4096xf32, #tpu.memory_space<hbm>> -> memref<1x4096xf32, #tpu.memory_space<hbm>>
          %dma_start3A_460 = arith.constant 0 : i32
          %dma_start3A_461 = tpu.memref_slice %arg18[%and3A_451, %dma_start3A_460] : memref<8x4096xf32, #tpu.memory_space<vmem>> -> memref<1x4096xf32, #tpu.memory_space<vmem>>
          tpu.enqueue_dma source(%dma_start3A_461 : memref<1x4096xf32, #tpu.memory_space<vmem>>) target(%dma_start3A_459 : memref<1x4096xf32, #tpu.memory_space<hbm>>) target_semaphore(%arg26 : memref<!tpu.dma_semaphore, #tpu.memory_space<semaphore_mem>>)
        } else {
        }
        %add3A_403 = arith.constant 8 : i32
        %add3A_404 = arith.addi %mul3A_349, %add3A_403 : i32
        %lt3A_405 = arith.cmpi slt, %add3A_404, %while3A_241 : i32
        %convert_element_type3A_406 = arith.extui %lt3A_405 : i1 to i32
        %cond3A_407 = arith.constant 0 : i32
        %cond3A_408 = arith.cmpi ne, %convert_element_type3A_406, %cond3A_407 : i32
        scf.if %cond3A_408 {
          %slice3A = vector.extract_strided_slice %get3A_354 {offsets = [8], sizes = [1], strides = [1]} : vector<16xi32> to vector<1xi32>
          %squeeze3A = vector.extract %slice3A[0] : i32 from vector<1xi32>
          %and3A = arith.constant 7 : i32
          %and3A_451 = arith.andi %squeeze3A, %and3A : i32
          %slice3A_452 = vector.extract_strided_slice %get3A_351 {offsets = [8], sizes = [1], strides = [1]} : vector<16xi32> to vector<1xi32>
          %squeeze3A_453 = vector.extract %slice3A_452[0] : i32 from vector<1xi32>
          %dma_start3A_454 = arith.constant 0 : i32
          %dma_start3A_455 = tpu.memref_slice %arg18[%and3A_451, %dma_start3A_454] : memref<8x4096xf32, #tpu.memory_space<vmem>> -> memref<1x4096xf32, #tpu.memory_space<vmem>>
          %dma_start3A_456 = arith.constant 0 : i32
          %dma_start3A_457 = tpu.memref_slice %arg5[%squeeze3A_453, %dma_start3A_456] : memref<16384x4096xf32, #tpu.memory_space<hbm>> -> memref<1x4096xf32, #tpu.memory_space<hbm>>
          %dma_start3A_458 = arith.constant 0 : i32
          %dma_start3A_459 = tpu.memref_slice %arg5[%squeeze3A_453, %dma_start3A_458] : memref<16384x4096xf32, #tpu.memory_space<hbm>> -> memref<1x4096xf32, #tpu.memory_space<hbm>>
          %dma_start3A_460 = arith.constant 0 : i32
          %dma_start3A_461 = tpu.memref_slice %arg18[%and3A_451, %dma_start3A_460] : memref<8x4096xf32, #tpu.memory_space<vmem>> -> memref<1x4096xf32, #tpu.memory_space<vmem>>
          tpu.enqueue_dma source(%dma_start3A_461 : memref<1x4096xf32, #tpu.memory_space<vmem>>) target(%dma_start3A_459 : memref<1x4096xf32, #tpu.memory_space<hbm>>) target_semaphore(%arg26 : memref<!tpu.dma_semaphore, #tpu.memory_space<semaphore_mem>>)
        } else {
        }
        %add3A_409 = arith.constant 9 : i32
        %add3A_410 = arith.addi %mul3A_349, %add3A_409 : i32
        %lt3A_411 = arith.cmpi slt, %add3A_410, %while3A_241 : i32
        %convert_element_type3A_412 = arith.extui %lt3A_411 : i1 to i32
        %cond3A_413 = arith.constant 0 : i32
        %cond3A_414 = arith.cmpi ne, %convert_element_type3A_412, %cond3A_413 : i32
        scf.if %cond3A_414 {
          %slice3A = vector.extract_strided_slice %get3A_354 {offsets = [9], sizes = [1], strides = [1]} : vector<16xi32> to vector<1xi32>
          %squeeze3A = vector.extract %slice3A[0] : i32 from vector<1xi32>
          %and3A = arith.constant 7 : i32
          %and3A_451 = arith.andi %squeeze3A, %and3A : i32
          %slice3A_452 = vector.extract_strided_slice %get3A_351 {offsets = [9], sizes = [1], strides = [1]} : vector<16xi32> to vector<1xi32>
          %squeeze3A_453 = vector.extract %slice3A_452[0] : i32 from vector<1xi32>
          %dma_start3A_454 = arith.constant 0 : i32
          %dma_start3A_455 = tpu.memref_slice %arg18[%and3A_451, %dma_start3A_454] : memref<8x4096xf32, #tpu.memory_space<vmem>> -> memref<1x4096xf32, #tpu.memory_space<vmem>>
          %dma_start3A_456 = arith.constant 0 : i32
          %dma_start3A_457 = tpu.memref_slice %arg5[%squeeze3A_453, %dma_start3A_456] : memref<16384x4096xf32, #tpu.memory_space<hbm>> -> memref<1x4096xf32, #tpu.memory_space<hbm>>
          %dma_start3A_458 = arith.constant 0 : i32
          %dma_start3A_459 = tpu.memref_slice %arg5[%squeeze3A_453, %dma_start3A_458] : memref<16384x4096xf32, #tpu.memory_space<hbm>> -> memref<1x4096xf32, #tpu.memory_space<hbm>>
          %dma_start3A_460 = arith.constant 0 : i32
          %dma_start3A_461 = tpu.memref_slice %arg18[%and3A_451, %dma_start3A_460] : memref<8x4096xf32, #tpu.memory_space<vmem>> -> memref<1x4096xf32, #tpu.memory_space<vmem>>
          tpu.enqueue_dma source(%dma_start3A_461 : memref<1x4096xf32, #tpu.memory_space<vmem>>) target(%dma_start3A_459 : memref<1x4096xf32, #tpu.memory_space<hbm>>) target_semaphore(%arg26 : memref<!tpu.dma_semaphore, #tpu.memory_space<semaphore_mem>>)
        } else {
        }
        %add3A_415 = arith.constant 10 : i32
        %add3A_416 = arith.addi %mul3A_349, %add3A_415 : i32
        %lt3A_417 = arith.cmpi slt, %add3A_416, %while3A_241 : i32
        %convert_element_type3A_418 = arith.extui %lt3A_417 : i1 to i32
        %cond3A_419 = arith.constant 0 : i32
        %cond3A_420 = arith.cmpi ne, %convert_element_type3A_418, %cond3A_419 : i32
        scf.if %cond3A_420 {
          %slice3A = vector.extract_strided_slice %get3A_354 {offsets = [10], sizes = [1], strides = [1]} : vector<16xi32> to vector<1xi32>
          %squeeze3A = vector.extract %slice3A[0] : i32 from vector<1xi32>
          %and3A = arith.constant 7 : i32
          %and3A_451 = arith.andi %squeeze3A, %and3A : i32
          %slice3A_452 = vector.extract_strided_slice %get3A_351 {offsets = [10], sizes = [1], strides = [1]} : vector<16xi32> to vector<1xi32>
          %squeeze3A_453 = vector.extract %slice3A_452[0] : i32 from vector<1xi32>
          %dma_start3A_454 = arith.constant 0 : i32
          %dma_start3A_455 = tpu.memref_slice %arg18[%and3A_451, %dma_start3A_454] : memref<8x4096xf32, #tpu.memory_space<vmem>> -> memref<1x4096xf32, #tpu.memory_space<vmem>>
          %dma_start3A_456 = arith.constant 0 : i32
          %dma_start3A_457 = tpu.memref_slice %arg5[%squeeze3A_453, %dma_start3A_456] : memref<16384x4096xf32, #tpu.memory_space<hbm>> -> memref<1x4096xf32, #tpu.memory_space<hbm>>
          %dma_start3A_458 = arith.constant 0 : i32
          %dma_start3A_459 = tpu.memref_slice %arg5[%squeeze3A_453, %dma_start3A_458] : memref<16384x4096xf32, #tpu.memory_space<hbm>> -> memref<1x4096xf32, #tpu.memory_space<hbm>>
          %dma_start3A_460 = arith.constant 0 : i32
          %dma_start3A_461 = tpu.memref_slice %arg18[%and3A_451, %dma_start3A_460] : memref<8x4096xf32, #tpu.memory_space<vmem>> -> memref<1x4096xf32, #tpu.memory_space<vmem>>
          tpu.enqueue_dma source(%dma_start3A_461 : memref<1x4096xf32, #tpu.memory_space<vmem>>) target(%dma_start3A_459 : memref<1x4096xf32, #tpu.memory_space<hbm>>) target_semaphore(%arg26 : memref<!tpu.dma_semaphore, #tpu.memory_space<semaphore_mem>>)
        } else {
        }
        %add3A_421 = arith.constant 11 : i32
        %add3A_422 = arith.addi %mul3A_349, %add3A_421 : i32
        %lt3A_423 = arith.cmpi slt, %add3A_422, %while3A_241 : i32
        %convert_element_type3A_424 = arith.extui %lt3A_423 : i1 to i32
        %cond3A_425 = arith.constant 0 : i32
        %cond3A_426 = arith.cmpi ne, %convert_element_type3A_424, %cond3A_425 : i32
        scf.if %cond3A_426 {
          %slice3A = vector.extract_strided_slice %get3A_354 {offsets = [11], sizes = [1], strides = [1]} : vector<16xi32> to vector<1xi32>
          %squeeze3A = vector.extract %slice3A[0] : i32 from vector<1xi32>
          %and3A = arith.constant 7 : i32
          %and3A_451 = arith.andi %squeeze3A, %and3A : i32
          %slice3A_452 = vector.extract_strided_slice %get3A_351 {offsets = [11], sizes = [1], strides = [1]} : vector<16xi32> to vector<1xi32>
          %squeeze3A_453 = vector.extract %slice3A_452[0] : i32 from vector<1xi32>
          %dma_start3A_454 = arith.constant 0 : i32
          %dma_start3A_455 = tpu.memref_slice %arg18[%and3A_451, %dma_start3A_454] : memref<8x4096xf32, #tpu.memory_space<vmem>> -> memref<1x4096xf32, #tpu.memory_space<vmem>>
          %dma_start3A_456 = arith.constant 0 : i32
          %dma_start3A_457 = tpu.memref_slice %arg5[%squeeze3A_453, %dma_start3A_456] : memref<16384x4096xf32, #tpu.memory_space<hbm>> -> memref<1x4096xf32, #tpu.memory_space<hbm>>
          %dma_start3A_458 = arith.constant 0 : i32
          %dma_start3A_459 = tpu.memref_slice %arg5[%squeeze3A_453, %dma_start3A_458] : memref<16384x4096xf32, #tpu.memory_space<hbm>> -> memref<1x4096xf32, #tpu.memory_space<hbm>>
          %dma_start3A_460 = arith.constant 0 : i32
          %dma_start3A_461 = tpu.memref_slice %arg18[%and3A_451, %dma_start3A_460] : memref<8x4096xf32, #tpu.memory_space<vmem>> -> memref<1x4096xf32, #tpu.memory_space<vmem>>
          tpu.enqueue_dma source(%dma_start3A_461 : memref<1x4096xf32, #tpu.memory_space<vmem>>) target(%dma_start3A_459 : memref<1x4096xf32, #tpu.memory_space<hbm>>) target_semaphore(%arg26 : memref<!tpu.dma_semaphore, #tpu.memory_space<semaphore_mem>>)
        } else {
        }
        %add3A_427 = arith.constant 12 : i32
        %add3A_428 = arith.addi %mul3A_349, %add3A_427 : i32
        %lt3A_429 = arith.cmpi slt, %add3A_428, %while3A_241 : i32
        %convert_element_type3A_430 = arith.extui %lt3A_429 : i1 to i32
        %cond3A_431 = arith.constant 0 : i32
        %cond3A_432 = arith.cmpi ne, %convert_element_type3A_430, %cond3A_431 : i32
        scf.if %cond3A_432 {
          %slice3A = vector.extract_strided_slice %get3A_354 {offsets = [12], sizes = [1], strides = [1]} : vector<16xi32> to vector<1xi32>
          %squeeze3A = vector.extract %slice3A[0] : i32 from vector<1xi32>
          %and3A = arith.constant 7 : i32
          %and3A_451 = arith.andi %squeeze3A, %and3A : i32
          %slice3A_452 = vector.extract_strided_slice %get3A_351 {offsets = [12], sizes = [1], strides = [1]} : vector<16xi32> to vector<1xi32>
          %squeeze3A_453 = vector.extract %slice3A_452[0] : i32 from vector<1xi32>
          %dma_start3A_454 = arith.constant 0 : i32
          %dma_start3A_455 = tpu.memref_slice %arg18[%and3A_451, %dma_start3A_454] : memref<8x4096xf32, #tpu.memory_space<vmem>> -> memref<1x4096xf32, #tpu.memory_space<vmem>>
          %dma_start3A_456 = arith.constant 0 : i32
          %dma_start3A_457 = tpu.memref_slice %arg5[%squeeze3A_453, %dma_start3A_456] : memref<16384x4096xf32, #tpu.memory_space<hbm>> -> memref<1x4096xf32, #tpu.memory_space<hbm>>
          %dma_start3A_458 = arith.constant 0 : i32
          %dma_start3A_459 = tpu.memref_slice %arg5[%squeeze3A_453, %dma_start3A_458] : memref<16384x4096xf32, #tpu.memory_space<hbm>> -> memref<1x4096xf32, #tpu.memory_space<hbm>>
          %dma_start3A_460 = arith.constant 0 : i32
          %dma_start3A_461 = tpu.memref_slice %arg18[%and3A_451, %dma_start3A_460] : memref<8x4096xf32, #tpu.memory_space<vmem>> -> memref<1x4096xf32, #tpu.memory_space<vmem>>
          tpu.enqueue_dma source(%dma_start3A_461 : memref<1x4096xf32, #tpu.memory_space<vmem>>) target(%dma_start3A_459 : memref<1x4096xf32, #tpu.memory_space<hbm>>) target_semaphore(%arg26 : memref<!tpu.dma_semaphore, #tpu.memory_space<semaphore_mem>>)
        } else {
        }
        %add3A_433 = arith.constant 13 : i32
        %add3A_434 = arith.addi %mul3A_349, %add3A_433 : i32
        %lt3A_435 = arith.cmpi slt, %add3A_434, %while3A_241 : i32
        %convert_element_type3A_436 = arith.extui %lt3A_435 : i1 to i32
        %cond3A_437 = arith.constant 0 : i32
        %cond3A_438 = arith.cmpi ne, %convert_element_type3A_436, %cond3A_437 : i32
        scf.if %cond3A_438 {
          %slice3A = vector.extract_strided_slice %get3A_354 {offsets = [13], sizes = [1], strides = [1]} : vector<16xi32> to vector<1xi32>
          %squeeze3A = vector.extract %slice3A[0] : i32 from vector<1xi32>
          %and3A = arith.constant 7 : i32
          %and3A_451 = arith.andi %squeeze3A, %and3A : i32
          %slice3A_452 = vector.extract_strided_slice %get3A_351 {offsets = [13], sizes = [1], strides = [1]} : vector<16xi32> to vector<1xi32>
          %squeeze3A_453 = vector.extract %slice3A_452[0] : i32 from vector<1xi32>
          %dma_start3A_454 = arith.constant 0 : i32
          %dma_start3A_455 = tpu.memref_slice %arg18[%and3A_451, %dma_start3A_454] : memref<8x4096xf32, #tpu.memory_space<vmem>> -> memref<1x4096xf32, #tpu.memory_space<vmem>>
          %dma_start3A_456 = arith.constant 0 : i32
          %dma_start3A_457 = tpu.memref_slice %arg5[%squeeze3A_453, %dma_start3A_456] : memref<16384x4096xf32, #tpu.memory_space<hbm>> -> memref<1x4096xf32, #tpu.memory_space<hbm>>
          %dma_start3A_458 = arith.constant 0 : i32
          %dma_start3A_459 = tpu.memref_slice %arg5[%squeeze3A_453, %dma_start3A_458] : memref<16384x4096xf32, #tpu.memory_space<hbm>> -> memref<1x4096xf32, #tpu.memory_space<hbm>>
          %dma_start3A_460 = arith.constant 0 : i32
          %dma_start3A_461 = tpu.memref_slice %arg18[%and3A_451, %dma_start3A_460] : memref<8x4096xf32, #tpu.memory_space<vmem>> -> memref<1x4096xf32, #tpu.memory_space<vmem>>
          tpu.enqueue_dma source(%dma_start3A_461 : memref<1x4096xf32, #tpu.memory_space<vmem>>) target(%dma_start3A_459 : memref<1x4096xf32, #tpu.memory_space<hbm>>) target_semaphore(%arg26 : memref<!tpu.dma_semaphore, #tpu.memory_space<semaphore_mem>>)
        } else {
        }
        %add3A_439 = arith.constant 14 : i32
        %add3A_440 = arith.addi %mul3A_349, %add3A_439 : i32
        %lt3A_441 = arith.cmpi slt, %add3A_440, %while3A_241 : i32
        %convert_element_type3A_442 = arith.extui %lt3A_441 : i1 to i32
        %cond3A_443 = arith.constant 0 : i32
        %cond3A_444 = arith.cmpi ne, %convert_element_type3A_442, %cond3A_443 : i32
        scf.if %cond3A_444 {
          %slice3A = vector.extract_strided_slice %get3A_354 {offsets = [14], sizes = [1], strides = [1]} : vector<16xi32> to vector<1xi32>
          %squeeze3A = vector.extract %slice3A[0] : i32 from vector<1xi32>
          %and3A = arith.constant 7 : i32
          %and3A_451 = arith.andi %squeeze3A, %and3A : i32
          %slice3A_452 = vector.extract_strided_slice %get3A_351 {offsets = [14], sizes = [1], strides = [1]} : vector<16xi32> to vector<1xi32>
          %squeeze3A_453 = vector.extract %slice3A_452[0] : i32 from vector<1xi32>
          %dma_start3A_454 = arith.constant 0 : i32
          %dma_start3A_455 = tpu.memref_slice %arg18[%and3A_451, %dma_start3A_454] : memref<8x4096xf32, #tpu.memory_space<vmem>> -> memref<1x4096xf32, #tpu.memory_space<vmem>>
          %dma_start3A_456 = arith.constant 0 : i32
          %dma_start3A_457 = tpu.memref_slice %arg5[%squeeze3A_453, %dma_start3A_456] : memref<16384x4096xf32, #tpu.memory_space<hbm>> -> memref<1x4096xf32, #tpu.memory_space<hbm>>
          %dma_start3A_458 = arith.constant 0 : i32
          %dma_start3A_459 = tpu.memref_slice %arg5[%squeeze3A_453, %dma_start3A_458] : memref<16384x4096xf32, #tpu.memory_space<hbm>> -> memref<1x4096xf32, #tpu.memory_space<hbm>>
          %dma_start3A_460 = arith.constant 0 : i32
          %dma_start3A_461 = tpu.memref_slice %arg18[%and3A_451, %dma_start3A_460] : memref<8x4096xf32, #tpu.memory_space<vmem>> -> memref<1x4096xf32, #tpu.memory_space<vmem>>
          tpu.enqueue_dma source(%dma_start3A_461 : memref<1x4096xf32, #tpu.memory_space<vmem>>) target(%dma_start3A_459 : memref<1x4096xf32, #tpu.memory_space<hbm>>) target_semaphore(%arg26 : memref<!tpu.dma_semaphore, #tpu.memory_space<semaphore_mem>>)
        } else {
        }
        %add3A_445 = arith.constant 15 : i32
        %add3A_446 = arith.addi %mul3A_349, %add3A_445 : i32
        %lt3A_447 = arith.cmpi slt, %add3A_446, %while3A_241 : i32
        %convert_element_type3A_448 = arith.extui %lt3A_447 : i1 to i32
        %cond3A_449 = arith.constant 0 : i32
        %cond3A_450 = arith.cmpi ne, %convert_element_type3A_448, %cond3A_449 : i32
        scf.if %cond3A_450 {
          %slice3A = vector.extract_strided_slice %get3A_354 {offsets = [15], sizes = [1], strides = [1]} : vector<16xi32> to vector<1xi32>
          %squeeze3A = vector.extract %slice3A[0] : i32 from vector<1xi32>
          %and3A = arith.constant 7 : i32
          %and3A_451 = arith.andi %squeeze3A, %and3A : i32
          %slice3A_452 = vector.extract_strided_slice %get3A_351 {offsets = [15], sizes = [1], strides = [1]} : vector<16xi32> to vector<1xi32>
          %squeeze3A_453 = vector.extract %slice3A_452[0] : i32 from vector<1xi32>
          %dma_start3A_454 = arith.constant 0 : i32
          %dma_start3A_455 = tpu.memref_slice %arg18[%and3A_451, %dma_start3A_454] : memref<8x4096xf32, #tpu.memory_space<vmem>> -> memref<1x4096xf32, #tpu.memory_space<vmem>>
          %dma_start3A_456 = arith.constant 0 : i32
          %dma_start3A_457 = tpu.memref_slice %arg5[%squeeze3A_453, %dma_start3A_456] : memref<16384x4096xf32, #tpu.memory_space<hbm>> -> memref<1x4096xf32, #tpu.memory_space<hbm>>
          %dma_start3A_458 = arith.constant 0 : i32
          %dma_start3A_459 = tpu.memref_slice %arg5[%squeeze3A_453, %dma_start3A_458] : memref<16384x4096xf32, #tpu.memory_space<hbm>> -> memref<1x4096xf32, #tpu.memory_space<hbm>>
          %dma_start3A_460 = arith.constant 0 : i32
          %dma_start3A_461 = tpu.memref_slice %arg18[%and3A_451, %dma_start3A_460] : memref<8x4096xf32, #tpu.memory_space<vmem>> -> memref<1x4096xf32, #tpu.memory_space<vmem>>
          tpu.enqueue_dma source(%dma_start3A_461 : memref<1x4096xf32, #tpu.memory_space<vmem>>) target(%dma_start3A_459 : memref<1x4096xf32, #tpu.memory_space<hbm>>) target_semaphore(%arg26 : memref<!tpu.dma_semaphore, #tpu.memory_space<semaphore_mem>>)
        } else {
        }
      }
      %while3A_267 = arith.constant 0 : i32
      %while3A_268 = arith.constant 0 : i32
      %while3A_269 = arith.subi %while3A_241, %while3A_268 : i32
      %while3A_270 = arith.addi %while3A_268, %while3A_269 : i32
      %while3A_271 = arith.constant 1 : i32
      %while3A_272 = arith.divsi %while3A_269, %while3A_271 : i32
      %while3A_273 = arith.muli %while3A_272, %while3A_271 : i32
      %while3A_274 = arith.addi %while3A_268, %while3A_273 : i32
      %while3A_275 = arith.constant 1 : i32
      scf.for %while3A_347 = %while3A_268 to %while3A_274 step %while3A_275  : i32 {
        %dma_wait3A_348 = arith.constant 0 : i32
        %dma_wait3A_349 = arith.constant 0 : i32
        %dma_wait3A_350 = tpu.memref_slice %arg18[%dma_wait3A_348, %dma_wait3A_349] : memref<8x4096xf32, #tpu.memory_space<vmem>> -> memref<1x4096xf32, #tpu.memory_space<vmem>>
        %dma_wait3A_351 = arith.constant 0 : i32
        %dma_wait3A_352 = arith.constant 0 : i32
        %dma_wait3A_353 = tpu.memref_slice %arg5[%dma_wait3A_351, %dma_wait3A_352] : memref<16384x4096xf32, #tpu.memory_space<hbm>> -> memref<1x4096xf32, #tpu.memory_space<hbm>>
        %dma_wait3A_354 = arith.constant 0 : i32
        %dma_wait3A_355 = arith.constant 0 : i32
        %dma_wait3A_356 = tpu.memref_slice %arg5[%dma_wait3A_354, %dma_wait3A_355] : memref<16384x4096xf32, #tpu.memory_space<hbm>> -> memref<1x4096xf32, #tpu.memory_space<hbm>>
        %dma_wait3A_357 = arith.constant 0 : i32
        %dma_wait3A_358 = arith.constant 0 : i32
        %dma_wait3A_359 = tpu.memref_slice %arg18[%dma_wait3A_357, %dma_wait3A_358] : memref<8x4096xf32, #tpu.memory_space<vmem>> -> memref<1x4096xf32, #tpu.memory_space<vmem>>
        tpu.wait_dma2 semaphore(%arg26 : memref<!tpu.dma_semaphore, #tpu.memory_space<semaphore_mem>>) src(%dma_wait3A_359 : memref<1x4096xf32, #tpu.memory_space<vmem>>) dst(%dma_wait3A_356 : memref<1x4096xf32, #tpu.memory_space<hbm>>)
      }
      %while3A_276 = arith.constant 1 : i32
      scf.for %while3A_347 = %while3A_274 to %while3A_270 step %while3A_276  : i32 {
        %dma_wait3A_348 = arith.constant 0 : i32
        %dma_wait3A_349 = arith.constant 0 : i32
        %dma_wait3A_350 = tpu.memref_slice %arg18[%dma_wait3A_348, %dma_wait3A_349] : memref<8x4096xf32, #tpu.memory_space<vmem>> -> memref<1x4096xf32, #tpu.memory_space<vmem>>
        %dma_wait3A_351 = arith.constant 0 : i32
        %dma_wait3A_352 = arith.constant 0 : i32
        %dma_wait3A_353 = tpu.memref_slice %arg5[%dma_wait3A_351, %dma_wait3A_352] : memref<16384x4096xf32, #tpu.memory_space<hbm>> -> memref<1x4096xf32, #tpu.memory_space<hbm>>
        %dma_wait3A_354 = arith.constant 0 : i32
        %dma_wait3A_355 = arith.constant 0 : i32
        %dma_wait3A_356 = tpu.memref_slice %arg5[%dma_wait3A_354, %dma_wait3A_355] : memref<16384x4096xf32, #tpu.memory_space<hbm>> -> memref<1x4096xf32, #tpu.memory_space<hbm>>
        %dma_wait3A_357 = arith.constant 0 : i32
        %dma_wait3A_358 = arith.constant 0 : i32
        %dma_wait3A_359 = tpu.memref_slice %arg18[%dma_wait3A_357, %dma_wait3A_358] : memref<8x4096xf32, #tpu.memory_space<vmem>> -> memref<1x4096xf32, #tpu.memory_space<vmem>>
        tpu.wait_dma2 semaphore(%arg26 : memref<!tpu.dma_semaphore, #tpu.memory_space<semaphore_mem>>) src(%dma_wait3A_359 : memref<1x4096xf32, #tpu.memory_space<vmem>>) dst(%dma_wait3A_356 : memref<1x4096xf32, #tpu.memory_space<hbm>>)
      }
      %add3A_277 = arith.constant 2 : i32
      %add3A_278 = arith.addi %add3A_221, %add3A_277 : i32
      %lt3A = arith.constant 16 : i32
      %lt3A_279 = arith.cmpi slt, %add3A_278, %lt3A : i32
      %convert_element_type3A = arith.extui %lt3A_279 : i1 to i32
      %cond3A = arith.constant 0 : i32
      %cond3A_280 = arith.cmpi ne, %convert_element_type3A, %cond3A : i32
      scf.if %cond3A_280 {
        %add3A_347 = arith.constant 2 : i32
        %add3A_348 = arith.addi %add3A_221, %add3A_347 : i32
        %mul3A_349 = arith.constant 8 : i32
        %mul3A_350 = arith.muli %add3A_348, %mul3A_349 : i32
        %add3A_351 = arith.addi %multiple_of3A, %mul3A_350 : i32
        %multiple_of3A_352 = tpu.assume_multiple %add3A_351, 8 : i32
        %dma_start3A_353 = arith.constant 0 : i32
        %dma_start3A_354 = tpu.memref_slice %arg4[%multiple_of3A_352, %dma_start3A_353] : memref<4096x4096xf32, #tpu.memory_space<hbm>> -> memref<8x4096xf32, #tpu.memory_space<hbm>>
        %dma_start3A_355 = arith.constant 0 : i32
        %dma_start3A_356 = tpu.memref_slice %arg4[%multiple_of3A_352, %dma_start3A_355] : memref<4096x4096xf32, #tpu.memory_space<hbm>> -> memref<8x4096xf32, #tpu.memory_space<hbm>>
        tpu.enqueue_dma source(%dma_start3A_356 : memref<8x4096xf32, #tpu.memory_space<hbm>>) target(%arg18 : memref<8x4096xf32, #tpu.memory_space<vmem>>) target_semaphore(%arg24 : memref<!tpu.dma_semaphore, #tpu.memory_space<semaphore_mem>>)
      } else {
      }
      %mul3A_281 = arith.constant 2 : i32
      %mul3A_282 = arith.muli %mul3A_281, %scan3A_216 : i32
      %add3A_283 = arith.constant 1 : i32
      %add3A_284 = arith.addi %mul3A_282, %add3A_283 : i32
      %mul3A_285 = arith.constant 8 : i32
      %mul3A_286 = arith.muli %add3A_284, %mul3A_285 : i32
      %add3A_287 = arith.addi %multiple_of3A, %mul3A_286 : i32
      %multiple_of3A_288 = tpu.assume_multiple %add3A_287, 8 : i32
      %dma_wait3A_289 = arith.constant 0 : i32
      %dma_wait3A_290 = tpu.memref_slice %arg4[%multiple_of3A_288, %dma_wait3A_289] : memref<4096x4096xf32, #tpu.memory_space<hbm>> -> memref<8x4096xf32, #tpu.memory_space<hbm>>
      %dma_wait3A_291 = arith.constant 0 : i32
      %dma_wait3A_292 = tpu.memref_slice %arg4[%multiple_of3A_288, %dma_wait3A_291] : memref<4096x4096xf32, #tpu.memory_space<hbm>> -> memref<8x4096xf32, #tpu.memory_space<hbm>>
      tpu.wait_dma2 semaphore(%arg25 : memref<!tpu.dma_semaphore, #tpu.memory_space<semaphore_mem>>) src(%dma_wait3A_292 : memref<8x4096xf32, #tpu.memory_space<hbm>>) dst(%arg19 : memref<8x4096xf32, #tpu.memory_space<vmem>>)
      %while3A_293 = arith.constant 0 : i32
      %while3A_294 = arith.constant 0 : i32
      %while3A_295 = arith.subi %shift_right_arithmetic3A_193, %while3A_293 : i32
      %while3A_296 = arith.addi %while3A_293, %while3A_295 : i32
      %while3A_297 = arith.constant 1 : i32
      %while3A_298 = arith.divsi %while3A_295, %while3A_297 : i32
      %while3A_299 = arith.muli %while3A_298, %while3A_297 : i32
      %while3A_300 = arith.addi %while3A_293, %while3A_299 : i32
      %while3A_301 = arith.constant 1 : i32
      %while3A_302 = scf.for %while3A_347 = %while3A_293 to %while3A_300 step %while3A_301 iter_args(%while3A_348 = %while3A_294) -> (i32)  : i32 {
        %mul3A_349 = arith.constant 16 : i32
        %mul3A_350 = arith.muli %while3A_347, %mul3A_349 : i32
        %multiple_of3A_351 = tpu.assume_multiple %mul3A_350, 8 : i32
        %get3A = arith.index_cast %multiple_of3A_351 : i32 to index
        %get3A_352 = tpu.vector_load %arg13[%get3A] {strides = array<i32>} : memref<1024xi32, #tpu.memory_space<vmem>>, vector<16xi32>,
        %get3A_353 = arith.index_cast %multiple_of3A_351 : i32 to index
        %get3A_354 = tpu.vector_load %arg12[%get3A_353] {strides = array<i32>} : memref<1024xi32, #tpu.memory_space<vmem>>, vector<16xi32>,
        %get3A_355 = arith.index_cast %multiple_of3A_351 : i32 to index
        %get3A_356 = tpu.vector_load %arg14[%get3A_355] {strides = array<i32>} : memref<1024xi32, #tpu.memory_space<vmem>>, vector<16xi32>,
        %mul3A_357 = arith.constant 16 : i32
        %mul3A_358 = arith.muli %while3A_347, %mul3A_357 : i32
        %add3A_359 = vector.broadcast %mul3A_358 : i32 to vector<16xi32>
        %add3A_360 = arith.addi %add3A_359, %iota3A : vector<16xi32>
        %lt3A_361 = vector.broadcast %scan3A_189 : i32 to vector<16xi32>
        %lt3A_362 = arith.cmpi slt, %add3A_360, %lt3A_361 : vector<16xi32>
        %shift_right_arithmetic3A_363 = arith.constant 3 : i32
        %shift_right_arithmetic3A_364 = vector.broadcast %shift_right_arithmetic3A_363 : i32 to vector<16xi32>
        %shift_right_arithmetic3A_365 = arith.shrsi %get3A_352, %shift_right_arithmetic3A_364 : vector<16xi32>
        %and3A = arith.constant 15 : i32
        %and3A_366 = vector.broadcast %and3A : i32 to vector<16xi32>
        %and3A_367 = arith.andi %shift_right_arithmetic3A_365, %and3A_366 : vector<16xi32>
        %eq3A = vector.broadcast %add3A_284 : i32 to vector<16xi32>
        %eq3A_368 = arith.cmpi eq, %and3A_367, %eq3A : vector<16xi32>
        %and3A_369 = arith.andi %eq3A_368, %lt3A_362 : vector<16xi1>
        %swap3A_370 = arith.index_cast %while3A_348 : i32 to index
        %swap3A_371 = tpu.vector_load %arg15[%swap3A_370] masked %and3A_369 {strides = array<i32>} : memref<256xi32, #tpu.memory_space<vmem>>, vector<16xi32>, vector<16xi1>
        tpu.vector_store %arg15[%swap3A_370], %get3A_354 masked %and3A_369 {strides = array<i32>} : memref<256xi32, #tpu.memory_space<vmem>>, vector<16xi32>, vector<16xi1>
        %swap3A_372 = arith.index_cast %while3A_348 : i32 to index
        %swap3A_373 = tpu.vector_load %arg16[%swap3A_372] masked %and3A_369 {strides = array<i32>} : memref<256xi32, #tpu.memory_space<vmem>>, vector<16xi32>, vector<16xi1>
        tpu.vector_store %arg16[%swap3A_372], %get3A_352 masked %and3A_369 {strides = array<i32>} : memref<256xi32, #tpu.memory_space<vmem>>, vector<16xi32>, vector<16xi1>
        %swap3A_374 = arith.index_cast %while3A_348 : i32 to index
        %swap3A_375 = tpu.vector_load %arg17[%swap3A_374] masked %and3A_369 {strides = array<i32>} : memref<256xi32, #tpu.memory_space<vmem>>, vector<16xi32>, vector<16xi1>
        tpu.vector_store %arg17[%swap3A_374], %get3A_356 masked %and3A_369 {strides = array<i32>} : memref<256xi32, #tpu.memory_space<vmem>>, vector<16xi32>, vector<16xi1>
        %all_reduce_population_count3A = tpu.all_reduce %and3A_369 {dim = 0 : i64, kind = #tpu.reduction_kind<sum>} : vector<16xi1> -> vector<16xi32>
        %slice3A = vector.extract_strided_slice %all_reduce_population_count3A {offsets = [0], sizes = [1], strides = [1]} : vector<16xi32> to vector<1xi32>
        %squeeze3A = vector.extract %slice3A[0] : i32 from vector<1xi32>
        %add3A_376 = arith.addi %while3A_348, %squeeze3A : i32
        scf.yield %add3A_376 : i32
      }
      %while3A_303 = arith.constant 1 : i32
      %while3A_304 = scf.for %while3A_347 = %while3A_300 to %while3A_296 step %while3A_303 iter_args(%while3A_348 = %while3A_302) -> (i32)  : i32 {
        %mul3A_349 = arith.constant 16 : i32
        %mul3A_350 = arith.muli %while3A_347, %mul3A_349 : i32
        %multiple_of3A_351 = tpu.assume_multiple %mul3A_350, 8 : i32
        %get3A = arith.index_cast %multiple_of3A_351 : i32 to index
        %get3A_352 = tpu.vector_load %arg13[%get3A] {strides = array<i32>} : memref<1024xi32, #tpu.memory_space<vmem>>, vector<16xi32>,
        %get3A_353 = arith.index_cast %multiple_of3A_351 : i32 to index
        %get3A_354 = tpu.vector_load %arg12[%get3A_353] {strides = array<i32>} : memref<1024xi32, #tpu.memory_space<vmem>>, vector<16xi32>,
        %get3A_355 = arith.index_cast %multiple_of3A_351 : i32 to index
        %get3A_356 = tpu.vector_load %arg14[%get3A_355] {strides = array<i32>} : memref<1024xi32, #tpu.memory_space<vmem>>, vector<16xi32>,
        %mul3A_357 = arith.constant 16 : i32
        %mul3A_358 = arith.muli %while3A_347, %mul3A_357 : i32
        %add3A_359 = vector.broadcast %mul3A_358 : i32 to vector<16xi32>
        %add3A_360 = arith.addi %add3A_359, %iota3A : vector<16xi32>
        %lt3A_361 = vector.broadcast %scan3A_189 : i32 to vector<16xi32>
        %lt3A_362 = arith.cmpi slt, %add3A_360, %lt3A_361 : vector<16xi32>
        %shift_right_arithmetic3A_363 = arith.constant 3 : i32
        %shift_right_arithmetic3A_364 = vector.broadcast %shift_right_arithmetic3A_363 : i32 to vector<16xi32>
        %shift_right_arithmetic3A_365 = arith.shrsi %get3A_352, %shift_right_arithmetic3A_364 : vector<16xi32>
        %and3A = arith.constant 15 : i32
        %and3A_366 = vector.broadcast %and3A : i32 to vector<16xi32>
        %and3A_367 = arith.andi %shift_right_arithmetic3A_365, %and3A_366 : vector<16xi32>
        %eq3A = vector.broadcast %add3A_284 : i32 to vector<16xi32>
        %eq3A_368 = arith.cmpi eq, %and3A_367, %eq3A : vector<16xi32>
        %and3A_369 = arith.andi %eq3A_368, %lt3A_362 : vector<16xi1>
        %swap3A_370 = arith.index_cast %while3A_348 : i32 to index
        %swap3A_371 = tpu.vector_load %arg15[%swap3A_370] masked %and3A_369 {strides = array<i32>} : memref<256xi32, #tpu.memory_space<vmem>>, vector<16xi32>, vector<16xi1>
        tpu.vector_store %arg15[%swap3A_370], %get3A_354 masked %and3A_369 {strides = array<i32>} : memref<256xi32, #tpu.memory_space<vmem>>, vector<16xi32>, vector<16xi1>
        %swap3A_372 = arith.index_cast %while3A_348 : i32 to index
        %swap3A_373 = tpu.vector_load %arg16[%swap3A_372] masked %and3A_369 {strides = array<i32>} : memref<256xi32, #tpu.memory_space<vmem>>, vector<16xi32>, vector<16xi1>
        tpu.vector_store %arg16[%swap3A_372], %get3A_352 masked %and3A_369 {strides = array<i32>} : memref<256xi32, #tpu.memory_space<vmem>>, vector<16xi32>, vector<16xi1>
        %swap3A_374 = arith.index_cast %while3A_348 : i32 to index
        %swap3A_375 = tpu.vector_load %arg17[%swap3A_374] masked %and3A_369 {strides = array<i32>} : memref<256xi32, #tpu.memory_space<vmem>>, vector<16xi32>, vector<16xi1>
        tpu.vector_store %arg17[%swap3A_374], %get3A_356 masked %and3A_369 {strides = array<i32>} : memref<256xi32, #tpu.memory_space<vmem>>, vector<16xi32>, vector<16xi1>
        %all_reduce_population_count3A = tpu.all_reduce %and3A_369 {dim = 0 : i64, kind = #tpu.reduction_kind<sum>} : vector<16xi1> -> vector<16xi32>
        %slice3A = vector.extract_strided_slice %all_reduce_population_count3A {offsets = [0], sizes = [1], strides = [1]} : vector<16xi32> to vector<1xi32>
        %squeeze3A = vector.extract %slice3A[0] : i32 from vector<1xi32>
        %add3A_376 = arith.addi %while3A_348, %squeeze3A : i32
        scf.yield %add3A_376 : i32
      }
      %add3A_305 = arith.constant 15 : i32
      %add3A_306 = arith.addi %while3A_304, %add3A_305 : i32
      %shift_right_arithmetic3A_307 = arith.constant 4 : i32
      %shift_right_arithmetic3A_308 = arith.shrsi %add3A_306, %shift_right_arithmetic3A_307 : i32
      %while3A_309 = arith.constant 0 : i32
      %while3A_310 = arith.subi %shift_right_arithmetic3A_308, %while3A_309 : i32
      %while3A_311 = arith.addi %while3A_309, %while3A_310 : i32
      %while3A_312 = arith.constant 1 : i32
      %while3A_313 = arith.divsi %while3A_310, %while3A_312 : i32
      %while3A_314 = arith.muli %while3A_313, %while3A_312 : i32
      %while3A_315 = arith.addi %while3A_309, %while3A_314 : i32
      %while3A_316 = arith.constant 1 : i32
      %while3A_317 = scf.for %while3A_347 = %while3A_309 to %while3A_315 step %while3A_316 iter_args(%while3A_348 = %while3A_256) -> (vector<16xf32>)  : i32 {
        %mul3A_349 = arith.constant 16 : i32
        %mul3A_350 = arith.muli %while3A_347, %mul3A_349 : i32
        %multiple_of3A_351 = tpu.assume_multiple %mul3A_350, 8 : i32
        %get3A = arith.index_cast %multiple_of3A_351 : i32 to index
        %get3A_352 = tpu.vector_load %arg16[%get3A] {strides = array<i32>} : memref<256xi32, #tpu.memory_space<vmem>>, vector<16xi32>,
        %get3A_353 = arith.index_cast %multiple_of3A_351 : i32 to index
        %get3A_354 = tpu.vector_load %arg17[%get3A_353] {strides = array<i32>} : memref<256xi32, #tpu.memory_space<vmem>>, vector<16xi32>,
        %and3A = arith.constant 4095 : i32
        %and3A_355 = vector.broadcast %and3A : i32 to vector<16xi32>
        %and3A_356 = arith.andi %get3A_354, %and3A_355 : vector<16xi32>
        %and3A_357 = arith.constant 7 : i32
        %and3A_358 = vector.broadcast %and3A_357 : i32 to vector<16xi32>
        %and3A_359 = arith.andi %get3A_352, %and3A_358 : vector<16xi32>
        %gather3A = tpu.vector_load_idx %arg19[%and3A_359, %and3A_356] : memref<8x4096xf32, #tpu.memory_space<vmem>>[vector<16xi32>, vector<16xi32>], vector<16xf32>,
        %mul3A_360 = arith.constant 16 : i32
        %mul3A_361 = arith.muli %while3A_347, %mul3A_360 : i32
        %add3A_362 = vector.broadcast %mul3A_361 : i32 to vector<16xi32>
        %add3A_363 = arith.addi %add3A_362, %iota3A : vector<16xi32>
        %lt3A_364 = vector.broadcast %while3A_304 : i32 to vector<16xi32>
        %lt3A_365 = arith.cmpi slt, %add3A_363, %lt3A_364 : vector<16xi32>
        %jit3A = arith.constant 0.000000e+00 : f32
        %broadcast_in_dim3A_366 = vector.broadcast %jit3A : f32 to vector<16xf32>
        %select_n3A = arith.select %lt3A_365, %gather3A, %broadcast_in_dim3A_366 : vector<16xi1>, vector<16xf32>
        %add3A_367 = arith.addf %while3A_348, %select_n3A : vector<16xf32>
        scf.yield %add3A_367 : vector<16xf32>
      }
      %while3A_318 = arith.constant 1 : i32
      %while3A_319 = scf.for %while3A_347 = %while3A_315 to %while3A_311 step %while3A_318 iter_args(%while3A_348 = %while3A_317) -> (vector<16xf32>)  : i32 {
        %mul3A_349 = arith.constant 16 : i32
        %mul3A_350 = arith.muli %while3A_347, %mul3A_349 : i32
        %multiple_of3A_351 = tpu.assume_multiple %mul3A_350, 8 : i32
        %get3A = arith.index_cast %multiple_of3A_351 : i32 to index
        %get3A_352 = tpu.vector_load %arg16[%get3A] {strides = array<i32>} : memref<256xi32, #tpu.memory_space<vmem>>, vector<16xi32>,
        %get3A_353 = arith.index_cast %multiple_of3A_351 : i32 to index
        %get3A_354 = tpu.vector_load %arg17[%get3A_353] {strides = array<i32>} : memref<256xi32, #tpu.memory_space<vmem>>, vector<16xi32>,
        %and3A = arith.constant 4095 : i32
        %and3A_355 = vector.broadcast %and3A : i32 to vector<16xi32>
        %and3A_356 = arith.andi %get3A_354, %and3A_355 : vector<16xi32>
        %and3A_357 = arith.constant 7 : i32
        %and3A_358 = vector.broadcast %and3A_357 : i32 to vector<16xi32>
        %and3A_359 = arith.andi %get3A_352, %and3A_358 : vector<16xi32>
        %gather3A = tpu.vector_load_idx %arg19[%and3A_359, %and3A_356] : memref<8x4096xf32, #tpu.memory_space<vmem>>[vector<16xi32>, vector<16xi32>], vector<16xf32>,
        %mul3A_360 = arith.constant 16 : i32
        %mul3A_361 = arith.muli %while3A_347, %mul3A_360 : i32
        %add3A_362 = vector.broadcast %mul3A_361 : i32 to vector<16xi32>
        %add3A_363 = arith.addi %add3A_362, %iota3A : vector<16xi32>
        %lt3A_364 = vector.broadcast %while3A_304 : i32 to vector<16xi32>
        %lt3A_365 = arith.cmpi slt, %add3A_363, %lt3A_364 : vector<16xi32>
        %jit3A = arith.constant 0.000000e+00 : f32
        %broadcast_in_dim3A_366 = vector.broadcast %jit3A : f32 to vector<16xf32>
        %select_n3A = arith.select %lt3A_365, %gather3A, %broadcast_in_dim3A_366 : vector<16xi1>, vector<16xf32>
        %add3A_367 = arith.addf %while3A_348, %select_n3A : vector<16xf32>
        scf.yield %add3A_367 : vector<16xf32>
      }
      %while3A_320 = arith.constant 0 : i32
      %while3A_321 = arith.constant 0 : i32
      %while3A_322 = arith.subi %shift_right_arithmetic3A_308, %while3A_321 : i32
      %while3A_323 = arith.addi %while3A_321, %while3A_322 : i32
      %while3A_324 = arith.constant 1 : i32
      %while3A_325 = arith.divsi %while3A_322, %while3A_324 : i32
      %while3A_326 = arith.muli %while3A_325, %while3A_324 : i32
      %while3A_327 = arith.addi %while3A_321, %while3A_326 : i32
      %while3A_328 = arith.constant 1 : i32
      scf.for %while3A_347 = %while3A_321 to %while3A_327 step %while3A_328  : i32 {
        %mul3A_348 = arith.constant 16 : i32
        %mul3A_349 = arith.muli %while3A_347, %mul3A_348 : i32
        %multiple_of3A_350 = tpu.assume_multiple %mul3A_349, 8 : i32
        %get3A = arith.index_cast %multiple_of3A_350 : i32 to index
        %get3A_351 = tpu.vector_load %arg15[%get3A] {strides = array<i32>} : memref<256xi32, #tpu.memory_space<vmem>>, vector<16xi32>,
        %multiple_of3A_352 = tpu.assume_multiple %mul3A_349, 8 : i32
        %get3A_353 = arith.index_cast %multiple_of3A_352 : i32 to index
        %get3A_354 = tpu.vector_load %arg16[%get3A_353] {strides = array<i32>} : memref<256xi32, #tpu.memory_space<vmem>>, vector<16xi32>,
        %add3A_355 = arith.constant 0 : i32
        %add3A_356 = arith.addi %mul3A_349, %add3A_355 : i32
        %lt3A_357 = arith.cmpi slt, %add3A_356, %while3A_304 : i32
        %convert_element_type3A_358 = arith.extui %lt3A_357 : i1 to i32
        %cond3A_359 = arith.constant 0 : i32
        %cond3A_360 = arith.cmpi ne, %convert_element_type3A_358, %cond3A_359 : i32
        scf.if %cond3A_360 {
          %slice3A = vector.extract_strided_slice %get3A_354 {offsets = [0], sizes = [1], strides = [1]} : vector<16xi32> to vector<1xi32>
          %squeeze3A = vector.extract %slice3A[0] : i32 from vector<1xi32>
          %and3A = arith.constant 7 : i32
          %and3A_451 = arith.andi %squeeze3A, %and3A : i32
          %slice3A_452 = vector.extract_strided_slice %get3A_351 {offsets = [0], sizes = [1], strides = [1]} : vector<16xi32> to vector<1xi32>
          %squeeze3A_453 = vector.extract %slice3A_452[0] : i32 from vector<1xi32>
          %dma_start3A_454 = arith.constant 0 : i32
          %dma_start3A_455 = tpu.memref_slice %arg19[%and3A_451, %dma_start3A_454] : memref<8x4096xf32, #tpu.memory_space<vmem>> -> memref<1x4096xf32, #tpu.memory_space<vmem>>
          %dma_start3A_456 = arith.constant 0 : i32
          %dma_start3A_457 = tpu.memref_slice %arg5[%squeeze3A_453, %dma_start3A_456] : memref<16384x4096xf32, #tpu.memory_space<hbm>> -> memref<1x4096xf32, #tpu.memory_space<hbm>>
          %dma_start3A_458 = arith.constant 0 : i32
          %dma_start3A_459 = tpu.memref_slice %arg5[%squeeze3A_453, %dma_start3A_458] : memref<16384x4096xf32, #tpu.memory_space<hbm>> -> memref<1x4096xf32, #tpu.memory_space<hbm>>
          %dma_start3A_460 = arith.constant 0 : i32
          %dma_start3A_461 = tpu.memref_slice %arg19[%and3A_451, %dma_start3A_460] : memref<8x4096xf32, #tpu.memory_space<vmem>> -> memref<1x4096xf32, #tpu.memory_space<vmem>>
          tpu.enqueue_dma source(%dma_start3A_461 : memref<1x4096xf32, #tpu.memory_space<vmem>>) target(%dma_start3A_459 : memref<1x4096xf32, #tpu.memory_space<hbm>>) target_semaphore(%arg27 : memref<!tpu.dma_semaphore, #tpu.memory_space<semaphore_mem>>)
        } else {
        }
        %add3A_361 = arith.constant 1 : i32
        %add3A_362 = arith.addi %mul3A_349, %add3A_361 : i32
        %lt3A_363 = arith.cmpi slt, %add3A_362, %while3A_304 : i32
        %convert_element_type3A_364 = arith.extui %lt3A_363 : i1 to i32
        %cond3A_365 = arith.constant 0 : i32
        %cond3A_366 = arith.cmpi ne, %convert_element_type3A_364, %cond3A_365 : i32
        scf.if %cond3A_366 {
          %slice3A = vector.extract_strided_slice %get3A_354 {offsets = [1], sizes = [1], strides = [1]} : vector<16xi32> to vector<1xi32>
          %squeeze3A = vector.extract %slice3A[0] : i32 from vector<1xi32>
          %and3A = arith.constant 7 : i32
          %and3A_451 = arith.andi %squeeze3A, %and3A : i32
          %slice3A_452 = vector.extract_strided_slice %get3A_351 {offsets = [1], sizes = [1], strides = [1]} : vector<16xi32> to vector<1xi32>
          %squeeze3A_453 = vector.extract %slice3A_452[0] : i32 from vector<1xi32>
          %dma_start3A_454 = arith.constant 0 : i32
          %dma_start3A_455 = tpu.memref_slice %arg19[%and3A_451, %dma_start3A_454] : memref<8x4096xf32, #tpu.memory_space<vmem>> -> memref<1x4096xf32, #tpu.memory_space<vmem>>
          %dma_start3A_456 = arith.constant 0 : i32
          %dma_start3A_457 = tpu.memref_slice %arg5[%squeeze3A_453, %dma_start3A_456] : memref<16384x4096xf32, #tpu.memory_space<hbm>> -> memref<1x4096xf32, #tpu.memory_space<hbm>>
          %dma_start3A_458 = arith.constant 0 : i32
          %dma_start3A_459 = tpu.memref_slice %arg5[%squeeze3A_453, %dma_start3A_458] : memref<16384x4096xf32, #tpu.memory_space<hbm>> -> memref<1x4096xf32, #tpu.memory_space<hbm>>
          %dma_start3A_460 = arith.constant 0 : i32
          %dma_start3A_461 = tpu.memref_slice %arg19[%and3A_451, %dma_start3A_460] : memref<8x4096xf32, #tpu.memory_space<vmem>> -> memref<1x4096xf32, #tpu.memory_space<vmem>>
          tpu.enqueue_dma source(%dma_start3A_461 : memref<1x4096xf32, #tpu.memory_space<vmem>>) target(%dma_start3A_459 : memref<1x4096xf32, #tpu.memory_space<hbm>>) target_semaphore(%arg27 : memref<!tpu.dma_semaphore, #tpu.memory_space<semaphore_mem>>)
        } else {
        }
        %add3A_367 = arith.constant 2 : i32
        %add3A_368 = arith.addi %mul3A_349, %add3A_367 : i32
        %lt3A_369 = arith.cmpi slt, %add3A_368, %while3A_304 : i32
        %convert_element_type3A_370 = arith.extui %lt3A_369 : i1 to i32
        %cond3A_371 = arith.constant 0 : i32
        %cond3A_372 = arith.cmpi ne, %convert_element_type3A_370, %cond3A_371 : i32
        scf.if %cond3A_372 {
          %slice3A = vector.extract_strided_slice %get3A_354 {offsets = [2], sizes = [1], strides = [1]} : vector<16xi32> to vector<1xi32>
          %squeeze3A = vector.extract %slice3A[0] : i32 from vector<1xi32>
          %and3A = arith.constant 7 : i32
          %and3A_451 = arith.andi %squeeze3A, %and3A : i32
          %slice3A_452 = vector.extract_strided_slice %get3A_351 {offsets = [2], sizes = [1], strides = [1]} : vector<16xi32> to vector<1xi32>
          %squeeze3A_453 = vector.extract %slice3A_452[0] : i32 from vector<1xi32>
          %dma_start3A_454 = arith.constant 0 : i32
          %dma_start3A_455 = tpu.memref_slice %arg19[%and3A_451, %dma_start3A_454] : memref<8x4096xf32, #tpu.memory_space<vmem>> -> memref<1x4096xf32, #tpu.memory_space<vmem>>
          %dma_start3A_456 = arith.constant 0 : i32
          %dma_start3A_457 = tpu.memref_slice %arg5[%squeeze3A_453, %dma_start3A_456] : memref<16384x4096xf32, #tpu.memory_space<hbm>> -> memref<1x4096xf32, #tpu.memory_space<hbm>>
          %dma_start3A_458 = arith.constant 0 : i32
          %dma_start3A_459 = tpu.memref_slice %arg5[%squeeze3A_453, %dma_start3A_458] : memref<16384x4096xf32, #tpu.memory_space<hbm>> -> memref<1x4096xf32, #tpu.memory_space<hbm>>
          %dma_start3A_460 = arith.constant 0 : i32
          %dma_start3A_461 = tpu.memref_slice %arg19[%and3A_451, %dma_start3A_460] : memref<8x4096xf32, #tpu.memory_space<vmem>> -> memref<1x4096xf32, #tpu.memory_space<vmem>>
          tpu.enqueue_dma source(%dma_start3A_461 : memref<1x4096xf32, #tpu.memory_space<vmem>>) target(%dma_start3A_459 : memref<1x4096xf32, #tpu.memory_space<hbm>>) target_semaphore(%arg27 : memref<!tpu.dma_semaphore, #tpu.memory_space<semaphore_mem>>)
        } else {
        }
        %add3A_373 = arith.constant 3 : i32
        %add3A_374 = arith.addi %mul3A_349, %add3A_373 : i32
        %lt3A_375 = arith.cmpi slt, %add3A_374, %while3A_304 : i32
        %convert_element_type3A_376 = arith.extui %lt3A_375 : i1 to i32
        %cond3A_377 = arith.constant 0 : i32
        %cond3A_378 = arith.cmpi ne, %convert_element_type3A_376, %cond3A_377 : i32
        scf.if %cond3A_378 {
          %slice3A = vector.extract_strided_slice %get3A_354 {offsets = [3], sizes = [1], strides = [1]} : vector<16xi32> to vector<1xi32>
          %squeeze3A = vector.extract %slice3A[0] : i32 from vector<1xi32>
          %and3A = arith.constant 7 : i32
          %and3A_451 = arith.andi %squeeze3A, %and3A : i32
          %slice3A_452 = vector.extract_strided_slice %get3A_351 {offsets = [3], sizes = [1], strides = [1]} : vector<16xi32> to vector<1xi32>
          %squeeze3A_453 = vector.extract %slice3A_452[0] : i32 from vector<1xi32>
          %dma_start3A_454 = arith.constant 0 : i32
          %dma_start3A_455 = tpu.memref_slice %arg19[%and3A_451, %dma_start3A_454] : memref<8x4096xf32, #tpu.memory_space<vmem>> -> memref<1x4096xf32, #tpu.memory_space<vmem>>
          %dma_start3A_456 = arith.constant 0 : i32
          %dma_start3A_457 = tpu.memref_slice %arg5[%squeeze3A_453, %dma_start3A_456] : memref<16384x4096xf32, #tpu.memory_space<hbm>> -> memref<1x4096xf32, #tpu.memory_space<hbm>>
          %dma_start3A_458 = arith.constant 0 : i32
          %dma_start3A_459 = tpu.memref_slice %arg5[%squeeze3A_453, %dma_start3A_458] : memref<16384x4096xf32, #tpu.memory_space<hbm>> -> memref<1x4096xf32, #tpu.memory_space<hbm>>
          %dma_start3A_460 = arith.constant 0 : i32
          %dma_start3A_461 = tpu.memref_slice %arg19[%and3A_451, %dma_start3A_460] : memref<8x4096xf32, #tpu.memory_space<vmem>> -> memref<1x4096xf32, #tpu.memory_space<vmem>>
          tpu.enqueue_dma source(%dma_start3A_461 : memref<1x4096xf32, #tpu.memory_space<vmem>>) target(%dma_start3A_459 : memref<1x4096xf32, #tpu.memory_space<hbm>>) target_semaphore(%arg27 : memref<!tpu.dma_semaphore, #tpu.memory_space<semaphore_mem>>)
        } else {
        }
        %add3A_379 = arith.constant 4 : i32
        %add3A_380 = arith.addi %mul3A_349, %add3A_379 : i32
        %lt3A_381 = arith.cmpi slt, %add3A_380, %while3A_304 : i32
        %convert_element_type3A_382 = arith.extui %lt3A_381 : i1 to i32
        %cond3A_383 = arith.constant 0 : i32
        %cond3A_384 = arith.cmpi ne, %convert_element_type3A_382, %cond3A_383 : i32
        scf.if %cond3A_384 {
          %slice3A = vector.extract_strided_slice %get3A_354 {offsets = [4], sizes = [1], strides = [1]} : vector<16xi32> to vector<1xi32>
          %squeeze3A = vector.extract %slice3A[0] : i32 from vector<1xi32>
          %and3A = arith.constant 7 : i32
          %and3A_451 = arith.andi %squeeze3A, %and3A : i32
          %slice3A_452 = vector.extract_strided_slice %get3A_351 {offsets = [4], sizes = [1], strides = [1]} : vector<16xi32> to vector<1xi32>
          %squeeze3A_453 = vector.extract %slice3A_452[0] : i32 from vector<1xi32>
          %dma_start3A_454 = arith.constant 0 : i32
          %dma_start3A_455 = tpu.memref_slice %arg19[%and3A_451, %dma_start3A_454] : memref<8x4096xf32, #tpu.memory_space<vmem>> -> memref<1x4096xf32, #tpu.memory_space<vmem>>
          %dma_start3A_456 = arith.constant 0 : i32
          %dma_start3A_457 = tpu.memref_slice %arg5[%squeeze3A_453, %dma_start3A_456] : memref<16384x4096xf32, #tpu.memory_space<hbm>> -> memref<1x4096xf32, #tpu.memory_space<hbm>>
          %dma_start3A_458 = arith.constant 0 : i32
          %dma_start3A_459 = tpu.memref_slice %arg5[%squeeze3A_453, %dma_start3A_458] : memref<16384x4096xf32, #tpu.memory_space<hbm>> -> memref<1x4096xf32, #tpu.memory_space<hbm>>
          %dma_start3A_460 = arith.constant 0 : i32
          %dma_start3A_461 = tpu.memref_slice %arg19[%and3A_451, %dma_start3A_460] : memref<8x4096xf32, #tpu.memory_space<vmem>> -> memref<1x4096xf32, #tpu.memory_space<vmem>>
          tpu.enqueue_dma source(%dma_start3A_461 : memref<1x4096xf32, #tpu.memory_space<vmem>>) target(%dma_start3A_459 : memref<1x4096xf32, #tpu.memory_space<hbm>>) target_semaphore(%arg27 : memref<!tpu.dma_semaphore, #tpu.memory_space<semaphore_mem>>)
        } else {
        }
        %add3A_385 = arith.constant 5 : i32
        %add3A_386 = arith.addi %mul3A_349, %add3A_385 : i32
        %lt3A_387 = arith.cmpi slt, %add3A_386, %while3A_304 : i32
        %convert_element_type3A_388 = arith.extui %lt3A_387 : i1 to i32
        %cond3A_389 = arith.constant 0 : i32
        %cond3A_390 = arith.cmpi ne, %convert_element_type3A_388, %cond3A_389 : i32
        scf.if %cond3A_390 {
          %slice3A = vector.extract_strided_slice %get3A_354 {offsets = [5], sizes = [1], strides = [1]} : vector<16xi32> to vector<1xi32>
          %squeeze3A = vector.extract %slice3A[0] : i32 from vector<1xi32>
          %and3A = arith.constant 7 : i32
          %and3A_451 = arith.andi %squeeze3A, %and3A : i32
          %slice3A_452 = vector.extract_strided_slice %get3A_351 {offsets = [5], sizes = [1], strides = [1]} : vector<16xi32> to vector<1xi32>
          %squeeze3A_453 = vector.extract %slice3A_452[0] : i32 from vector<1xi32>
          %dma_start3A_454 = arith.constant 0 : i32
          %dma_start3A_455 = tpu.memref_slice %arg19[%and3A_451, %dma_start3A_454] : memref<8x4096xf32, #tpu.memory_space<vmem>> -> memref<1x4096xf32, #tpu.memory_space<vmem>>
          %dma_start3A_456 = arith.constant 0 : i32
          %dma_start3A_457 = tpu.memref_slice %arg5[%squeeze3A_453, %dma_start3A_456] : memref<16384x4096xf32, #tpu.memory_space<hbm>> -> memref<1x4096xf32, #tpu.memory_space<hbm>>
          %dma_start3A_458 = arith.constant 0 : i32
          %dma_start3A_459 = tpu.memref_slice %arg5[%squeeze3A_453, %dma_start3A_458] : memref<16384x4096xf32, #tpu.memory_space<hbm>> -> memref<1x4096xf32, #tpu.memory_space<hbm>>
          %dma_start3A_460 = arith.constant 0 : i32
          %dma_start3A_461 = tpu.memref_slice %arg19[%and3A_451, %dma_start3A_460] : memref<8x4096xf32, #tpu.memory_space<vmem>> -> memref<1x4096xf32, #tpu.memory_space<vmem>>
          tpu.enqueue_dma source(%dma_start3A_461 : memref<1x4096xf32, #tpu.memory_space<vmem>>) target(%dma_start3A_459 : memref<1x4096xf32, #tpu.memory_space<hbm>>) target_semaphore(%arg27 : memref<!tpu.dma_semaphore, #tpu.memory_space<semaphore_mem>>)
        } else {
        }
        %add3A_391 = arith.constant 6 : i32
        %add3A_392 = arith.addi %mul3A_349, %add3A_391 : i32
        %lt3A_393 = arith.cmpi slt, %add3A_392, %while3A_304 : i32
        %convert_element_type3A_394 = arith.extui %lt3A_393 : i1 to i32
        %cond3A_395 = arith.constant 0 : i32
        %cond3A_396 = arith.cmpi ne, %convert_element_type3A_394, %cond3A_395 : i32
        scf.if %cond3A_396 {
          %slice3A = vector.extract_strided_slice %get3A_354 {offsets = [6], sizes = [1], strides = [1]} : vector<16xi32> to vector<1xi32>
          %squeeze3A = vector.extract %slice3A[0] : i32 from vector<1xi32>
          %and3A = arith.constant 7 : i32
          %and3A_451 = arith.andi %squeeze3A, %and3A : i32
          %slice3A_452 = vector.extract_strided_slice %get3A_351 {offsets = [6], sizes = [1], strides = [1]} : vector<16xi32> to vector<1xi32>
          %squeeze3A_453 = vector.extract %slice3A_452[0] : i32 from vector<1xi32>
          %dma_start3A_454 = arith.constant 0 : i32
          %dma_start3A_455 = tpu.memref_slice %arg19[%and3A_451, %dma_start3A_454] : memref<8x4096xf32, #tpu.memory_space<vmem>> -> memref<1x4096xf32, #tpu.memory_space<vmem>>
          %dma_start3A_456 = arith.constant 0 : i32
          %dma_start3A_457 = tpu.memref_slice %arg5[%squeeze3A_453, %dma_start3A_456] : memref<16384x4096xf32, #tpu.memory_space<hbm>> -> memref<1x4096xf32, #tpu.memory_space<hbm>>
          %dma_start3A_458 = arith.constant 0 : i32
          %dma_start3A_459 = tpu.memref_slice %arg5[%squeeze3A_453, %dma_start3A_458] : memref<16384x4096xf32, #tpu.memory_space<hbm>> -> memref<1x4096xf32, #tpu.memory_space<hbm>>
          %dma_start3A_460 = arith.constant 0 : i32
          %dma_start3A_461 = tpu.memref_slice %arg19[%and3A_451, %dma_start3A_460] : memref<8x4096xf32, #tpu.memory_space<vmem>> -> memref<1x4096xf32, #tpu.memory_space<vmem>>
          tpu.enqueue_dma source(%dma_start3A_461 : memref<1x4096xf32, #tpu.memory_space<vmem>>) target(%dma_start3A_459 : memref<1x4096xf32, #tpu.memory_space<hbm>>) target_semaphore(%arg27 : memref<!tpu.dma_semaphore, #tpu.memory_space<semaphore_mem>>)
        } else {
        }
        %add3A_397 = arith.constant 7 : i32
        %add3A_398 = arith.addi %mul3A_349, %add3A_397 : i32
        %lt3A_399 = arith.cmpi slt, %add3A_398, %while3A_304 : i32
        %convert_element_type3A_400 = arith.extui %lt3A_399 : i1 to i32
        %cond3A_401 = arith.constant 0 : i32
        %cond3A_402 = arith.cmpi ne, %convert_element_type3A_400, %cond3A_401 : i32
        scf.if %cond3A_402 {
          %slice3A = vector.extract_strided_slice %get3A_354 {offsets = [7], sizes = [1], strides = [1]} : vector<16xi32> to vector<1xi32>
          %squeeze3A = vector.extract %slice3A[0] : i32 from vector<1xi32>
          %and3A = arith.constant 7 : i32
          %and3A_451 = arith.andi %squeeze3A, %and3A : i32
          %slice3A_452 = vector.extract_strided_slice %get3A_351 {offsets = [7], sizes = [1], strides = [1]} : vector<16xi32> to vector<1xi32>
          %squeeze3A_453 = vector.extract %slice3A_452[0] : i32 from vector<1xi32>
          %dma_start3A_454 = arith.constant 0 : i32
          %dma_start3A_455 = tpu.memref_slice %arg19[%and3A_451, %dma_start3A_454] : memref<8x4096xf32, #tpu.memory_space<vmem>> -> memref<1x4096xf32, #tpu.memory_space<vmem>>
          %dma_start3A_456 = arith.constant 0 : i32
          %dma_start3A_457 = tpu.memref_slice %arg5[%squeeze3A_453, %dma_start3A_456] : memref<16384x4096xf32, #tpu.memory_space<hbm>> -> memref<1x4096xf32, #tpu.memory_space<hbm>>
          %dma_start3A_458 = arith.constant 0 : i32
          %dma_start3A_459 = tpu.memref_slice %arg5[%squeeze3A_453, %dma_start3A_458] : memref<16384x4096xf32, #tpu.memory_space<hbm>> -> memref<1x4096xf32, #tpu.memory_space<hbm>>
          %dma_start3A_460 = arith.constant 0 : i32
          %dma_start3A_461 = tpu.memref_slice %arg19[%and3A_451, %dma_start3A_460] : memref<8x4096xf32, #tpu.memory_space<vmem>> -> memref<1x4096xf32, #tpu.memory_space<vmem>>
          tpu.enqueue_dma source(%dma_start3A_461 : memref<1x4096xf32, #tpu.memory_space<vmem>>) target(%dma_start3A_459 : memref<1x4096xf32, #tpu.memory_space<hbm>>) target_semaphore(%arg27 : memref<!tpu.dma_semaphore, #tpu.memory_space<semaphore_mem>>)
        } else {
        }
        %add3A_403 = arith.constant 8 : i32
        %add3A_404 = arith.addi %mul3A_349, %add3A_403 : i32
        %lt3A_405 = arith.cmpi slt, %add3A_404, %while3A_304 : i32
        %convert_element_type3A_406 = arith.extui %lt3A_405 : i1 to i32
        %cond3A_407 = arith.constant 0 : i32
        %cond3A_408 = arith.cmpi ne, %convert_element_type3A_406, %cond3A_407 : i32
        scf.if %cond3A_408 {
          %slice3A = vector.extract_strided_slice %get3A_354 {offsets = [8], sizes = [1], strides = [1]} : vector<16xi32> to vector<1xi32>
          %squeeze3A = vector.extract %slice3A[0] : i32 from vector<1xi32>
          %and3A = arith.constant 7 : i32
          %and3A_451 = arith.andi %squeeze3A, %and3A : i32
          %slice3A_452 = vector.extract_strided_slice %get3A_351 {offsets = [8], sizes = [1], strides = [1]} : vector<16xi32> to vector<1xi32>
          %squeeze3A_453 = vector.extract %slice3A_452[0] : i32 from vector<1xi32>
          %dma_start3A_454 = arith.constant 0 : i32
          %dma_start3A_455 = tpu.memref_slice %arg19[%and3A_451, %dma_start3A_454] : memref<8x4096xf32, #tpu.memory_space<vmem>> -> memref<1x4096xf32, #tpu.memory_space<vmem>>
          %dma_start3A_456 = arith.constant 0 : i32
          %dma_start3A_457 = tpu.memref_slice %arg5[%squeeze3A_453, %dma_start3A_456] : memref<16384x4096xf32, #tpu.memory_space<hbm>> -> memref<1x4096xf32, #tpu.memory_space<hbm>>
          %dma_start3A_458 = arith.constant 0 : i32
          %dma_start3A_459 = tpu.memref_slice %arg5[%squeeze3A_453, %dma_start3A_458] : memref<16384x4096xf32, #tpu.memory_space<hbm>> -> memref<1x4096xf32, #tpu.memory_space<hbm>>
          %dma_start3A_460 = arith.constant 0 : i32
          %dma_start3A_461 = tpu.memref_slice %arg19[%and3A_451, %dma_start3A_460] : memref<8x4096xf32, #tpu.memory_space<vmem>> -> memref<1x4096xf32, #tpu.memory_space<vmem>>
          tpu.enqueue_dma source(%dma_start3A_461 : memref<1x4096xf32, #tpu.memory_space<vmem>>) target(%dma_start3A_459 : memref<1x4096xf32, #tpu.memory_space<hbm>>) target_semaphore(%arg27 : memref<!tpu.dma_semaphore, #tpu.memory_space<semaphore_mem>>)
        } else {
        }
        %add3A_409 = arith.constant 9 : i32
        %add3A_410 = arith.addi %mul3A_349, %add3A_409 : i32
        %lt3A_411 = arith.cmpi slt, %add3A_410, %while3A_304 : i32
        %convert_element_type3A_412 = arith.extui %lt3A_411 : i1 to i32
        %cond3A_413 = arith.constant 0 : i32
        %cond3A_414 = arith.cmpi ne, %convert_element_type3A_412, %cond3A_413 : i32
        scf.if %cond3A_414 {
          %slice3A = vector.extract_strided_slice %get3A_354 {offsets = [9], sizes = [1], strides = [1]} : vector<16xi32> to vector<1xi32>
          %squeeze3A = vector.extract %slice3A[0] : i32 from vector<1xi32>
          %and3A = arith.constant 7 : i32
          %and3A_451 = arith.andi %squeeze3A, %and3A : i32
          %slice3A_452 = vector.extract_strided_slice %get3A_351 {offsets = [9], sizes = [1], strides = [1]} : vector<16xi32> to vector<1xi32>
          %squeeze3A_453 = vector.extract %slice3A_452[0] : i32 from vector<1xi32>
          %dma_start3A_454 = arith.constant 0 : i32
          %dma_start3A_455 = tpu.memref_slice %arg19[%and3A_451, %dma_start3A_454] : memref<8x4096xf32, #tpu.memory_space<vmem>> -> memref<1x4096xf32, #tpu.memory_space<vmem>>
          %dma_start3A_456 = arith.constant 0 : i32
          %dma_start3A_457 = tpu.memref_slice %arg5[%squeeze3A_453, %dma_start3A_456] : memref<16384x4096xf32, #tpu.memory_space<hbm>> -> memref<1x4096xf32, #tpu.memory_space<hbm>>
          %dma_start3A_458 = arith.constant 0 : i32
          %dma_start3A_459 = tpu.memref_slice %arg5[%squeeze3A_453, %dma_start3A_458] : memref<16384x4096xf32, #tpu.memory_space<hbm>> -> memref<1x4096xf32, #tpu.memory_space<hbm>>
          %dma_start3A_460 = arith.constant 0 : i32
          %dma_start3A_461 = tpu.memref_slice %arg19[%and3A_451, %dma_start3A_460] : memref<8x4096xf32, #tpu.memory_space<vmem>> -> memref<1x4096xf32, #tpu.memory_space<vmem>>
          tpu.enqueue_dma source(%dma_start3A_461 : memref<1x4096xf32, #tpu.memory_space<vmem>>) target(%dma_start3A_459 : memref<1x4096xf32, #tpu.memory_space<hbm>>) target_semaphore(%arg27 : memref<!tpu.dma_semaphore, #tpu.memory_space<semaphore_mem>>)
        } else {
        }
        %add3A_415 = arith.constant 10 : i32
        %add3A_416 = arith.addi %mul3A_349, %add3A_415 : i32
        %lt3A_417 = arith.cmpi slt, %add3A_416, %while3A_304 : i32
        %convert_element_type3A_418 = arith.extui %lt3A_417 : i1 to i32
        %cond3A_419 = arith.constant 0 : i32
        %cond3A_420 = arith.cmpi ne, %convert_element_type3A_418, %cond3A_419 : i32
        scf.if %cond3A_420 {
          %slice3A = vector.extract_strided_slice %get3A_354 {offsets = [10], sizes = [1], strides = [1]} : vector<16xi32> to vector<1xi32>
          %squeeze3A = vector.extract %slice3A[0] : i32 from vector<1xi32>
          %and3A = arith.constant 7 : i32
          %and3A_451 = arith.andi %squeeze3A, %and3A : i32
          %slice3A_452 = vector.extract_strided_slice %get3A_351 {offsets = [10], sizes = [1], strides = [1]} : vector<16xi32> to vector<1xi32>
          %squeeze3A_453 = vector.extract %slice3A_452[0] : i32 from vector<1xi32>
          %dma_start3A_454 = arith.constant 0 : i32
          %dma_start3A_455 = tpu.memref_slice %arg19[%and3A_451, %dma_start3A_454] : memref<8x4096xf32, #tpu.memory_space<vmem>> -> memref<1x4096xf32, #tpu.memory_space<vmem>>
          %dma_start3A_456 = arith.constant 0 : i32
          %dma_start3A_457 = tpu.memref_slice %arg5[%squeeze3A_453, %dma_start3A_456] : memref<16384x4096xf32, #tpu.memory_space<hbm>> -> memref<1x4096xf32, #tpu.memory_space<hbm>>
          %dma_start3A_458 = arith.constant 0 : i32
          %dma_start3A_459 = tpu.memref_slice %arg5[%squeeze3A_453, %dma_start3A_458] : memref<16384x4096xf32, #tpu.memory_space<hbm>> -> memref<1x4096xf32, #tpu.memory_space<hbm>>
          %dma_start3A_460 = arith.constant 0 : i32
          %dma_start3A_461 = tpu.memref_slice %arg19[%and3A_451, %dma_start3A_460] : memref<8x4096xf32, #tpu.memory_space<vmem>> -> memref<1x4096xf32, #tpu.memory_space<vmem>>
          tpu.enqueue_dma source(%dma_start3A_461 : memref<1x4096xf32, #tpu.memory_space<vmem>>) target(%dma_start3A_459 : memref<1x4096xf32, #tpu.memory_space<hbm>>) target_semaphore(%arg27 : memref<!tpu.dma_semaphore, #tpu.memory_space<semaphore_mem>>)
        } else {
        }
        %add3A_421 = arith.constant 11 : i32
        %add3A_422 = arith.addi %mul3A_349, %add3A_421 : i32
        %lt3A_423 = arith.cmpi slt, %add3A_422, %while3A_304 : i32
        %convert_element_type3A_424 = arith.extui %lt3A_423 : i1 to i32
        %cond3A_425 = arith.constant 0 : i32
        %cond3A_426 = arith.cmpi ne, %convert_element_type3A_424, %cond3A_425 : i32
        scf.if %cond3A_426 {
          %slice3A = vector.extract_strided_slice %get3A_354 {offsets = [11], sizes = [1], strides = [1]} : vector<16xi32> to vector<1xi32>
          %squeeze3A = vector.extract %slice3A[0] : i32 from vector<1xi32>
          %and3A = arith.constant 7 : i32
          %and3A_451 = arith.andi %squeeze3A, %and3A : i32
          %slice3A_452 = vector.extract_strided_slice %get3A_351 {offsets = [11], sizes = [1], strides = [1]} : vector<16xi32> to vector<1xi32>
          %squeeze3A_453 = vector.extract %slice3A_452[0] : i32 from vector<1xi32>
          %dma_start3A_454 = arith.constant 0 : i32
          %dma_start3A_455 = tpu.memref_slice %arg19[%and3A_451, %dma_start3A_454] : memref<8x4096xf32, #tpu.memory_space<vmem>> -> memref<1x4096xf32, #tpu.memory_space<vmem>>
          %dma_start3A_456 = arith.constant 0 : i32
          %dma_start3A_457 = tpu.memref_slice %arg5[%squeeze3A_453, %dma_start3A_456] : memref<16384x4096xf32, #tpu.memory_space<hbm>> -> memref<1x4096xf32, #tpu.memory_space<hbm>>
          %dma_start3A_458 = arith.constant 0 : i32
          %dma_start3A_459 = tpu.memref_slice %arg5[%squeeze3A_453, %dma_start3A_458] : memref<16384x4096xf32, #tpu.memory_space<hbm>> -> memref<1x4096xf32, #tpu.memory_space<hbm>>
          %dma_start3A_460 = arith.constant 0 : i32
          %dma_start3A_461 = tpu.memref_slice %arg19[%and3A_451, %dma_start3A_460] : memref<8x4096xf32, #tpu.memory_space<vmem>> -> memref<1x4096xf32, #tpu.memory_space<vmem>>
          tpu.enqueue_dma source(%dma_start3A_461 : memref<1x4096xf32, #tpu.memory_space<vmem>>) target(%dma_start3A_459 : memref<1x4096xf32, #tpu.memory_space<hbm>>) target_semaphore(%arg27 : memref<!tpu.dma_semaphore, #tpu.memory_space<semaphore_mem>>)
        } else {
        }
        %add3A_427 = arith.constant 12 : i32
        %add3A_428 = arith.addi %mul3A_349, %add3A_427 : i32
        %lt3A_429 = arith.cmpi slt, %add3A_428, %while3A_304 : i32
        %convert_element_type3A_430 = arith.extui %lt3A_429 : i1 to i32
        %cond3A_431 = arith.constant 0 : i32
        %cond3A_432 = arith.cmpi ne, %convert_element_type3A_430, %cond3A_431 : i32
        scf.if %cond3A_432 {
          %slice3A = vector.extract_strided_slice %get3A_354 {offsets = [12], sizes = [1], strides = [1]} : vector<16xi32> to vector<1xi32>
          %squeeze3A = vector.extract %slice3A[0] : i32 from vector<1xi32>
          %and3A = arith.constant 7 : i32
          %and3A_451 = arith.andi %squeeze3A, %and3A : i32
          %slice3A_452 = vector.extract_strided_slice %get3A_351 {offsets = [12], sizes = [1], strides = [1]} : vector<16xi32> to vector<1xi32>
          %squeeze3A_453 = vector.extract %slice3A_452[0] : i32 from vector<1xi32>
          %dma_start3A_454 = arith.constant 0 : i32
          %dma_start3A_455 = tpu.memref_slice %arg19[%and3A_451, %dma_start3A_454] : memref<8x4096xf32, #tpu.memory_space<vmem>> -> memref<1x4096xf32, #tpu.memory_space<vmem>>
          %dma_start3A_456 = arith.constant 0 : i32
          %dma_start3A_457 = tpu.memref_slice %arg5[%squeeze3A_453, %dma_start3A_456] : memref<16384x4096xf32, #tpu.memory_space<hbm>> -> memref<1x4096xf32, #tpu.memory_space<hbm>>
          %dma_start3A_458 = arith.constant 0 : i32
          %dma_start3A_459 = tpu.memref_slice %arg5[%squeeze3A_453, %dma_start3A_458] : memref<16384x4096xf32, #tpu.memory_space<hbm>> -> memref<1x4096xf32, #tpu.memory_space<hbm>>
          %dma_start3A_460 = arith.constant 0 : i32
          %dma_start3A_461 = tpu.memref_slice %arg19[%and3A_451, %dma_start3A_460] : memref<8x4096xf32, #tpu.memory_space<vmem>> -> memref<1x4096xf32, #tpu.memory_space<vmem>>
          tpu.enqueue_dma source(%dma_start3A_461 : memref<1x4096xf32, #tpu.memory_space<vmem>>) target(%dma_start3A_459 : memref<1x4096xf32, #tpu.memory_space<hbm>>) target_semaphore(%arg27 : memref<!tpu.dma_semaphore, #tpu.memory_space<semaphore_mem>>)
        } else {
        }
        %add3A_433 = arith.constant 13 : i32
        %add3A_434 = arith.addi %mul3A_349, %add3A_433 : i32
        %lt3A_435 = arith.cmpi slt, %add3A_434, %while3A_304 : i32
        %convert_element_type3A_436 = arith.extui %lt3A_435 : i1 to i32
        %cond3A_437 = arith.constant 0 : i32
        %cond3A_438 = arith.cmpi ne, %convert_element_type3A_436, %cond3A_437 : i32
        scf.if %cond3A_438 {
          %slice3A = vector.extract_strided_slice %get3A_354 {offsets = [13], sizes = [1], strides = [1]} : vector<16xi32> to vector<1xi32>
          %squeeze3A = vector.extract %slice3A[0] : i32 from vector<1xi32>
          %and3A = arith.constant 7 : i32
          %and3A_451 = arith.andi %squeeze3A, %and3A : i32
          %slice3A_452 = vector.extract_strided_slice %get3A_351 {offsets = [13], sizes = [1], strides = [1]} : vector<16xi32> to vector<1xi32>
          %squeeze3A_453 = vector.extract %slice3A_452[0] : i32 from vector<1xi32>
          %dma_start3A_454 = arith.constant 0 : i32
          %dma_start3A_455 = tpu.memref_slice %arg19[%and3A_451, %dma_start3A_454] : memref<8x4096xf32, #tpu.memory_space<vmem>> -> memref<1x4096xf32, #tpu.memory_space<vmem>>
          %dma_start3A_456 = arith.constant 0 : i32
          %dma_start3A_457 = tpu.memref_slice %arg5[%squeeze3A_453, %dma_start3A_456] : memref<16384x4096xf32, #tpu.memory_space<hbm>> -> memref<1x4096xf32, #tpu.memory_space<hbm>>
          %dma_start3A_458 = arith.constant 0 : i32
          %dma_start3A_459 = tpu.memref_slice %arg5[%squeeze3A_453, %dma_start3A_458] : memref<16384x4096xf32, #tpu.memory_space<hbm>> -> memref<1x4096xf32, #tpu.memory_space<hbm>>
          %dma_start3A_460 = arith.constant 0 : i32
          %dma_start3A_461 = tpu.memref_slice %arg19[%and3A_451, %dma_start3A_460] : memref<8x4096xf32, #tpu.memory_space<vmem>> -> memref<1x4096xf32, #tpu.memory_space<vmem>>
          tpu.enqueue_dma source(%dma_start3A_461 : memref<1x4096xf32, #tpu.memory_space<vmem>>) target(%dma_start3A_459 : memref<1x4096xf32, #tpu.memory_space<hbm>>) target_semaphore(%arg27 : memref<!tpu.dma_semaphore, #tpu.memory_space<semaphore_mem>>)
        } else {
        }
        %add3A_439 = arith.constant 14 : i32
        %add3A_440 = arith.addi %mul3A_349, %add3A_439 : i32
        %lt3A_441 = arith.cmpi slt, %add3A_440, %while3A_304 : i32
        %convert_element_type3A_442 = arith.extui %lt3A_441 : i1 to i32
        %cond3A_443 = arith.constant 0 : i32
        %cond3A_444 = arith.cmpi ne, %convert_element_type3A_442, %cond3A_443 : i32
        scf.if %cond3A_444 {
          %slice3A = vector.extract_strided_slice %get3A_354 {offsets = [14], sizes = [1], strides = [1]} : vector<16xi32> to vector<1xi32>
          %squeeze3A = vector.extract %slice3A[0] : i32 from vector<1xi32>
          %and3A = arith.constant 7 : i32
          %and3A_451 = arith.andi %squeeze3A, %and3A : i32
          %slice3A_452 = vector.extract_strided_slice %get3A_351 {offsets = [14], sizes = [1], strides = [1]} : vector<16xi32> to vector<1xi32>
          %squeeze3A_453 = vector.extract %slice3A_452[0] : i32 from vector<1xi32>
          %dma_start3A_454 = arith.constant 0 : i32
          %dma_start3A_455 = tpu.memref_slice %arg19[%and3A_451, %dma_start3A_454] : memref<8x4096xf32, #tpu.memory_space<vmem>> -> memref<1x4096xf32, #tpu.memory_space<vmem>>
          %dma_start3A_456 = arith.constant 0 : i32
          %dma_start3A_457 = tpu.memref_slice %arg5[%squeeze3A_453, %dma_start3A_456] : memref<16384x4096xf32, #tpu.memory_space<hbm>> -> memref<1x4096xf32, #tpu.memory_space<hbm>>
          %dma_start3A_458 = arith.constant 0 : i32
          %dma_start3A_459 = tpu.memref_slice %arg5[%squeeze3A_453, %dma_start3A_458] : memref<16384x4096xf32, #tpu.memory_space<hbm>> -> memref<1x4096xf32, #tpu.memory_space<hbm>>
          %dma_start3A_460 = arith.constant 0 : i32
          %dma_start3A_461 = tpu.memref_slice %arg19[%and3A_451, %dma_start3A_460] : memref<8x4096xf32, #tpu.memory_space<vmem>> -> memref<1x4096xf32, #tpu.memory_space<vmem>>
          tpu.enqueue_dma source(%dma_start3A_461 : memref<1x4096xf32, #tpu.memory_space<vmem>>) target(%dma_start3A_459 : memref<1x4096xf32, #tpu.memory_space<hbm>>) target_semaphore(%arg27 : memref<!tpu.dma_semaphore, #tpu.memory_space<semaphore_mem>>)
        } else {
        }
        %add3A_445 = arith.constant 15 : i32
        %add3A_446 = arith.addi %mul3A_349, %add3A_445 : i32
        %lt3A_447 = arith.cmpi slt, %add3A_446, %while3A_304 : i32
        %convert_element_type3A_448 = arith.extui %lt3A_447 : i1 to i32
        %cond3A_449 = arith.constant 0 : i32
        %cond3A_450 = arith.cmpi ne, %convert_element_type3A_448, %cond3A_449 : i32
        scf.if %cond3A_450 {
          %slice3A = vector.extract_strided_slice %get3A_354 {offsets = [15], sizes = [1], strides = [1]} : vector<16xi32> to vector<1xi32>
          %squeeze3A = vector.extract %slice3A[0] : i32 from vector<1xi32>
          %and3A = arith.constant 7 : i32
          %and3A_451 = arith.andi %squeeze3A, %and3A : i32
          %slice3A_452 = vector.extract_strided_slice %get3A_351 {offsets = [15], sizes = [1], strides = [1]} : vector<16xi32> to vector<1xi32>
          %squeeze3A_453 = vector.extract %slice3A_452[0] : i32 from vector<1xi32>
          %dma_start3A_454 = arith.constant 0 : i32
          %dma_start3A_455 = tpu.memref_slice %arg19[%and3A_451, %dma_start3A_454] : memref<8x4096xf32, #tpu.memory_space<vmem>> -> memref<1x4096xf32, #tpu.memory_space<vmem>>
          %dma_start3A_456 = arith.constant 0 : i32
          %dma_start3A_457 = tpu.memref_slice %arg5[%squeeze3A_453, %dma_start3A_456] : memref<16384x4096xf32, #tpu.memory_space<hbm>> -> memref<1x4096xf32, #tpu.memory_space<hbm>>
          %dma_start3A_458 = arith.constant 0 : i32
          %dma_start3A_459 = tpu.memref_slice %arg5[%squeeze3A_453, %dma_start3A_458] : memref<16384x4096xf32, #tpu.memory_space<hbm>> -> memref<1x4096xf32, #tpu.memory_space<hbm>>
          %dma_start3A_460 = arith.constant 0 : i32
          %dma_start3A_461 = tpu.memref_slice %arg19[%and3A_451, %dma_start3A_460] : memref<8x4096xf32, #tpu.memory_space<vmem>> -> memref<1x4096xf32, #tpu.memory_space<vmem>>
          tpu.enqueue_dma source(%dma_start3A_461 : memref<1x4096xf32, #tpu.memory_space<vmem>>) target(%dma_start3A_459 : memref<1x4096xf32, #tpu.memory_space<hbm>>) target_semaphore(%arg27 : memref<!tpu.dma_semaphore, #tpu.memory_space<semaphore_mem>>)
        } else {
        }
      }
      %while3A_329 = arith.constant 1 : i32
      scf.for %while3A_347 = %while3A_327 to %while3A_323 step %while3A_329  : i32 {
        %mul3A_348 = arith.constant 16 : i32
        %mul3A_349 = arith.muli %while3A_347, %mul3A_348 : i32
        %multiple_of3A_350 = tpu.assume_multiple %mul3A_349, 8 : i32
        %get3A = arith.index_cast %multiple_of3A_350 : i32 to index
        %get3A_351 = tpu.vector_load %arg15[%get3A] {strides = array<i32>} : memref<256xi32, #tpu.memory_space<vmem>>, vector<16xi32>,
        %multiple_of3A_352 = tpu.assume_multiple %mul3A_349, 8 : i32
        %get3A_353 = arith.index_cast %multiple_of3A_352 : i32 to index
        %get3A_354 = tpu.vector_load %arg16[%get3A_353] {strides = array<i32>} : memref<256xi32, #tpu.memory_space<vmem>>, vector<16xi32>,
        %add3A_355 = arith.constant 0 : i32
        %add3A_356 = arith.addi %mul3A_349, %add3A_355 : i32
        %lt3A_357 = arith.cmpi slt, %add3A_356, %while3A_304 : i32
        %convert_element_type3A_358 = arith.extui %lt3A_357 : i1 to i32
        %cond3A_359 = arith.constant 0 : i32
        %cond3A_360 = arith.cmpi ne, %convert_element_type3A_358, %cond3A_359 : i32
        scf.if %cond3A_360 {
          %slice3A = vector.extract_strided_slice %get3A_354 {offsets = [0], sizes = [1], strides = [1]} : vector<16xi32> to vector<1xi32>
          %squeeze3A = vector.extract %slice3A[0] : i32 from vector<1xi32>
          %and3A = arith.constant 7 : i32
          %and3A_451 = arith.andi %squeeze3A, %and3A : i32
          %slice3A_452 = vector.extract_strided_slice %get3A_351 {offsets = [0], sizes = [1], strides = [1]} : vector<16xi32> to vector<1xi32>
          %squeeze3A_453 = vector.extract %slice3A_452[0] : i32 from vector<1xi32>
          %dma_start3A_454 = arith.constant 0 : i32
          %dma_start3A_455 = tpu.memref_slice %arg19[%and3A_451, %dma_start3A_454] : memref<8x4096xf32, #tpu.memory_space<vmem>> -> memref<1x4096xf32, #tpu.memory_space<vmem>>
          %dma_start3A_456 = arith.constant 0 : i32
          %dma_start3A_457 = tpu.memref_slice %arg5[%squeeze3A_453, %dma_start3A_456] : memref<16384x4096xf32, #tpu.memory_space<hbm>> -> memref<1x4096xf32, #tpu.memory_space<hbm>>
          %dma_start3A_458 = arith.constant 0 : i32
          %dma_start3A_459 = tpu.memref_slice %arg5[%squeeze3A_453, %dma_start3A_458] : memref<16384x4096xf32, #tpu.memory_space<hbm>> -> memref<1x4096xf32, #tpu.memory_space<hbm>>
          %dma_start3A_460 = arith.constant 0 : i32
          %dma_start3A_461 = tpu.memref_slice %arg19[%and3A_451, %dma_start3A_460] : memref<8x4096xf32, #tpu.memory_space<vmem>> -> memref<1x4096xf32, #tpu.memory_space<vmem>>
          tpu.enqueue_dma source(%dma_start3A_461 : memref<1x4096xf32, #tpu.memory_space<vmem>>) target(%dma_start3A_459 : memref<1x4096xf32, #tpu.memory_space<hbm>>) target_semaphore(%arg27 : memref<!tpu.dma_semaphore, #tpu.memory_space<semaphore_mem>>)
        } else {
        }
        %add3A_361 = arith.constant 1 : i32
        %add3A_362 = arith.addi %mul3A_349, %add3A_361 : i32
        %lt3A_363 = arith.cmpi slt, %add3A_362, %while3A_304 : i32
        %convert_element_type3A_364 = arith.extui %lt3A_363 : i1 to i32
        %cond3A_365 = arith.constant 0 : i32
        %cond3A_366 = arith.cmpi ne, %convert_element_type3A_364, %cond3A_365 : i32
        scf.if %cond3A_366 {
          %slice3A = vector.extract_strided_slice %get3A_354 {offsets = [1], sizes = [1], strides = [1]} : vector<16xi32> to vector<1xi32>
          %squeeze3A = vector.extract %slice3A[0] : i32 from vector<1xi32>
          %and3A = arith.constant 7 : i32
          %and3A_451 = arith.andi %squeeze3A, %and3A : i32
          %slice3A_452 = vector.extract_strided_slice %get3A_351 {offsets = [1], sizes = [1], strides = [1]} : vector<16xi32> to vector<1xi32>
          %squeeze3A_453 = vector.extract %slice3A_452[0] : i32 from vector<1xi32>
          %dma_start3A_454 = arith.constant 0 : i32
          %dma_start3A_455 = tpu.memref_slice %arg19[%and3A_451, %dma_start3A_454] : memref<8x4096xf32, #tpu.memory_space<vmem>> -> memref<1x4096xf32, #tpu.memory_space<vmem>>
          %dma_start3A_456 = arith.constant 0 : i32
          %dma_start3A_457 = tpu.memref_slice %arg5[%squeeze3A_453, %dma_start3A_456] : memref<16384x4096xf32, #tpu.memory_space<hbm>> -> memref<1x4096xf32, #tpu.memory_space<hbm>>
          %dma_start3A_458 = arith.constant 0 : i32
          %dma_start3A_459 = tpu.memref_slice %arg5[%squeeze3A_453, %dma_start3A_458] : memref<16384x4096xf32, #tpu.memory_space<hbm>> -> memref<1x4096xf32, #tpu.memory_space<hbm>>
          %dma_start3A_460 = arith.constant 0 : i32
          %dma_start3A_461 = tpu.memref_slice %arg19[%and3A_451, %dma_start3A_460] : memref<8x4096xf32, #tpu.memory_space<vmem>> -> memref<1x4096xf32, #tpu.memory_space<vmem>>
          tpu.enqueue_dma source(%dma_start3A_461 : memref<1x4096xf32, #tpu.memory_space<vmem>>) target(%dma_start3A_459 : memref<1x4096xf32, #tpu.memory_space<hbm>>) target_semaphore(%arg27 : memref<!tpu.dma_semaphore, #tpu.memory_space<semaphore_mem>>)
        } else {
        }
        %add3A_367 = arith.constant 2 : i32
        %add3A_368 = arith.addi %mul3A_349, %add3A_367 : i32
        %lt3A_369 = arith.cmpi slt, %add3A_368, %while3A_304 : i32
        %convert_element_type3A_370 = arith.extui %lt3A_369 : i1 to i32
        %cond3A_371 = arith.constant 0 : i32
        %cond3A_372 = arith.cmpi ne, %convert_element_type3A_370, %cond3A_371 : i32
        scf.if %cond3A_372 {
          %slice3A = vector.extract_strided_slice %get3A_354 {offsets = [2], sizes = [1], strides = [1]} : vector<16xi32> to vector<1xi32>
          %squeeze3A = vector.extract %slice3A[0] : i32 from vector<1xi32>
          %and3A = arith.constant 7 : i32
          %and3A_451 = arith.andi %squeeze3A, %and3A : i32
          %slice3A_452 = vector.extract_strided_slice %get3A_351 {offsets = [2], sizes = [1], strides = [1]} : vector<16xi32> to vector<1xi32>
          %squeeze3A_453 = vector.extract %slice3A_452[0] : i32 from vector<1xi32>
          %dma_start3A_454 = arith.constant 0 : i32
          %dma_start3A_455 = tpu.memref_slice %arg19[%and3A_451, %dma_start3A_454] : memref<8x4096xf32, #tpu.memory_space<vmem>> -> memref<1x4096xf32, #tpu.memory_space<vmem>>
          %dma_start3A_456 = arith.constant 0 : i32
          %dma_start3A_457 = tpu.memref_slice %arg5[%squeeze3A_453, %dma_start3A_456] : memref<16384x4096xf32, #tpu.memory_space<hbm>> -> memref<1x4096xf32, #tpu.memory_space<hbm>>
          %dma_start3A_458 = arith.constant 0 : i32
          %dma_start3A_459 = tpu.memref_slice %arg5[%squeeze3A_453, %dma_start3A_458] : memref<16384x4096xf32, #tpu.memory_space<hbm>> -> memref<1x4096xf32, #tpu.memory_space<hbm>>
          %dma_start3A_460 = arith.constant 0 : i32
          %dma_start3A_461 = tpu.memref_slice %arg19[%and3A_451, %dma_start3A_460] : memref<8x4096xf32, #tpu.memory_space<vmem>> -> memref<1x4096xf32, #tpu.memory_space<vmem>>
          tpu.enqueue_dma source(%dma_start3A_461 : memref<1x4096xf32, #tpu.memory_space<vmem>>) target(%dma_start3A_459 : memref<1x4096xf32, #tpu.memory_space<hbm>>) target_semaphore(%arg27 : memref<!tpu.dma_semaphore, #tpu.memory_space<semaphore_mem>>)
        } else {
        }
        %add3A_373 = arith.constant 3 : i32
        %add3A_374 = arith.addi %mul3A_349, %add3A_373 : i32
        %lt3A_375 = arith.cmpi slt, %add3A_374, %while3A_304 : i32
        %convert_element_type3A_376 = arith.extui %lt3A_375 : i1 to i32
        %cond3A_377 = arith.constant 0 : i32
        %cond3A_378 = arith.cmpi ne, %convert_element_type3A_376, %cond3A_377 : i32
        scf.if %cond3A_378 {
          %slice3A = vector.extract_strided_slice %get3A_354 {offsets = [3], sizes = [1], strides = [1]} : vector<16xi32> to vector<1xi32>
          %squeeze3A = vector.extract %slice3A[0] : i32 from vector<1xi32>
          %and3A = arith.constant 7 : i32
          %and3A_451 = arith.andi %squeeze3A, %and3A : i32
          %slice3A_452 = vector.extract_strided_slice %get3A_351 {offsets = [3], sizes = [1], strides = [1]} : vector<16xi32> to vector<1xi32>
          %squeeze3A_453 = vector.extract %slice3A_452[0] : i32 from vector<1xi32>
          %dma_start3A_454 = arith.constant 0 : i32
          %dma_start3A_455 = tpu.memref_slice %arg19[%and3A_451, %dma_start3A_454] : memref<8x4096xf32, #tpu.memory_space<vmem>> -> memref<1x4096xf32, #tpu.memory_space<vmem>>
          %dma_start3A_456 = arith.constant 0 : i32
          %dma_start3A_457 = tpu.memref_slice %arg5[%squeeze3A_453, %dma_start3A_456] : memref<16384x4096xf32, #tpu.memory_space<hbm>> -> memref<1x4096xf32, #tpu.memory_space<hbm>>
          %dma_start3A_458 = arith.constant 0 : i32
          %dma_start3A_459 = tpu.memref_slice %arg5[%squeeze3A_453, %dma_start3A_458] : memref<16384x4096xf32, #tpu.memory_space<hbm>> -> memref<1x4096xf32, #tpu.memory_space<hbm>>
          %dma_start3A_460 = arith.constant 0 : i32
          %dma_start3A_461 = tpu.memref_slice %arg19[%and3A_451, %dma_start3A_460] : memref<8x4096xf32, #tpu.memory_space<vmem>> -> memref<1x4096xf32, #tpu.memory_space<vmem>>
          tpu.enqueue_dma source(%dma_start3A_461 : memref<1x4096xf32, #tpu.memory_space<vmem>>) target(%dma_start3A_459 : memref<1x4096xf32, #tpu.memory_space<hbm>>) target_semaphore(%arg27 : memref<!tpu.dma_semaphore, #tpu.memory_space<semaphore_mem>>)
        } else {
        }
        %add3A_379 = arith.constant 4 : i32
        %add3A_380 = arith.addi %mul3A_349, %add3A_379 : i32
        %lt3A_381 = arith.cmpi slt, %add3A_380, %while3A_304 : i32
        %convert_element_type3A_382 = arith.extui %lt3A_381 : i1 to i32
        %cond3A_383 = arith.constant 0 : i32
        %cond3A_384 = arith.cmpi ne, %convert_element_type3A_382, %cond3A_383 : i32
        scf.if %cond3A_384 {
          %slice3A = vector.extract_strided_slice %get3A_354 {offsets = [4], sizes = [1], strides = [1]} : vector<16xi32> to vector<1xi32>
          %squeeze3A = vector.extract %slice3A[0] : i32 from vector<1xi32>
          %and3A = arith.constant 7 : i32
          %and3A_451 = arith.andi %squeeze3A, %and3A : i32
          %slice3A_452 = vector.extract_strided_slice %get3A_351 {offsets = [4], sizes = [1], strides = [1]} : vector<16xi32> to vector<1xi32>
          %squeeze3A_453 = vector.extract %slice3A_452[0] : i32 from vector<1xi32>
          %dma_start3A_454 = arith.constant 0 : i32
          %dma_start3A_455 = tpu.memref_slice %arg19[%and3A_451, %dma_start3A_454] : memref<8x4096xf32, #tpu.memory_space<vmem>> -> memref<1x4096xf32, #tpu.memory_space<vmem>>
          %dma_start3A_456 = arith.constant 0 : i32
          %dma_start3A_457 = tpu.memref_slice %arg5[%squeeze3A_453, %dma_start3A_456] : memref<16384x4096xf32, #tpu.memory_space<hbm>> -> memref<1x4096xf32, #tpu.memory_space<hbm>>
          %dma_start3A_458 = arith.constant 0 : i32
          %dma_start3A_459 = tpu.memref_slice %arg5[%squeeze3A_453, %dma_start3A_458] : memref<16384x4096xf32, #tpu.memory_space<hbm>> -> memref<1x4096xf32, #tpu.memory_space<hbm>>
          %dma_start3A_460 = arith.constant 0 : i32
          %dma_start3A_461 = tpu.memref_slice %arg19[%and3A_451, %dma_start3A_460] : memref<8x4096xf32, #tpu.memory_space<vmem>> -> memref<1x4096xf32, #tpu.memory_space<vmem>>
          tpu.enqueue_dma source(%dma_start3A_461 : memref<1x4096xf32, #tpu.memory_space<vmem>>) target(%dma_start3A_459 : memref<1x4096xf32, #tpu.memory_space<hbm>>) target_semaphore(%arg27 : memref<!tpu.dma_semaphore, #tpu.memory_space<semaphore_mem>>)
        } else {
        }
        %add3A_385 = arith.constant 5 : i32
        %add3A_386 = arith.addi %mul3A_349, %add3A_385 : i32
        %lt3A_387 = arith.cmpi slt, %add3A_386, %while3A_304 : i32
        %convert_element_type3A_388 = arith.extui %lt3A_387 : i1 to i32
        %cond3A_389 = arith.constant 0 : i32
        %cond3A_390 = arith.cmpi ne, %convert_element_type3A_388, %cond3A_389 : i32
        scf.if %cond3A_390 {
          %slice3A = vector.extract_strided_slice %get3A_354 {offsets = [5], sizes = [1], strides = [1]} : vector<16xi32> to vector<1xi32>
          %squeeze3A = vector.extract %slice3A[0] : i32 from vector<1xi32>
          %and3A = arith.constant 7 : i32
          %and3A_451 = arith.andi %squeeze3A, %and3A : i32
          %slice3A_452 = vector.extract_strided_slice %get3A_351 {offsets = [5], sizes = [1], strides = [1]} : vector<16xi32> to vector<1xi32>
          %squeeze3A_453 = vector.extract %slice3A_452[0] : i32 from vector<1xi32>
          %dma_start3A_454 = arith.constant 0 : i32
          %dma_start3A_455 = tpu.memref_slice %arg19[%and3A_451, %dma_start3A_454] : memref<8x4096xf32, #tpu.memory_space<vmem>> -> memref<1x4096xf32, #tpu.memory_space<vmem>>
          %dma_start3A_456 = arith.constant 0 : i32
          %dma_start3A_457 = tpu.memref_slice %arg5[%squeeze3A_453, %dma_start3A_456] : memref<16384x4096xf32, #tpu.memory_space<hbm>> -> memref<1x4096xf32, #tpu.memory_space<hbm>>
          %dma_start3A_458 = arith.constant 0 : i32
          %dma_start3A_459 = tpu.memref_slice %arg5[%squeeze3A_453, %dma_start3A_458] : memref<16384x4096xf32, #tpu.memory_space<hbm>> -> memref<1x4096xf32, #tpu.memory_space<hbm>>
          %dma_start3A_460 = arith.constant 0 : i32
          %dma_start3A_461 = tpu.memref_slice %arg19[%and3A_451, %dma_start3A_460] : memref<8x4096xf32, #tpu.memory_space<vmem>> -> memref<1x4096xf32, #tpu.memory_space<vmem>>
          tpu.enqueue_dma source(%dma_start3A_461 : memref<1x4096xf32, #tpu.memory_space<vmem>>) target(%dma_start3A_459 : memref<1x4096xf32, #tpu.memory_space<hbm>>) target_semaphore(%arg27 : memref<!tpu.dma_semaphore, #tpu.memory_space<semaphore_mem>>)
        } else {
        }
        %add3A_391 = arith.constant 6 : i32
        %add3A_392 = arith.addi %mul3A_349, %add3A_391 : i32
        %lt3A_393 = arith.cmpi slt, %add3A_392, %while3A_304 : i32
        %convert_element_type3A_394 = arith.extui %lt3A_393 : i1 to i32
        %cond3A_395 = arith.constant 0 : i32
        %cond3A_396 = arith.cmpi ne, %convert_element_type3A_394, %cond3A_395 : i32
        scf.if %cond3A_396 {
          %slice3A = vector.extract_strided_slice %get3A_354 {offsets = [6], sizes = [1], strides = [1]} : vector<16xi32> to vector<1xi32>
          %squeeze3A = vector.extract %slice3A[0] : i32 from vector<1xi32>
          %and3A = arith.constant 7 : i32
          %and3A_451 = arith.andi %squeeze3A, %and3A : i32
          %slice3A_452 = vector.extract_strided_slice %get3A_351 {offsets = [6], sizes = [1], strides = [1]} : vector<16xi32> to vector<1xi32>
          %squeeze3A_453 = vector.extract %slice3A_452[0] : i32 from vector<1xi32>
          %dma_start3A_454 = arith.constant 0 : i32
          %dma_start3A_455 = tpu.memref_slice %arg19[%and3A_451, %dma_start3A_454] : memref<8x4096xf32, #tpu.memory_space<vmem>> -> memref<1x4096xf32, #tpu.memory_space<vmem>>
          %dma_start3A_456 = arith.constant 0 : i32
          %dma_start3A_457 = tpu.memref_slice %arg5[%squeeze3A_453, %dma_start3A_456] : memref<16384x4096xf32, #tpu.memory_space<hbm>> -> memref<1x4096xf32, #tpu.memory_space<hbm>>
          %dma_start3A_458 = arith.constant 0 : i32
          %dma_start3A_459 = tpu.memref_slice %arg5[%squeeze3A_453, %dma_start3A_458] : memref<16384x4096xf32, #tpu.memory_space<hbm>> -> memref<1x4096xf32, #tpu.memory_space<hbm>>
          %dma_start3A_460 = arith.constant 0 : i32
          %dma_start3A_461 = tpu.memref_slice %arg19[%and3A_451, %dma_start3A_460] : memref<8x4096xf32, #tpu.memory_space<vmem>> -> memref<1x4096xf32, #tpu.memory_space<vmem>>
          tpu.enqueue_dma source(%dma_start3A_461 : memref<1x4096xf32, #tpu.memory_space<vmem>>) target(%dma_start3A_459 : memref<1x4096xf32, #tpu.memory_space<hbm>>) target_semaphore(%arg27 : memref<!tpu.dma_semaphore, #tpu.memory_space<semaphore_mem>>)
        } else {
        }
        %add3A_397 = arith.constant 7 : i32
        %add3A_398 = arith.addi %mul3A_349, %add3A_397 : i32
        %lt3A_399 = arith.cmpi slt, %add3A_398, %while3A_304 : i32
        %convert_element_type3A_400 = arith.extui %lt3A_399 : i1 to i32
        %cond3A_401 = arith.constant 0 : i32
        %cond3A_402 = arith.cmpi ne, %convert_element_type3A_400, %cond3A_401 : i32
        scf.if %cond3A_402 {
          %slice3A = vector.extract_strided_slice %get3A_354 {offsets = [7], sizes = [1], strides = [1]} : vector<16xi32> to vector<1xi32>
          %squeeze3A = vector.extract %slice3A[0] : i32 from vector<1xi32>
          %and3A = arith.constant 7 : i32
          %and3A_451 = arith.andi %squeeze3A, %and3A : i32
          %slice3A_452 = vector.extract_strided_slice %get3A_351 {offsets = [7], sizes = [1], strides = [1]} : vector<16xi32> to vector<1xi32>
          %squeeze3A_453 = vector.extract %slice3A_452[0] : i32 from vector<1xi32>
          %dma_start3A_454 = arith.constant 0 : i32
          %dma_start3A_455 = tpu.memref_slice %arg19[%and3A_451, %dma_start3A_454] : memref<8x4096xf32, #tpu.memory_space<vmem>> -> memref<1x4096xf32, #tpu.memory_space<vmem>>
          %dma_start3A_456 = arith.constant 0 : i32
          %dma_start3A_457 = tpu.memref_slice %arg5[%squeeze3A_453, %dma_start3A_456] : memref<16384x4096xf32, #tpu.memory_space<hbm>> -> memref<1x4096xf32, #tpu.memory_space<hbm>>
          %dma_start3A_458 = arith.constant 0 : i32
          %dma_start3A_459 = tpu.memref_slice %arg5[%squeeze3A_453, %dma_start3A_458] : memref<16384x4096xf32, #tpu.memory_space<hbm>> -> memref<1x4096xf32, #tpu.memory_space<hbm>>
          %dma_start3A_460 = arith.constant 0 : i32
          %dma_start3A_461 = tpu.memref_slice %arg19[%and3A_451, %dma_start3A_460] : memref<8x4096xf32, #tpu.memory_space<vmem>> -> memref<1x4096xf32, #tpu.memory_space<vmem>>
          tpu.enqueue_dma source(%dma_start3A_461 : memref<1x4096xf32, #tpu.memory_space<vmem>>) target(%dma_start3A_459 : memref<1x4096xf32, #tpu.memory_space<hbm>>) target_semaphore(%arg27 : memref<!tpu.dma_semaphore, #tpu.memory_space<semaphore_mem>>)
        } else {
        }
        %add3A_403 = arith.constant 8 : i32
        %add3A_404 = arith.addi %mul3A_349, %add3A_403 : i32
        %lt3A_405 = arith.cmpi slt, %add3A_404, %while3A_304 : i32
        %convert_element_type3A_406 = arith.extui %lt3A_405 : i1 to i32
        %cond3A_407 = arith.constant 0 : i32
        %cond3A_408 = arith.cmpi ne, %convert_element_type3A_406, %cond3A_407 : i32
        scf.if %cond3A_408 {
          %slice3A = vector.extract_strided_slice %get3A_354 {offsets = [8], sizes = [1], strides = [1]} : vector<16xi32> to vector<1xi32>
          %squeeze3A = vector.extract %slice3A[0] : i32 from vector<1xi32>
          %and3A = arith.constant 7 : i32
          %and3A_451 = arith.andi %squeeze3A, %and3A : i32
          %slice3A_452 = vector.extract_strided_slice %get3A_351 {offsets = [8], sizes = [1], strides = [1]} : vector<16xi32> to vector<1xi32>
          %squeeze3A_453 = vector.extract %slice3A_452[0] : i32 from vector<1xi32>
          %dma_start3A_454 = arith.constant 0 : i32
          %dma_start3A_455 = tpu.memref_slice %arg19[%and3A_451, %dma_start3A_454] : memref<8x4096xf32, #tpu.memory_space<vmem>> -> memref<1x4096xf32, #tpu.memory_space<vmem>>
          %dma_start3A_456 = arith.constant 0 : i32
          %dma_start3A_457 = tpu.memref_slice %arg5[%squeeze3A_453, %dma_start3A_456] : memref<16384x4096xf32, #tpu.memory_space<hbm>> -> memref<1x4096xf32, #tpu.memory_space<hbm>>
          %dma_start3A_458 = arith.constant 0 : i32
          %dma_start3A_459 = tpu.memref_slice %arg5[%squeeze3A_453, %dma_start3A_458] : memref<16384x4096xf32, #tpu.memory_space<hbm>> -> memref<1x4096xf32, #tpu.memory_space<hbm>>
          %dma_start3A_460 = arith.constant 0 : i32
          %dma_start3A_461 = tpu.memref_slice %arg19[%and3A_451, %dma_start3A_460] : memref<8x4096xf32, #tpu.memory_space<vmem>> -> memref<1x4096xf32, #tpu.memory_space<vmem>>
          tpu.enqueue_dma source(%dma_start3A_461 : memref<1x4096xf32, #tpu.memory_space<vmem>>) target(%dma_start3A_459 : memref<1x4096xf32, #tpu.memory_space<hbm>>) target_semaphore(%arg27 : memref<!tpu.dma_semaphore, #tpu.memory_space<semaphore_mem>>)
        } else {
        }
        %add3A_409 = arith.constant 9 : i32
        %add3A_410 = arith.addi %mul3A_349, %add3A_409 : i32
        %lt3A_411 = arith.cmpi slt, %add3A_410, %while3A_304 : i32
        %convert_element_type3A_412 = arith.extui %lt3A_411 : i1 to i32
        %cond3A_413 = arith.constant 0 : i32
        %cond3A_414 = arith.cmpi ne, %convert_element_type3A_412, %cond3A_413 : i32
        scf.if %cond3A_414 {
          %slice3A = vector.extract_strided_slice %get3A_354 {offsets = [9], sizes = [1], strides = [1]} : vector<16xi32> to vector<1xi32>
          %squeeze3A = vector.extract %slice3A[0] : i32 from vector<1xi32>
          %and3A = arith.constant 7 : i32
          %and3A_451 = arith.andi %squeeze3A, %and3A : i32
          %slice3A_452 = vector.extract_strided_slice %get3A_351 {offsets = [9], sizes = [1], strides = [1]} : vector<16xi32> to vector<1xi32>
          %squeeze3A_453 = vector.extract %slice3A_452[0] : i32 from vector<1xi32>
          %dma_start3A_454 = arith.constant 0 : i32
          %dma_start3A_455 = tpu.memref_slice %arg19[%and3A_451, %dma_start3A_454] : memref<8x4096xf32, #tpu.memory_space<vmem>> -> memref<1x4096xf32, #tpu.memory_space<vmem>>
          %dma_start3A_456 = arith.constant 0 : i32
          %dma_start3A_457 = tpu.memref_slice %arg5[%squeeze3A_453, %dma_start3A_456] : memref<16384x4096xf32, #tpu.memory_space<hbm>> -> memref<1x4096xf32, #tpu.memory_space<hbm>>
          %dma_start3A_458 = arith.constant 0 : i32
          %dma_start3A_459 = tpu.memref_slice %arg5[%squeeze3A_453, %dma_start3A_458] : memref<16384x4096xf32, #tpu.memory_space<hbm>> -> memref<1x4096xf32, #tpu.memory_space<hbm>>
          %dma_start3A_460 = arith.constant 0 : i32
          %dma_start3A_461 = tpu.memref_slice %arg19[%and3A_451, %dma_start3A_460] : memref<8x4096xf32, #tpu.memory_space<vmem>> -> memref<1x4096xf32, #tpu.memory_space<vmem>>
          tpu.enqueue_dma source(%dma_start3A_461 : memref<1x4096xf32, #tpu.memory_space<vmem>>) target(%dma_start3A_459 : memref<1x4096xf32, #tpu.memory_space<hbm>>) target_semaphore(%arg27 : memref<!tpu.dma_semaphore, #tpu.memory_space<semaphore_mem>>)
        } else {
        }
        %add3A_415 = arith.constant 10 : i32
        %add3A_416 = arith.addi %mul3A_349, %add3A_415 : i32
        %lt3A_417 = arith.cmpi slt, %add3A_416, %while3A_304 : i32
        %convert_element_type3A_418 = arith.extui %lt3A_417 : i1 to i32
        %cond3A_419 = arith.constant 0 : i32
        %cond3A_420 = arith.cmpi ne, %convert_element_type3A_418, %cond3A_419 : i32
        scf.if %cond3A_420 {
          %slice3A = vector.extract_strided_slice %get3A_354 {offsets = [10], sizes = [1], strides = [1]} : vector<16xi32> to vector<1xi32>
          %squeeze3A = vector.extract %slice3A[0] : i32 from vector<1xi32>
          %and3A = arith.constant 7 : i32
          %and3A_451 = arith.andi %squeeze3A, %and3A : i32
          %slice3A_452 = vector.extract_strided_slice %get3A_351 {offsets = [10], sizes = [1], strides = [1]} : vector<16xi32> to vector<1xi32>
          %squeeze3A_453 = vector.extract %slice3A_452[0] : i32 from vector<1xi32>
          %dma_start3A_454 = arith.constant 0 : i32
          %dma_start3A_455 = tpu.memref_slice %arg19[%and3A_451, %dma_start3A_454] : memref<8x4096xf32, #tpu.memory_space<vmem>> -> memref<1x4096xf32, #tpu.memory_space<vmem>>
          %dma_start3A_456 = arith.constant 0 : i32
          %dma_start3A_457 = tpu.memref_slice %arg5[%squeeze3A_453, %dma_start3A_456] : memref<16384x4096xf32, #tpu.memory_space<hbm>> -> memref<1x4096xf32, #tpu.memory_space<hbm>>
          %dma_start3A_458 = arith.constant 0 : i32
          %dma_start3A_459 = tpu.memref_slice %arg5[%squeeze3A_453, %dma_start3A_458] : memref<16384x4096xf32, #tpu.memory_space<hbm>> -> memref<1x4096xf32, #tpu.memory_space<hbm>>
          %dma_start3A_460 = arith.constant 0 : i32
          %dma_start3A_461 = tpu.memref_slice %arg19[%and3A_451, %dma_start3A_460] : memref<8x4096xf32, #tpu.memory_space<vmem>> -> memref<1x4096xf32, #tpu.memory_space<vmem>>
          tpu.enqueue_dma source(%dma_start3A_461 : memref<1x4096xf32, #tpu.memory_space<vmem>>) target(%dma_start3A_459 : memref<1x4096xf32, #tpu.memory_space<hbm>>) target_semaphore(%arg27 : memref<!tpu.dma_semaphore, #tpu.memory_space<semaphore_mem>>)
        } else {
        }
        %add3A_421 = arith.constant 11 : i32
        %add3A_422 = arith.addi %mul3A_349, %add3A_421 : i32
        %lt3A_423 = arith.cmpi slt, %add3A_422, %while3A_304 : i32
        %convert_element_type3A_424 = arith.extui %lt3A_423 : i1 to i32
        %cond3A_425 = arith.constant 0 : i32
        %cond3A_426 = arith.cmpi ne, %convert_element_type3A_424, %cond3A_425 : i32
        scf.if %cond3A_426 {
          %slice3A = vector.extract_strided_slice %get3A_354 {offsets = [11], sizes = [1], strides = [1]} : vector<16xi32> to vector<1xi32>
          %squeeze3A = vector.extract %slice3A[0] : i32 from vector<1xi32>
          %and3A = arith.constant 7 : i32
          %and3A_451 = arith.andi %squeeze3A, %and3A : i32
          %slice3A_452 = vector.extract_strided_slice %get3A_351 {offsets = [11], sizes = [1], strides = [1]} : vector<16xi32> to vector<1xi32>
          %squeeze3A_453 = vector.extract %slice3A_452[0] : i32 from vector<1xi32>
          %dma_start3A_454 = arith.constant 0 : i32
          %dma_start3A_455 = tpu.memref_slice %arg19[%and3A_451, %dma_start3A_454] : memref<8x4096xf32, #tpu.memory_space<vmem>> -> memref<1x4096xf32, #tpu.memory_space<vmem>>
          %dma_start3A_456 = arith.constant 0 : i32
          %dma_start3A_457 = tpu.memref_slice %arg5[%squeeze3A_453, %dma_start3A_456] : memref<16384x4096xf32, #tpu.memory_space<hbm>> -> memref<1x4096xf32, #tpu.memory_space<hbm>>
          %dma_start3A_458 = arith.constant 0 : i32
          %dma_start3A_459 = tpu.memref_slice %arg5[%squeeze3A_453, %dma_start3A_458] : memref<16384x4096xf32, #tpu.memory_space<hbm>> -> memref<1x4096xf32, #tpu.memory_space<hbm>>
          %dma_start3A_460 = arith.constant 0 : i32
          %dma_start3A_461 = tpu.memref_slice %arg19[%and3A_451, %dma_start3A_460] : memref<8x4096xf32, #tpu.memory_space<vmem>> -> memref<1x4096xf32, #tpu.memory_space<vmem>>
          tpu.enqueue_dma source(%dma_start3A_461 : memref<1x4096xf32, #tpu.memory_space<vmem>>) target(%dma_start3A_459 : memref<1x4096xf32, #tpu.memory_space<hbm>>) target_semaphore(%arg27 : memref<!tpu.dma_semaphore, #tpu.memory_space<semaphore_mem>>)
        } else {
        }
        %add3A_427 = arith.constant 12 : i32
        %add3A_428 = arith.addi %mul3A_349, %add3A_427 : i32
        %lt3A_429 = arith.cmpi slt, %add3A_428, %while3A_304 : i32
        %convert_element_type3A_430 = arith.extui %lt3A_429 : i1 to i32
        %cond3A_431 = arith.constant 0 : i32
        %cond3A_432 = arith.cmpi ne, %convert_element_type3A_430, %cond3A_431 : i32
        scf.if %cond3A_432 {
          %slice3A = vector.extract_strided_slice %get3A_354 {offsets = [12], sizes = [1], strides = [1]} : vector<16xi32> to vector<1xi32>
          %squeeze3A = vector.extract %slice3A[0] : i32 from vector<1xi32>
          %and3A = arith.constant 7 : i32
          %and3A_451 = arith.andi %squeeze3A, %and3A : i32
          %slice3A_452 = vector.extract_strided_slice %get3A_351 {offsets = [12], sizes = [1], strides = [1]} : vector<16xi32> to vector<1xi32>
          %squeeze3A_453 = vector.extract %slice3A_452[0] : i32 from vector<1xi32>
          %dma_start3A_454 = arith.constant 0 : i32
          %dma_start3A_455 = tpu.memref_slice %arg19[%and3A_451, %dma_start3A_454] : memref<8x4096xf32, #tpu.memory_space<vmem>> -> memref<1x4096xf32, #tpu.memory_space<vmem>>
          %dma_start3A_456 = arith.constant 0 : i32
          %dma_start3A_457 = tpu.memref_slice %arg5[%squeeze3A_453, %dma_start3A_456] : memref<16384x4096xf32, #tpu.memory_space<hbm>> -> memref<1x4096xf32, #tpu.memory_space<hbm>>
          %dma_start3A_458 = arith.constant 0 : i32
          %dma_start3A_459 = tpu.memref_slice %arg5[%squeeze3A_453, %dma_start3A_458] : memref<16384x4096xf32, #tpu.memory_space<hbm>> -> memref<1x4096xf32, #tpu.memory_space<hbm>>
          %dma_start3A_460 = arith.constant 0 : i32
          %dma_start3A_461 = tpu.memref_slice %arg19[%and3A_451, %dma_start3A_460] : memref<8x4096xf32, #tpu.memory_space<vmem>> -> memref<1x4096xf32, #tpu.memory_space<vmem>>
          tpu.enqueue_dma source(%dma_start3A_461 : memref<1x4096xf32, #tpu.memory_space<vmem>>) target(%dma_start3A_459 : memref<1x4096xf32, #tpu.memory_space<hbm>>) target_semaphore(%arg27 : memref<!tpu.dma_semaphore, #tpu.memory_space<semaphore_mem>>)
        } else {
        }
        %add3A_433 = arith.constant 13 : i32
        %add3A_434 = arith.addi %mul3A_349, %add3A_433 : i32
        %lt3A_435 = arith.cmpi slt, %add3A_434, %while3A_304 : i32
        %convert_element_type3A_436 = arith.extui %lt3A_435 : i1 to i32
        %cond3A_437 = arith.constant 0 : i32
        %cond3A_438 = arith.cmpi ne, %convert_element_type3A_436, %cond3A_437 : i32
        scf.if %cond3A_438 {
          %slice3A = vector.extract_strided_slice %get3A_354 {offsets = [13], sizes = [1], strides = [1]} : vector<16xi32> to vector<1xi32>
          %squeeze3A = vector.extract %slice3A[0] : i32 from vector<1xi32>
          %and3A = arith.constant 7 : i32
          %and3A_451 = arith.andi %squeeze3A, %and3A : i32
          %slice3A_452 = vector.extract_strided_slice %get3A_351 {offsets = [13], sizes = [1], strides = [1]} : vector<16xi32> to vector<1xi32>
          %squeeze3A_453 = vector.extract %slice3A_452[0] : i32 from vector<1xi32>
          %dma_start3A_454 = arith.constant 0 : i32
          %dma_start3A_455 = tpu.memref_slice %arg19[%and3A_451, %dma_start3A_454] : memref<8x4096xf32, #tpu.memory_space<vmem>> -> memref<1x4096xf32, #tpu.memory_space<vmem>>
          %dma_start3A_456 = arith.constant 0 : i32
          %dma_start3A_457 = tpu.memref_slice %arg5[%squeeze3A_453, %dma_start3A_456] : memref<16384x4096xf32, #tpu.memory_space<hbm>> -> memref<1x4096xf32, #tpu.memory_space<hbm>>
          %dma_start3A_458 = arith.constant 0 : i32
          %dma_start3A_459 = tpu.memref_slice %arg5[%squeeze3A_453, %dma_start3A_458] : memref<16384x4096xf32, #tpu.memory_space<hbm>> -> memref<1x4096xf32, #tpu.memory_space<hbm>>
          %dma_start3A_460 = arith.constant 0 : i32
          %dma_start3A_461 = tpu.memref_slice %arg19[%and3A_451, %dma_start3A_460] : memref<8x4096xf32, #tpu.memory_space<vmem>> -> memref<1x4096xf32, #tpu.memory_space<vmem>>
          tpu.enqueue_dma source(%dma_start3A_461 : memref<1x4096xf32, #tpu.memory_space<vmem>>) target(%dma_start3A_459 : memref<1x4096xf32, #tpu.memory_space<hbm>>) target_semaphore(%arg27 : memref<!tpu.dma_semaphore, #tpu.memory_space<semaphore_mem>>)
        } else {
        }
        %add3A_439 = arith.constant 14 : i32
        %add3A_440 = arith.addi %mul3A_349, %add3A_439 : i32
        %lt3A_441 = arith.cmpi slt, %add3A_440, %while3A_304 : i32
        %convert_element_type3A_442 = arith.extui %lt3A_441 : i1 to i32
        %cond3A_443 = arith.constant 0 : i32
        %cond3A_444 = arith.cmpi ne, %convert_element_type3A_442, %cond3A_443 : i32
        scf.if %cond3A_444 {
          %slice3A = vector.extract_strided_slice %get3A_354 {offsets = [14], sizes = [1], strides = [1]} : vector<16xi32> to vector<1xi32>
          %squeeze3A = vector.extract %slice3A[0] : i32 from vector<1xi32>
          %and3A = arith.constant 7 : i32
          %and3A_451 = arith.andi %squeeze3A, %and3A : i32
          %slice3A_452 = vector.extract_strided_slice %get3A_351 {offsets = [14], sizes = [1], strides = [1]} : vector<16xi32> to vector<1xi32>
          %squeeze3A_453 = vector.extract %slice3A_452[0] : i32 from vector<1xi32>
          %dma_start3A_454 = arith.constant 0 : i32
          %dma_start3A_455 = tpu.memref_slice %arg19[%and3A_451, %dma_start3A_454] : memref<8x4096xf32, #tpu.memory_space<vmem>> -> memref<1x4096xf32, #tpu.memory_space<vmem>>
          %dma_start3A_456 = arith.constant 0 : i32
          %dma_start3A_457 = tpu.memref_slice %arg5[%squeeze3A_453, %dma_start3A_456] : memref<16384x4096xf32, #tpu.memory_space<hbm>> -> memref<1x4096xf32, #tpu.memory_space<hbm>>
          %dma_start3A_458 = arith.constant 0 : i32
          %dma_start3A_459 = tpu.memref_slice %arg5[%squeeze3A_453, %dma_start3A_458] : memref<16384x4096xf32, #tpu.memory_space<hbm>> -> memref<1x4096xf32, #tpu.memory_space<hbm>>
          %dma_start3A_460 = arith.constant 0 : i32
          %dma_start3A_461 = tpu.memref_slice %arg19[%and3A_451, %dma_start3A_460] : memref<8x4096xf32, #tpu.memory_space<vmem>> -> memref<1x4096xf32, #tpu.memory_space<vmem>>
          tpu.enqueue_dma source(%dma_start3A_461 : memref<1x4096xf32, #tpu.memory_space<vmem>>) target(%dma_start3A_459 : memref<1x4096xf32, #tpu.memory_space<hbm>>) target_semaphore(%arg27 : memref<!tpu.dma_semaphore, #tpu.memory_space<semaphore_mem>>)
        } else {
        }
        %add3A_445 = arith.constant 15 : i32
        %add3A_446 = arith.addi %mul3A_349, %add3A_445 : i32
        %lt3A_447 = arith.cmpi slt, %add3A_446, %while3A_304 : i32
        %convert_element_type3A_448 = arith.extui %lt3A_447 : i1 to i32
        %cond3A_449 = arith.constant 0 : i32
        %cond3A_450 = arith.cmpi ne, %convert_element_type3A_448, %cond3A_449 : i32
        scf.if %cond3A_450 {
          %slice3A = vector.extract_strided_slice %get3A_354 {offsets = [15], sizes = [1], strides = [1]} : vector<16xi32> to vector<1xi32>
          %squeeze3A = vector.extract %slice3A[0] : i32 from vector<1xi32>
          %and3A = arith.constant 7 : i32
          %and3A_451 = arith.andi %squeeze3A, %and3A : i32
          %slice3A_452 = vector.extract_strided_slice %get3A_351 {offsets = [15], sizes = [1], strides = [1]} : vector<16xi32> to vector<1xi32>
          %squeeze3A_453 = vector.extract %slice3A_452[0] : i32 from vector<1xi32>
          %dma_start3A_454 = arith.constant 0 : i32
          %dma_start3A_455 = tpu.memref_slice %arg19[%and3A_451, %dma_start3A_454] : memref<8x4096xf32, #tpu.memory_space<vmem>> -> memref<1x4096xf32, #tpu.memory_space<vmem>>
          %dma_start3A_456 = arith.constant 0 : i32
          %dma_start3A_457 = tpu.memref_slice %arg5[%squeeze3A_453, %dma_start3A_456] : memref<16384x4096xf32, #tpu.memory_space<hbm>> -> memref<1x4096xf32, #tpu.memory_space<hbm>>
          %dma_start3A_458 = arith.constant 0 : i32
          %dma_start3A_459 = tpu.memref_slice %arg5[%squeeze3A_453, %dma_start3A_458] : memref<16384x4096xf32, #tpu.memory_space<hbm>> -> memref<1x4096xf32, #tpu.memory_space<hbm>>
          %dma_start3A_460 = arith.constant 0 : i32
          %dma_start3A_461 = tpu.memref_slice %arg19[%and3A_451, %dma_start3A_460] : memref<8x4096xf32, #tpu.memory_space<vmem>> -> memref<1x4096xf32, #tpu.memory_space<vmem>>
          tpu.enqueue_dma source(%dma_start3A_461 : memref<1x4096xf32, #tpu.memory_space<vmem>>) target(%dma_start3A_459 : memref<1x4096xf32, #tpu.memory_space<hbm>>) target_semaphore(%arg27 : memref<!tpu.dma_semaphore, #tpu.memory_space<semaphore_mem>>)
        } else {
        }
      }
      %while3A_330 = arith.constant 0 : i32
      %while3A_331 = arith.constant 0 : i32
      %while3A_332 = arith.subi %while3A_304, %while3A_331 : i32
      %while3A_333 = arith.addi %while3A_331, %while3A_332 : i32
      %while3A_334 = arith.constant 1 : i32
      %while3A_335 = arith.divsi %while3A_332, %while3A_334 : i32
      %while3A_336 = arith.muli %while3A_335, %while3A_334 : i32
      %while3A_337 = arith.addi %while3A_331, %while3A_336 : i32
      %while3A_338 = arith.constant 1 : i32
      scf.for %while3A_347 = %while3A_331 to %while3A_337 step %while3A_338  : i32 {
        %dma_wait3A_348 = arith.constant 0 : i32
        %dma_wait3A_349 = arith.constant 0 : i32
        %dma_wait3A_350 = tpu.memref_slice %arg19[%dma_wait3A_348, %dma_wait3A_349] : memref<8x4096xf32, #tpu.memory_space<vmem>> -> memref<1x4096xf32, #tpu.memory_space<vmem>>
        %dma_wait3A_351 = arith.constant 0 : i32
        %dma_wait3A_352 = arith.constant 0 : i32
        %dma_wait3A_353 = tpu.memref_slice %arg5[%dma_wait3A_351, %dma_wait3A_352] : memref<16384x4096xf32, #tpu.memory_space<hbm>> -> memref<1x4096xf32, #tpu.memory_space<hbm>>
        %dma_wait3A_354 = arith.constant 0 : i32
        %dma_wait3A_355 = arith.constant 0 : i32
        %dma_wait3A_356 = tpu.memref_slice %arg5[%dma_wait3A_354, %dma_wait3A_355] : memref<16384x4096xf32, #tpu.memory_space<hbm>> -> memref<1x4096xf32, #tpu.memory_space<hbm>>
        %dma_wait3A_357 = arith.constant 0 : i32
        %dma_wait3A_358 = arith.constant 0 : i32
        %dma_wait3A_359 = tpu.memref_slice %arg19[%dma_wait3A_357, %dma_wait3A_358] : memref<8x4096xf32, #tpu.memory_space<vmem>> -> memref<1x4096xf32, #tpu.memory_space<vmem>>
        tpu.wait_dma2 semaphore(%arg27 : memref<!tpu.dma_semaphore, #tpu.memory_space<semaphore_mem>>) src(%dma_wait3A_359 : memref<1x4096xf32, #tpu.memory_space<vmem>>) dst(%dma_wait3A_356 : memref<1x4096xf32, #tpu.memory_space<hbm>>)
      }
      %while3A_339 = arith.constant 1 : i32
      scf.for %while3A_347 = %while3A_337 to %while3A_333 step %while3A_339  : i32 {
        %dma_wait3A_348 = arith.constant 0 : i32
        %dma_wait3A_349 = arith.constant 0 : i32
        %dma_wait3A_350 = tpu.memref_slice %arg19[%dma_wait3A_348, %dma_wait3A_349] : memref<8x4096xf32, #tpu.memory_space<vmem>> -> memref<1x4096xf32, #tpu.memory_space<vmem>>
        %dma_wait3A_351 = arith.constant 0 : i32
        %dma_wait3A_352 = arith.constant 0 : i32
        %dma_wait3A_353 = tpu.memref_slice %arg5[%dma_wait3A_351, %dma_wait3A_352] : memref<16384x4096xf32, #tpu.memory_space<hbm>> -> memref<1x4096xf32, #tpu.memory_space<hbm>>
        %dma_wait3A_354 = arith.constant 0 : i32
        %dma_wait3A_355 = arith.constant 0 : i32
        %dma_wait3A_356 = tpu.memref_slice %arg5[%dma_wait3A_354, %dma_wait3A_355] : memref<16384x4096xf32, #tpu.memory_space<hbm>> -> memref<1x4096xf32, #tpu.memory_space<hbm>>
        %dma_wait3A_357 = arith.constant 0 : i32
        %dma_wait3A_358 = arith.constant 0 : i32
        %dma_wait3A_359 = tpu.memref_slice %arg19[%dma_wait3A_357, %dma_wait3A_358] : memref<8x4096xf32, #tpu.memory_space<vmem>> -> memref<1x4096xf32, #tpu.memory_space<vmem>>
        tpu.wait_dma2 semaphore(%arg27 : memref<!tpu.dma_semaphore, #tpu.memory_space<semaphore_mem>>) src(%dma_wait3A_359 : memref<1x4096xf32, #tpu.memory_space<vmem>>) dst(%dma_wait3A_356 : memref<1x4096xf32, #tpu.memory_space<hbm>>)
      }
      %add3A_340 = arith.constant 2 : i32
      %add3A_341 = arith.addi %add3A_284, %add3A_340 : i32
      %lt3A_342 = arith.constant 16 : i32
      %lt3A_343 = arith.cmpi slt, %add3A_341, %lt3A_342 : i32
      %convert_element_type3A_344 = arith.extui %lt3A_343 : i1 to i32
      %cond3A_345 = arith.constant 0 : i32
      %cond3A_346 = arith.cmpi ne, %convert_element_type3A_344, %cond3A_345 : i32
      scf.if %cond3A_346 {
        %add3A_347 = arith.constant 2 : i32
        %add3A_348 = arith.addi %add3A_284, %add3A_347 : i32
        %mul3A_349 = arith.constant 8 : i32
        %mul3A_350 = arith.muli %add3A_348, %mul3A_349 : i32
        %add3A_351 = arith.addi %multiple_of3A, %mul3A_350 : i32
        %multiple_of3A_352 = tpu.assume_multiple %add3A_351, 8 : i32
        %dma_start3A_353 = arith.constant 0 : i32
        %dma_start3A_354 = tpu.memref_slice %arg4[%multiple_of3A_352, %dma_start3A_353] : memref<4096x4096xf32, #tpu.memory_space<hbm>> -> memref<8x4096xf32, #tpu.memory_space<hbm>>
        %dma_start3A_355 = arith.constant 0 : i32
        %dma_start3A_356 = tpu.memref_slice %arg4[%multiple_of3A_352, %dma_start3A_355] : memref<4096x4096xf32, #tpu.memory_space<hbm>> -> memref<8x4096xf32, #tpu.memory_space<hbm>>
        tpu.enqueue_dma source(%dma_start3A_356 : memref<8x4096xf32, #tpu.memory_space<hbm>>) target(%arg19 : memref<8x4096xf32, #tpu.memory_space<vmem>>) target_semaphore(%arg25 : memref<!tpu.dma_semaphore, #tpu.memory_space<semaphore_mem>>)
      } else {
      }
      scf.yield %while3A_319 : vector<16xf32>
    }
    %scan3A_210 = arith.constant 8 : i32
    %swap3A_211 = arith.constant 0 : index
    %swap3A_212 = tpu.vector_load %arg21[%swap3A_211] {strides = array<i32>} : memref<16xf32, #tpu.memory_space<vmem>>, vector<16xf32>,
    tpu.vector_store %arg21[%swap3A_211], %scan3A_209 {strides = array<i32>} : memref<16xf32, #tpu.memory_space<vmem>>, vector<16xf32>,
    %mul3A_213 = arith.constant 16 : i32
    %mul3A_214 = arith.muli %add3A, %mul3A_213 : i32
    %multiple_of3A_215 = tpu.assume_multiple %mul3A_214, 16 : i32
    "tpu.region"() ({
      %run_scoped3A = tpu.sem_alloc : memref<!tpu.dma_semaphore, #tpu.memory_space<semaphore_mem>>
      %dma_start3A_216 = tpu.memref_slice %arg6[%multiple_of3A_215] : memref<512xf32, #tpu.memory_space<hbm>> -> memref<16xf32, #tpu.memory_space<hbm>>
      %dma_start3A_217 = tpu.memref_slice %arg6[%multiple_of3A_215] : memref<512xf32, #tpu.memory_space<hbm>> -> memref<16xf32, #tpu.memory_space<hbm>>
      tpu.enqueue_dma source(%arg21 : memref<16xf32, #tpu.memory_space<vmem>>) target(%dma_start3A_217 : memref<16xf32, #tpu.memory_space<hbm>>) target_semaphore(%run_scoped3A : memref<!tpu.dma_semaphore, #tpu.memory_space<semaphore_mem>>)
      %dma_wait3A_218 = tpu.memref_slice %arg6[%multiple_of3A_215] : memref<512xf32, #tpu.memory_space<hbm>> -> memref<16xf32, #tpu.memory_space<hbm>>
      %dma_wait3A_219 = tpu.memref_slice %arg6[%multiple_of3A_215] : memref<512xf32, #tpu.memory_space<hbm>> -> memref<16xf32, #tpu.memory_space<hbm>>
      tpu.wait_dma2 semaphore(%run_scoped3A : memref<!tpu.dma_semaphore, #tpu.memory_space<semaphore_mem>>) src(%arg21 : memref<16xf32, #tpu.memory_space<vmem>>) dst(%dma_wait3A_219 : memref<16xf32, #tpu.memory_space<hbm>>)
      tpu.yield
    }) : () -> ()
    "tpu.region"() ({
      %run_scoped3A = tpu.sem_alloc : memref<!tpu.dma_semaphore, #tpu.memory_space<semaphore_mem>>
      %dma_start3A_216 = tpu.memref_slice %arg7[%multiple_of3A] : memref<4096xi32, #tpu.memory_space<hbm>> -> memref<128xi32, #tpu.memory_space<hbm>>
      %dma_start3A_217 = tpu.memref_slice %arg7[%multiple_of3A] : memref<4096xi32, #tpu.memory_space<hbm>> -> memref<128xi32, #tpu.memory_space<hbm>>
      tpu.enqueue_dma source(%arg20 : memref<128xi32, #tpu.memory_space<vmem>>) target(%dma_start3A_217 : memref<128xi32, #tpu.memory_space<hbm>>) target_semaphore(%run_scoped3A : memref<!tpu.dma_semaphore, #tpu.memory_space<semaphore_mem>>)
      %dma_wait3A_218 = tpu.memref_slice %arg7[%multiple_of3A] : memref<4096xi32, #tpu.memory_space<hbm>> -> memref<128xi32, #tpu.memory_space<hbm>>
      %dma_wait3A_219 = tpu.memref_slice %arg7[%multiple_of3A] : memref<4096xi32, #tpu.memory_space<hbm>> -> memref<128xi32, #tpu.memory_space<hbm>>
      tpu.wait_dma2 semaphore(%run_scoped3A : memref<!tpu.dma_semaphore, #tpu.memory_space<semaphore_mem>>) src(%arg20 : memref<128xi32, #tpu.memory_space<vmem>>) dst(%dma_wait3A_219 : memref<128xi32, #tpu.memory_space<hbm>>)
      tpu.yield
    }) : () -> ()
    return
  }
}

module attributes {stable_mosaic.version = 14 : i64} {
  func.func @body(%arg0: i32, %arg1: memref<512x4096xf32, #tpu.memory_space<vmem>>, %arg2: memref<512xf32, #tpu.memory_space<vmem>>) attributes {dimension_semantics = [#tpu.dimension_semantics<arbitrary>], iteration_bounds = array<i64: 8>, scalar_prefetch = 0 : i64, scratch_operands = 0 : i64, tpu.core_type = #tpu.core_type<tc>, window_params = [{transform_indices = @transform_0, window_bounds = array<i64: 512, 4096>}, {transform_indices = @transform_1, window_bounds = array<i64: 512>}]} {
    %get3A = arith.constant 0 : index
    %get3A_0 = arith.constant 0 : index
    %get3A_1 = vector.load %arg1[%get3A, %get3A_0] : memref<512x4096xf32, #tpu.memory_space<vmem>>, vector<512x4096xf32>
    %exp3A = math.exp %get3A_1 : vector<512x4096xf32>
    %reduce_sum3A = arith.constant dense<0.000000e+00> : vector<512xf32>
    %reduce_sum3A_2 = vector.multi_reduction <add>, %exp3A, %reduce_sum3A [1] : vector<512x4096xf32> to vector<512xf32>
    %log3A = math.log %reduce_sum3A_2 : vector<512xf32>
    %swap3A = arith.constant 0 : index
    %swap3A_3 = vector.load %arg2[%swap3A] : memref<512xf32, #tpu.memory_space<vmem>>, vector<512xf32>
    tpu.vector_store %arg2[%swap3A], %log3A {strides = array<i32>} : memref<512xf32, #tpu.memory_space<vmem>>, vector<512xf32>,
    return
  }
  func.func @transform_0(%arg0: i32) -> (i32, i32) {
    %c0_i32 = arith.constant 0 : i32
    %c0_i32_0 = arith.constant 0 : i32
    return %arg0, %c0_i32 : i32, i32
  }
  func.func @transform_1(%arg0: i32) -> i32 {
    %c0_i32 = arith.constant 0 : i32
    return %arg0 : i32
  }
}

module attributes {stable_mosaic.version = 14 : i64} {
  func.func @body(%arg0: memref<32x128xi32, #tpu.memory_space<vmem>>, %arg1: memref<32x128xf32, #tpu.memory_space<vmem>>, %arg2: memref<4x128xf32, #tpu.memory_space<vmem>>, %arg3: memref<1x1xf32, #tpu.memory_space<smem>>) attributes {dimension_semantics = [], scalar_prefetch = 0 : i64, scratch_operands = 0 : i64, tpu.core_type = #tpu.core_type<tc>} {
    %get3A = arith.constant 0 : index
    %get3A_0 = arith.constant 0 : index
    %get3A_1 = vector.load %arg0[%get3A, %get3A_0] : memref<32x128xi32, #tpu.memory_space<vmem>>, vector<32x128xi32>
    %convert_element_type3A = arith.sitofp %get3A_1 : vector<32x128xi32> to vector<32x128xf32>
    %get3A_2 = arith.constant 0 : index
    %get3A_3 = arith.constant 0 : index
    %get3A_4 = vector.load %arg1[%get3A_2, %get3A_3] : memref<32x128xf32, #tpu.memory_space<vmem>>, vector<32x128xf32>
    %mul3A = arith.mulf %convert_element_type3A, %get3A_4 : vector<32x128xf32>
    %reduce_sum3A = vector.shape_cast %mul3A : vector<32x128xf32> to vector<1x32x128xf32>
    %reduce_sum3A_5 = arith.constant dense<0.000000e+00> : vector<1xf32>
    %reduce_sum3A_6 = vector.multi_reduction <add>, %reduce_sum3A, %reduce_sum3A_5 [1, 2] : vector<1x32x128xf32> to vector<1xf32>
    %reduce_sum3A_7 = vector.shape_cast %reduce_sum3A_6 : vector<1xf32> to vector<1x1x1xf32>
    %reduce_sum3A_8 = vector.extract %reduce_sum3A_7[0, 0, 0] : f32 from vector<1x1x1xf32>
    %get3A_9 = arith.constant 0 : index
    %get3A_10 = arith.constant 0 : index
    %get3A_11 = vector.load %arg2[%get3A_9, %get3A_10] : memref<4x128xf32, #tpu.memory_space<vmem>>, vector<4x128xf32>
    %reduce_sum3A_12 = vector.shape_cast %get3A_11 : vector<4x128xf32> to vector<1x4x128xf32>
    %reduce_sum3A_13 = arith.constant dense<0.000000e+00> : vector<1xf32>
    %reduce_sum3A_14 = vector.multi_reduction <add>, %reduce_sum3A_12, %reduce_sum3A_13 [1, 2] : vector<1x4x128xf32> to vector<1xf32>
    %reduce_sum3A_15 = vector.shape_cast %reduce_sum3A_14 : vector<1xf32> to vector<1x1x1xf32>
    %reduce_sum3A_16 = vector.extract %reduce_sum3A_15[0, 0, 0] : f32 from vector<1x1x1xf32>
    %sub3A = arith.subf %reduce_sum3A_8, %reduce_sum3A_16 : f32
    %div3A = arith.constant 1.638400e+04 : f32
    %div3A_17 = arith.divf %sub3A, %div3A : f32
    %swap3A = arith.constant 0 : index
    %swap3A_18 = arith.constant 0 : index
    %swap3A_19 = memref.load %arg3[%swap3A, %swap3A_18] : memref<1x1xf32, #tpu.memory_space<smem>>
    memref.store %div3A_17, %arg3[%swap3A, %swap3A_18] : memref<1x1xf32, #tpu.memory_space<smem>>
    return
  }
}

</mosaic_0001>

<sc_bundles>
// kernel: kernel.5.cloned.1.call-start
scs
__scs_entry_jumppad:
0x0: {  	(pc) =	sbr.rel $0x88, $3  }
0x1: {  	(tag) =	ssettag $0x0;
	lr =	simm.s32 $0x1  }
0x2: {  	[smem:$0x3F9E] =	sst lr;
	_ =	strace $0xD0000000  }
0x3: {  	_ = 	snop  }
0x4: {  	_ = 	snop  }
0x5: {  	_ = 	snop  }
0x6: {  	_ = 	snop  }
0x7: {  	_ = 	snop  }
__scs_overlays_trampoline_lowered:
0x8: {  	[smem:$0x3FAD] =	sst s0  }
0x9: {  	[smem:$0x3FAE] =	sst s1  }
0xa: {  	[smem:$0x3FAF] =	sst s2  }
0xb: {  	[smem:$0x3FB0] =	sst s3  }
0xc: {  	[smem:$0x3FB1] =	sst s4  }
0xd: {  	[smem:$0x3FB2] =	sst s5  }
0xe: {  	[smem:$0x3FB3] =	sst s6  }
0xf: {  	[smem:$0x3FB4] =	sst s7  }
0x10: {  	[smem:$0x3FB5] =	sst s8  }
0x11: {  	[smem:$0x3FB6] =	sst s9;
	s0 =	simm.s32 @!p0 $0x0  }
0x12: {  	s1 =	sld [smem:$0x3F9C];
	s0 =	simm.s32 @p0 $0x1  }
0x13: {  	[smem:$0x3FB7] =	sst s0;
	s0 =	simm.s32 @!p1 $0x0  }
0x14: {  	s2 =	sld [smem:$0x3F9B];
	s0 =	simm.s32 @p1 $0x1  }
0x15: {  	[smem:$0x3FB8] =	sst s0;
	s0 =	simm.s32 @!p2 $0x0  }
0x16: {  	s3 =	sld [smem:$0x3FDB];
	s0 =	simm.s32 @p2 $0x1  }
0x17: {  	s4 =	simm.s32 $0x1BF5;
	[smem:$0x3FBA] =	sst s0  }
0x18: {  	s0 =	sld [smem:$0x3F9D];
	_ =	swait.ge [sflag:s4], $0x0  }
0x19: {  	s7 =	sld [smem:$0x3F9E]  }
0x1a: {  	s8 =	sadd.s32 $0xFFFFE003, lr  }
0x1b: {  	s9 =	sadd.s32 $0xFFFFFEF7, lr;
	s5 =	simm.s32 $0xFFFFFFFF;
	p2 =	slt.u32 s8, $0xFFFFF086  }
0x1c: {  	p1 =	slt.u32 s9, $0xF7A;
	s5 =	simm.s32 @!p2 $0x0  }
0x1d: {  	s5 =	simm.s32 @p1 $0x1;
	p0 =	seq.s32 s7, s2  }
0x1e: {  	s7 =	smul.u32 @!p0 $0xF7A, s2;
	p2 =	seq.s32 @!p0 s5, $0x0  }
0x1f: {  	s9 =	smul.u32 $0xF7A, s1;
	s8 =	simm.s32 @!p0 $0x1BF5;
	p2 =	por !p2, p0  }
0x20: {  	[sflag:s8] =	ssyncset.s32 @!p0 $0xFFFFF086;
	s6 =	sadd.s32 @!p0 s3, s7;
	s7 =	simm.s32 @!p0 $0x108  }
0x21: {  	s3 =	sadd.s32 s3, s9;
	s6 =	sadd.s32 @!p0 $0x88, s6;
	s7 =	simm.s32 @p2 $0x1082  }
0x22: {  	[simem:s7], [sflag:s8] =	dma.local @!p0 [hbm:s6], $0xF7A  }
0x23: {  	s9 =	sor.u32 $0xD0000000, s2;
	s6 =	simm.s32 $0x108;
	_ =	swait.ge @!p0 [sflag:s8], $0x0  }
0x24: {  	s3 =	sadd.s32 $0x88, s3;
	s6 =	simm.s32 @!p1 $0x1082;
	[sflag:s4] =	ssyncset.s32 $0xFFFFF086  }
0x25: {  	[simem:s6], [sflag:s4] =	dma.local [hbm:s3], $0xF7A  }
0x26: {  	[smem:$0x3F9E] =	sst s1;
	(tag) =	ssettag s2;
	_ =	strace s9  }
0x27: {  	s1 =	sld [smem:$0x3FAE]  }
0x28: {  	s2 =	sld [smem:$0x3FAF]  }
0x29: {  	s4 =	sld [smem:$0x3FB1]  }
0x2a: {  	p0 =	seq.s32 s5, $0x0;
	s5 =	sld [smem:$0x3FB2]  }
0x2b: {  	s6 =	sld [smem:$0x3FB3]  }
0x2c: {  	s7 =	sld [smem:$0x3FB4]  }
0x2d: {  	s3 =	simm.s32 $0x108;
	s8 =	sld [smem:$0x3FB5]  }
0x2e: {  	s3 =	simm.s32 @!p0 $0x1082;
	s9 =	sld [smem:$0x3FB6]  }
0x2f: {  	lr =	sadd.s32 s0, s3;
	s0 =	sld [smem:$0x3FAD]  }
0x30: {  	s3 =	sld [smem:$0x3FB0]  }
0x31: {  	[smem:$0x3FB9] =	sst s10  }
0x32: {  	s10 =	sld [smem:$0x3FB7];
	_ =	sdelay $0x3  }
0x33: {  	p0 =	seq.s32 s10, $0x1;
	s10 =	sld [smem:$0x3FB9];
	_ =	sdelay $0x3  }
0x34: {  	[smem:$0x3FB9] =	sst s10  }
0x35: {  	s10 =	sld [smem:$0x3FB8];
	_ =	sdelay $0x3  }
0x36: {  	p1 =	seq.s32 s10, $0x1;
	s10 =	sld [smem:$0x3FB9];
	_ =	sdelay $0x3  }
0x37: {  	[smem:$0x3FB9] =	sst s10  }
0x38: {  	s10 =	sld [smem:$0x3FBA]  }
0x39: {  	_ = 	snop;
	(pc) =	sbr.ind lr, $3  }
0x3a: {  	_ = 	snop  }
0x3b: {  	_ = 	snop  }
0x3c: {  	p2 =	seq.s32 s10, $0x1;
	s10 =	sld [smem:$0x3FB9]  }
0x3d: {  	_ =	shalt  }
0x3e: {  	_ =	shalt  }
0x3f: {  	_ =	shalt  }
0x40: {  	_ =	shalt  }
0x41: {  	_ =	shalt  }
0x42: {  	_ =	shalt  }
0x43: {  	_ =	shalt  }
0x44: {  	_ =	shalt  }
0x45: {  	_ =	shalt  }
0x46: {  	_ =	shalt  }
0x47: {  	_ =	shalt  }
0x48: {  	_ =	shalt  }
0x49: {  	_ =	shalt  }
0x4a: {  	_ =	shalt  }
0x4b: {  	_ =	shalt  }
0x4c: {  	_ =	shalt  }
0x4d: {  	_ =	shalt  }
0x4e: {  	_ =	shalt  }
0x4f: {  	_ =	shalt  }
0x50: {  	_ =	shalt  }
0x51: {  	_ =	shalt  }
0x52: {  	_ =	shalt  }
0x53: {  	_ =	shalt  }
0x54: {  	_ =	shalt  }
0x55: {  	_ =	shalt  }
0x56: {  	_ =	shalt  }
0x57: {  	_ =	shalt  }
0x58: {  	_ =	shalt  }
0x59: {  	_ =	shalt  }
0x5a: {  	_ =	shalt  }
0x5b: {  	_ =	shalt  }
0x5c: {  	_ =	shalt  }
0x5d: {  	_ =	shalt  }
0x5e: {  	_ =	shalt  }
0x5f: {  	_ =	shalt  }
0x60: {  	_ =	shalt  }
0x61: {  	_ =	shalt  }
0x62: {  	_ =	shalt  }
0x63: {  	_ =	shalt  }
0x64: {  	_ =	shalt  }
0x65: {  	_ =	shalt  }
0x66: {  	_ =	shalt  }
0x67: {  	_ =	shalt  }
0x68: {  	_ =	shalt  }
0x69: {  	_ =	shalt  }
0x6a: {  	_ =	shalt  }
0x6b: {  	_ =	shalt  }
0x6c: {  	_ =	shalt  }
0x6d: {  	_ =	shalt  }
0x6e: {  	_ =	shalt  }
0x6f: {  	_ =	shalt  }
0x70: {  	_ =	shalt  }
0x71: {  	_ =	shalt  }
0x72: {  	_ =	shalt  }
0x73: {  	_ =	shalt  }
0x74: {  	_ =	shalt  }
0x75: {  	_ =	shalt  }
0x76: {  	_ =	shalt  }
0x77: {  	_ =	shalt  }
0x78: {  	_ =	shalt  }
0x79: {  	_ =	shalt  }
0x7a: {  	_ =	shalt  }
0x7b: {  	_ =	shalt  }
0x7c: {  	_ =	shalt  }
0x7d: {  	_ =	shalt  }
0x7e: {  	_ =	shalt  }
0x7f: {  	_ =	shalt  }
0x80: {  	_ =	shalt  }
0x81: {  	_ =	shalt  }
0x82: {  	_ =	shalt  }
0x83: {  	_ =	shalt  }
0x84: {  	_ =	shalt  }
0x85: {  	_ =	shalt  }
0x86: {  	_ =	shalt  }
0x87: {  	_ =	shalt  }
.Lfunc_end0:
.L_simem_size_0:
called_computation_lowered:
.L_overlay_start_0:
0x88: {  	s2 =	sld [smem:$0x3FD9]  }
0x89: {  	s3 =	sld [smem:$0x3FFE];
	_ =	sdelay $0x1  }
0x8a: {  	s1 =	srdreg.scid  }
0x8b: {  	s0 =	sand.u32 $0x1, s1  }
0x8c: {  	s14 =	sshll.u32 s0, $0xA;
	s2 =	sadd.s32 s3, s2  }
0x8d: {  	s2 =	sadd.s32 s2, s14  }
0x8e: {  	[smem:$0x3FC5] =	sst s2  }
0x8f: {  	_ = 	snop  }
0x90: {  	s2 =	sld [smem:$0x3FD0];
	_ =	sdelay $0x2  }
0x91: {  	s4 =	simm.s32 $0xA;
	s5 =	simm.s32 $0x10;
	s15 =	sld [smem:$0x3FC7]  }
0x92: {  	[smem:s5], [sflag:s4] =	dma.local [hbm:s2], $0x1  }
0x93: {  	_ =	swait.eq [sflag:s4], $0x1  }
0x94: {  	[sflag:s4] =	ssyncset.done $0x0  }
0x95: {  	[sflag:s4] =	ssyncadd.s32 $0xFFFFFFFF  }
0x96: {  	s16 =	sld [smem:$0x10];
	(tm) =	ssettm $0x1  }
0x97: {  	s17 =	sld [smem:$0x3FFB];
	_ =	sdelay $0x3  }
0x98: {  	_ =	strace s17  }
0x99: {  	s4 =	sld [smem:$0x3FFC];
	_ =	sdelay $0x3  }
0x9a: {  	_ =	strace s4  }
0x9b: {  	s4 =	sld [smem:$0x3FFD];
	_ =	sdelay $0x3  }
0x9c: {  	_ =	strace s4  }
0x9d: {  	_ =	strace $0x8FFFFFFF  }
0x9e: {  	s18 =	sld [smem:$0x3FDB];
	_ =	sdelay $0x1  }
0x9f: {  	s19 =	simm.s32 $_scs_section_size  }
0xa0: {  	s6 =	simm.s32 $_size__tile_overlayer_lowered;
	s7 =	simm.s32 $_tile_overlayer_lowered  }
0xa1: {  	s22 =	simm.s32 $0x1BFF;
	s21 =	sshll.u32 s7, $0x1;
	s4 =	sadd.s32 s19, s18  }
0xa2: {  	s8 =	simm.s32 $0x0;
	s20 =	sshll.u32 s6, $0x1;
	s6 =	sadd.s32 s21, s4  }
0xa3: {  	[timem:s8], [sflag:s22] =	dma.local [hbm:s6], s20  }
0xa4: {  	_ =	swait.ge [sflag:s22], s20  }
0xa5: {  	s5 =	ssub.s32 $0x0, s20;
	[sflag:s22] =	ssyncset.done $0x0  }
0xa6: {  	[sflag:s22] =	ssyncadd.s32 s5;
	_ =	sdelay $0x1  }
0xa7: {  	s23 =	simm.s32 $0x1B8B  }
0xa8: {  	_ =	swait.ge [sflag:s23], $0x1  }
0xa9: {  	[sflag:s23] =	ssyncset.done $0x0  }
0xaa: {  	s25 =	simm.s32 $0x1B8E;
	s24 =	sld [smem:$0x3FFE];
	[sflag:s23] =	ssyncadd.s32 $0xFFFFFFFF  }
0xab: {  	s26 =	simm.s32 $execute0_lowered;
	[smem:$0x3FD2] =	sst s25  }
0xac: {  	s6 =	sshll.u32 s26, $0x1;
	_ =	strace $0x80000046;
	[dreg:$0x1] =	wrdreg $0xFFFFFFFF  }
0xad: {  	s28 =	simm.s32 $_size_execute0_lowered;
	s4 =	sadd.s32 s4, s6;
	[dreg:$0x0] =	wrdreg $0x0  }
0xae: {  	s6 =	sshll.u32 s28, $0x1;
	[dreg:$0x2] =	wrdreg s4  }
0xaf: {  	[dreg:$0x3] =	wrdreg s6  }
0xb0: {  	[dreg:$0x4] =	wrdreg $0xC0  }
0xb1: {  	_ =	task [dreg:s8], $0x5FFFF  }
0xb2: {  	[dreg:$0x1] =	wrdreg $0xFFFFFFFF  }
0xb3: {  	[dreg:$0x0] =	wrdreg $0x60  }
0xb4: {  	[dreg:$0x2] =	wrdreg s24  }
0xb5: {  	[dreg:$0x3] =	wrdreg s15  }
0xb6: {  	[dreg:$0x4] =	wrdreg s16  }
0xb7: {  	[dreg:$0x5] =	wrdreg $0x9  }
0xb8: {  	_ =	task.clear_ibuf [dreg:s8], $0x6FFFF;
	_ =	strace $0x90000046  }
0xb9: {  	s29 =	simm.s32 $0x9;
	_ =	strace $0x80000048  }
0xba: {  	_ =	swait.ge [sflag:s29], $0x1  }
0xbb: {  	[sflag:s29] =	ssyncadd.s32 $0xFFFFFFFF  }
0xbc: {  	_ =	strace $0x90000048  }
0xbd: {  	_ =	sfence  }
0xbe: {  	s30 =	sld [smem:$0x0];
	_ =	sdelay $0x2  }
0xbf: {  	s31 =	sshll.u32 s1, $0xD;
	s1 =	sshrl.u32 s1, $0x2  }
0xc0: {  	s3 =	sand.u32 $0x4000, s31;
	s1 =	sadd.s32 s1, s30  }
0xc1: {  	s0 =	sor.u32 s3, s0;
	s1 =	sshll.u32 s1, $0x11  }
0xc2: {  	s0 =	sor.u32 s1, s0  }
0xc3: {  	s0 =	sadd.s32 $0x8F2B, s0  }
0xc4: {  	[sflag:s0] =	ssyncadd.remote.s32 $0x1  }
0xc5: {  	_ =	sfence.sel $0xFFFF  }
0xc6: {  	[dreg:$0x0] =	wrdreg $0xFFFFFFFF;
	(pc) =	sbr.abs _section_cstart, $3  }
0xc7: {  	[dreg:$0x1] =	wrdreg $0xFFFFFFFF  }
0xc8: {  	_ =	task.clear_ibuf [dreg:s8], $0x2FFFF;
	_ =	strace $0x9FFFFFFF  }
0xc9: {  	(tm) =	ssettm $0x7FFFFFFF  }
tec
execute0_lowered:
.L_overlay_start_1:
0x0: {  	(tag) =	ssettag $0x1  }
0x1: {  	s0 =	rddreg [dreg:$0x0]  }
0x2: {  	s1 =	rddreg [dreg:$0x1]  }
0x3: {  	s2 =	rddreg [dreg:$0x2];
	s3 =	simm.s32 $0x0  }
0x4: {  	[smem:$0x7FF] =	sst s3;
	s6 =	sadd.s32 $0xC00, s0  }
0x5: {  	s8 =	sadd.s32 $0x1400, s0;
	_ =	strace $0x80000047;
	[dreg:$0x4] =	wrdreg s6  }
0x6: {  	s12 =	sadd.s32 $0x1500, s0;
	[dreg:$0x5] =	wrdreg s8  }
0x7: {  	s13 =	sadd.s32 $0xE00, s0;
	[dreg:$0x7] =	wrdreg s12  }
0x8: {  	s14 =	sadd.s32 $0x1600, s0;
	[dreg:$0x9] =	wrdreg s13  }
0x9: {  	s15 =	sadd.s32 $0xF00, s0;
	[dreg:$0xa] =	wrdreg s14  }
0xa: {  	s4 =	srdreg.scid;
	s16 =	sadd.s32 $0x1700, s0;
	[dreg:$0xb] =	wrdreg s15  }
0xb: {  	s5 =	stileid.u32;
	s17 =	sadd.s32 $0x1000, s0;
	[dreg:$0xc] =	wrdreg s16  }
0xc: {  	s28 =	simm.s32 $0x800;
	s18 =	sadd.s32 $0x1800, s0;
	[dreg:$0xd] =	wrdreg s17  }
0xd: {  	s29 =	simm.s32 $0x1800;
	s19 =	sadd.s32 $0x1100, s0;
	[dreg:$0xe] =	wrdreg s18  }
0xe: {  	s30 =	simm.s32 $0x2F00;
	s20 =	sadd.s32 $0x1900, s0;
	[dreg:$0xf] =	wrdreg s19  }
0xf: {  	s31 =	simm.s32 $0xAF00;
	s21 =	sadd.s32 $0x1200, s0;
	[dreg:$0x10] =	wrdreg s20  }
0x10: {  	s4 =	sand.u32 $0x1, s4;
	s22 =	sadd.s32 $0x1A00, s0;
	[dreg:$0x11] =	wrdreg s21  }
0x11: {  	s5 =	sshll.u32 s5, $0x1;
	s23 =	sadd.s32 $0x1300, s0;
	[dreg:$0x12] =	wrdreg s22  }
0x12: {  	s7 =	sor.u32 s4, s5;
	s4 =	ssub.s32 $0x2, s4;
	[dreg:$0x13] =	wrdreg s23  }
0x13: {  	s12 =	simm.s32 $0x0;
	s9 =	sshll.u32 s7, $0x1;
	s10 =	sshll.u32 s7, $0x4  }
0x14: {  	s8 =	sshrl.u32 s4, $0x1;
	s11 =	sshll.u32 s7, $0x10;
	v0 =	vmov s7;
	s7 =	simm.s32 $0x5  }
0x15: {  	s5 =	sadd.s32 s9, s0;
	s6 =	sadd.s32 s10, s0;
	s4 =	ssub.s32 s4, s8  }
0x16: {  	s9 =	sadd.s32 $0xD00, s0;
	s8 =	sadd.s32 s1, s11;
	s0 =	sadd.s32 $0x1B00, s0  }
0x17: {  	s10 =	simm.s32 $0x6;
	s11 =	simm.s32 $0x7;
	[dreg:$0x6] =	wrdreg s9  }
0x18: {  	s1 =	sadd.s32 $0x1000, s8;
	[dreg:$0x14] =	wrdreg s0;
	s24 =	sadd.s32 $0x1E00, s5  }
.Ltmp0:
0x19: {  	s25 =	sadd.s32 $0x1C00, s6;
	[dreg:$0x8] =	wrdreg s1;
	(pc) =	sbr.rel .LBB2_1-.Ltmp0, $4  }
0x1a: {  	s26 =	smax.u32 s4, $0x1;
	s0 =	simm.s32 $0x1;
	[dreg:$0x15] =	wrdreg s24  }
0x1b: {  	s4 =	simm.s32 $0x2;
	s5 =	simm.s32 $0x12F00;
	[dreg:$0x16] =	wrdreg s25  }
0x1c: {  	s6 =	simm.s32 $0x3;
	s9 =	simm.s32 $0x4;
	[dreg:$0x17] =	wrdreg s26  }
0x1d: {  	v1 =	vimm.s32 $0x0;
	v2 =	vlaneseq.u32;
	v3 =	vimm.s32 $0x1;
	s25 =	sadd.s32 $0x2000, s8;
	s26 =	sadd.s32 $0x3000, s8;
	s1 =	simm.s32 $0x1000  }
.LBB2_195:
0x1e: {  	[tilespmem:$0x12F80] =	vst v5;
	s13 =	rddreg [dreg:$0x15];
	s14 =	simm.s32 $0x12F80  }
0x1f: {  	[hbm4b:s13+s3] =	stream.linear.scatter [tilespmem:s14], [sflag:$0x7], $0x10, $0x38;
	[tilespmem:$0x13000] =	vst v63  }
0x20: {  	_ =	swait.ge [sflag:s11], $0x10  }
0x21: {  	[sflag:s11] =	ssyncset.done $0x0  }
0x22: {  	s23 =	rddreg [dreg:$0x16];
	[sflag:s11] =	ssyncadd.s32 $0xFFFFFFF0  }
0x23: {  	[hbm4b:s23+s3] =	stream.linear.scatter [tilespmem:s5], [sflag:$0x7], $0x80, $0x38;
	[tilespmem:$0x13000] =	vst v63  }
0x24: {  	_ =	swait.ge [sflag:s11], $0x80  }
0x25: {  	s12 =	sadd.s32 $0x1, s12;
	s24 =	rddreg [dreg:$0x17]  }
0x26: {  	p0 =	sne.s32 s12, s24  }
.Ltmp1:
0x27: {  	_ = 	snop;
	(pc) =	sbr.rel @!p0 .LBB2_196-.Ltmp1, $3  }
0x28: {  	_ =	sdelay $0x1  }
0x29: {  	[sflag:s11] =	ssyncset.done $0x0  }
0x2a: {  	[sflag:s11] =	ssyncadd.s32 $0xFFFFFF80  }
.LBB2_1:
0x2b: {  	s13 =	rddreg [dreg:$0x4]  }
0x2c: {  	[tilespmem:s3], [sflag:$0x1] =	stream.linear.gather [hbm4b:s13+s3], $0x800, $0x38;
	[tilespmem:$0x13000] =	vst v63  }
0x2d: {  	s21 =	rddreg [dreg:$0x5]  }
0x2e: {  	[tilespmem:s1], [sflag:$0x1] =	stream.linear.gather [hbm4b:s21+s3], $0x800, $0x38;
	[tilespmem:$0x13000] =	vst v63  }
0x2f: {  	s22 =	rddreg [dreg:$0x6]  }
0x30: {  	[tilespmem:s28], [sflag:$0x2] =	stream.linear.gather [hbm4b:s22+s3], $0x800, $0x38;
	[tilespmem:$0x13000] =	vst v63  }
0x31: {  	s23 =	rddreg [dreg:$0x7]  }
0x32: {  	[tilespmem:s29], [sflag:$0x2] =	stream.linear.gather [hbm4b:s23+s3], $0x800, $0x38;
	[tilespmem:$0x13000] =	vst v63  }
0x33: {  	_ = 	snop  }
0x34: {  	[tilespmem:s30], [sflag:$0x3] =	stream.linear.gather [hbm4b:s8+s3], $0x8000, $0x38;
	[tilespmem:$0x13000] =	vst v63  }
0x35: {  	s24 =	rddreg [dreg:$0x8]  }
0x36: {  	[tilespmem:s31], [sflag:$0x4] =	stream.linear.gather [hbm4b:s24+s3], $0x8000, $0x38;
	[tilespmem:$0x13000] =	vst v63  }
0x37: {  	[tilespmem:$0x12F00] =	vst v1  }
0x38: {  	[tilespmem:$0x12F10] =	vst v1  }
0x39: {  	[tilespmem:$0x12F20] =	vst v1  }
0x3a: {  	[tilespmem:$0x12F30] =	vst v1  }
0x3b: {  	[tilespmem:$0x12F40] =	vst v1  }
0x3c: {  	[tilespmem:$0x12F50] =	vst v1  }
0x3d: {  	[tilespmem:$0x12F60] =	vst v1  }
0x3e: {  	[tilespmem:$0x12F70] =	vst v1  }
0x3f: {  	_ =	swait.ge [sflag:s0], $0x800  }
0x40: {  	[sflag:s0] =	ssyncset.done $0x0  }
0x41: {  	[sflag:s0] =	ssyncadd.s32 $0xFFFFF800  }
0x42: {  	_ =	swait.ge [sflag:s0], $0x800  }
0x43: {  	[sflag:s0] =	ssyncset.done $0x0  }
0x44: {  	[sflag:s0] =	ssyncadd.s32 $0xFFFFF800  }
0x45: {  	v4 =	vld [tilespmem:s3+$0x0];
	_ =	sdelay $0x4  }
0x46: {  	v6 =	vshra.s32 v4, $0x7  }
0x47: {  	vm0 =	veq.s32 v6, v0;
	v6 =	vor.u32 s3, v2  }
0x48: {  	v5 =	vld [tilespmem:s1+$0x0];
	[tilespmem:s3+$0x2000] =	vst.msk vm0, v6;
	v6 =	vmpcnt.ones.xlane vm0;
	_ =	sdelay $0x1  }
0x49: {  	(v2sf) =	vpush v6, $0x0;
	_ =	sdelay $0x3  }
0x4a: {  	[tilespmem:s3+$0x2400] =	vst.msk vm0, v4  }
0x4b: {  	s15 =	simm.s32 $0x1010;
	[tilespmem:s3+$0x2800] =	vst.msk vm0, v5  }
0x4c: {  	s13 =	simm.s32 $0x10;
	v4 =	vld [tilespmem:s15+$0x0]  }
0x4d: {  	s16 =	simm.s32 $0x20;
	s14 =	simm.s32 $0x0;
	s17 =	simm.s32 $0x10;
	v5 =	vld [tilespmem:s13+$0x0]  }
.LBB2_2:
0x4e: {  	p0 =	sne.s32 s16, $0x7F0;
	_ =	sdelay $0x3  }
0x4f: {  	v6 =	vshra.s32 v5, $0x7  }
0x50: {  	vm0 =	veq.s32 v6, v0  }
0x51: {  	v6 =	vmpcnt.ones.xlane vm0  }
0x52: {  	s18 =	spop (v2sf)  }
0x53: {  	v7 =	vor.u32 s13, v2;
	s13 =	smov.u32 s16;
	(v2sf) =	vpush v6, $0x0;
	s14 =	sadd.s32 s14, s18  }
0x54: {  	[tilespmem:s14+$0x2000] =	vst.msk vm0, v7  }
0x55: {  	[tilespmem:s14+$0x2400] =	vst.msk vm0, v5  }
.Ltmp2:
0x56: {  	s15 =	sadd.s32 $0x10, s15;
	[tilespmem:s14+$0x2800] =	vst.msk vm0, v4;
	(pc) =	sbr.rel @p0 .LBB2_2-.Ltmp2, $3  }
0x57: {  	v4 =	vld [tilespmem:s15+$0x0];
	_ =	sdelay $0x1  }
0x58: {  	s17 =	sadd.s32 $0x10, s17  }
0x59: {  	s16 =	sadd.s32 $0x10, s16;
	v5 =	vld [tilespmem:s17+$0x0]  }
0x5a: {  	_ =	sdelay $0x3  }
0x5b: {  	v6 =	vshra.s32 v5, $0x7  }
0x5c: {  	vm0 =	veq.s32 v6, v0  }
0x5d: {  	v6 =	vmpcnt.ones.xlane vm0;
	_ =	sdelay $0x1  }
0x5e: {  	(v2sf) =	vpush v6, $0x0;
	_ =	sdelay $0x6  }
0x5f: {  	s15 =	spop (v2sf)  }
0x60: {  	v6 =	vor.u32 s13, v2;
	s20 =	sadd.s32 s14, s15  }
0x61: {  	[tilespmem:s20+$0x2000] =	vst.msk vm0, v6  }
0x62: {  	[tilespmem:s20+$0x2400] =	vst.msk vm0, v5  }
0x63: {  	s21 =	rddreg [dreg:$0x9];
	[tilespmem:s20+$0x2800] =	vst.msk vm0, v4  }
0x64: {  	[tilespmem:s3], [sflag:$0x1] =	stream.linear.gather [hbm4b:s21+s3], $0x800, $0x38;
	[tilespmem:$0x13000] =	vst v63  }
0x65: {  	s23 =	rddreg [dreg:$0xa]  }
0x66: {  	[tilespmem:s1], [sflag:$0x1] =	stream.linear.gather [hbm4b:s23+s3], $0x800, $0x38;
	[tilespmem:$0x13000] =	vst v63  }
0x67: {  	s22 =	spop (v2sf)  }
0x68: {  	_ =	swait.ge [sflag:s4], $0x800  }
0x69: {  	[sflag:s4] =	ssyncset.done $0x0  }
0x6a: {  	[sflag:s4] =	ssyncadd.s32 $0xFFFFF800  }
0x6b: {  	_ =	swait.ge [sflag:s4], $0x800  }
0x6c: {  	[sflag:s4] =	ssyncset.done $0x0  }
0x6d: {  	s24 =	simm.s32 $0x800;
	[sflag:s4] =	ssyncadd.s32 $0xFFFFF800  }
0x6e: {  	v4 =	vld [tilespmem:s24+$0x0];
	_ =	sdelay $0x4  }
0x6f: {  	v6 =	vshra.s32 v4, $0x7  }
0x70: {  	s16 =	simm.s32 $0x1800;
	s13 =	sadd.s32 s20, s22;
	vm15 =	veq.s32 v6, v0;
	v6 =	vor.u32 s24, v2  }
0x71: {  	v5 =	vld [tilespmem:s16+$0x0];
	[tilespmem:s13+$0x2000] =	vst.msk vm15, v6;
	v6 =	vmpcnt.ones.xlane vm15;
	_ =	sdelay $0x1  }
0x72: {  	(v2sf) =	vpush v6, $0x0;
	_ =	sdelay $0x3  }
0x73: {  	[tilespmem:s13+$0x2400] =	vst.msk vm15, v4  }
0x74: {  	s15 =	simm.s32 $0x1810;
	[tilespmem:s13+$0x2800] =	vst.msk vm15, v5  }
0x75: {  	s14 =	simm.s32 $0x810;
	v4 =	vld [tilespmem:s15+$0x0]  }
0x76: {  	s17 =	simm.s32 $0x810;
	s16 =	simm.s32 $0x820;
	v5 =	vld [tilespmem:s14+$0x0]  }
.LBB2_4:
0x77: {  	p0 =	sne.s32 s16, $0xFF0;
	_ =	sdelay $0x3  }
0x78: {  	v6 =	vshra.s32 v5, $0x7  }
0x79: {  	vm0 =	veq.s32 v6, v0  }
0x7a: {  	v6 =	vmpcnt.ones.xlane vm0  }
0x7b: {  	s18 =	spop (v2sf)  }
0x7c: {  	v7 =	vor.u32 s14, v2;
	s14 =	smov.u32 s16;
	(v2sf) =	vpush v6, $0x0;
	s13 =	sadd.s32 s13, s18  }
0x7d: {  	[tilespmem:s13+$0x2000] =	vst.msk vm0, v7  }
0x7e: {  	[tilespmem:s13+$0x2400] =	vst.msk vm0, v5  }
.Ltmp3:
0x7f: {  	s15 =	sadd.s32 $0x10, s15;
	[tilespmem:s13+$0x2800] =	vst.msk vm0, v4;
	(pc) =	sbr.rel @p0 .LBB2_4-.Ltmp3, $3  }
0x80: {  	v4 =	vld [tilespmem:s15+$0x0];
	_ =	sdelay $0x1  }
0x81: {  	s17 =	sadd.s32 $0x10, s17  }
0x82: {  	s16 =	sadd.s32 $0x10, s16;
	v5 =	vld [tilespmem:s17+$0x0]  }
0x83: {  	_ =	sdelay $0x3  }
0x84: {  	v6 =	vshra.s32 v5, $0x7  }
0x85: {  	vm0 =	veq.s32 v6, v0  }
0x86: {  	v6 =	vmpcnt.ones.xlane vm0;
	_ =	sdelay $0x1  }
0x87: {  	(v2sf) =	vpush v6, $0x0;
	_ =	sdelay $0x6  }
0x88: {  	s15 =	spop (v2sf)  }
0x89: {  	v6 =	vor.u32 s14, v2;
	s13 =	sadd.s32 s13, s15  }
0x8a: {  	[tilespmem:s13+$0x2000] =	vst.msk vm0, v6  }
0x8b: {  	[tilespmem:s13+$0x2400] =	vst.msk vm0, v5  }
0x8c: {  	s21 =	simm.s32 $0x0;
	s22 =	rddreg [dreg:$0xb];
	[tilespmem:s13+$0x2800] =	vst.msk vm0, v4  }
0x8d: {  	[tilespmem:s28], [sflag:$0x2] =	stream.linear.gather [hbm4b:s22+s21], $0x800, $0x38;
	[tilespmem:$0x13000] =	vst v63  }
0x8e: {  	s16 =	rddreg [dreg:$0xc]  }
0x8f: {  	[tilespmem:s29], [sflag:$0x2] =	stream.linear.gather [hbm4b:s16+s21], $0x800, $0x38;
	[tilespmem:$0x13000] =	vst v63  }
0x90: {  	s23 =	spop (v2sf)  }
0x91: {  	_ =	swait.ge [sflag:s0], $0x800  }
0x92: {  	[sflag:s0] =	ssyncset.done $0x0  }
0x93: {  	[sflag:s0] =	ssyncadd.s32 $0xFFFFF800  }
0x94: {  	_ =	swait.ge [sflag:s0], $0x800  }
0x95: {  	[sflag:s0] =	ssyncset.done $0x0  }
0x96: {  	[sflag:s0] =	ssyncadd.s32 $0xFFFFF800  }
0x97: {  	v4 =	vld [tilespmem:s21+$0x0];
	_ =	sdelay $0x4  }
0x98: {  	s24 =	simm.s32 $0x1000;
	v6 =	vshra.s32 v4, $0x7  }
0x99: {  	s13 =	sadd.s32 s13, s23;
	vm15 =	veq.s32 v6, v0;
	v6 =	vor.u32 s24, v2  }
0x9a: {  	v5 =	vld [tilespmem:s24+$0x0];
	[tilespmem:s13+$0x2000] =	vst.msk vm15, v6;
	v6 =	vmpcnt.ones.xlane vm15;
	_ =	sdelay $0x1  }
0x9b: {  	(v2sf) =	vpush v6, $0x0;
	_ =	sdelay $0x3  }
0x9c: {  	[tilespmem:s13+$0x2400] =	vst.msk vm15, v4  }
0x9d: {  	s14 =	simm.s32 $0x1010;
	[tilespmem:s13+$0x2800] =	vst.msk vm15, v5  }
0x9e: {  	s15 =	simm.s32 $0x10;
	v4 =	vld [tilespmem:s14+$0x0]  }
0x9f: {  	s17 =	simm.s32 $0x1010;
	s16 =	simm.s32 $0x1020;
	v5 =	vld [tilespmem:s15+$0x0]  }
.LBB2_6:
0xa0: {  	p0 =	sne.s32 s16, $0x17F0;
	_ =	sdelay $0x3  }
0xa1: {  	v6 =	vshra.s32 v5, $0x7  }
0xa2: {  	vm0 =	veq.s32 v6, v0  }
0xa3: {  	v6 =	vmpcnt.ones.xlane vm0  }
0xa4: {  	s18 =	spop (v2sf)  }
0xa5: {  	v7 =	vor.u32 s14, v2;
	s14 =	smov.u32 s16;
	(v2sf) =	vpush v6, $0x0;
	s13 =	sadd.s32 s13, s18  }
0xa6: {  	[tilespmem:s13+$0x2000] =	vst.msk vm0, v7  }
0xa7: {  	[tilespmem:s13+$0x2400] =	vst.msk vm0, v5  }
.Ltmp4:
0xa8: {  	s17 =	sadd.s32 $0x10, s17;
	[tilespmem:s13+$0x2800] =	vst.msk vm0, v4;
	(pc) =	sbr.rel @p0 .LBB2_6-.Ltmp4, $3  }
0xa9: {  	v4 =	vld [tilespmem:s17+$0x0];
	_ =	sdelay $0x1  }
0xaa: {  	s15 =	sadd.s32 $0x10, s15  }
0xab: {  	s16 =	sadd.s32 $0x10, s16;
	v5 =	vld [tilespmem:s15+$0x0]  }
0xac: {  	_ =	sdelay $0x3  }
0xad: {  	v6 =	vshra.s32 v5, $0x7  }
0xae: {  	vm0 =	veq.s32 v6, v0  }
0xaf: {  	v6 =	vmpcnt.ones.xlane vm0;
	_ =	sdelay $0x1  }
0xb0: {  	(v2sf) =	vpush v6, $0x0;
	_ =	sdelay $0x6  }
0xb1: {  	s15 =	spop (v2sf)  }
0xb2: {  	v6 =	vor.u32 s14, v2;
	s13 =	sadd.s32 s13, s15  }
0xb3: {  	[tilespmem:s13+$0x2000] =	vst.msk vm0, v6  }
0xb4: {  	[tilespmem:s13+$0x2400] =	vst.msk vm0, v5  }
0xb5: {  	s20 =	rddreg [dreg:$0xd];
	[tilespmem:s13+$0x2800] =	vst.msk vm0, v4  }
0xb6: {  	[tilespmem:s3], [sflag:$0x1] =	stream.linear.gather [hbm4b:s20+s3], $0x800, $0x38;
	[tilespmem:$0x13000] =	vst v63  }
0xb7: {  	s22 =	rddreg [dreg:$0xe]  }
0xb8: {  	[tilespmem:s1], [sflag:$0x1] =	stream.linear.gather [hbm4b:s22+s3], $0x800, $0x38;
	[tilespmem:$0x13000] =	vst v63  }
0xb9: {  	s21 =	spop (v2sf)  }
0xba: {  	_ =	swait.ge [sflag:s4], $0x800  }
0xbb: {  	[sflag:s4] =	ssyncset.done $0x0  }
0xbc: {  	[sflag:s4] =	ssyncadd.s32 $0xFFFFF800  }
0xbd: {  	_ =	swait.ge [sflag:s4], $0x800  }
0xbe: {  	[sflag:s4] =	ssyncset.done $0x0  }
0xbf: {  	s23 =	simm.s32 $0x800;
	[sflag:s4] =	ssyncadd.s32 $0xFFFFF800  }
0xc0: {  	v4 =	vld [tilespmem:s23+$0x0];
	_ =	sdelay $0x4  }
0xc1: {  	s24 =	simm.s32 $0x1800;
	v6 =	vshra.s32 v4, $0x7  }
0xc2: {  	s13 =	sadd.s32 s13, s21;
	vm15 =	veq.s32 v6, v0;
	v6 =	vor.u32 s24, v2  }
0xc3: {  	v5 =	vld [tilespmem:s24+$0x0];
	[tilespmem:s13+$0x2000] =	vst.msk vm15, v6;
	v6 =	vmpcnt.ones.xlane vm15;
	_ =	sdelay $0x1  }
0xc4: {  	(v2sf) =	vpush v6, $0x0;
	_ =	sdelay $0x3  }
0xc5: {  	[tilespmem:s13+$0x2400] =	vst.msk vm15, v4  }
0xc6: {  	s14 =	simm.s32 $0x1810;
	[tilespmem:s13+$0x2800] =	vst.msk vm15, v5  }
0xc7: {  	s15 =	simm.s32 $0x810;
	v4 =	vld [tilespmem:s14+$0x0]  }
0xc8: {  	s16 =	simm.s32 $0x1820;
	s17 =	simm.s32 $0x1810;
	v5 =	vld [tilespmem:s15+$0x0]  }
.LBB2_8:
0xc9: {  	p0 =	sne.s32 s16, $0x1FF0;
	_ =	sdelay $0x3  }
0xca: {  	v6 =	vshra.s32 v5, $0x7  }
0xcb: {  	vm0 =	veq.s32 v6, v0  }
0xcc: {  	v6 =	vmpcnt.ones.xlane vm0  }
0xcd: {  	s18 =	spop (v2sf)  }
0xce: {  	v7 =	vor.u32 s14, v2;
	s14 =	smov.u32 s16;
	(v2sf) =	vpush v6, $0x0;
	s13 =	sadd.s32 s13, s18  }
0xcf: {  	[tilespmem:s13+$0x2000] =	vst.msk vm0, v7  }
0xd0: {  	[tilespmem:s13+$0x2400] =	vst.msk vm0, v5  }
.Ltmp5:
0xd1: {  	s17 =	sadd.s32 $0x10, s17;
	[tilespmem:s13+$0x2800] =	vst.msk vm0, v4;
	(pc) =	sbr.rel @p0 .LBB2_8-.Ltmp5, $3  }
0xd2: {  	v4 =	vld [tilespmem:s17+$0x0];
	_ =	sdelay $0x1  }
0xd3: {  	s15 =	sadd.s32 $0x10, s15  }
0xd4: {  	s16 =	sadd.s32 $0x10, s16;
	v5 =	vld [tilespmem:s15+$0x0]  }
0xd5: {  	_ =	sdelay $0x3  }
0xd6: {  	v6 =	vshra.s32 v5, $0x7  }
0xd7: {  	vm0 =	veq.s32 v6, v0  }
0xd8: {  	v6 =	vmpcnt.ones.xlane vm0;
	_ =	sdelay $0x1  }
0xd9: {  	(v2sf) =	vpush v6, $0x0;
	_ =	sdelay $0x6  }
0xda: {  	s15 =	spop (v2sf)  }
0xdb: {  	v6 =	vor.u32 s14, v2;
	s13 =	sadd.s32 s13, s15  }
0xdc: {  	[tilespmem:s13+$0x2000] =	vst.msk vm0, v6  }
0xdd: {  	[tilespmem:s13+$0x2400] =	vst.msk vm0, v5  }
0xde: {  	s20 =	simm.s32 $0x0;
	s21 =	rddreg [dreg:$0xf];
	[tilespmem:s13+$0x2800] =	vst.msk vm0, v4  }
0xdf: {  	[tilespmem:s28], [sflag:$0x2] =	stream.linear.gather [hbm4b:s21+s20], $0x800, $0x38;
	[tilespmem:$0x13000] =	vst v63  }
0xe0: {  	s16 =	rddreg [dreg:$0x10]  }
0xe1: {  	[tilespmem:s29], [sflag:$0x2] =	stream.linear.gather [hbm4b:s16+s20], $0x800, $0x38;
	[tilespmem:$0x13000] =	vst v63  }
0xe2: {  	s22 =	spop (v2sf)  }
0xe3: {  	_ =	swait.ge [sflag:s0], $0x800  }
0xe4: {  	[sflag:s0] =	ssyncset.done $0x0  }
0xe5: {  	[sflag:s0] =	ssyncadd.s32 $0xFFFFF800  }
0xe6: {  	_ =	swait.ge [sflag:s0], $0x800  }
0xe7: {  	[sflag:s0] =	ssyncset.done $0x0  }
0xe8: {  	[sflag:s0] =	ssyncadd.s32 $0xFFFFF800  }
0xe9: {  	v4 =	vld [tilespmem:s20+$0x0];
	_ =	sdelay $0x4  }
0xea: {  	s24 =	simm.s32 $0x2000;
	v6 =	vshra.s32 v4, $0x7  }
0xeb: {  	s23 =	simm.s32 $0x1000;
	s13 =	sadd.s32 s13, s22;
	vm15 =	veq.s32 v6, v0;
	v6 =	vor.u32 s24, v2  }
0xec: {  	v5 =	vld [tilespmem:s23+$0x0];
	[tilespmem:s13+$0x2000] =	vst.msk vm15, v6;
	v6 =	vmpcnt.ones.xlane vm15;
	_ =	sdelay $0x1  }
0xed: {  	(v2sf) =	vpush v6, $0x0;
	_ =	sdelay $0x3  }
0xee: {  	[tilespmem:s13+$0x2400] =	vst.msk vm15, v4  }
0xef: {  	s15 =	simm.s32 $0x1010;
	[tilespmem:s13+$0x2800] =	vst.msk vm15, v5  }
0xf0: {  	s16 =	simm.s32 $0x10;
	v4 =	vld [tilespmem:s15+$0x0]  }
0xf1: {  	s17 =	simm.s32 $0x2020;
	s14 =	simm.s32 $0x2010;
	v5 =	vld [tilespmem:s16+$0x0]  }
.LBB2_10:
0xf2: {  	p0 =	sne.s32 s17, $0x27F0;
	_ =	sdelay $0x3  }
0xf3: {  	v6 =	vshra.s32 v5, $0x7  }
0xf4: {  	vm0 =	veq.s32 v6, v0  }
0xf5: {  	v6 =	vmpcnt.ones.xlane vm0  }
0xf6: {  	s18 =	spop (v2sf)  }
0xf7: {  	v7 =	vor.u32 s14, v2;
	s14 =	smov.u32 s17;
	(v2sf) =	vpush v6, $0x0;
	s13 =	sadd.s32 s13, s18  }
0xf8: {  	[tilespmem:s13+$0x2000] =	vst.msk vm0, v7  }
0xf9: {  	[tilespmem:s13+$0x2400] =	vst.msk vm0, v5  }
.Ltmp6:
0xfa: {  	s15 =	sadd.s32 $0x10, s15;
	[tilespmem:s13+$0x2800] =	vst.msk vm0, v4;
	(pc) =	sbr.rel @p0 .LBB2_10-.Ltmp6, $3  }
0xfb: {  	v4 =	vld [tilespmem:s15+$0x0];
	_ =	sdelay $0x1  }
0xfc: {  	s16 =	sadd.s32 $0x10, s16  }
0xfd: {  	s17 =	sadd.s32 $0x10, s17;
	v5 =	vld [tilespmem:s16+$0x0]  }
0xfe: {  	_ =	sdelay $0x3  }
0xff: {  	v6 =	vshra.s32 v5, $0x7  }
0x100: {  	vm0 =	veq.s32 v6, v0  }
0x101: {  	v6 =	vmpcnt.ones.xlane vm0;
	_ =	sdelay $0x1  }
0x102: {  	(v2sf) =	vpush v6, $0x0;
	_ =	sdelay $0x6  }
0x103: {  	s15 =	spop (v2sf)  }
0x104: {  	v6 =	vor.u32 s14, v2;
	s13 =	sadd.s32 s13, s15  }
0x105: {  	[tilespmem:s13+$0x2000] =	vst.msk vm0, v6  }
0x106: {  	[tilespmem:s13+$0x2400] =	vst.msk vm0, v5  }
0x107: {  	s19 =	rddreg [dreg:$0x11];
	[tilespmem:s13+$0x2800] =	vst.msk vm0, v4  }
0x108: {  	[tilespmem:s3], [sflag:$0x1] =	stream.linear.gather [hbm4b:s19+s3], $0x800, $0x38;
	[tilespmem:$0x13000] =	vst v63  }
0x109: {  	s21 =	rddreg [dreg:$0x12]  }
0x10a: {  	[tilespmem:s1], [sflag:$0x1] =	stream.linear.gather [hbm4b:s21+s3], $0x800, $0x38;
	[tilespmem:$0x13000] =	vst v63  }
0x10b: {  	s20 =	spop (v2sf)  }
0x10c: {  	_ =	swait.ge [sflag:s4], $0x800  }
0x10d: {  	[sflag:s4] =	ssyncset.done $0x0  }
0x10e: {  	[sflag:s4] =	ssyncadd.s32 $0xFFFFF800  }
0x10f: {  	_ =	swait.ge [sflag:s4], $0x800  }
0x110: {  	[sflag:s4] =	ssyncset.done $0x0  }
0x111: {  	s22 =	simm.s32 $0x800;
	[sflag:s4] =	ssyncadd.s32 $0xFFFFF800  }
0x112: {  	v4 =	vld [tilespmem:s22+$0x0];
	_ =	sdelay $0x4  }
0x113: {  	s24 =	simm.s32 $0x2800;
	v6 =	vshra.s32 v4, $0x7  }
0x114: {  	s23 =	simm.s32 $0x1800;
	s13 =	sadd.s32 s13, s20;
	vm15 =	veq.s32 v6, v0;
	v6 =	vor.u32 s24, v2  }
0x115: {  	v5 =	vld [tilespmem:s23+$0x0];
	[tilespmem:s13+$0x2000] =	vst.msk vm15, v6;
	v6 =	vmpcnt.ones.xlane vm15;
	_ =	sdelay $0x1  }
0x116: {  	(v2sf) =	vpush v6, $0x0;
	_ =	sdelay $0x3  }
0x117: {  	[tilespmem:s13+$0x2400] =	vst.msk vm15, v4  }
0x118: {  	s15 =	simm.s32 $0x1810;
	[tilespmem:s13+$0x2800] =	vst.msk vm15, v5  }
0x119: {  	s16 =	simm.s32 $0x810;
	v4 =	vld [tilespmem:s15+$0x0]  }
0x11a: {  	s17 =	simm.s32 $0x2820;
	s14 =	simm.s32 $0x2810;
	v5 =	vld [tilespmem:s16+$0x0]  }
.LBB2_12:
0x11b: {  	p0 =	sne.s32 s17, $0x2FF0;
	_ =	sdelay $0x3  }
0x11c: {  	v6 =	vshra.s32 v5, $0x7  }
0x11d: {  	vm0 =	veq.s32 v6, v0  }
0x11e: {  	v6 =	vmpcnt.ones.xlane vm0  }
0x11f: {  	s18 =	spop (v2sf)  }
0x120: {  	v7 =	vor.u32 s14, v2;
	s14 =	smov.u32 s17;
	(v2sf) =	vpush v6, $0x0;
	s13 =	sadd.s32 s13, s18  }
0x121: {  	[tilespmem:s13+$0x2000] =	vst.msk vm0, v7  }
0x122: {  	[tilespmem:s13+$0x2400] =	vst.msk vm0, v5  }
.Ltmp7:
0x123: {  	s15 =	sadd.s32 $0x10, s15;
	[tilespmem:s13+$0x2800] =	vst.msk vm0, v4;
	(pc) =	sbr.rel @p0 .LBB2_12-.Ltmp7, $3  }
0x124: {  	v4 =	vld [tilespmem:s15+$0x0];
	_ =	sdelay $0x1  }
0x125: {  	s16 =	sadd.s32 $0x10, s16  }
0x126: {  	s17 =	sadd.s32 $0x10, s17;
	v5 =	vld [tilespmem:s16+$0x0]  }
0x127: {  	_ =	sdelay $0x3  }
0x128: {  	v6 =	vshra.s32 v5, $0x7  }
0x129: {  	vm0 =	veq.s32 v6, v0  }
0x12a: {  	v6 =	vmpcnt.ones.xlane vm0;
	_ =	sdelay $0x1  }
0x12b: {  	(v2sf) =	vpush v6, $0x0;
	_ =	sdelay $0x6  }
0x12c: {  	s15 =	spop (v2sf)  }
0x12d: {  	v6 =	vor.u32 s14, v2;
	s13 =	sadd.s32 s13, s15  }
0x12e: {  	[tilespmem:s13+$0x2000] =	vst.msk vm0, v6  }
0x12f: {  	[tilespmem:s13+$0x2400] =	vst.msk vm0, v5  }
0x130: {  	s20 =	simm.s32 $0x0;
	s21 =	rddreg [dreg:$0x13];
	[tilespmem:s13+$0x2800] =	vst.msk vm0, v4  }
0x131: {  	[tilespmem:s28], [sflag:$0x2] =	stream.linear.gather [hbm4b:s21+s20], $0x800, $0x38;
	[tilespmem:$0x13000] =	vst v63  }
0x132: {  	s16 =	rddreg [dreg:$0x14]  }
0x133: {  	[tilespmem:s29], [sflag:$0x2] =	stream.linear.gather [hbm4b:s16+s20], $0x800, $0x38;
	[tilespmem:$0x13000] =	vst v63  }
0x134: {  	s22 =	spop (v2sf)  }
0x135: {  	_ =	swait.ge [sflag:s0], $0x800  }
0x136: {  	[sflag:s0] =	ssyncset.done $0x0  }
0x137: {  	[sflag:s0] =	ssyncadd.s32 $0xFFFFF800  }
0x138: {  	_ =	swait.ge [sflag:s0], $0x800  }
0x139: {  	[sflag:s0] =	ssyncset.done $0x0  }
0x13a: {  	[sflag:s0] =	ssyncadd.s32 $0xFFFFF800  }
0x13b: {  	v4 =	vld [tilespmem:s20+$0x0];
	_ =	sdelay $0x4  }
0x13c: {  	s24 =	simm.s32 $0x3000;
	v6 =	vshra.s32 v4, $0x7  }
0x13d: {  	s23 =	simm.s32 $0x1000;
	s13 =	sadd.s32 s13, s22;
	vm15 =	veq.s32 v6, v0;
	v6 =	vor.u32 s24, v2  }
0x13e: {  	v5 =	vld [tilespmem:s23+$0x0];
	[tilespmem:s13+$0x2000] =	vst.msk vm15, v6;
	v6 =	vmpcnt.ones.xlane vm15;
	_ =	sdelay $0x1  }
0x13f: {  	(v2sf) =	vpush v6, $0x0;
	_ =	sdelay $0x3  }
0x140: {  	[tilespmem:s13+$0x2400] =	vst.msk vm15, v4  }
0x141: {  	s15 =	simm.s32 $0x1010;
	[tilespmem:s13+$0x2800] =	vst.msk vm15, v5  }
0x142: {  	s16 =	simm.s32 $0x10;
	v4 =	vld [tilespmem:s15+$0x0]  }
0x143: {  	s17 =	simm.s32 $0x3020;
	s14 =	simm.s32 $0x3010;
	v5 =	vld [tilespmem:s16+$0x0]  }
.LBB2_14:
0x144: {  	p0 =	sne.s32 s17, $0x37F0;
	_ =	sdelay $0x3  }
0x145: {  	v6 =	vshra.s32 v5, $0x7  }
0x146: {  	vm0 =	veq.s32 v6, v0  }
0x147: {  	v6 =	vmpcnt.ones.xlane vm0  }
0x148: {  	s18 =	spop (v2sf)  }
0x149: {  	v7 =	vor.u32 s14, v2;
	s14 =	smov.u32 s17;
	(v2sf) =	vpush v6, $0x0;
	s13 =	sadd.s32 s13, s18  }
0x14a: {  	[tilespmem:s13+$0x2000] =	vst.msk vm0, v7  }
0x14b: {  	[tilespmem:s13+$0x2400] =	vst.msk vm0, v5  }
.Ltmp8:
0x14c: {  	s15 =	sadd.s32 $0x10, s15;
	[tilespmem:s13+$0x2800] =	vst.msk vm0, v4;
	(pc) =	sbr.rel @p0 .LBB2_14-.Ltmp8, $3  }
0x14d: {  	v4 =	vld [tilespmem:s15+$0x0];
	_ =	sdelay $0x1  }
0x14e: {  	s16 =	sadd.s32 $0x10, s16  }
0x14f: {  	s17 =	sadd.s32 $0x10, s17;
	v5 =	vld [tilespmem:s16+$0x0]  }
0x150: {  	_ =	sdelay $0x3  }
0x151: {  	v6 =	vshra.s32 v5, $0x7  }
0x152: {  	vm0 =	veq.s32 v6, v0  }
0x153: {  	v6 =	vmpcnt.ones.xlane vm0;
	_ =	sdelay $0x1  }
0x154: {  	(v2sf) =	vpush v6, $0x0;
	_ =	sdelay $0xa  }
0x155: {  	s15 =	spop (v2sf)  }
0x156: {  	v6 =	vor.u32 s14, v2;
	s13 =	sadd.s32 s13, s15  }
0x157: {  	[tilespmem:s13+$0x2000] =	vst.msk vm0, v6  }
0x158: {  	[tilespmem:s13+$0x2400] =	vst.msk vm0, v5  }
0x159: {  	[tilespmem:s13+$0x2800] =	vst.msk vm0, v4;
	s21 =	spop (v2sf)  }
0x15a: {  	_ =	swait.ge [sflag:s4], $0x800  }
0x15b: {  	[sflag:s4] =	ssyncset.done $0x0  }
0x15c: {  	[sflag:s4] =	ssyncadd.s32 $0xFFFFF800  }
0x15d: {  	_ =	swait.ge [sflag:s4], $0x800  }
0x15e: {  	[sflag:s4] =	ssyncset.done $0x0  }
0x15f: {  	s22 =	simm.s32 $0x800;
	[sflag:s4] =	ssyncadd.s32 $0xFFFFF800  }
0x160: {  	v4 =	vld [tilespmem:s22+$0x0];
	_ =	sdelay $0x4  }
0x161: {  	s24 =	simm.s32 $0x3800;
	v6 =	vshra.s32 v4, $0x7  }
0x162: {  	s23 =	simm.s32 $0x1800;
	s13 =	sadd.s32 s13, s21;
	vm15 =	veq.s32 v6, v0;
	v6 =	vor.u32 s24, v2  }
0x163: {  	v5 =	vld [tilespmem:s23+$0x0];
	[tilespmem:s13+$0x2000] =	vst.msk vm15, v6;
	v6 =	vmpcnt.ones.xlane vm15;
	_ =	sdelay $0x1  }
0x164: {  	(v2sf) =	vpush v6, $0x0;
	_ =	sdelay $0x3  }
0x165: {  	[tilespmem:s13+$0x2400] =	vst.msk vm15, v4  }
0x166: {  	s15 =	simm.s32 $0x1810;
	[tilespmem:s13+$0x2800] =	vst.msk vm15, v5  }
0x167: {  	s16 =	simm.s32 $0x810;
	v4 =	vld [tilespmem:s15+$0x0]  }
0x168: {  	s17 =	simm.s32 $0x3820;
	s14 =	simm.s32 $0x3810;
	v5 =	vld [tilespmem:s16+$0x0]  }
.LBB2_16:
0x169: {  	p0 =	sne.s32 s17, $0x3FF0;
	_ =	sdelay $0x3  }
0x16a: {  	v6 =	vshra.s32 v5, $0x7  }
0x16b: {  	vm0 =	veq.s32 v6, v0  }
0x16c: {  	v6 =	vmpcnt.ones.xlane vm0  }
0x16d: {  	s18 =	spop (v2sf)  }
0x16e: {  	v7 =	vor.u32 s14, v2;
	s14 =	smov.u32 s17;
	(v2sf) =	vpush v6, $0x0;
	s13 =	sadd.s32 s13, s18  }
0x16f: {  	[tilespmem:s13+$0x2000] =	vst.msk vm0, v7  }
0x170: {  	[tilespmem:s13+$0x2400] =	vst.msk vm0, v5  }
.Ltmp9:
0x171: {  	s15 =	sadd.s32 $0x10, s15;
	[tilespmem:s13+$0x2800] =	vst.msk vm0, v4;
	(pc) =	sbr.rel @p0 .LBB2_16-.Ltmp9, $3  }
0x172: {  	v4 =	vld [tilespmem:s15+$0x0];
	_ =	sdelay $0x1  }
0x173: {  	s16 =	sadd.s32 $0x10, s16  }
0x174: {  	s17 =	sadd.s32 $0x10, s17;
	v5 =	vld [tilespmem:s16+$0x0]  }
0x175: {  	_ =	sdelay $0x3  }
0x176: {  	v6 =	vshra.s32 v5, $0x7  }
0x177: {  	vm0 =	veq.s32 v6, v0  }
0x178: {  	v6 =	vmpcnt.ones.xlane vm0;
	_ =	sdelay $0x1  }
0x179: {  	(v2sf) =	vpush v6, $0x0;
	_ =	sdelay $0xd  }
0x17a: {  	s15 =	spop (v2sf)  }
0x17b: {  	s15 =	sadd.s32 s13, s15;
	s24 =	spop (v2sf)  }
0x17c: {  	s16 =	sadd.s32 s15, s24  }
0x17d: {  	s13 =	sadd.s32 $0xF, s16  }
0x17e: {  	s13 =	sshra.s32 s13, $0x4  }
0x17f: {  	p0 =	slt.s32 s13, $0x1  }
.Ltmp10:
0x180: {  	_ = 	snop;
	(pc) =	sbr.rel @p0 .LBB2_24-.Ltmp10, $4  }
0x181: {  	v6 =	vor.u32 s14, v2  }
0x182: {  	[tilespmem:s15+$0x2000] =	vst.msk vm0, v6  }
0x183: {  	[tilespmem:s15+$0x2400] =	vst.msk vm0, v5  }
0x184: {  	[tilespmem:s15+$0x2800] =	vst.msk vm0, v4;
	v4 =	vmov s16  }
0x185: {  	p2 =	sne.s32 s13, $0x1  }
.Ltmp11:
0x186: {  	_ = 	snop;
	(pc) =	sbr.rel @!p2 .LBB2_19-.Ltmp11, $3  }
0x187: {  	_ =	sdelay $0x1  }
0x188: {  	s15 =	simm.s32 $0x2400  }
0x189: {  	s14 =	simm.s32 $0x0;
	p1 =	por $0x0, $0x0;
	v5 =	vld [tilespmem:s15+$0x0];
	s15 =	sadd.s32 $0xFFFFFFFF, s13  }
0x18a: {  	_ =	sdelay $0x1  }
0x18b: {  	v6 =	vor.u32 s14, v2  }
0x18c: {  	vm0 =	vlt.s32 v6, v4  }
0x18d: {  	v5 =	vand.u32 $0x7F, v5  }
0x18e: {  	p2 =	sne.s32 s15, $0x1  }
.Ltmp12:
0x18f: {  	_ = 	snop;
	(pc) =	sbr.rel @!p2 .LBB2_21-.Ltmp12, $3  }
0x190: {  	_ =	sdelay $0x1  }
0x191: {  	s16 =	simm.s32 $0x2410;
	[tilespmem:v5+s5+$0x0] =	vst.idx.add.s32.msk vm0, v3  }
0x192: {  	s17 =	sadd.s32 $0xFFFFFFFF, s15;
	p1 =	por $0x1, $0x1;
	s15 =	simm.s32 $0x0;
	v5 =	vld [tilespmem:s16+$0x0]  }
.LBB2_22:
0x193: {  	p2 =	sne.s32 s17, $0x1  }
0x194: {  	s15 =	sadd.s32 $0x10, s15  }
0x195: {  	v6 =	vor.u32 s15, v2  }
0x196: {  	vm0 =	vlt.s32 v6, v4  }
0x197: {  	v5 =	vand.u32 $0x7F, v5;
	_ =	sdelay $0x1  }
.Ltmp13:
0x198: {  	(pc) =	sbr.rel @p2 .LBB2_22-.Ltmp13, $3  }
0x199: {  	_ =	sdelay $0x1  }
0x19a: {  	s16 =	sadd.s32 $0x10, s16;
	[tilespmem:v5+s5+$0x0] =	vst.idx.add.s32.msk vm0, v3  }
0x19b: {  	s17 =	sadd.s32 $0xFFFFFFFF, s17;
	v5 =	vld [tilespmem:s16+$0x0]  }
.LBB2_23:
0x19c: {  	s15 =	sadd.s32 @p1 $0x10, s15  }
0x19d: {  	s14 =	smov.u32 @p1 s15  }
0x19e: {  	v6 =	vor.u32 s14, v2  }
0x19f: {  	vm0 =	vlt.s32 v6, v4  }
0x1a0: {  	v5 =	vand.u32 $0x7F, v5;
	_ =	sdelay $0x4  }
0x1a1: {  	[tilespmem:v5+s5+$0x0] =	vst.idx.add.s32.msk vm0, v3  }
.LBB2_24:
0x1a2: {  	s14 =	simm.s32 $0x0;
	v5 =	vimm.f32 $0.0e+00  }
.LBB2_25:
.Ltmp14:
0x1a3: {  	(pc) =	sbr.rel @p0 .LBB2_109-.Ltmp14, $4  }
0x1a4: {  	_ = 	snop  }
0x1a5: {  	_ =	swait.ge [sflag:s6], $0x8000  }
0x1a6: {  	[sflag:s6] =	ssyncset.done $0x0  }
0x1a7: {  	s15 =	sshll.u32 s14, $0x1;
	[sflag:s6] =	ssyncadd.s32 $0xFFFF8000  }
0x1a8: {  	p2 =	sne.s32 s13, $0x1  }
.Ltmp15:
0x1a9: {  	_ = 	snop;
	(pc) =	sbr.rel @!p2 .LBB2_27-.Ltmp15, $4  }
0x1aa: {  	_ = 	snop  }
0x1ab: {  	s17 =	simm.s32 $0x2800  }
0x1ac: {  	s19 =	simm.s32 $0x2400;
	s16 =	simm.s32 $0x2000;
	v6 =	vld [tilespmem:s17+$0x0]  }
0x1ad: {  	v7 =	vmov s15;
	s18 =	simm.s32 $0x0;
	p1 =	por $0x0, $0x0;
	v8 =	vld [tilespmem:s19+$0x0];
	s17 =	sadd.s32 $0xFFFFFFFF, s13  }
0x1ae: {  	_ =	sdelay $0x2  }
0x1af: {  	v9 =	vld [tilespmem:s16+$0x0]  }
0x1b0: {  	v10 =	vshrl.u32 v8, $0x3  }
0x1b1: {  	v11 =	vor.u32 s18, v2;
	v10 =	vand.u32 $0xF, v10  }
0x1b2: {  	vm0 =	vlt.s32 v11, v4;
	vm1 =	veq.s32 v10, v7  }
0x1b3: {  	vm0 =	vmand vm0, vm1  }
0x1b4: {  	[tilespmem:s18+$0x2C00] =	vst.msk vm0, v9  }
0x1b5: {  	[tilespmem:s18+$0x2D00] =	vst.msk vm0, v8;
	v8 =	vmpcnt.ones.xlane vm0;
	_ =	sdelay $0x1  }
0x1b6: {  	p2 =	sne.s32 s17, $0x1;
	(v2sf) =	vpush v8, $0x0  }
.Ltmp16:
0x1b7: {  	_ = 	snop;
	(pc) =	sbr.rel @!p2 .LBB2_29-.Ltmp16, $4  }
0x1b8: {  	_ = 	snop  }
0x1b9: {  	s20 =	simm.s32 $0x2810;
	[tilespmem:s18+$0x2E00] =	vst.msk vm0, v6  }
0x1ba: {  	s21 =	simm.s32 $0x2410;
	s22 =	sadd.s32 $0xFFFFFFFF, s17;
	s16 =	simm.s32 $0x2010;
	v6 =	vld [tilespmem:s20+$0x0]  }
0x1bb: {  	p1 =	por $0x1, $0x1;
	s19 =	simm.s32 $0x0;
	s17 =	simm.s32 $0x0;
	v8 =	vld [tilespmem:s21+$0x0]  }
.LBB2_30:
0x1bc: {  	p2 =	sne.s32 s22, $0x1;
	v9 =	vld [tilespmem:s16+$0x0];
	_ =	sdelay $0x3  }
0x1bd: {  	s19 =	sadd.s32 $0x10, s19;
	v10 =	vshrl.u32 v8, $0x3  }
0x1be: {  	v11 =	vor.u32 s19, v2;
	v10 =	vand.u32 $0xF, v10  }
0x1bf: {  	vm0 =	vlt.s32 v11, v4;
	vm1 =	veq.s32 v10, v7  }
0x1c0: {  	vm0 =	vmand vm0, vm1  }
0x1c1: {  	v10 =	vmpcnt.ones.xlane vm0  }
0x1c2: {  	s23 =	spop (v2sf)  }
0x1c3: {  	(v2sf) =	vpush v10, $0x0;
	s17 =	sadd.s32 s17, s23  }
.Ltmp17:
0x1c4: {  	[tilespmem:s17+$0x2C00] =	vst.msk vm0, v9;
	(pc) =	sbr.rel @p2 .LBB2_30-.Ltmp17, $4  }
0x1c5: {  	[tilespmem:s17+$0x2D00] =	vst.msk vm0, v8  }
0x1c6: {  	s20 =	sadd.s32 $0x10, s20;
	[tilespmem:s17+$0x2E00] =	vst.msk vm0, v6  }
0x1c7: {  	s21 =	sadd.s32 $0x10, s21;
	v6 =	vld [tilespmem:s20+$0x0]  }
0x1c8: {  	s22 =	sadd.s32 $0xFFFFFFFF, s22;
	s16 =	sadd.s32 $0x10, s16;
	v8 =	vld [tilespmem:s21+$0x0]  }
.LBB2_31:
0x1c9: {  	_ =	sdelay $0x2  }
0x1ca: {  	s19 =	sadd.s32 @p1 $0x10, s19;
	s20 =	simm.s32 $0x0  }
0x1cb: {  	s20 =	smov.u32 @p1 s19;
	v9 =	vshrl.u32 v8, $0x3  }
0x1cc: {  	v10 =	vor.u32 s20, v2;
	v9 =	vand.u32 $0xF, v9  }
0x1cd: {  	vm0 =	vlt.s32 v10, v4;
	vm1 =	veq.s32 v9, v7  }
0x1ce: {  	vm0 =	vmand vm0, vm1  }
0x1cf: {  	v7 =	vmpcnt.ones.xlane vm0;
	_ =	sdelay $0x1  }
0x1d0: {  	(v2sf) =	vpush v7, $0x0;
	_ =	sdelay $0xc  }
0x1d1: {  	s19 =	spop @p1 (v2sf)  }
0x1d2: {  	v7 =	vld [tilespmem:s16+$0x0];
	s16 =	sadd.s32 @p1 s17, s19  }
0x1d3: {  	s18 =	smov.u32 @p1 s16;
	s23 =	spop (v2sf)  }
0x1d4: {  	s16 =	sadd.s32 s18, s23  }
0x1d5: {  	s24 =	sadd.s32 $0xF, s16  }
0x1d6: {  	s17 =	sshra.s32 s24, $0x4  }
0x1d7: {  	p1 =	slt.s32 s17, $0x1  }
.Ltmp18:
0x1d8: {  	_ = 	snop;
	(pc) =	sbr.rel @p1 .LBB2_105-.Ltmp18, $4  }
0x1d9: {  	_ = 	snop  }
0x1da: {  	[tilespmem:s18+$0x2C00] =	vst.msk vm0, v7  }
0x1db: {  	[tilespmem:s18+$0x2D00] =	vst.msk vm0, v8  }
0x1dc: {  	[tilespmem:s18+$0x2E00] =	vst.msk vm0, v6  }
0x1dd: {  	p3 =	seq.s32 s17, $0x1  }
.Ltmp19:
0x1de: {  	_ = 	snop;
	(pc) =	sbr.rel @p3 .LBB2_33-.Ltmp19, $4  }
0x1df: {  	_ = 	snop  }
0x1e0: {  	s19 =	simm.s32 $0x2E00  }
0x1e1: {  	s20 =	simm.s32 $0x2D00;
	s18 =	simm.s32 $0x0;
	p1 =	por $0x0, $0x0;
	v9 =	vld [tilespmem:s19+$0x0]  }
0x1e2: {  	v6 =	vmov s16;
	p2 =	por $0x0, $0x0;
	s19 =	sadd.s32 $0xFFFFFFFF, s17;
	v8 =	vld [tilespmem:s20+$0x0];
	s20 =	simm.s32 $0x2E10  }
0x1e3: {  	_ =	sdelay $0x1  }
0x1e4: {  	p3 =	seq.s32 s19, $0x1  }
.Ltmp20:
0x1e5: {  	_ = 	snop;
	(pc) =	sbr.rel @p3 .LBB2_35-.Ltmp20, $4  }
0x1e6: {  	v7 =	vshll.u32 v8, $0x7  }
0x1e7: {  	v8 =	vand.u32 $0x7F, v9;
	v9 =	vshll.u32 v9, $0x3;
	v7 =	vand.u32 $0x380, v7  }
0x1e8: {  	v10 =	vld [tilespmem:s20+$0x0];
	s24 =	simm.s32 $0x2D10;
	v9 =	vand.u32 $0x7C00, v9;
	v7 =	vor.u32 v7, v8  }
0x1e9: {  	s19 =	sadd.s32 $0xFFFFFFFF, s19;
	s20 =	simm.s32 $0x2E20;
	p1 =	por $0x1, $0x1;
	v8 =	vld [tilespmem:s24+$0x0];
	v7 =	vor.u32 v9, v7  }
0x1ea: {  	_ =	sdelay $0x3  }
0x1eb: {  	v8 =	vshll.u32 v8, $0x7  }
0x1ec: {  	v9 =	vld [tilespmem:s20+$0x0];
	s20 =	simm.s32 $0x2D20;
	p3 =	seq.s32 s19, $0x1;
	v11 =	vand.u32 $0x7F, v10;
	v8 =	vand.u32 $0x380, v8  }
.Ltmp21:
0x1ed: {  	v10 =	vshll.u32 v10, $0x3;
	v11 =	vor.u32 v8, v11;
	v8 =	vld [tilespmem:s20+$0x0];
	(pc) =	sbr.rel @p3 .LBB2_37-.Ltmp21, $4  }
0x1ee: {  	v12 =	vand.u32 $0x7C00, v10  }
0x1ef: {  	v10 =	vld.idx.msk [tilespmem:v7+s30+$0x0], $0xffff;
	v7 =	vor.u32 v12, v11  }
0x1f0: {  	s21 =	sadd.s32 $0xFFFFFFFF, s19  }
0x1f1: {  	s22 =	simm.s32 $0x2E30;
	p2 =	por $0x1, $0x1;
	s19 =	simm.s32 $0x0;
	v12 =	vor.u32 s18, v2;
	v11 =	vmov v5  }
.LBB2_38:
0x1f2: {  	v13 =	vld [tilespmem:s22+$0x0];
	v14 =	vshll.u32 v8, $0x7;
	s20 =	sadd.s32 $0x10, s20;
	vm0 =	vlt.s32 v12, v6;
	p3 =	seq.s32 s21, $0x1  }
.Ltmp22:
0x1f3: {  	s21 =	sadd.s32 $0xFFFFFFFF, s21;
	v12 =	vand.u32 $0x7F, v9;
	v9 =	vshll.u32 v9, $0x3;
	v8 =	vld [tilespmem:s20+$0x0];
	v14 =	vand.u32 $0x380, v14;
	(pc) =	sbr.rel @!p3 .LBB2_38-.Ltmp22, $4  }
0x1f4: {  	v9 =	vand.u32 $0x7C00, v9;
	v12 =	vor.u32 v14, v12;
	v14 =	vnsel vm0, $0x0, v10;
	v10 =	vld.idx.msk [tilespmem:v7+s30+$0x0], $0xffff  }
0x1f5: {  	v7 =	vor.u32 v9, v12;
	v11 =	vadd.f32 v14, v11  }
0x1f6: {  	s19 =	sadd.s32 $0x10, s19  }
0x1f7: {  	s22 =	sadd.s32 $0x10, s22;
	v12 =	vor.u32 s19, v2;
	v9 =	vmov v13  }
.LBB2_39:
0x1f8: {  	v8 =	vshll.u32 v8, $0x7  }
0x1f9: {  	v13 =	vand.u32 $0x7F, v9;
	v62 =	vshll.u32 v9, $0x3;
	v8 =	vand.u32 $0x380, v8  }
0x1fa: {  	v9 =	vand.u32 $0x7C00, v62;
	v8 =	vor.u32 v8, v13  }
0x1fb: {  	v8 =	vor.u32 v9, v8  }
0x1fc: {  	v7 =	vld.idx.msk @p1 [tilespmem:v7+s30+$0x0], $0xffff  }
0x1fd: {  	s19 =	sadd.s32 @p2 $0x10, s19;
	s20 =	simm.s32 $0x0  }
0x1fe: {  	vm0 =	vlt.s32 @p2 v12, v6;
	s20 =	smov.u32 @p2 s19  }
0x1ff: {  	v9 =	vnsel @p2 vm0, $0x0, v10;
	v10 =	vor.u32 @p1 s20, v2  }
0x200: {  	v9 =	vadd.f32 @p2 v9, v11;
	v10 =	vpsel p1, v10, v0;
	v8 =	vld.idx.msk [tilespmem:v8+s30+$0x0], $0xffff  }
0x201: {  	s19 =	sadd.s32 @p1 $0x10, s20;
	s20 =	simm.s32 $0x0;
	v7 =	vpsel p1, v7, v0;
	vm0 =	vlt.s32 @p1 v10, v6  }
0x202: {  	s20 =	smov.u32 @p1 s19;
	v9 =	vpsel p2, v9, v5;
	v7 =	vnsel @p1 vm0, $0x0, v7  }
.Ltmp23:
0x203: {  	v63 =	vor.u32 s20, v2;
	v7 =	vadd.f32 @p1 v7, v9;
	(pc) =	sbr.rel .LBB2_40-.Ltmp23, $3  }
0x204: {  	vm15 =	vlt.s32 v63, v6  }
0x205: {  	v5 =	vpsel p1, v7, v5;
	v6 =	vnsel vm15, $0x0, v8  }
0x206: {  	v5 =	vadd.f32 v6, v5;
	_ =	sdelay $0x1  }
.LBB2_104:
0x207: {  	s18 =	sadd.s32 $0x1, s18  }
0x208: {  	p1 =	seq.s32 s18, s17  }
.Ltmp24:
0x209: {  	_ = 	snop;
	(pc) =	sbr.rel @p1 .LBB2_105-.Ltmp24, $1  }
0x20a: {  	_ =	sdelay $0x3  }
.LBB2_40:
0x20b: {  	s19 =	sshll.u32 s18, $0x4  }
0x20c: {  	p1 =	sge.s32 s19, s16  }
.Ltmp25:
0x20d: {  	_ = 	snop;
	(pc) =	sbr.rel @p1 .LBB2_44-.Ltmp25, $3  }
0x20e: {  	_ =	sdelay $0x1  }
0x20f: {  	v6 =	vld [tilespmem:s19+$0x2C00]  }
0x210: {  	v7 =	vld [tilespmem:s19+$0x2D00]  }
0x211: {  	_ =	sdelay $0x3  }
0x212: {  	(v2sf) =	vpush v7, $0x0  }
0x213: {  	(v2sf) =	vpush v6, $0x0;
	_ =	sdelay $0xd  }
0x214: {  	s20 =	spop (v2sf)  }
0x215: {  	s21 =	spop (v2sf)  }
0x216: {  	s22 =	sshll.u32 s21, $0xC;
	s21 =	sshll.u32 s21, $0x7  }
0x217: {  	s22 =	sand.u32 $0xFFFF8000, s22;
	s21 =	sand.u32 $0x380, s21  }
0x218: {  	s20 =	sshll.u32 s20, $0x7;
	s21 =	sor.u32 s21, s22  }
0x219: {  	s20 =	sand.u32 $0x380, s20;
	s21 =	sshrl.u32 s21, $0x3  }
0x21a: {  	s20 =	sadd.s32 $0x2F00, s20;
	s21 =	sadd.s32 s2, s21  }
0x21b: {  	s22 =	simm.s32 $0x80;
	s23 =	sadd.s32 $0x400, s20;
	s24 =	sadd.s32 $0x0, s21  }
.LBB2_42:
0x21c: {  	[hbm4b:s24+s3] =	stream.linear.scatter [tilespmem:s20], [sflag:$0x5], $0x80, $0x38;
	[tilespmem:$0x13000] =	vst v63  }
0x21d: {  	s24 =	smov.u32 s22;
	s20 =	smov.u32 s23;
	p1 =	sne.s32 s22, $0xF80  }
.Ltmp26:
0x21e: {  	s22 =	sadd.s32 $0x80, s22;
	(pc) =	sbr.rel @p1 .LBB2_42-.Ltmp26, $2  }
0x21f: {  	_ =	sdelay $0x2  }
0x220: {  	s23 =	sadd.s32 $0x400, s23;
	s24 =	sadd.s32 s24, s21  }
0x221: {  	[hbm4b:s24+s3] =	stream.linear.scatter [tilespmem:s20], [sflag:$0x5], $0x80, $0x38;
	[tilespmem:$0x13000] =	vst v63  }
.LBB2_44:
0x222: {  	s20 =	sor.u32 $0x1, s19  }
0x223: {  	p1 =	sge.s32 s20, s16  }
.Ltmp27:
0x224: {  	_ = 	snop;
	(pc) =	sbr.rel @p1 .LBB2_48-.Ltmp27, $1  }
0x225: {  	_ =	sdelay $0x3  }
0x226: {  	(v2sf) =	vpush v7, $0x1  }
0x227: {  	(v2sf) =	vpush v6, $0x1;
	_ =	sdelay $0xd  }
0x228: {  	s20 =	spop (v2sf)  }
0x229: {  	s21 =	spop (v2sf)  }
0x22a: {  	s22 =	sshll.u32 s21, $0xC;
	s21 =	sshll.u32 s21, $0x7  }
0x22b: {  	s22 =	sand.u32 $0xFFFF8000, s22;
	s21 =	sand.u32 $0x380, s21  }
0x22c: {  	s20 =	sshll.u32 s20, $0x7;
	s21 =	sor.u32 s21, s22  }
0x22d: {  	s20 =	sand.u32 $0x380, s20;
	s21 =	sshrl.u32 s21, $0x3  }
0x22e: {  	s20 =	sadd.s32 $0x2F00, s20;
	s21 =	sadd.s32 s2, s21  }
0x22f: {  	s22 =	simm.s32 $0x80;
	s23 =	sadd.s32 $0x400, s20;
	s24 =	sadd.s32 $0x0, s21  }
.LBB2_46:
0x230: {  	[hbm4b:s24+s3] =	stream.linear.scatter [tilespmem:s20], [sflag:$0x5], $0x80, $0x38;
	[tilespmem:$0x13000] =	vst v63  }
0x231: {  	s24 =	smov.u32 s22;
	s20 =	smov.u32 s23;
	p1 =	sne.s32 s22, $0xF80  }
.Ltmp28:
0x232: {  	s22 =	sadd.s32 $0x80, s22;
	(pc) =	sbr.rel @p1 .LBB2_46-.Ltmp28, $2  }
0x233: {  	_ =	sdelay $0x2  }
0x234: {  	s23 =	sadd.s32 $0x400, s23;
	s24 =	sadd.s32 s24, s21  }
0x235: {  	[hbm4b:s24+s3] =	stream.linear.scatter [tilespmem:s20], [sflag:$0x5], $0x80, $0x38;
	[tilespmem:$0x13000] =	vst v63  }
.LBB2_48:
0x236: {  	s20 =	sor.u32 $0x2, s19  }
0x237: {  	p1 =	sge.s32 s20, s16  }
.Ltmp29:
0x238: {  	_ = 	snop;
	(pc) =	sbr.rel @p1 .LBB2_52-.Ltmp29, $1  }
0x239: {  	_ =	sdelay $0x3  }
0x23a: {  	(v2sf) =	vpush v7, $0x2  }
0x23b: {  	(v2sf) =	vpush v6, $0x2;
	_ =	sdelay $0xd  }
0x23c: {  	s20 =	spop (v2sf)  }
0x23d: {  	s21 =	spop (v2sf)  }
0x23e: {  	s22 =	sshll.u32 s21, $0xC;
	s21 =	sshll.u32 s21, $0x7  }
0x23f: {  	s22 =	sand.u32 $0xFFFF8000, s22;
	s21 =	sand.u32 $0x380, s21  }
0x240: {  	s20 =	sshll.u32 s20, $0x7;
	s21 =	sor.u32 s21, s22  }
0x241: {  	s20 =	sand.u32 $0x380, s20;
	s21 =	sshrl.u32 s21, $0x3  }
0x242: {  	s20 =	sadd.s32 $0x2F00, s20;
	s21 =	sadd.s32 s2, s21  }
0x243: {  	s22 =	simm.s32 $0x80;
	s23 =	sadd.s32 $0x400, s20;
	s24 =	sadd.s32 $0x0, s21  }
.LBB2_50:
0x244: {  	[hbm4b:s24+s3] =	stream.linear.scatter [tilespmem:s20], [sflag:$0x5], $0x80, $0x38;
	[tilespmem:$0x13000] =	vst v63  }
0x245: {  	s24 =	smov.u32 s22;
	s20 =	smov.u32 s23;
	p1 =	sne.s32 s22, $0xF80  }
.Ltmp30:
0x246: {  	s22 =	sadd.s32 $0x80, s22;
	(pc) =	sbr.rel @p1 .LBB2_50-.Ltmp30, $2  }
0x247: {  	_ =	sdelay $0x2  }
0x248: {  	s23 =	sadd.s32 $0x400, s23;
	s24 =	sadd.s32 s24, s21  }
0x249: {  	[hbm4b:s24+s3] =	stream.linear.scatter [tilespmem:s20], [sflag:$0x5], $0x80, $0x38;
	[tilespmem:$0x13000] =	vst v63  }
.LBB2_52:
0x24a: {  	s20 =	sor.u32 $0x3, s19  }
0x24b: {  	p1 =	sge.s32 s20, s16  }
.Ltmp31:
0x24c: {  	_ = 	snop;
	(pc) =	sbr.rel @p1 .LBB2_56-.Ltmp31, $1  }
0x24d: {  	_ =	sdelay $0x3  }
0x24e: {  	(v2sf) =	vpush v7, $0x3  }
0x24f: {  	(v2sf) =	vpush v6, $0x3;
	_ =	sdelay $0xd  }
0x250: {  	s20 =	spop (v2sf)  }
0x251: {  	s21 =	spop (v2sf)  }
0x252: {  	s22 =	sshll.u32 s21, $0xC;
	s21 =	sshll.u32 s21, $0x7  }
0x253: {  	s22 =	sand.u32 $0xFFFF8000, s22;
	s21 =	sand.u32 $0x380, s21  }
0x254: {  	s20 =	sshll.u32 s20, $0x7;
	s21 =	sor.u32 s21, s22  }
0x255: {  	s20 =	sand.u32 $0x380, s20;
	s21 =	sshrl.u32 s21, $0x3  }
0x256: {  	s20 =	sadd.s32 $0x2F00, s20;
	s21 =	sadd.s32 s2, s21  }
0x257: {  	s22 =	simm.s32 $0x80;
	s23 =	sadd.s32 $0x400, s20;
	s24 =	sadd.s32 $0x0, s21  }
.LBB2_54:
0x258: {  	[hbm4b:s24+s3] =	stream.linear.scatter [tilespmem:s20], [sflag:$0x5], $0x80, $0x38;
	[tilespmem:$0x13000] =	vst v63  }
0x259: {  	s24 =	smov.u32 s22;
	s20 =	smov.u32 s23;
	p1 =	sne.s32 s22, $0xF80  }
.Ltmp32:
0x25a: {  	s22 =	sadd.s32 $0x80, s22;
	(pc) =	sbr.rel @p1 .LBB2_54-.Ltmp32, $2  }
0x25b: {  	_ =	sdelay $0x2  }
0x25c: {  	s23 =	sadd.s32 $0x400, s23;
	s24 =	sadd.s32 s24, s21  }
0x25d: {  	[hbm4b:s24+s3] =	stream.linear.scatter [tilespmem:s20], [sflag:$0x5], $0x80, $0x38;
	[tilespmem:$0x13000] =	vst v63  }
.LBB2_56:
0x25e: {  	s20 =	sor.u32 $0x4, s19  }
0x25f: {  	p1 =	sge.s32 s20, s16  }
.Ltmp33:
0x260: {  	_ = 	snop;
	(pc) =	sbr.rel @p1 .LBB2_60-.Ltmp33, $1  }
0x261: {  	_ =	sdelay $0x3  }
0x262: {  	(v2sf) =	vpush v7, $0x4  }
0x263: {  	(v2sf) =	vpush v6, $0x4;
	_ =	sdelay $0xd  }
0x264: {  	s20 =	spop (v2sf)  }
0x265: {  	s21 =	spop (v2sf)  }
0x266: {  	s22 =	sshll.u32 s21, $0xC;
	s21 =	sshll.u32 s21, $0x7  }
0x267: {  	s22 =	sand.u32 $0xFFFF8000, s22;
	s21 =	sand.u32 $0x380, s21  }
0x268: {  	s20 =	sshll.u32 s20, $0x7;
	s21 =	sor.u32 s21, s22  }
0x269: {  	s20 =	sand.u32 $0x380, s20;
	s21 =	sshrl.u32 s21, $0x3  }
0x26a: {  	s20 =	sadd.s32 $0x2F00, s20;
	s21 =	sadd.s32 s2, s21  }
0x26b: {  	s22 =	simm.s32 $0x80;
	s23 =	sadd.s32 $0x400, s20;
	s24 =	sadd.s32 $0x0, s21  }
.LBB2_58:
0x26c: {  	[hbm4b:s24+s3] =	stream.linear.scatter [tilespmem:s20], [sflag:$0x5], $0x80, $0x38;
	[tilespmem:$0x13000] =	vst v63  }
0x26d: {  	s24 =	smov.u32 s22;
	s20 =	smov.u32 s23;
	p1 =	sne.s32 s22, $0xF80  }
.Ltmp34:
0x26e: {  	s22 =	sadd.s32 $0x80, s22;
	(pc) =	sbr.rel @p1 .LBB2_58-.Ltmp34, $2  }
0x26f: {  	_ =	sdelay $0x2  }
0x270: {  	s23 =	sadd.s32 $0x400, s23;
	s24 =	sadd.s32 s24, s21  }
0x271: {  	[hbm4b:s24+s3] =	stream.linear.scatter [tilespmem:s20], [sflag:$0x5], $0x80, $0x38;
	[tilespmem:$0x13000] =	vst v63  }
.LBB2_60:
0x272: {  	s20 =	sor.u32 $0x5, s19  }
0x273: {  	p1 =	sge.s32 s20, s16  }
.Ltmp35:
0x274: {  	_ = 	snop;
	(pc) =	sbr.rel @p1 .LBB2_64-.Ltmp35, $1  }
0x275: {  	_ =	sdelay $0x3  }
0x276: {  	(v2sf) =	vpush v7, $0x5  }
0x277: {  	(v2sf) =	vpush v6, $0x5;
	_ =	sdelay $0xd  }
0x278: {  	s20 =	spop (v2sf)  }
0x279: {  	s21 =	spop (v2sf)  }
0x27a: {  	s22 =	sshll.u32 s21, $0xC;
	s21 =	sshll.u32 s21, $0x7  }
0x27b: {  	s22 =	sand.u32 $0xFFFF8000, s22;
	s21 =	sand.u32 $0x380, s21  }
0x27c: {  	s20 =	sshll.u32 s20, $0x7;
	s21 =	sor.u32 s21, s22  }
0x27d: {  	s20 =	sand.u32 $0x380, s20;
	s21 =	sshrl.u32 s21, $0x3  }
0x27e: {  	s20 =	sadd.s32 $0x2F00, s20;
	s21 =	sadd.s32 s2, s21  }
0x27f: {  	s22 =	simm.s32 $0x80;
	s23 =	sadd.s32 $0x400, s20;
	s24 =	sadd.s32 $0x0, s21  }
.LBB2_62:
0x280: {  	[hbm4b:s24+s3] =	stream.linear.scatter [tilespmem:s20], [sflag:$0x5], $0x80, $0x38;
	[tilespmem:$0x13000] =	vst v63  }
0x281: {  	s24 =	smov.u32 s22;
	s20 =	smov.u32 s23;
	p1 =	sne.s32 s22, $0xF80  }
.Ltmp36:
0x282: {  	s22 =	sadd.s32 $0x80, s22;
	(pc) =	sbr.rel @p1 .LBB2_62-.Ltmp36, $2  }
0x283: {  	_ =	sdelay $0x2  }
0x284: {  	s23 =	sadd.s32 $0x400, s23;
	s24 =	sadd.s32 s24, s21  }
0x285: {  	[hbm4b:s24+s3] =	stream.linear.scatter [tilespmem:s20], [sflag:$0x5], $0x80, $0x38;
	[tilespmem:$0x13000] =	vst v63  }
.LBB2_64:
0x286: {  	s20 =	sor.u32 $0x6, s19  }
0x287: {  	p1 =	sge.s32 s20, s16  }
.Ltmp37:
0x288: {  	_ = 	snop;
	(pc) =	sbr.rel @p1 .LBB2_68-.Ltmp37, $1  }
0x289: {  	_ =	sdelay $0x3  }
0x28a: {  	(v2sf) =	vpush v7, $0x6  }
0x28b: {  	(v2sf) =	vpush v6, $0x6;
	_ =	sdelay $0xd  }
0x28c: {  	s20 =	spop (v2sf)  }
0x28d: {  	s21 =	spop (v2sf)  }
0x28e: {  	s22 =	sshll.u32 s21, $0xC;
	s21 =	sshll.u32 s21, $0x7  }
0x28f: {  	s22 =	sand.u32 $0xFFFF8000, s22;
	s21 =	sand.u32 $0x380, s21  }
0x290: {  	s20 =	sshll.u32 s20, $0x7;
	s21 =	sor.u32 s21, s22  }
0x291: {  	s20 =	sand.u32 $0x380, s20;
	s21 =	sshrl.u32 s21, $0x3  }
0x292: {  	s20 =	sadd.s32 $0x2F00, s20;
	s21 =	sadd.s32 s2, s21  }
0x293: {  	s22 =	simm.s32 $0x80;
	s23 =	sadd.s32 $0x400, s20;
	s24 =	sadd.s32 $0x0, s21  }
.LBB2_66:
0x294: {  	[hbm4b:s24+s3] =	stream.linear.scatter [tilespmem:s20], [sflag:$0x5], $0x80, $0x38;
	[tilespmem:$0x13000] =	vst v63  }
0x295: {  	s24 =	smov.u32 s22;
	s20 =	smov.u32 s23;
	p1 =	sne.s32 s22, $0xF80  }
.Ltmp38:
0x296: {  	s22 =	sadd.s32 $0x80, s22;
	(pc) =	sbr.rel @p1 .LBB2_66-.Ltmp38, $2  }
0x297: {  	_ =	sdelay $0x2  }
0x298: {  	s23 =	sadd.s32 $0x400, s23;
	s24 =	sadd.s32 s24, s21  }
0x299: {  	[hbm4b:s24+s3] =	stream.linear.scatter [tilespmem:s20], [sflag:$0x5], $0x80, $0x38;
	[tilespmem:$0x13000] =	vst v63  }
.LBB2_68:
0x29a: {  	s20 =	sor.u32 $0x7, s19  }
0x29b: {  	p1 =	sge.s32 s20, s16  }
.Ltmp39:
0x29c: {  	_ = 	snop;
	(pc) =	sbr.rel @p1 .LBB2_72-.Ltmp39, $1  }
0x29d: {  	_ =	sdelay $0x3  }
0x29e: {  	(v2sf) =	vpush v7, $0x7  }
0x29f: {  	(v2sf) =	vpush v6, $0x7;
	_ =	sdelay $0xd  }
0x2a0: {  	s20 =	spop (v2sf)  }
0x2a1: {  	s21 =	spop (v2sf)  }
0x2a2: {  	s22 =	sshll.u32 s21, $0xC;
	s21 =	sshll.u32 s21, $0x7  }
0x2a3: {  	s22 =	sand.u32 $0xFFFF8000, s22;
	s21 =	sand.u32 $0x380, s21  }
0x2a4: {  	s20 =	sshll.u32 s20, $0x7;
	s21 =	sor.u32 s21, s22  }
0x2a5: {  	s20 =	sand.u32 $0x380, s20;
	s21 =	sshrl.u32 s21, $0x3  }
0x2a6: {  	s20 =	sadd.s32 $0x2F00, s20;
	s21 =	sadd.s32 s2, s21  }
0x2a7: {  	s22 =	simm.s32 $0x80;
	s23 =	sadd.s32 $0x400, s20;
	s24 =	sadd.s32 $0x0, s21  }
.LBB2_70:
0x2a8: {  	[hbm4b:s24+s3] =	stream.linear.scatter [tilespmem:s20], [sflag:$0x5], $0x80, $0x38;
	[tilespmem:$0x13000] =	vst v63  }
0x2a9: {  	s24 =	smov.u32 s22;
	s20 =	smov.u32 s23;
	p1 =	sne.s32 s22, $0xF80  }
.Ltmp40:
0x2aa: {  	s22 =	sadd.s32 $0x80, s22;
	(pc) =	sbr.rel @p1 .LBB2_70-.Ltmp40, $2  }
0x2ab: {  	_ =	sdelay $0x2  }
0x2ac: {  	s23 =	sadd.s32 $0x400, s23;
	s24 =	sadd.s32 s24, s21  }
0x2ad: {  	[hbm4b:s24+s3] =	stream.linear.scatter [tilespmem:s20], [sflag:$0x5], $0x80, $0x38;
	[tilespmem:$0x13000] =	vst v63  }
.LBB2_72:
0x2ae: {  	s20 =	sor.u32 $0x8, s19  }
0x2af: {  	p1 =	sge.s32 s20, s16  }
.Ltmp41:
0x2b0: {  	_ = 	snop;
	(pc) =	sbr.rel @p1 .LBB2_76-.Ltmp41, $1  }
0x2b1: {  	_ =	sdelay $0x3  }
0x2b2: {  	(v2sf) =	vpush v7, $0x8  }
0x2b3: {  	(v2sf) =	vpush v6, $0x8;
	_ =	sdelay $0xd  }
0x2b4: {  	s20 =	spop (v2sf)  }
0x2b5: {  	s21 =	spop (v2sf)  }
0x2b6: {  	s22 =	sshll.u32 s21, $0xC;
	s21 =	sshll.u32 s21, $0x7  }
0x2b7: {  	s22 =	sand.u32 $0xFFFF8000, s22;
	s21 =	sand.u32 $0x380, s21  }
0x2b8: {  	s20 =	sshll.u32 s20, $0x7;
	s21 =	sor.u32 s21, s22  }
0x2b9: {  	s20 =	sand.u32 $0x380, s20;
	s21 =	sshrl.u32 s21, $0x3  }
0x2ba: {  	s20 =	sadd.s32 $0x2F00, s20;
	s21 =	sadd.s32 s2, s21  }
0x2bb: {  	s22 =	simm.s32 $0x80;
	s23 =	sadd.s32 $0x400, s20;
	s24 =	sadd.s32 $0x0, s21  }
.LBB2_74:
0x2bc: {  	[hbm4b:s24+s3] =	stream.linear.scatter [tilespmem:s20], [sflag:$0x5], $0x80, $0x38;
	[tilespmem:$0x13000] =	vst v63  }
0x2bd: {  	s24 =	smov.u32 s22;
	s20 =	smov.u32 s23;
	p1 =	sne.s32 s22, $0xF80  }
.Ltmp42:
0x2be: {  	s22 =	sadd.s32 $0x80, s22;
	(pc) =	sbr.rel @p1 .LBB2_74-.Ltmp42, $2  }
0x2bf: {  	_ =	sdelay $0x2  }
0x2c0: {  	s23 =	sadd.s32 $0x400, s23;
	s24 =	sadd.s32 s24, s21  }
0x2c1: {  	[hbm4b:s24+s3] =	stream.linear.scatter [tilespmem:s20], [sflag:$0x5], $0x80, $0x38;
	[tilespmem:$0x13000] =	vst v63  }
.LBB2_76:
0x2c2: {  	s20 =	sor.u32 $0x9, s19  }
0x2c3: {  	p1 =	sge.s32 s20, s16  }
.Ltmp43:
0x2c4: {  	_ = 	snop;
	(pc) =	sbr.rel @p1 .LBB2_80-.Ltmp43, $1  }
0x2c5: {  	_ =	sdelay $0x3  }
0x2c6: {  	(v2sf) =	vpush v7, $0x9  }
0x2c7: {  	(v2sf) =	vpush v6, $0x9;
	_ =	sdelay $0xd  }
0x2c8: {  	s20 =	spop (v2sf)  }
0x2c9: {  	s21 =	spop (v2sf)  }
0x2ca: {  	s22 =	sshll.u32 s21, $0xC;
	s21 =	sshll.u32 s21, $0x7  }
0x2cb: {  	s22 =	sand.u32 $0xFFFF8000, s22;
	s21 =	sand.u32 $0x380, s21  }
0x2cc: {  	s20 =	sshll.u32 s20, $0x7;
	s21 =	sor.u32 s21, s22  }
0x2cd: {  	s20 =	sand.u32 $0x380, s20;
	s21 =	sshrl.u32 s21, $0x3  }
0x2ce: {  	s20 =	sadd.s32 $0x2F00, s20;
	s21 =	sadd.s32 s2, s21  }
0x2cf: {  	s22 =	simm.s32 $0x80;
	s23 =	sadd.s32 $0x400, s20;
	s24 =	sadd.s32 $0x0, s21  }
.LBB2_78:
0x2d0: {  	[hbm4b:s24+s3] =	stream.linear.scatter [tilespmem:s20], [sflag:$0x5], $0x80, $0x38;
	[tilespmem:$0x13000] =	vst v63  }
0x2d1: {  	s24 =	smov.u32 s22;
	s20 =	smov.u32 s23;
	p1 =	sne.s32 s22, $0xF80  }
.Ltmp44:
0x2d2: {  	s22 =	sadd.s32 $0x80, s22;
	(pc) =	sbr.rel @p1 .LBB2_78-.Ltmp44, $2  }
0x2d3: {  	_ =	sdelay $0x2  }
0x2d4: {  	s23 =	sadd.s32 $0x400, s23;
	s24 =	sadd.s32 s24, s21  }
0x2d5: {  	[hbm4b:s24+s3] =	stream.linear.scatter [tilespmem:s20], [sflag:$0x5], $0x80, $0x38;
	[tilespmem:$0x13000] =	vst v63  }
.LBB2_80:
0x2d6: {  	s20 =	sor.u32 $0xA, s19  }
0x2d7: {  	p1 =	sge.s32 s20, s16  }
.Ltmp45:
0x2d8: {  	_ = 	snop;
	(pc) =	sbr.rel @p1 .LBB2_84-.Ltmp45, $1  }
0x2d9: {  	_ =	sdelay $0x3  }
0x2da: {  	(v2sf) =	vpush v7, $0xA  }
0x2db: {  	(v2sf) =	vpush v6, $0xA;
	_ =	sdelay $0xd  }
0x2dc: {  	s20 =	spop (v2sf)  }
0x2dd: {  	s21 =	spop (v2sf)  }
0x2de: {  	s22 =	sshll.u32 s21, $0xC;
	s21 =	sshll.u32 s21, $0x7  }
0x2df: {  	s22 =	sand.u32 $0xFFFF8000, s22;
	s21 =	sand.u32 $0x380, s21  }
0x2e0: {  	s20 =	sshll.u32 s20, $0x7;
	s21 =	sor.u32 s21, s22  }
0x2e1: {  	s20 =	sand.u32 $0x380, s20;
	s21 =	sshrl.u32 s21, $0x3  }
0x2e2: {  	s20 =	sadd.s32 $0x2F00, s20;
	s21 =	sadd.s32 s2, s21  }
0x2e3: {  	s22 =	simm.s32 $0x80;
	s23 =	sadd.s32 $0x400, s20;
	s24 =	sadd.s32 $0x0, s21  }
.LBB2_82:
0x2e4: {  	[hbm4b:s24+s3] =	stream.linear.scatter [tilespmem:s20], [sflag:$0x5], $0x80, $0x38;
	[tilespmem:$0x13000] =	vst v63  }
0x2e5: {  	s24 =	smov.u32 s22;
	s20 =	smov.u32 s23;
	p1 =	sne.s32 s22, $0xF80  }
.Ltmp46:
0x2e6: {  	s22 =	sadd.s32 $0x80, s22;
	(pc) =	sbr.rel @p1 .LBB2_82-.Ltmp46, $2  }
0x2e7: {  	_ =	sdelay $0x2  }
0x2e8: {  	s23 =	sadd.s32 $0x400, s23;
	s24 =	sadd.s32 s24, s21  }
0x2e9: {  	[hbm4b:s24+s3] =	stream.linear.scatter [tilespmem:s20], [sflag:$0x5], $0x80, $0x38;
	[tilespmem:$0x13000] =	vst v63  }
.LBB2_84:
0x2ea: {  	s20 =	sor.u32 $0xB, s19  }
0x2eb: {  	p1 =	sge.s32 s20, s16  }
.Ltmp47:
0x2ec: {  	_ = 	snop;
	(pc) =	sbr.rel @p1 .LBB2_88-.Ltmp47, $1  }
0x2ed: {  	_ =	sdelay $0x3  }
0x2ee: {  	(v2sf) =	vpush v7, $0xB  }
0x2ef: {  	(v2sf) =	vpush v6, $0xB;
	_ =	sdelay $0xd  }
0x2f0: {  	s20 =	spop (v2sf)  }
0x2f1: {  	s21 =	spop (v2sf)  }
0x2f2: {  	s22 =	sshll.u32 s21, $0xC;
	s21 =	sshll.u32 s21, $0x7  }
0x2f3: {  	s22 =	sand.u32 $0xFFFF8000, s22;
	s21 =	sand.u32 $0x380, s21  }
0x2f4: {  	s20 =	sshll.u32 s20, $0x7;
	s21 =	sor.u32 s21, s22  }
0x2f5: {  	s20 =	sand.u32 $0x380, s20;
	s21 =	sshrl.u32 s21, $0x3  }
0x2f6: {  	s20 =	sadd.s32 $0x2F00, s20;
	s21 =	sadd.s32 s2, s21  }
0x2f7: {  	s22 =	simm.s32 $0x80;
	s23 =	sadd.s32 $0x400, s20;
	s24 =	sadd.s32 $0x0, s21  }
.LBB2_86:
0x2f8: {  	[hbm4b:s24+s3] =	stream.linear.scatter [tilespmem:s20], [sflag:$0x5], $0x80, $0x38;
	[tilespmem:$0x13000] =	vst v63  }
0x2f9: {  	s24 =	smov.u32 s22;
	s20 =	smov.u32 s23;
	p1 =	sne.s32 s22, $0xF80  }
.Ltmp48:
0x2fa: {  	s22 =	sadd.s32 $0x80, s22;
	(pc) =	sbr.rel @p1 .LBB2_86-.Ltmp48, $2  }
0x2fb: {  	_ =	sdelay $0x2  }
0x2fc: {  	s23 =	sadd.s32 $0x400, s23;
	s24 =	sadd.s32 s24, s21  }
0x2fd: {  	[hbm4b:s24+s3] =	stream.linear.scatter [tilespmem:s20], [sflag:$0x5], $0x80, $0x38;
	[tilespmem:$0x13000] =	vst v63  }
.LBB2_88:
0x2fe: {  	s20 =	sor.u32 $0xC, s19  }
0x2ff: {  	p1 =	sge.s32 s20, s16  }
.Ltmp49:
0x300: {  	_ = 	snop;
	(pc) =	sbr.rel @p1 .LBB2_92-.Ltmp49, $1  }
0x301: {  	_ =	sdelay $0x3  }
0x302: {  	(v2sf) =	vpush v7, $0xC  }
0x303: {  	(v2sf) =	vpush v6, $0xC;
	_ =	sdelay $0xd  }
0x304: {  	s20 =	spop (v2sf)  }
0x305: {  	s21 =	spop (v2sf)  }
0x306: {  	s22 =	sshll.u32 s21, $0xC;
	s21 =	sshll.u32 s21, $0x7  }
0x307: {  	s22 =	sand.u32 $0xFFFF8000, s22;
	s21 =	sand.u32 $0x380, s21  }
0x308: {  	s20 =	sshll.u32 s20, $0x7;
	s21 =	sor.u32 s21, s22  }
0x309: {  	s20 =	sand.u32 $0x380, s20;
	s21 =	sshrl.u32 s21, $0x3  }
0x30a: {  	s20 =	sadd.s32 $0x2F00, s20;
	s21 =	sadd.s32 s2, s21  }
0x30b: {  	s22 =	simm.s32 $0x80;
	s23 =	sadd.s32 $0x400, s20;
	s24 =	sadd.s32 $0x0, s21  }
.LBB2_90:
0x30c: {  	[hbm4b:s24+s3] =	stream.linear.scatter [tilespmem:s20], [sflag:$0x5], $0x80, $0x38;
	[tilespmem:$0x13000] =	vst v63  }
0x30d: {  	s24 =	smov.u32 s22;
	s20 =	smov.u32 s23;
	p1 =	sne.s32 s22, $0xF80  }
.Ltmp50:
0x30e: {  	s22 =	sadd.s32 $0x80, s22;
	(pc) =	sbr.rel @p1 .LBB2_90-.Ltmp50, $2  }
0x30f: {  	_ =	sdelay $0x2  }
0x310: {  	s23 =	sadd.s32 $0x400, s23;
	s24 =	sadd.s32 s24, s21  }
0x311: {  	[hbm4b:s24+s3] =	stream.linear.scatter [tilespmem:s20], [sflag:$0x5], $0x80, $0x38;
	[tilespmem:$0x13000] =	vst v63  }
.LBB2_92:
0x312: {  	s20 =	sor.u32 $0xD, s19  }
0x313: {  	p1 =	sge.s32 s20, s16  }
.Ltmp51:
0x314: {  	_ = 	snop;
	(pc) =	sbr.rel @p1 .LBB2_96-.Ltmp51, $1  }
0x315: {  	_ =	sdelay $0x3  }
0x316: {  	(v2sf) =	vpush v7, $0xD  }
0x317: {  	(v2sf) =	vpush v6, $0xD;
	_ =	sdelay $0xd  }
0x318: {  	s20 =	spop (v2sf)  }
0x319: {  	s21 =	spop (v2sf)  }
0x31a: {  	s22 =	sshll.u32 s21, $0xC;
	s21 =	sshll.u32 s21, $0x7  }
0x31b: {  	s22 =	sand.u32 $0xFFFF8000, s22;
	s21 =	sand.u32 $0x380, s21  }
0x31c: {  	s20 =	sshll.u32 s20, $0x7;
	s21 =	sor.u32 s21, s22  }
0x31d: {  	s20 =	sand.u32 $0x380, s20;
	s21 =	sshrl.u32 s21, $0x3  }
0x31e: {  	s20 =	sadd.s32 $0x2F00, s20;
	s21 =	sadd.s32 s2, s21  }
0x31f: {  	s22 =	simm.s32 $0x80;
	s23 =	sadd.s32 $0x400, s20;
	s24 =	sadd.s32 $0x0, s21  }
.LBB2_94:
0x320: {  	[hbm4b:s24+s3] =	stream.linear.scatter [tilespmem:s20], [sflag:$0x5], $0x80, $0x38;
	[tilespmem:$0x13000] =	vst v63  }
0x321: {  	s24 =	smov.u32 s22;
	s20 =	smov.u32 s23;
	p1 =	sne.s32 s22, $0xF80  }
.Ltmp52:
0x322: {  	s22 =	sadd.s32 $0x80, s22;
	(pc) =	sbr.rel @p1 .LBB2_94-.Ltmp52, $2  }
0x323: {  	_ =	sdelay $0x2  }
0x324: {  	s23 =	sadd.s32 $0x400, s23;
	s24 =	sadd.s32 s24, s21  }
0x325: {  	[hbm4b:s24+s3] =	stream.linear.scatter [tilespmem:s20], [sflag:$0x5], $0x80, $0x38;
	[tilespmem:$0x13000] =	vst v63  }
.LBB2_96:
0x326: {  	s20 =	sor.u32 $0xE, s19  }
0x327: {  	p1 =	sge.s32 s20, s16  }
.Ltmp53:
0x328: {  	_ = 	snop;
	(pc) =	sbr.rel @p1 .LBB2_100-.Ltmp53, $1  }
0x329: {  	_ =	sdelay $0x3  }
0x32a: {  	(v2sf) =	vpush v7, $0xE  }
0x32b: {  	(v2sf) =	vpush v6, $0xE;
	_ =	sdelay $0xd  }
0x32c: {  	s20 =	spop (v2sf)  }
0x32d: {  	s21 =	spop (v2sf)  }
0x32e: {  	s22 =	sshll.u32 s21, $0xC;
	s21 =	sshll.u32 s21, $0x7  }
0x32f: {  	s22 =	sand.u32 $0xFFFF8000, s22;
	s21 =	sand.u32 $0x380, s21  }
0x330: {  	s20 =	sshll.u32 s20, $0x7;
	s21 =	sor.u32 s21, s22  }
0x331: {  	s20 =	sand.u32 $0x380, s20;
	s21 =	sshrl.u32 s21, $0x3  }
0x332: {  	s20 =	sadd.s32 $0x2F00, s20;
	s21 =	sadd.s32 s2, s21  }
0x333: {  	s22 =	simm.s32 $0x80;
	s23 =	sadd.s32 $0x400, s20;
	s24 =	sadd.s32 $0x0, s21  }
.LBB2_98:
0x334: {  	[hbm4b:s24+s3] =	stream.linear.scatter [tilespmem:s20], [sflag:$0x5], $0x80, $0x38;
	[tilespmem:$0x13000] =	vst v63  }
0x335: {  	s24 =	smov.u32 s22;
	s20 =	smov.u32 s23;
	p1 =	sne.s32 s22, $0xF80  }
.Ltmp54:
0x336: {  	s22 =	sadd.s32 $0x80, s22;
	(pc) =	sbr.rel @p1 .LBB2_98-.Ltmp54, $2  }
0x337: {  	_ =	sdelay $0x2  }
0x338: {  	s23 =	sadd.s32 $0x400, s23;
	s24 =	sadd.s32 s24, s21  }
0x339: {  	[hbm4b:s24+s3] =	stream.linear.scatter [tilespmem:s20], [sflag:$0x5], $0x80, $0x38;
	[tilespmem:$0x13000] =	vst v63  }
.LBB2_100:
0x33a: {  	s19 =	sor.u32 $0xF, s19  }
0x33b: {  	p1 =	sge.s32 s19, s16  }
.Ltmp55:
0x33c: {  	_ = 	snop;
	(pc) =	sbr.rel @p1 .LBB2_104-.Ltmp55, $1  }
0x33d: {  	_ =	sdelay $0x3  }
0x33e: {  	(v2sf) =	vpush v7, $0xF  }
0x33f: {  	(v2sf) =	vpush v6, $0xF;
	_ =	sdelay $0xd  }
0x340: {  	s19 =	spop (v2sf)  }
0x341: {  	s20 =	spop (v2sf)  }
0x342: {  	s21 =	sshll.u32 s20, $0xC;
	s20 =	sshll.u32 s20, $0x7  }
0x343: {  	s21 =	sand.u32 $0xFFFF8000, s21;
	s20 =	sand.u32 $0x380, s20  }
0x344: {  	s19 =	sshll.u32 s19, $0x7;
	s20 =	sor.u32 s20, s21  }
0x345: {  	s19 =	sand.u32 $0x380, s19;
	s20 =	sshrl.u32 s20, $0x3  }
0x346: {  	s19 =	sadd.s32 $0x2F00, s19;
	s20 =	sadd.s32 s2, s20  }
0x347: {  	s21 =	simm.s32 $0x80;
	s22 =	sadd.s32 $0x400, s19;
	s23 =	sadd.s32 $0x0, s20  }
.LBB2_102:
0x348: {  	[hbm4b:s23+s3] =	stream.linear.scatter [tilespmem:s19], [sflag:$0x5], $0x80, $0x38;
	[tilespmem:$0x13000] =	vst v63  }
0x349: {  	s23 =	smov.u32 s21;
	s19 =	smov.u32 s22;
	p1 =	sne.s32 s21, $0xF80  }
.Ltmp56:
0x34a: {  	s21 =	sadd.s32 $0x80, s21;
	(pc) =	sbr.rel @p1 .LBB2_102-.Ltmp56, $2  }
0x34b: {  	_ =	sdelay $0x2  }
0x34c: {  	s22 =	sadd.s32 $0x400, s22;
	s23 =	sadd.s32 s23, s20  }
.Ltmp57:
0x34d: {  	(pc) =	sbr.rel .LBB2_104-.Ltmp57, $2  }
0x34e: {  	_ =	sdelay $0x2  }
0x34f: {  	[hbm4b:s23+s3] =	stream.linear.scatter [tilespmem:s19], [sflag:$0x5], $0x80, $0x38;
	[tilespmem:$0x13000] =	vst v63  }
.LBB2_105:
0x350: {  	p1 =	slt.s32 s16, $0x1  }
.Ltmp58:
0x351: {  	_ = 	snop;
	(pc) =	sbr.rel @p1 .LBB2_109-.Ltmp58, $1  }
0x352: {  	_ =	sdelay $0x3  }
0x353: {  	p1 =	sne.s32 s16, $0x1  }
.Ltmp59:
0x354: {  	_ = 	snop;
	(pc) =	sbr.rel @!p1 .LBB2_108-.Ltmp59, $3  }
0x355: {  	_ =	sdelay $0x1  }
0x356: {  	_ =	swait.ge [sflag:s7], $0x1000  }
0x357: {  	s16 =	sadd.s32 $0xFFFFFFFF, s16;
	[sflag:s7] =	ssyncset.done $0x0  }
.LBB2_107:
0x358: {  	p1 =	sne.s32 s16, $0x1;
	s16 =	sadd.s32 $0xFFFFFFFF, s16;
	[sflag:s7] =	ssyncadd.s32 $0xFFFFF000  }
.Ltmp60:
0x359: {  	(pc) =	sbr.rel @p1 .LBB2_107-.Ltmp60, $3  }
0x35a: {  	_ =	sdelay $0x1  }
0x35b: {  	_ =	swait.ge [sflag:s7], $0x1000  }
0x35c: {  	[sflag:s7] =	ssyncset.done $0x0  }
.LBB2_108:
0x35d: {  	[sflag:s7] =	ssyncadd.s32 $0xFFFFF000  }
.LBB2_109:
0x35e: {  	p1 =	seq.s32 s14, $0x7  }
0x35f: {  	s16 =	sshll.u32 @!p1 s14, $0xD;
	s17 =	simm.s32 @!p1 $0x0  }
.Ltmp61:
0x360: {  	s18 =	simm.s32 @!p1 $0x2F00;
	s16 =	sadd.s32 @!p1 s16, s25;
	(pc) =	sbr.rel @p0 .LBB2_193-.Ltmp61, $4  }
0x361: {  	[tilespmem:s18], [sflag:$0x3] =	stream.linear.gather @!p1 [hbm4b:s16+s17], $0x8000, $0x38;
	[tilespmem:$0x13000] =	vst v63  }
0x362: {  	_ =	swait.ge [sflag:s9], $0x8000  }
0x363: {  	[sflag:s9] =	ssyncset.done $0x0  }
0x364: {  	[sflag:s9] =	ssyncadd.s32 $0xFFFF8000  }
0x365: {  	p3 =	sne.s32 s13, $0x1  }
.Ltmp62:
0x366: {  	_ = 	snop;
	(pc) =	sbr.rel @!p3 .LBB2_111-.Ltmp62, $4  }
0x367: {  	_ = 	snop  }
0x368: {  	s17 =	simm.s32 $0x2800  }
0x369: {  	s16 =	sor.u32 $0x1, s15;
	s18 =	simm.s32 $0x2400;
	s15 =	simm.s32 $0x2000;
	v6 =	vld [tilespmem:s17+$0x0]  }
0x36a: {  	p2 =	por $0x0, $0x0;
	v7 =	vmov s16;
	s17 =	simm.s32 $0x0;
	v8 =	vld [tilespmem:s18+$0x0];
	s16 =	sadd.s32 $0xFFFFFFFF, s13  }
0x36b: {  	_ =	sdelay $0x2  }
0x36c: {  	v9 =	vld [tilespmem:s15+$0x0]  }
0x36d: {  	v10 =	vshrl.u32 v8, $0x3  }
0x36e: {  	v11 =	vor.u32 s17, v2;
	v10 =	vand.u32 $0xF, v10  }
0x36f: {  	vm0 =	vlt.s32 v11, v4;
	vm1 =	veq.s32 v10, v7  }
0x370: {  	vm0 =	vmand vm0, vm1  }
0x371: {  	[tilespmem:s17+$0x2C00] =	vst.msk vm0, v9  }
0x372: {  	[tilespmem:s17+$0x2D00] =	vst.msk vm0, v8;
	v8 =	vmpcnt.ones.xlane vm0;
	_ =	sdelay $0x1  }
0x373: {  	p3 =	sne.s32 s16, $0x1;
	(v2sf) =	vpush v8, $0x0  }
.Ltmp63:
0x374: {  	_ = 	snop;
	(pc) =	sbr.rel @!p3 .LBB2_113-.Ltmp63, $4  }
0x375: {  	_ = 	snop  }
0x376: {  	s19 =	simm.s32 $0x2810;
	[tilespmem:s17+$0x2E00] =	vst.msk vm0, v6  }
0x377: {  	s20 =	simm.s32 $0x2410;
	s21 =	sadd.s32 $0xFFFFFFFF, s16;
	s15 =	simm.s32 $0x2010;
	v6 =	vld [tilespmem:s19+$0x0]  }
0x378: {  	p2 =	por $0x1, $0x1;
	s18 =	simm.s32 $0x0;
	s16 =	simm.s32 $0x0;
	v8 =	vld [tilespmem:s20+$0x0]  }
.LBB2_114:
0x379: {  	p3 =	sne.s32 s21, $0x1;
	v9 =	vld [tilespmem:s15+$0x0];
	_ =	sdelay $0x3  }
0x37a: {  	s18 =	sadd.s32 $0x10, s18;
	v10 =	vshrl.u32 v8, $0x3  }
0x37b: {  	v11 =	vor.u32 s18, v2;
	v10 =	vand.u32 $0xF, v10  }
0x37c: {  	vm0 =	vlt.s32 v11, v4;
	vm1 =	veq.s32 v10, v7  }
0x37d: {  	vm0 =	vmand vm0, vm1  }
0x37e: {  	v10 =	vmpcnt.ones.xlane vm0  }
0x37f: {  	s22 =	spop (v2sf)  }
0x380: {  	(v2sf) =	vpush v10, $0x0;
	s16 =	sadd.s32 s16, s22  }
.Ltmp64:
0x381: {  	[tilespmem:s16+$0x2C00] =	vst.msk vm0, v9;
	(pc) =	sbr.rel @p3 .LBB2_114-.Ltmp64, $4  }
0x382: {  	[tilespmem:s16+$0x2D00] =	vst.msk vm0, v8  }
0x383: {  	s19 =	sadd.s32 $0x10, s19;
	[tilespmem:s16+$0x2E00] =	vst.msk vm0, v6  }
0x384: {  	s20 =	sadd.s32 $0x10, s20;
	v6 =	vld [tilespmem:s19+$0x0]  }
0x385: {  	s21 =	sadd.s32 $0xFFFFFFFF, s21;
	s15 =	sadd.s32 $0x10, s15;
	v8 =	vld [tilespmem:s20+$0x0]  }
.LBB2_115:
0x386: {  	_ =	sdelay $0x2  }
0x387: {  	s18 =	sadd.s32 @p2 $0x10, s18;
	s19 =	simm.s32 $0x0  }
0x388: {  	s19 =	smov.u32 @p2 s18;
	v9 =	vshrl.u32 v8, $0x3  }
0x389: {  	v10 =	vor.u32 s19, v2;
	v9 =	vand.u32 $0xF, v9  }
0x38a: {  	vm0 =	vlt.s32 v10, v4;
	vm1 =	veq.s32 v9, v7  }
0x38b: {  	vm0 =	vmand vm0, vm1  }
0x38c: {  	v7 =	vmpcnt.ones.xlane vm0;
	_ =	sdelay $0x1  }
0x38d: {  	(v2sf) =	vpush v7, $0x0;
	_ =	sdelay $0xc  }
0x38e: {  	s18 =	spop @p2 (v2sf)  }
0x38f: {  	v7 =	vld [tilespmem:s15+$0x0];
	s15 =	sadd.s32 @p2 s16, s18  }
0x390: {  	s17 =	smov.u32 @p2 s15;
	s23 =	spop (v2sf)  }
0x391: {  	s15 =	sadd.s32 s17, s23  }
0x392: {  	s24 =	sadd.s32 $0xF, s15  }
0x393: {  	s16 =	sshra.s32 s24, $0x4  }
0x394: {  	p2 =	slt.s32 s16, $0x1  }
.Ltmp65:
0x395: {  	_ = 	snop;
	(pc) =	sbr.rel @p2 .LBB2_189-.Ltmp65, $4  }
0x396: {  	_ = 	snop  }
0x397: {  	[tilespmem:s17+$0x2C00] =	vst.msk vm0, v7  }
0x398: {  	[tilespmem:s17+$0x2D00] =	vst.msk vm0, v8  }
0x399: {  	[tilespmem:s17+$0x2E00] =	vst.msk vm0, v6  }
0x39a: {  	p4 =	seq.s32 s16, $0x1  }
.Ltmp66:
0x39b: {  	_ = 	snop;
	(pc) =	sbr.rel @p4 .LBB2_117-.Ltmp66, $4  }
0x39c: {  	_ = 	snop  }
0x39d: {  	s18 =	simm.s32 $0x2E00  }
0x39e: {  	s19 =	simm.s32 $0x2D00;
	s17 =	simm.s32 $0x0;
	p2 =	por $0x0, $0x0;
	v9 =	vld [tilespmem:s18+$0x0]  }
0x39f: {  	v6 =	vmov s15;
	p3 =	por $0x0, $0x0;
	s18 =	sadd.s32 $0xFFFFFFFF, s16;
	v8 =	vld [tilespmem:s19+$0x0];
	s19 =	simm.s32 $0x2E10  }
0x3a0: {  	_ =	sdelay $0x1  }
0x3a1: {  	p4 =	seq.s32 s18, $0x1  }
.Ltmp67:
0x3a2: {  	_ = 	snop;
	(pc) =	sbr.rel @p4 .LBB2_119-.Ltmp67, $4  }
0x3a3: {  	v7 =	vshll.u32 v8, $0x7  }
0x3a4: {  	v8 =	vand.u32 $0x7F, v9;
	v9 =	vshll.u32 v9, $0x3;
	v7 =	vand.u32 $0x380, v7  }
0x3a5: {  	v10 =	vld [tilespmem:s19+$0x0];
	s24 =	simm.s32 $0x2D10;
	v9 =	vand.u32 $0x7C00, v9;
	v7 =	vor.u32 v7, v8  }
0x3a6: {  	s18 =	sadd.s32 $0xFFFFFFFF, s18;
	s19 =	simm.s32 $0x2E20;
	p2 =	por $0x1, $0x1;
	v8 =	vld [tilespmem:s24+$0x0];
	v7 =	vor.u32 v9, v7  }
0x3a7: {  	_ =	sdelay $0x3  }
0x3a8: {  	v8 =	vshll.u32 v8, $0x7  }
0x3a9: {  	v9 =	vld [tilespmem:s19+$0x0];
	s19 =	simm.s32 $0x2D20;
	p4 =	seq.s32 s18, $0x1;
	v11 =	vand.u32 $0x7F, v10;
	v8 =	vand.u32 $0x380, v8  }
.Ltmp68:
0x3aa: {  	v10 =	vshll.u32 v10, $0x3;
	v11 =	vor.u32 v8, v11;
	v8 =	vld [tilespmem:s19+$0x0];
	(pc) =	sbr.rel @p4 .LBB2_121-.Ltmp68, $4  }
0x3ab: {  	v12 =	vand.u32 $0x7C00, v10  }
0x3ac: {  	v10 =	vld.idx.msk [tilespmem:v7+s31+$0x0], $0xffff;
	v7 =	vor.u32 v12, v11  }
0x3ad: {  	s20 =	sadd.s32 $0xFFFFFFFF, s18  }
0x3ae: {  	s21 =	simm.s32 $0x2E30;
	p3 =	por $0x1, $0x1;
	s18 =	simm.s32 $0x0;
	v12 =	vor.u32 s17, v2;
	v11 =	vmov v5  }
.LBB2_122:
0x3af: {  	v13 =	vld [tilespmem:s21+$0x0];
	v14 =	vshll.u32 v8, $0x7;
	s19 =	sadd.s32 $0x10, s19;
	vm0 =	vlt.s32 v12, v6;
	p4 =	seq.s32 s20, $0x1  }
.Ltmp69:
0x3b0: {  	s20 =	sadd.s32 $0xFFFFFFFF, s20;
	v12 =	vand.u32 $0x7F, v9;
	v9 =	vshll.u32 v9, $0x3;
	v8 =	vld [tilespmem:s19+$0x0];
	v14 =	vand.u32 $0x380, v14;
	(pc) =	sbr.rel @!p4 .LBB2_122-.Ltmp69, $4  }
0x3b1: {  	v9 =	vand.u32 $0x7C00, v9;
	v12 =	vor.u32 v14, v12;
	v14 =	vnsel vm0, $0x0, v10;
	v10 =	vld.idx.msk [tilespmem:v7+s31+$0x0], $0xffff  }
0x3b2: {  	v7 =	vor.u32 v9, v12;
	v11 =	vadd.f32 v14, v11  }
0x3b3: {  	s18 =	sadd.s32 $0x10, s18  }
0x3b4: {  	s21 =	sadd.s32 $0x10, s21;
	v12 =	vor.u32 s18, v2;
	v9 =	vmov v13  }
.LBB2_123:
0x3b5: {  	v8 =	vshll.u32 v8, $0x7  }
0x3b6: {  	v13 =	vand.u32 $0x7F, v9;
	v62 =	vshll.u32 v9, $0x3;
	v8 =	vand.u32 $0x380, v8  }
0x3b7: {  	v9 =	vand.u32 $0x7C00, v62;
	v8 =	vor.u32 v8, v13  }
0x3b8: {  	v8 =	vor.u32 v9, v8  }
0x3b9: {  	v7 =	vld.idx.msk @p2 [tilespmem:v7+s31+$0x0], $0xffff  }
0x3ba: {  	s18 =	sadd.s32 @p3 $0x10, s18;
	s19 =	simm.s32 $0x0  }
0x3bb: {  	vm0 =	vlt.s32 @p3 v12, v6;
	s19 =	smov.u32 @p3 s18  }
0x3bc: {  	v9 =	vnsel @p3 vm0, $0x0, v10;
	v10 =	vor.u32 @p2 s19, v2  }
0x3bd: {  	v9 =	vadd.f32 @p3 v9, v11;
	v10 =	vpsel p2, v10, v0;
	v8 =	vld.idx.msk [tilespmem:v8+s31+$0x0], $0xffff  }
0x3be: {  	s18 =	sadd.s32 @p2 $0x10, s19;
	s19 =	simm.s32 $0x0;
	v7 =	vpsel p2, v7, v0;
	vm0 =	vlt.s32 @p2 v10, v6  }
0x3bf: {  	s19 =	smov.u32 @p2 s18;
	v9 =	vpsel p3, v9, v5;
	v7 =	vnsel @p2 vm0, $0x0, v7  }
.Ltmp70:
0x3c0: {  	v63 =	vor.u32 s19, v2;
	v7 =	vadd.f32 @p2 v7, v9;
	(pc) =	sbr.rel .LBB2_124-.Ltmp70, $3  }
0x3c1: {  	vm15 =	vlt.s32 v63, v6  }
0x3c2: {  	v5 =	vpsel p2, v7, v5;
	v6 =	vnsel vm15, $0x0, v8  }
0x3c3: {  	v5 =	vadd.f32 v6, v5;
	_ =	sdelay $0x1  }
.LBB2_188:
0x3c4: {  	s17 =	sadd.s32 $0x1, s17  }
0x3c5: {  	p2 =	seq.s32 s17, s16  }
.Ltmp71:
0x3c6: {  	_ = 	snop;
	(pc) =	sbr.rel @p2 .LBB2_189-.Ltmp71, $1  }
0x3c7: {  	_ =	sdelay $0x3  }
.LBB2_124:
0x3c8: {  	s18 =	sshll.u32 s17, $0x4  }
0x3c9: {  	p2 =	sge.s32 s18, s15  }
.Ltmp72:
0x3ca: {  	_ = 	snop;
	(pc) =	sbr.rel @p2 .LBB2_128-.Ltmp72, $3  }
0x3cb: {  	_ =	sdelay $0x1  }
0x3cc: {  	v6 =	vld [tilespmem:s18+$0x2C00]  }
0x3cd: {  	v7 =	vld [tilespmem:s18+$0x2D00]  }
0x3ce: {  	_ =	sdelay $0x3  }
0x3cf: {  	(v2sf) =	vpush v7, $0x0  }
0x3d0: {  	(v2sf) =	vpush v6, $0x0;
	_ =	sdelay $0xd  }
0x3d1: {  	s19 =	spop (v2sf)  }
0x3d2: {  	s20 =	spop (v2sf)  }
0x3d3: {  	s21 =	sshll.u32 s20, $0xC;
	s20 =	sshll.u32 s20, $0x7  }
0x3d4: {  	s21 =	sand.u32 $0xFFFF8000, s21;
	s20 =	sand.u32 $0x380, s20  }
0x3d5: {  	s19 =	sshll.u32 s19, $0x7;
	s20 =	sor.u32 s20, s21  }
0x3d6: {  	s19 =	sand.u32 $0x380, s19;
	s20 =	sshrl.u32 s20, $0x3  }
0x3d7: {  	s19 =	sadd.s32 $0xAF00, s19;
	s20 =	sadd.s32 s2, s20  }
0x3d8: {  	s21 =	simm.s32 $0x80;
	s22 =	sadd.s32 $0x400, s19;
	s23 =	sadd.s32 $0x0, s20  }
.LBB2_126:
0x3d9: {  	[hbm4b:s23+s3] =	stream.linear.scatter [tilespmem:s19], [sflag:$0x6], $0x80, $0x38;
	[tilespmem:$0x13000] =	vst v63  }
0x3da: {  	s23 =	smov.u32 s21;
	s19 =	smov.u32 s22;
	p2 =	sne.s32 s21, $0xF80  }
.Ltmp73:
0x3db: {  	s21 =	sadd.s32 $0x80, s21;
	(pc) =	sbr.rel @p2 .LBB2_126-.Ltmp73, $2  }
0x3dc: {  	_ =	sdelay $0x2  }
0x3dd: {  	s22 =	sadd.s32 $0x400, s22;
	s23 =	sadd.s32 s23, s20  }
0x3de: {  	[hbm4b:s23+s3] =	stream.linear.scatter [tilespmem:s19], [sflag:$0x6], $0x80, $0x38;
	[tilespmem:$0x13000] =	vst v63  }
.LBB2_128:
0x3df: {  	s19 =	sor.u32 $0x1, s18  }
0x3e0: {  	p2 =	sge.s32 s19, s15  }
.Ltmp74:
0x3e1: {  	_ = 	snop;
	(pc) =	sbr.rel @p2 .LBB2_132-.Ltmp74, $1  }
0x3e2: {  	_ =	sdelay $0x3  }
0x3e3: {  	(v2sf) =	vpush v7, $0x1  }
0x3e4: {  	(v2sf) =	vpush v6, $0x1;
	_ =	sdelay $0xd  }
0x3e5: {  	s19 =	spop (v2sf)  }
0x3e6: {  	s20 =	spop (v2sf)  }
0x3e7: {  	s21 =	sshll.u32 s20, $0xC;
	s20 =	sshll.u32 s20, $0x7  }
0x3e8: {  	s21 =	sand.u32 $0xFFFF8000, s21;
	s20 =	sand.u32 $0x380, s20  }
0x3e9: {  	s19 =	sshll.u32 s19, $0x7;
	s20 =	sor.u32 s20, s21  }
0x3ea: {  	s19 =	sand.u32 $0x380, s19;
	s20 =	sshrl.u32 s20, $0x3  }
0x3eb: {  	s19 =	sadd.s32 $0xAF00, s19;
	s20 =	sadd.s32 s2, s20  }
0x3ec: {  	s21 =	simm.s32 $0x80;
	s22 =	sadd.s32 $0x400, s19;
	s23 =	sadd.s32 $0x0, s20  }
.LBB2_130:
0x3ed: {  	[hbm4b:s23+s3] =	stream.linear.scatter [tilespmem:s19], [sflag:$0x6], $0x80, $0x38;
	[tilespmem:$0x13000] =	vst v63  }
0x3ee: {  	s23 =	smov.u32 s21;
	s19 =	smov.u32 s22;
	p2 =	sne.s32 s21, $0xF80  }
.Ltmp75:
0x3ef: {  	s21 =	sadd.s32 $0x80, s21;
	(pc) =	sbr.rel @p2 .LBB2_130-.Ltmp75, $2  }
0x3f0: {  	_ =	sdelay $0x2  }
0x3f1: {  	s22 =	sadd.s32 $0x400, s22;
	s23 =	sadd.s32 s23, s20  }
0x3f2: {  	[hbm4b:s23+s3] =	stream.linear.scatter [tilespmem:s19], [sflag:$0x6], $0x80, $0x38;
	[tilespmem:$0x13000] =	vst v63  }
.LBB2_132:
0x3f3: {  	s19 =	sor.u32 $0x2, s18  }
0x3f4: {  	p2 =	sge.s32 s19, s15  }
.Ltmp76:
0x3f5: {  	_ = 	snop;
	(pc) =	sbr.rel @p2 .LBB2_136-.Ltmp76, $1  }
0x3f6: {  	_ =	sdelay $0x3  }
0x3f7: {  	(v2sf) =	vpush v7, $0x2  }
0x3f8: {  	(v2sf) =	vpush v6, $0x2;
	_ =	sdelay $0xd  }
0x3f9: {  	s19 =	spop (v2sf)  }
0x3fa: {  	s20 =	spop (v2sf)  }
0x3fb: {  	s21 =	sshll.u32 s20, $0xC;
	s20 =	sshll.u32 s20, $0x7  }
0x3fc: {  	s21 =	sand.u32 $0xFFFF8000, s21;
	s20 =	sand.u32 $0x380, s20  }
0x3fd: {  	s19 =	sshll.u32 s19, $0x7;
	s20 =	sor.u32 s20, s21  }
0x3fe: {  	s19 =	sand.u32 $0x380, s19;
	s20 =	sshrl.u32 s20, $0x3  }
0x3ff: {  	s19 =	sadd.s32 $0xAF00, s19;
	s20 =	sadd.s32 s2, s20  }
0x400: {  	s21 =	simm.s32 $0x80;
	s22 =	sadd.s32 $0x400, s19;
	s23 =	sadd.s32 $0x0, s20  }
.LBB2_134:
0x401: {  	[hbm4b:s23+s3] =	stream.linear.scatter [tilespmem:s19], [sflag:$0x6], $0x80, $0x38;
	[tilespmem:$0x13000] =	vst v63  }
0x402: {  	s23 =	smov.u32 s21;
	s19 =	smov.u32 s22;
	p2 =	sne.s32 s21, $0xF80  }
.Ltmp77:
0x403: {  	s21 =	sadd.s32 $0x80, s21;
	(pc) =	sbr.rel @p2 .LBB2_134-.Ltmp77, $2  }
0x404: {  	_ =	sdelay $0x2  }
0x405: {  	s22 =	sadd.s32 $0x400, s22;
	s23 =	sadd.s32 s23, s20  }
0x406: {  	[hbm4b:s23+s3] =	stream.linear.scatter [tilespmem:s19], [sflag:$0x6], $0x80, $0x38;
	[tilespmem:$0x13000] =	vst v63  }
.LBB2_136:
0x407: {  	s19 =	sor.u32 $0x3, s18  }
0x408: {  	p2 =	sge.s32 s19, s15  }
.Ltmp78:
0x409: {  	_ = 	snop;
	(pc) =	sbr.rel @p2 .LBB2_140-.Ltmp78, $1  }
0x40a: {  	_ =	sdelay $0x3  }
0x40b: {  	(v2sf) =	vpush v7, $0x3  }
0x40c: {  	(v2sf) =	vpush v6, $0x3;
	_ =	sdelay $0xd  }
0x40d: {  	s19 =	spop (v2sf)  }
0x40e: {  	s20 =	spop (v2sf)  }
0x40f: {  	s21 =	sshll.u32 s20, $0xC;
	s20 =	sshll.u32 s20, $0x7  }
0x410: {  	s21 =	sand.u32 $0xFFFF8000, s21;
	s20 =	sand.u32 $0x380, s20  }
0x411: {  	s19 =	sshll.u32 s19, $0x7;
	s20 =	sor.u32 s20, s21  }
0x412: {  	s19 =	sand.u32 $0x380, s19;
	s20 =	sshrl.u32 s20, $0x3  }
0x413: {  	s19 =	sadd.s32 $0xAF00, s19;
	s20 =	sadd.s32 s2, s20  }
0x414: {  	s21 =	simm.s32 $0x80;
	s22 =	sadd.s32 $0x400, s19;
	s23 =	sadd.s32 $0x0, s20  }
.LBB2_138:
0x415: {  	[hbm4b:s23+s3] =	stream.linear.scatter [tilespmem:s19], [sflag:$0x6], $0x80, $0x38;
	[tilespmem:$0x13000] =	vst v63  }
0x416: {  	s23 =	smov.u32 s21;
	s19 =	smov.u32 s22;
	p2 =	sne.s32 s21, $0xF80  }
.Ltmp79:
0x417: {  	s21 =	sadd.s32 $0x80, s21;
	(pc) =	sbr.rel @p2 .LBB2_138-.Ltmp79, $2  }
0x418: {  	_ =	sdelay $0x2  }
0x419: {  	s22 =	sadd.s32 $0x400, s22;
	s23 =	sadd.s32 s23, s20  }
0x41a: {  	[hbm4b:s23+s3] =	stream.linear.scatter [tilespmem:s19], [sflag:$0x6], $0x80, $0x38;
	[tilespmem:$0x13000] =	vst v63  }
.LBB2_140:
0x41b: {  	s19 =	sor.u32 $0x4, s18  }
0x41c: {  	p2 =	sge.s32 s19, s15  }
.Ltmp80:
0x41d: {  	_ = 	snop;
	(pc) =	sbr.rel @p2 .LBB2_144-.Ltmp80, $1  }
0x41e: {  	_ =	sdelay $0x3  }
0x41f: {  	(v2sf) =	vpush v7, $0x4  }
0x420: {  	(v2sf) =	vpush v6, $0x4;
	_ =	sdelay $0xd  }
0x421: {  	s19 =	spop (v2sf)  }
0x422: {  	s20 =	spop (v2sf)  }
0x423: {  	s21 =	sshll.u32 s20, $0xC;
	s20 =	sshll.u32 s20, $0x7  }
0x424: {  	s21 =	sand.u32 $0xFFFF8000, s21;
	s20 =	sand.u32 $0x380, s20  }
0x425: {  	s19 =	sshll.u32 s19, $0x7;
	s20 =	sor.u32 s20, s21  }
0x426: {  	s19 =	sand.u32 $0x380, s19;
	s20 =	sshrl.u32 s20, $0x3  }
0x427: {  	s19 =	sadd.s32 $0xAF00, s19;
	s20 =	sadd.s32 s2, s20  }
0x428: {  	s21 =	simm.s32 $0x80;
	s22 =	sadd.s32 $0x400, s19;
	s23 =	sadd.s32 $0x0, s20  }
.LBB2_142:
0x429: {  	[hbm4b:s23+s3] =	stream.linear.scatter [tilespmem:s19], [sflag:$0x6], $0x80, $0x38;
	[tilespmem:$0x13000] =	vst v63  }
0x42a: {  	s23 =	smov.u32 s21;
	s19 =	smov.u32 s22;
	p2 =	sne.s32 s21, $0xF80  }
.Ltmp81:
0x42b: {  	s21 =	sadd.s32 $0x80, s21;
	(pc) =	sbr.rel @p2 .LBB2_142-.Ltmp81, $2  }
0x42c: {  	_ =	sdelay $0x2  }
0x42d: {  	s22 =	sadd.s32 $0x400, s22;
	s23 =	sadd.s32 s23, s20  }
0x42e: {  	[hbm4b:s23+s3] =	stream.linear.scatter [tilespmem:s19], [sflag:$0x6], $0x80, $0x38;
	[tilespmem:$0x13000] =	vst v63  }
.LBB2_144:
0x42f: {  	s19 =	sor.u32 $0x5, s18  }
0x430: {  	p2 =	sge.s32 s19, s15  }
.Ltmp82:
0x431: {  	_ = 	snop;
	(pc) =	sbr.rel @p2 .LBB2_148-.Ltmp82, $1  }
0x432: {  	_ =	sdelay $0x3  }
0x433: {  	(v2sf) =	vpush v7, $0x5  }
0x434: {  	(v2sf) =	vpush v6, $0x5;
	_ =	sdelay $0xd  }
0x435: {  	s19 =	spop (v2sf)  }
0x436: {  	s20 =	spop (v2sf)  }
0x437: {  	s21 =	sshll.u32 s20, $0xC;
	s20 =	sshll.u32 s20, $0x7  }
0x438: {  	s21 =	sand.u32 $0xFFFF8000, s21;
	s20 =	sand.u32 $0x380, s20  }
0x439: {  	s19 =	sshll.u32 s19, $0x7;
	s20 =	sor.u32 s20, s21  }
0x43a: {  	s19 =	sand.u32 $0x380, s19;
	s20 =	sshrl.u32 s20, $0x3  }
0x43b: {  	s19 =	sadd.s32 $0xAF00, s19;
	s20 =	sadd.s32 s2, s20  }
0x43c: {  	s21 =	simm.s32 $0x80;
	s22 =	sadd.s32 $0x400, s19;
	s23 =	sadd.s32 $0x0, s20  }
.LBB2_146:
0x43d: {  	[hbm4b:s23+s3] =	stream.linear.scatter [tilespmem:s19], [sflag:$0x6], $0x80, $0x38;
	[tilespmem:$0x13000] =	vst v63  }
0x43e: {  	s23 =	smov.u32 s21;
	s19 =	smov.u32 s22;
	p2 =	sne.s32 s21, $0xF80  }
.Ltmp83:
0x43f: {  	s21 =	sadd.s32 $0x80, s21;
	(pc) =	sbr.rel @p2 .LBB2_146-.Ltmp83, $2  }
0x440: {  	_ =	sdelay $0x2  }
0x441: {  	s22 =	sadd.s32 $0x400, s22;
	s23 =	sadd.s32 s23, s20  }
0x442: {  	[hbm4b:s23+s3] =	stream.linear.scatter [tilespmem:s19], [sflag:$0x6], $0x80, $0x38;
	[tilespmem:$0x13000] =	vst v63  }
.LBB2_148:
0x443: {  	s19 =	sor.u32 $0x6, s18  }
0x444: {  	p2 =	sge.s32 s19, s15  }
.Ltmp84:
0x445: {  	_ = 	snop;
	(pc) =	sbr.rel @p2 .LBB2_152-.Ltmp84, $1  }
0x446: {  	_ =	sdelay $0x3  }
0x447: {  	(v2sf) =	vpush v7, $0x6  }
0x448: {  	(v2sf) =	vpush v6, $0x6;
	_ =	sdelay $0xd  }
0x449: {  	s19 =	spop (v2sf)  }
0x44a: {  	s20 =	spop (v2sf)  }
0x44b: {  	s21 =	sshll.u32 s20, $0xC;
	s20 =	sshll.u32 s20, $0x7  }
0x44c: {  	s21 =	sand.u32 $0xFFFF8000, s21;
	s20 =	sand.u32 $0x380, s20  }
0x44d: {  	s19 =	sshll.u32 s19, $0x7;
	s20 =	sor.u32 s20, s21  }
0x44e: {  	s19 =	sand.u32 $0x380, s19;
	s20 =	sshrl.u32 s20, $0x3  }
0x44f: {  	s19 =	sadd.s32 $0xAF00, s19;
	s20 =	sadd.s32 s2, s20  }
0x450: {  	s21 =	simm.s32 $0x80;
	s22 =	sadd.s32 $0x400, s19;
	s23 =	sadd.s32 $0x0, s20  }
.LBB2_150:
0x451: {  	[hbm4b:s23+s3] =	stream.linear.scatter [tilespmem:s19], [sflag:$0x6], $0x80, $0x38;
	[tilespmem:$0x13000] =	vst v63  }
0x452: {  	s23 =	smov.u32 s21;
	s19 =	smov.u32 s22;
	p2 =	sne.s32 s21, $0xF80  }
.Ltmp85:
0x453: {  	s21 =	sadd.s32 $0x80, s21;
	(pc) =	sbr.rel @p2 .LBB2_150-.Ltmp85, $2  }
0x454: {  	_ =	sdelay $0x2  }
0x455: {  	s22 =	sadd.s32 $0x400, s22;
	s23 =	sadd.s32 s23, s20  }
0x456: {  	[hbm4b:s23+s3] =	stream.linear.scatter [tilespmem:s19], [sflag:$0x6], $0x80, $0x38;
	[tilespmem:$0x13000] =	vst v63  }
.LBB2_152:
0x457: {  	s19 =	sor.u32 $0x7, s18  }
0x458: {  	p2 =	sge.s32 s19, s15  }
.Ltmp86:
0x459: {  	_ = 	snop;
	(pc) =	sbr.rel @p2 .LBB2_156-.Ltmp86, $1  }
0x45a: {  	_ =	sdelay $0x3  }
0x45b: {  	(v2sf) =	vpush v7, $0x7  }
0x45c: {  	(v2sf) =	vpush v6, $0x7;
	_ =	sdelay $0xd  }
0x45d: {  	s19 =	spop (v2sf)  }
0x45e: {  	s20 =	spop (v2sf)  }
0x45f: {  	s21 =	sshll.u32 s20, $0xC;
	s20 =	sshll.u32 s20, $0x7  }
0x460: {  	s21 =	sand.u32 $0xFFFF8000, s21;
	s20 =	sand.u32 $0x380, s20  }
0x461: {  	s19 =	sshll.u32 s19, $0x7;
	s20 =	sor.u32 s20, s21  }
0x462: {  	s19 =	sand.u32 $0x380, s19;
	s20 =	sshrl.u32 s20, $0x3  }
0x463: {  	s19 =	sadd.s32 $0xAF00, s19;
	s20 =	sadd.s32 s2, s20  }
0x464: {  	s21 =	simm.s32 $0x80;
	s22 =	sadd.s32 $0x400, s19;
	s23 =	sadd.s32 $0x0, s20  }
.LBB2_154:
0x465: {  	[hbm4b:s23+s3] =	stream.linear.scatter [tilespmem:s19], [sflag:$0x6], $0x80, $0x38;
	[tilespmem:$0x13000] =	vst v63  }
0x466: {  	s23 =	smov.u32 s21;
	s19 =	smov.u32 s22;
	p2 =	sne.s32 s21, $0xF80  }
.Ltmp87:
0x467: {  	s21 =	sadd.s32 $0x80, s21;
	(pc) =	sbr.rel @p2 .LBB2_154-.Ltmp87, $2  }
0x468: {  	_ =	sdelay $0x2  }
0x469: {  	s22 =	sadd.s32 $0x400, s22;
	s23 =	sadd.s32 s23, s20  }
0x46a: {  	[hbm4b:s23+s3] =	stream.linear.scatter [tilespmem:s19], [sflag:$0x6], $0x80, $0x38;
	[tilespmem:$0x13000] =	vst v63  }
.LBB2_156:
0x46b: {  	s19 =	sor.u32 $0x8, s18  }
0x46c: {  	p2 =	sge.s32 s19, s15  }
.Ltmp88:
0x46d: {  	_ = 	snop;
	(pc) =	sbr.rel @p2 .LBB2_160-.Ltmp88, $1  }
0x46e: {  	_ =	sdelay $0x3  }
0x46f: {  	(v2sf) =	vpush v7, $0x8  }
0x470: {  	(v2sf) =	vpush v6, $0x8;
	_ =	sdelay $0xd  }
0x471: {  	s19 =	spop (v2sf)  }
0x472: {  	s20 =	spop (v2sf)  }
0x473: {  	s21 =	sshll.u32 s20, $0xC;
	s20 =	sshll.u32 s20, $0x7  }
0x474: {  	s21 =	sand.u32 $0xFFFF8000, s21;
	s20 =	sand.u32 $0x380, s20  }
0x475: {  	s19 =	sshll.u32 s19, $0x7;
	s20 =	sor.u32 s20, s21  }
0x476: {  	s19 =	sand.u32 $0x380, s19;
	s20 =	sshrl.u32 s20, $0x3  }
0x477: {  	s19 =	sadd.s32 $0xAF00, s19;
	s20 =	sadd.s32 s2, s20  }
0x478: {  	s21 =	simm.s32 $0x80;
	s22 =	sadd.s32 $0x400, s19;
	s23 =	sadd.s32 $0x0, s20  }
.LBB2_158:
0x479: {  	[hbm4b:s23+s3] =	stream.linear.scatter [tilespmem:s19], [sflag:$0x6], $0x80, $0x38;
	[tilespmem:$0x13000] =	vst v63  }
0x47a: {  	s23 =	smov.u32 s21;
	s19 =	smov.u32 s22;
	p2 =	sne.s32 s21, $0xF80  }
.Ltmp89:
0x47b: {  	s21 =	sadd.s32 $0x80, s21;
	(pc) =	sbr.rel @p2 .LBB2_158-.Ltmp89, $2  }
0x47c: {  	_ =	sdelay $0x2  }
0x47d: {  	s22 =	sadd.s32 $0x400, s22;
	s23 =	sadd.s32 s23, s20  }
0x47e: {  	[hbm4b:s23+s3] =	stream.linear.scatter [tilespmem:s19], [sflag:$0x6], $0x80, $0x38;
	[tilespmem:$0x13000] =	vst v63  }
.LBB2_160:
0x47f: {  	s19 =	sor.u32 $0x9, s18  }
0x480: {  	p2 =	sge.s32 s19, s15  }
.Ltmp90:
0x481: {  	_ = 	snop;
	(pc) =	sbr.rel @p2 .LBB2_164-.Ltmp90, $1  }
0x482: {  	_ =	sdelay $0x3  }
0x483: {  	(v2sf) =	vpush v7, $0x9  }
0x484: {  	(v2sf) =	vpush v6, $0x9;
	_ =	sdelay $0xd  }
0x485: {  	s19 =	spop (v2sf)  }
0x486: {  	s20 =	spop (v2sf)  }
0x487: {  	s21 =	sshll.u32 s20, $0xC;
	s20 =	sshll.u32 s20, $0x7  }
0x488: {  	s21 =	sand.u32 $0xFFFF8000, s21;
	s20 =	sand.u32 $0x380, s20  }
0x489: {  	s19 =	sshll.u32 s19, $0x7;
	s20 =	sor.u32 s20, s21  }
0x48a: {  	s19 =	sand.u32 $0x380, s19;
	s20 =	sshrl.u32 s20, $0x3  }
0x48b: {  	s19 =	sadd.s32 $0xAF00, s19;
	s20 =	sadd.s32 s2, s20  }
0x48c: {  	s21 =	simm.s32 $0x80;
	s22 =	sadd.s32 $0x400, s19;
	s23 =	sadd.s32 $0x0, s20  }
.LBB2_162:
0x48d: {  	[hbm4b:s23+s3] =	stream.linear.scatter [tilespmem:s19], [sflag:$0x6], $0x80, $0x38;
	[tilespmem:$0x13000] =	vst v63  }
0x48e: {  	s23 =	smov.u32 s21;
	s19 =	smov.u32 s22;
	p2 =	sne.s32 s21, $0xF80  }
.Ltmp91:
0x48f: {  	s21 =	sadd.s32 $0x80, s21;
	(pc) =	sbr.rel @p2 .LBB2_162-.Ltmp91, $2  }
0x490: {  	_ =	sdelay $0x2  }
0x491: {  	s22 =	sadd.s32 $0x400, s22;
	s23 =	sadd.s32 s23, s20  }
0x492: {  	[hbm4b:s23+s3] =	stream.linear.scatter [tilespmem:s19], [sflag:$0x6], $0x80, $0x38;
	[tilespmem:$0x13000] =	vst v63  }
.LBB2_164:
0x493: {  	s19 =	sor.u32 $0xA, s18  }
0x494: {  	p2 =	sge.s32 s19, s15  }
.Ltmp92:
0x495: {  	_ = 	snop;
	(pc) =	sbr.rel @p2 .LBB2_168-.Ltmp92, $1  }
0x496: {  	_ =	sdelay $0x3  }
0x497: {  	(v2sf) =	vpush v7, $0xA  }
0x498: {  	(v2sf) =	vpush v6, $0xA;
	_ =	sdelay $0xd  }
0x499: {  	s19 =	spop (v2sf)  }
0x49a: {  	s20 =	spop (v2sf)  }
0x49b: {  	s21 =	sshll.u32 s20, $0xC;
	s20 =	sshll.u32 s20, $0x7  }
0x49c: {  	s21 =	sand.u32 $0xFFFF8000, s21;
	s20 =	sand.u32 $0x380, s20  }
0x49d: {  	s19 =	sshll.u32 s19, $0x7;
	s20 =	sor.u32 s20, s21  }
0x49e: {  	s19 =	sand.u32 $0x380, s19;
	s20 =	sshrl.u32 s20, $0x3  }
0x49f: {  	s19 =	sadd.s32 $0xAF00, s19;
	s20 =	sadd.s32 s2, s20  }
0x4a0: {  	s21 =	simm.s32 $0x80;
	s22 =	sadd.s32 $0x400, s19;
	s23 =	sadd.s32 $0x0, s20  }
.LBB2_166:
0x4a1: {  	[hbm4b:s23+s3] =	stream.linear.scatter [tilespmem:s19], [sflag:$0x6], $0x80, $0x38;
	[tilespmem:$0x13000] =	vst v63  }
0x4a2: {  	s23 =	smov.u32 s21;
	s19 =	smov.u32 s22;
	p2 =	sne.s32 s21, $0xF80  }
.Ltmp93:
0x4a3: {  	s21 =	sadd.s32 $0x80, s21;
	(pc) =	sbr.rel @p2 .LBB2_166-.Ltmp93, $2  }
0x4a4: {  	_ =	sdelay $0x2  }
0x4a5: {  	s22 =	sadd.s32 $0x400, s22;
	s23 =	sadd.s32 s23, s20  }
0x4a6: {  	[hbm4b:s23+s3] =	stream.linear.scatter [tilespmem:s19], [sflag:$0x6], $0x80, $0x38;
	[tilespmem:$0x13000] =	vst v63  }
.LBB2_168:
0x4a7: {  	s19 =	sor.u32 $0xB, s18  }
0x4a8: {  	p2 =	sge.s32 s19, s15  }
.Ltmp94:
0x4a9: {  	_ = 	snop;
	(pc) =	sbr.rel @p2 .LBB2_172-.Ltmp94, $1  }
0x4aa: {  	_ =	sdelay $0x3  }
0x4ab: {  	(v2sf) =	vpush v7, $0xB  }
0x4ac: {  	(v2sf) =	vpush v6, $0xB;
	_ =	sdelay $0xd  }
0x4ad: {  	s19 =	spop (v2sf)  }
0x4ae: {  	s20 =	spop (v2sf)  }
0x4af: {  	s21 =	sshll.u32 s20, $0xC;
	s20 =	sshll.u32 s20, $0x7  }
0x4b0: {  	s21 =	sand.u32 $0xFFFF8000, s21;
	s20 =	sand.u32 $0x380, s20  }
0x4b1: {  	s19 =	sshll.u32 s19, $0x7;
	s20 =	sor.u32 s20, s21  }
0x4b2: {  	s19 =	sand.u32 $0x380, s19;
	s20 =	sshrl.u32 s20, $0x3  }
0x4b3: {  	s19 =	sadd.s32 $0xAF00, s19;
	s20 =	sadd.s32 s2, s20  }
0x4b4: {  	s21 =	simm.s32 $0x80;
	s22 =	sadd.s32 $0x400, s19;
	s23 =	sadd.s32 $0x0, s20  }
.LBB2_170:
0x4b5: {  	[hbm4b:s23+s3] =	stream.linear.scatter [tilespmem:s19], [sflag:$0x6], $0x80, $0x38;
	[tilespmem:$0x13000] =	vst v63  }
0x4b6: {  	s23 =	smov.u32 s21;
	s19 =	smov.u32 s22;
	p2 =	sne.s32 s21, $0xF80  }
.Ltmp95:
0x4b7: {  	s21 =	sadd.s32 $0x80, s21;
	(pc) =	sbr.rel @p2 .LBB2_170-.Ltmp95, $2  }
0x4b8: {  	_ =	sdelay $0x2  }
0x4b9: {  	s22 =	sadd.s32 $0x400, s22;
	s23 =	sadd.s32 s23, s20  }
0x4ba: {  	[hbm4b:s23+s3] =	stream.linear.scatter [tilespmem:s19], [sflag:$0x6], $0x80, $0x38;
	[tilespmem:$0x13000] =	vst v63  }
.LBB2_172:
0x4bb: {  	s19 =	sor.u32 $0xC, s18  }
0x4bc: {  	p2 =	sge.s32 s19, s15  }
.Ltmp96:
0x4bd: {  	_ = 	snop;
	(pc) =	sbr.rel @p2 .LBB2_176-.Ltmp96, $1  }
0x4be: {  	_ =	sdelay $0x3  }
0x4bf: {  	(v2sf) =	vpush v7, $0xC  }
0x4c0: {  	(v2sf) =	vpush v6, $0xC;
	_ =	sdelay $0xd  }
0x4c1: {  	s19 =	spop (v2sf)  }
0x4c2: {  	s20 =	spop (v2sf)  }
0x4c3: {  	s21 =	sshll.u32 s20, $0xC;
	s20 =	sshll.u32 s20, $0x7  }
0x4c4: {  	s21 =	sand.u32 $0xFFFF8000, s21;
	s20 =	sand.u32 $0x380, s20  }
0x4c5: {  	s19 =	sshll.u32 s19, $0x7;
	s20 =	sor.u32 s20, s21  }
0x4c6: {  	s19 =	sand.u32 $0x380, s19;
	s20 =	sshrl.u32 s20, $0x3  }
0x4c7: {  	s19 =	sadd.s32 $0xAF00, s19;
	s20 =	sadd.s32 s2, s20  }
0x4c8: {  	s21 =	simm.s32 $0x80;
	s22 =	sadd.s32 $0x400, s19;
	s23 =	sadd.s32 $0x0, s20  }
.LBB2_174:
0x4c9: {  	[hbm4b:s23+s3] =	stream.linear.scatter [tilespmem:s19], [sflag:$0x6], $0x80, $0x38;
	[tilespmem:$0x13000] =	vst v63  }
0x4ca: {  	s23 =	smov.u32 s21;
	s19 =	smov.u32 s22;
	p2 =	sne.s32 s21, $0xF80  }
.Ltmp97:
0x4cb: {  	s21 =	sadd.s32 $0x80, s21;
	(pc) =	sbr.rel @p2 .LBB2_174-.Ltmp97, $2  }
0x4cc: {  	_ =	sdelay $0x2  }
0x4cd: {  	s22 =	sadd.s32 $0x400, s22;
	s23 =	sadd.s32 s23, s20  }
0x4ce: {  	[hbm4b:s23+s3] =	stream.linear.scatter [tilespmem:s19], [sflag:$0x6], $0x80, $0x38;
	[tilespmem:$0x13000] =	vst v63  }
.LBB2_176:
0x4cf: {  	s19 =	sor.u32 $0xD, s18  }
0x4d0: {  	p2 =	sge.s32 s19, s15  }
.Ltmp98:
0x4d1: {  	_ = 	snop;
	(pc) =	sbr.rel @p2 .LBB2_180-.Ltmp98, $1  }
0x4d2: {  	_ =	sdelay $0x3  }
0x4d3: {  	(v2sf) =	vpush v7, $0xD  }
0x4d4: {  	(v2sf) =	vpush v6, $0xD;
	_ =	sdelay $0xd  }
0x4d5: {  	s19 =	spop (v2sf)  }
0x4d6: {  	s20 =	spop (v2sf)  }
0x4d7: {  	s21 =	sshll.u32 s20, $0xC;
	s20 =	sshll.u32 s20, $0x7  }
0x4d8: {  	s21 =	sand.u32 $0xFFFF8000, s21;
	s20 =	sand.u32 $0x380, s20  }
0x4d9: {  	s19 =	sshll.u32 s19, $0x7;
	s20 =	sor.u32 s20, s21  }
0x4da: {  	s19 =	sand.u32 $0x380, s19;
	s20 =	sshrl.u32 s20, $0x3  }
0x4db: {  	s19 =	sadd.s32 $0xAF00, s19;
	s20 =	sadd.s32 s2, s20  }
0x4dc: {  	s21 =	simm.s32 $0x80;
	s22 =	sadd.s32 $0x400, s19;
	s23 =	sadd.s32 $0x0, s20  }
.LBB2_178:
0x4dd: {  	[hbm4b:s23+s3] =	stream.linear.scatter [tilespmem:s19], [sflag:$0x6], $0x80, $0x38;
	[tilespmem:$0x13000] =	vst v63  }
0x4de: {  	s23 =	smov.u32 s21;
	s19 =	smov.u32 s22;
	p2 =	sne.s32 s21, $0xF80  }
.Ltmp99:
0x4df: {  	s21 =	sadd.s32 $0x80, s21;
	(pc) =	sbr.rel @p2 .LBB2_178-.Ltmp99, $2  }
0x4e0: {  	_ =	sdelay $0x2  }
0x4e1: {  	s22 =	sadd.s32 $0x400, s22;
	s23 =	sadd.s32 s23, s20  }
0x4e2: {  	[hbm4b:s23+s3] =	stream.linear.scatter [tilespmem:s19], [sflag:$0x6], $0x80, $0x38;
	[tilespmem:$0x13000] =	vst v63  }
.LBB2_180:
0x4e3: {  	s19 =	sor.u32 $0xE, s18  }
0x4e4: {  	p2 =	sge.s32 s19, s15  }
.Ltmp100:
0x4e5: {  	_ = 	snop;
	(pc) =	sbr.rel @p2 .LBB2_184-.Ltmp100, $1  }
0x4e6: {  	_ =	sdelay $0x3  }
0x4e7: {  	(v2sf) =	vpush v7, $0xE  }
0x4e8: {  	(v2sf) =	vpush v6, $0xE;
	_ =	sdelay $0xd  }
0x4e9: {  	s19 =	spop (v2sf)  }
0x4ea: {  	s20 =	spop (v2sf)  }
0x4eb: {  	s21 =	sshll.u32 s20, $0xC;
	s20 =	sshll.u32 s20, $0x7  }
0x4ec: {  	s21 =	sand.u32 $0xFFFF8000, s21;
	s20 =	sand.u32 $0x380, s20  }
0x4ed: {  	s19 =	sshll.u32 s19, $0x7;
	s20 =	sor.u32 s20, s21  }
0x4ee: {  	s19 =	sand.u32 $0x380, s19;
	s20 =	sshrl.u32 s20, $0x3  }
0x4ef: {  	s19 =	sadd.s32 $0xAF00, s19;
	s20 =	sadd.s32 s2, s20  }
0x4f0: {  	s21 =	simm.s32 $0x80;
	s22 =	sadd.s32 $0x400, s19;
	s23 =	sadd.s32 $0x0, s20  }
.LBB2_182:
0x4f1: {  	[hbm4b:s23+s3] =	stream.linear.scatter [tilespmem:s19], [sflag:$0x6], $0x80, $0x38;
	[tilespmem:$0x13000] =	vst v63  }
0x4f2: {  	s23 =	smov.u32 s21;
	s19 =	smov.u32 s22;
	p2 =	sne.s32 s21, $0xF80  }
.Ltmp101:
0x4f3: {  	s21 =	sadd.s32 $0x80, s21;
	(pc) =	sbr.rel @p2 .LBB2_182-.Ltmp101, $2  }
0x4f4: {  	_ =	sdelay $0x2  }
0x4f5: {  	s22 =	sadd.s32 $0x400, s22;
	s23 =	sadd.s32 s23, s20  }
0x4f6: {  	[hbm4b:s23+s3] =	stream.linear.scatter [tilespmem:s19], [sflag:$0x6], $0x80, $0x38;
	[tilespmem:$0x13000] =	vst v63  }
.LBB2_184:
0x4f7: {  	s18 =	sor.u32 $0xF, s18  }
0x4f8: {  	p2 =	sge.s32 s18, s15  }
.Ltmp102:
0x4f9: {  	_ = 	snop;
	(pc) =	sbr.rel @p2 .LBB2_188-.Ltmp102, $1  }
0x4fa: {  	_ =	sdelay $0x3  }
0x4fb: {  	(v2sf) =	vpush v7, $0xF  }
0x4fc: {  	(v2sf) =	vpush v6, $0xF;
	_ =	sdelay $0xd  }
0x4fd: {  	s18 =	spop (v2sf)  }
0x4fe: {  	s19 =	spop (v2sf)  }
0x4ff: {  	s20 =	sshll.u32 s19, $0xC;
	s19 =	sshll.u32 s19, $0x7  }
0x500: {  	s20 =	sand.u32 $0xFFFF8000, s20;
	s19 =	sand.u32 $0x380, s19  }
0x501: {  	s18 =	sshll.u32 s18, $0x7;
	s19 =	sor.u32 s19, s20  }
0x502: {  	s18 =	sand.u32 $0x380, s18;
	s19 =	sshrl.u32 s19, $0x3  }
0x503: {  	s18 =	sadd.s32 $0xAF00, s18;
	s19 =	sadd.s32 s2, s19  }
0x504: {  	s20 =	simm.s32 $0x80;
	s21 =	sadd.s32 $0x400, s18;
	s22 =	sadd.s32 $0x0, s19  }
.LBB2_186:
0x505: {  	[hbm4b:s22+s3] =	stream.linear.scatter [tilespmem:s18], [sflag:$0x6], $0x80, $0x38;
	[tilespmem:$0x13000] =	vst v63  }
0x506: {  	s22 =	smov.u32 s20;
	s18 =	smov.u32 s21;
	p2 =	sne.s32 s20, $0xF80  }
.Ltmp103:
0x507: {  	s20 =	sadd.s32 $0x80, s20;
	(pc) =	sbr.rel @p2 .LBB2_186-.Ltmp103, $2  }
0x508: {  	_ =	sdelay $0x2  }
0x509: {  	s21 =	sadd.s32 $0x400, s21;
	s22 =	sadd.s32 s22, s19  }
.Ltmp104:
0x50a: {  	(pc) =	sbr.rel .LBB2_188-.Ltmp104, $2  }
0x50b: {  	_ =	sdelay $0x2  }
0x50c: {  	[hbm4b:s22+s3] =	stream.linear.scatter [tilespmem:s18], [sflag:$0x6], $0x80, $0x38;
	[tilespmem:$0x13000] =	vst v63  }
.LBB2_189:
0x50d: {  	p2 =	slt.s32 s15, $0x1  }
.Ltmp105:
0x50e: {  	_ = 	snop;
	(pc) =	sbr.rel @p2 .LBB2_193-.Ltmp105, $1  }
0x50f: {  	_ =	sdelay $0x3  }
0x510: {  	p2 =	sne.s32 s15, $0x1  }
.Ltmp106:
0x511: {  	_ = 	snop;
	(pc) =	sbr.rel @!p2 .LBB2_192-.Ltmp106, $3  }
0x512: {  	_ =	sdelay $0x1  }
0x513: {  	_ =	swait.ge [sflag:s10], $0x1000  }
0x514: {  	s15 =	sadd.s32 $0xFFFFFFFF, s15;
	[sflag:s10] =	ssyncset.done $0x0  }
.LBB2_191:
0x515: {  	p2 =	sne.s32 s15, $0x1;
	s15 =	sadd.s32 $0xFFFFFFFF, s15;
	[sflag:s10] =	ssyncadd.s32 $0xFFFFF000  }
.Ltmp107:
0x516: {  	(pc) =	sbr.rel @p2 .LBB2_191-.Ltmp107, $3  }
0x517: {  	_ =	sdelay $0x1  }
0x518: {  	_ =	swait.ge [sflag:s10], $0x1000  }
0x519: {  	[sflag:s10] =	ssyncset.done $0x0  }
.LBB2_192:
0x51a: {  	[sflag:s10] =	ssyncadd.s32 $0xFFFFF000  }
.LBB2_193:
.Ltmp108:
0x51b: {  	(pc) =	sbr.rel @p1 .LBB2_195-.Ltmp108, $1  }
0x51c: {  	_ =	sdelay $0x3  }
.Ltmp109:
0x51d: {  	(pc) =	sbr.rel .LBB2_25-.Ltmp109, $4  }
0x51e: {  	_ = 	snop  }
0x51f: {  	s15 =	sshll.u32 s14, $0xD  }
0x520: {  	s14 =	sadd.s32 $0x1, s14;
	s15 =	sadd.s32 s15, s26  }
0x521: {  	[tilespmem:s31], [sflag:$0x4] =	stream.linear.gather [hbm4b:s15+s3], $0x8000, $0x38;
	[tilespmem:$0x13000] =	vst v63  }
.LBB2_27:
.Ltmp110:
0x522: {  	(pc) =	sbr.rel .LBB2_31-.Ltmp110, $2  }
0x523: {  	_ =	sdelay $0x2  }
0x524: {  	s19 =	simm.s32 $0x0;
	s17 =	simm.s32 $0x0  }
.LBB2_111:
.Ltmp111:
0x525: {  	(pc) =	sbr.rel .LBB2_115-.Ltmp111, $2  }
0x526: {  	_ =	sdelay $0x2  }
0x527: {  	s18 =	simm.s32 $0x0;
	s16 =	simm.s32 $0x0  }
.LBB2_29:
.Ltmp112:
0x528: {  	(pc) =	sbr.rel .LBB2_31-.Ltmp112, $2  }
0x529: {  	_ =	sdelay $0x2  }
0x52a: {  	s19 =	simm.s32 $0x0;
	s17 =	simm.s32 $0x0  }
.LBB2_113:
.Ltmp113:
0x52b: {  	(pc) =	sbr.rel .LBB2_115-.Ltmp113, $2  }
0x52c: {  	_ =	sdelay $0x2  }
0x52d: {  	s18 =	simm.s32 $0x0;
	s16 =	simm.s32 $0x0  }
.LBB2_33:
.Ltmp114:
0x52e: {  	(pc) =	sbr.rel .LBB2_39-.Ltmp114, $2  }
0x52f: {  	_ =	sdelay $0x2  }
0x530: {  	v11 =	vmov v5;
	s19 =	simm.s32 $0x0  }
.LBB2_117:
.Ltmp115:
0x531: {  	(pc) =	sbr.rel .LBB2_123-.Ltmp115, $2  }
0x532: {  	_ =	sdelay $0x2  }
0x533: {  	v11 =	vmov v5;
	s18 =	simm.s32 $0x0  }
.LBB2_35:
.Ltmp116:
0x534: {  	(pc) =	sbr.rel .LBB2_39-.Ltmp116, $2  }
0x535: {  	_ =	sdelay $0x2  }
0x536: {  	v11 =	vmov v5;
	s19 =	simm.s32 $0x0;
	v9 =	vmov v10  }
.LBB2_119:
.Ltmp117:
0x537: {  	(pc) =	sbr.rel .LBB2_123-.Ltmp117, $2  }
0x538: {  	_ =	sdelay $0x2  }
0x539: {  	v11 =	vmov v5;
	s18 =	simm.s32 $0x0;
	v9 =	vmov v10  }
.LBB2_37:
.Ltmp118:
0x53a: {  	(pc) =	sbr.rel .LBB2_39-.Ltmp118, $2  }
0x53b: {  	_ =	sdelay $0x2  }
0x53c: {  	v11 =	vmov v5;
	s19 =	simm.s32 $0x0  }
.LBB2_121:
.Ltmp119:
0x53d: {  	(pc) =	sbr.rel .LBB2_123-.Ltmp119, $2  }
0x53e: {  	_ =	sdelay $0x2  }
0x53f: {  	v11 =	vmov v5;
	s18 =	simm.s32 $0x0  }
.LBB2_19:
.Ltmp120:
0x540: {  	(pc) =	sbr.rel .LBB2_23-.Ltmp120, $2  }
0x541: {  	_ =	sdelay $0x2  }
0x542: {  	s15 =	simm.s32 $0x0  }
.LBB2_21:
.Ltmp121:
0x543: {  	(pc) =	sbr.rel .LBB2_23-.Ltmp121, $2  }
0x544: {  	_ =	sdelay $0x2  }
0x545: {  	s15 =	simm.s32 $0x0  }
.LBB2_196:
0x546: {  	_ =	sfence.sel $0x180000  }
0x547: {  	[bflag:$0x0] =	sbarrier.arrive $0xFFFF  }
0x548: {  	_ =	strace $0x90000047  }
0x549: {  	s0 =	stileid.u32;
	[bflag:$0x2] =	sbarrier.arrive $0xFFFF  }
0x54a: {  	p0 =	sne.s32 s0, $0x0;
	s0 =	rddreg [dreg:$0x3]  }
0x54b: {  	s0 =	sadd.s32 @!p0 $0x100000, s0  }
0x54c: {  	[sflag:s0] =	ssyncadd.tile.s32 @!p0 $0x1;
	_ =	shalt  }
.Lfunc_end2:
_tile_overlayer_lowered:
.L_overlay_start_2:
0x54d: {  	(tag) =	ssettag $0x2  }
0x54e: {  	s0 =	rddreg [dreg:$0x0];
	s2 =	stileid.u32  }
0x54f: {  	s1 =	rddreg [dreg:$0x1];
	p0 =	sne.s32 s2, $0x0  }
0x550: {  	s3 =	rddreg [dreg:$0x2];
	[bflag:$0x3] =	sbarrier.arrive $0xFFFF;
	s2 =	simm.s32 @!p0 $0x1C07  }
0x551: {  	[timem:s3], [sflag:s2] =	dma.local @!p0 [hbm:s0], s1  }
0x552: {  	s0 =	simm.s32 @!p0 $0x7  }
0x553: {  	_ =	swait.ge @!p0 [sflag:s0], s1  }
0x554: {  	s1 =	ssub.s32 @!p0 $0x0, s1;
	[sflag:s0] =	ssyncset.done @!p0 $0x0  }
0x555: {  	[sflag:s0] =	ssyncadd.s32 @!p0 s1  }
0x556: {  	[bflag:$0x3] =	sbarrier.arrive $0xFFFF  }
0x557: {  	_ =	shalt  }

</sc_bundles>
